<compile_context>
chip_gen: v7x
topology: tpu7x:2x2x1
jax: 0.10.2.dev20260603
libtpu: 0.0.44.dev20260713+nightly
codegen_flags: <defaults>
</compile_context>

<pallas_src>
import functools
import jax
import jax.numpy as jnp
from jax import lax
from jax.experimental import pallas as pl
from jax.experimental.pallas import tpu as pltpu
from jax.experimental.pallas import tpu_sc as plsc

K_DOCS = 1_000_000
D = 64
NW = 32
SHARE = 31_248
CHUNK = 256
NCHUNK = SHARE // CHUNK
TAIL = SHARE - NCHUNK * CHUNK
TAIL_OFF = NCHUNK * CHUNK
EXTRA_OFF = NW * SHARE
EXTRA = K_DOCS - EXTRA_OFF
NEG = -3.0e38
NCAND = 32
TOPK = 10
_IMAX = 2**31 - 1


def _insert4(s, g, cv, ci):
    out_v, out_i = [], []
    for j in range(4):
        gt = s > cv[j]
        out_v.append(jnp.where(gt, s, cv[j]))
        out_i.append(jnp.where(gt, g, ci[j]))
        s, g = jnp.where(gt, cv[j], s), jnp.where(gt, ci[j], g)
    return out_v, out_i


def _sc_body(q_hbm, d_hbm, vals_hbm, idx_hbm, buf, buf1, q1, vs, is_, sem0, sem1):
    wid = lax.axis_index("s") * 2 + lax.axis_index("c")
    base = wid * SHARE
    pltpu.sync_copy(q_hbm.at[0], q1)
    lane = lax.iota(jnp.int32, 16)
    q0 = q1[pl.ds(0, 16)]
    q1v = q1[pl.ds(16, 16)]
    q2 = q1[pl.ds(32, 16)]
    q3 = q1[pl.ds(48, 16)]

    def groups(goff, ngroups, carry):
        def group(g, c2):
            cv, ci = list(c2[0:4]), list(c2[4:8])
            dvec = jnp.zeros((16,), jnp.float32)
            nvec = jnp.ones((16,), jnp.float32)
            for dd in range(16):
                r = g * 16 + dd
                d0 = buf[r, pl.ds(0, 16)]
                d1 = buf[r, pl.ds(16, 16)]
                d2 = buf[r, pl.ds(32, 16)]
                d3 = buf[r, pl.ds(48, 16)]
                acc = d0 * q0 + d1 * q1v + d2 * q2 + d3 * q3
                nac = d0 * d0 + d1 * d1 + d2 * d2 + d3 * d3
                dvec = jnp.where(lane == dd, jnp.sum(acc), dvec)
                nvec = jnp.where(lane == dd, jnp.sum(nac), nvec)
            svec = dvec * jnp.abs(dvec) / nvec
            cv, ci = _insert4(svec, goff + g * 16 + lane, cv, ci)
            return tuple(cv) + tuple(ci)
        return lax.fori_loop(0, ngroups, group, carry)

    def groups_in(b, goff, ngroups, carry):
        def group(g, c2):
            cv, ci = list(c2[0:4]), list(c2[4:8])
            dvec = jnp.zeros((16,), jnp.float32)
            nvec = jnp.ones((16,), jnp.float32)
            for dd in range(16):
                r = g * 16 + dd
                d0 = b[r, pl.ds(0, 16)]
                d1 = b[r, pl.ds(16, 16)]
                d2 = b[r, pl.ds(32, 16)]
                d3 = b[r, pl.ds(48, 16)]
                acc = d0 * q0 + d1 * q1v + d2 * q2 + d3 * q3
                nac = d0 * d0 + d1 * d1 + d2 * d2 + d3 * d3
                dvec = jnp.where(lane == dd, jnp.sum(acc), dvec)
                nvec = jnp.where(lane == dd, jnp.sum(nac), nvec)
            svec = dvec * jnp.abs(dvec) / nvec
            cv, ci = _insert4(svec, goff + g * 16 + lane, cv, ci)
            return tuple(cv) + tuple(ci)
        return lax.fori_loop(0, ngroups, group, carry)

    def fire(c, b, sem):
        pltpu.async_copy(d_hbm.at[pl.ds(pl.multiple_of(c * CHUNK + base, 8),
                                        CHUNK)], b, sem)

    def drain(b, sem):
        pltpu.make_async_copy(d_hbm.at[pl.ds(base, CHUNK)], b, sem).wait()

    def chunk_pair(k2, carry):
        c = 2 * k2
        fire(c + 1, buf1, sem1)
        drain(buf, sem0)
        carry = groups_in(buf, base + c * CHUNK, CHUNK // 16, carry)
        fire(jnp.minimum(c + 2, NCHUNK - 2), buf, sem0)
        drain(buf1, sem1)
        carry = groups_in(buf1, base + (c + 1) * CHUNK, CHUNK // 16, carry)
        return carry

    init = tuple(jnp.full((16,), NEG, jnp.float32) for _ in range(4)) + \
           tuple(jnp.zeros((16,), jnp.int32) for _ in range(4))
    fire(0, buf, sem0)
    carry = lax.fori_loop(0, NCHUNK // 2, chunk_pair, init)
    drain(buf, sem0)

    pltpu.sync_copy(d_hbm.at[pl.ds(base + TAIL_OFF, TAIL)], buf.at[pl.ds(0, TAIL)])
    carry = groups(base + TAIL_OFF, TAIL // 16, carry)

    is_last = wid == NW - 1
    eoff = pl.multiple_of(jnp.where(is_last, EXTRA_OFF, 0), 8)
    pltpu.sync_copy(d_hbm.at[pl.ds(eoff, EXTRA)], buf.at[pl.ds(0, EXTRA)])
    ex = groups(eoff, EXTRA // 16, carry)
    carry = tuple(jnp.where(is_last, e, c) for e, c in zip(ex, carry))

    cv, ci = list(carry[0:4]), list(carry[4:8])
    for j in range(4):
        vs[pl.ds(j * 16, 16)] = cv[j]
        is_[pl.ds(j * 16, 16)] = ci[j]
    for j in range(4, 8):
        vs[pl.ds(j * 16, 16)] = jnp.full((16,), NEG, jnp.float32)
        is_[pl.ds(j * 16, 16)] = jnp.zeros((16,), jnp.int32)
    pltpu.sync_copy(vs, vals_hbm.at[wid])
    pltpu.sync_copy(is_, idx_hbm.at[wid])


def _sc_score(query, docs):
    mesh = plsc.VectorSubcoreMesh(core_axis_name="c", subcore_axis_name="s")
    fn = functools.partial(
        pl.kernel,
        out_type=[
            jax.ShapeDtypeStruct((NW, 128), jnp.float32),
            jax.ShapeDtypeStruct((NW, 128), jnp.int32),
        ],
        mesh=mesh,
        compiler_params=pltpu.CompilerParams(needs_layout_passes=False),
        scratch_types=[
            pltpu.VMEM((CHUNK, D), jnp.float32),
            pltpu.VMEM((CHUNK, D), jnp.float32),
            pltpu.VMEM((D,), jnp.float32),
            pltpu.VMEM((128,), jnp.float32),
            pltpu.VMEM((128,), jnp.int32),
            pltpu.SemaphoreType.DMA,
            pltpu.SemaphoreType.DMA,
        ],
    )(_sc_body)
    return fn(query, docs)


def _merge_body(v_ref, g_ref, cand_ref):
    V = v_ref[...]
    G = g_ref[...]
    lane = lax.broadcasted_iota(jnp.int32, (1, NCAND), 1)
    cvec = jnp.zeros((1, NCAND), jnp.int32)
    for j in range(NCAND):
        m = jnp.max(V)
        gsel = jnp.min(jnp.where(V == m, G, _IMAX))
        cvec = jnp.where(lane == j, gsel, cvec)
        V = jnp.where((V == m) & (G == gsel), NEG, V)
    cand_ref[...] = cvec


def _rescore_body(cand_sref, q_ref, d_ref, vals_ref, idx_ref, vs_ref, gs_ref):
    i = pl.program_id(0)
    g = cand_sref[i]
    d8 = d_ref[...]
    q = q_ref[...]
    qn = jnp.sum(jnp.maximum(q * q, 1e-12))
    dot8 = jnp.sum(d8 * q, axis=1, keepdims=True)
    nrm8 = jnp.sum(jnp.maximum(d8 * d8, 1e-12), axis=1, keepdims=True)
    cos8 = dot8 / (jnp.sqrt(nrm8) * jnp.sqrt(qn))
    sub = g - (g // 8) * 8
    sel = lax.broadcasted_iota(jnp.int32, (8, 1), 0) == sub
    v = jnp.max(jnp.where(sel, cos8, -jnp.inf))

    @pl.when(i == 0)
    def _():
        vs_ref[...] = jnp.full((1, NCAND), -jnp.inf, jnp.float32)
        gs_ref[...] = jnp.zeros((1, NCAND), jnp.int32)

    laneC = lax.broadcasted_iota(jnp.int32, (1, NCAND), 1)
    vs_ref[...] = jnp.where(laneC == i, v, vs_ref[...])
    gs_ref[...] = jnp.where(laneC == i, g, gs_ref[...])

    @pl.when(i == NCAND - 1)
    def _():
        vs = vs_ref[...]
        gs = gs_ref[...]
        lane16 = lax.broadcasted_iota(jnp.int32, (1, 16), 1)
        vvec = jnp.full((1, 16), -jnp.inf, jnp.float32)
        ivec = jnp.zeros((1, 16), jnp.int32)
        for j in range(TOPK):
            m = jnp.max(vs)
            gsel = jnp.min(jnp.where(vs == m, gs, _IMAX))
            vvec = jnp.where(lane16 == j, m, vvec)
            ivec = jnp.where(lane16 == j, gsel, ivec)
            vs = jnp.where(gs == gsel, -jnp.inf, vs)
        vals_ref[...] = vvec
        idx_ref[...] = ivec


def kernel(query, docs):
    sc_vals, sc_idx = _sc_score(query, docs)

    cand = pl.pallas_call(
        _merge_body,
        out_shape=jax.ShapeDtypeStruct((1, NCAND), jnp.int32),
    )(sc_vals, sc_idx)

    vals, idx = pl.pallas_call(
        _rescore_body,
        grid_spec=pltpu.PrefetchScalarGridSpec(
            num_scalar_prefetch=1,
            grid=(NCAND,),
            in_specs=[
                pl.BlockSpec((1, D), lambda i, cand_s: (0, 0)),
                pl.BlockSpec((8, D), lambda i, cand_s: (cand_s[i] // 8, 0)),
            ],
            out_specs=[
                pl.BlockSpec((1, 16), lambda i, cand_s: (0, 0)),
                pl.BlockSpec((1, 16), lambda i, cand_s: (0, 0)),
            ],
            scratch_shapes=[
                pltpu.VMEM((1, NCAND), jnp.float32),
                pltpu.VMEM((1, NCAND), jnp.int32),
            ],
        ),
        out_shape=[
            jax.ShapeDtypeStruct((1, 16), jnp.float32),
            jax.ShapeDtypeStruct((1, 16), jnp.int32),
        ],
    )(cand.reshape(NCAND), query, docs)
    return vals[0, :TOPK], idx[0, :TOPK]

# --- scband reference (transcript-rebuilt; emitter-appended) ---
"""Pipeline reference for scband-cosine-layer-8108898255050 (READ-ONLY COPY).

The authoritative reference and input builder live on the scoring server;
editing this copy changes nothing except your own understanding.
"""

import jax, jax.numpy as jnp
import numpy as np

K_DOCS = 1000000
D = 64

def setup_inputs(seed: int = 0) -> dict:
    key = jax.random.key(seed)
    k1, k2 = jax.random.split(key)
    query = jax.random.normal(k1, (1, D), dtype=jnp.float32)
    docs = jax.random.normal(k2, (K_DOCS, D), dtype=jnp.float32)
    return {"query": query, "docs": docs}

def reference(query, docs):
    # faithful translation of CosineLayer.call
    # l2 norm of constant docs vector (computed in __init__ originally)
    l2_docs_vector = jnp.sqrt(jnp.sum(jnp.maximum(jnp.square(docs), 1e-12), axis=-1))
    # l2 norm of input query
    l2_input = jnp.sqrt(jnp.sum(jnp.maximum(jnp.square(query), 1e-12), axis=-1))
    # cosine numerator: broadcast [1, D] * [K, D] -> sum over D -> [K]
    fract_0 = jnp.sum(query * docs, axis=-1)
    fract_1 = l2_input * l2_docs_vector
    cosine = fract_0 / fract_1
    y_pred_top_k, y_pred_ind_k = jax.lax.top_k(cosine, 10)
    return (y_pred_top_k, y_pred_ind_k)

if __name__ == "__main__":
    import jax
    _d = setup_inputs()
    print(jax.jit(kernel)(*tuple(_d.values())))

</pallas_src>

<mosaic_0001>
#map = affine_map<(d0, d1) -> (0, 0)>
module attributes {stable_mosaic.version = 14 : i64} {
  func.func @_sc_body(%arg0: i32, %arg1: i32, %arg2: memref<1x64xf32, #tpu.memory_space<hbm>>, %arg3: memref<1000000x64xf32, #tpu.memory_space<hbm>>, %arg4: memref<32x128xf32, #tpu.memory_space<hbm>>, %arg5: memref<32x128xi32, #tpu.memory_space<hbm>>, %arg6: memref<256x64xf32, #tpu.memory_space<vmem>>, %arg7: memref<256x64xf32, #tpu.memory_space<vmem>>, %arg8: memref<64xf32, #tpu.memory_space<vmem>>, %arg9: memref<128xf32, #tpu.memory_space<vmem>>, %arg10: memref<128xi32, #tpu.memory_space<vmem>>, %arg11: memref<!tpu.dma_semaphore, #tpu.memory_space<semaphore_mem>>, %arg12: memref<!tpu.dma_semaphore, #tpu.memory_space<semaphore_mem>>) attributes {dimension_semantics = [#tpu.dimension_semantics<core_parallel>, #tpu.dimension_semantics<subcore_parallel>], iteration_bounds = array<i64: 2, 16>, scalar_prefetch = 0 : i64, scratch_operands = 7 : i64, tpu.core_type = #tpu.core_type<sc_vector_subcore>, window_params = [{transform_indices = #map}, {transform_indices = #map}, {transform_indices = #map}, {transform_indices = #map}]} {
    %mul3A = arith.constant 2 : i32
    %mul3A_0 = arith.muli %arg1, %mul3A : i32
    %add3A = arith.addi %mul3A_0, %arg0 : i32
    %mul3A_1 = arith.constant 31248 : i32
    %mul3A_2 = arith.muli %add3A, %mul3A_1 : i32
    %run_scoped3A = arith.constant 0 : i32
    "tpu.region"() ({
      %run_scoped3A_904 = tpu.sem_alloc : memref<!tpu.dma_semaphore, #tpu.memory_space<semaphore_mem>>
      %dma_start3A_905 = arith.constant 0 : i32
      %dma_start3A_906 = tpu.memref_slice %arg2[%run_scoped3A, %dma_start3A_905] : memref<1x64xf32, #tpu.memory_space<hbm>> -> memref<1x64xf32, #tpu.memory_space<hbm>>
      %dma_start3A_907 = tpu.memref_squeeze %dma_start3A_906 : memref<1x64xf32, #tpu.memory_space<hbm>> -> memref<64xf32, #tpu.memory_space<hbm>>
      %dma_start3A_908 = arith.constant 0 : i32
      %dma_start3A_909 = tpu.memref_slice %arg2[%run_scoped3A, %dma_start3A_908] : memref<1x64xf32, #tpu.memory_space<hbm>> -> memref<1x64xf32, #tpu.memory_space<hbm>>
      %dma_start3A_910 = tpu.memref_squeeze %dma_start3A_909 : memref<1x64xf32, #tpu.memory_space<hbm>> -> memref<64xf32, #tpu.memory_space<hbm>>
      tpu.enqueue_dma source(%dma_start3A_910 : memref<64xf32, #tpu.memory_space<hbm>>) target(%arg8 : memref<64xf32, #tpu.memory_space<vmem>>) target_semaphore(%run_scoped3A_904 : memref<!tpu.dma_semaphore, #tpu.memory_space<semaphore_mem>>)
      %dma_wait3A_911 = arith.constant 0 : i32
      %dma_wait3A_912 = tpu.memref_slice %arg2[%run_scoped3A, %dma_wait3A_911] : memref<1x64xf32, #tpu.memory_space<hbm>> -> memref<1x64xf32, #tpu.memory_space<hbm>>
      %dma_wait3A_913 = tpu.memref_squeeze %dma_wait3A_912 : memref<1x64xf32, #tpu.memory_space<hbm>> -> memref<64xf32, #tpu.memory_space<hbm>>
      %dma_wait3A_914 = arith.constant 0 : i32
      %dma_wait3A_915 = tpu.memref_slice %arg2[%run_scoped3A, %dma_wait3A_914] : memref<1x64xf32, #tpu.memory_space<hbm>> -> memref<1x64xf32, #tpu.memory_space<hbm>>
      %dma_wait3A_916 = tpu.memref_squeeze %dma_wait3A_915 : memref<1x64xf32, #tpu.memory_space<hbm>> -> memref<64xf32, #tpu.memory_space<hbm>>
      tpu.wait_dma2 semaphore(%run_scoped3A_904 : memref<!tpu.dma_semaphore, #tpu.memory_space<semaphore_mem>>) src(%dma_wait3A_916 : memref<64xf32, #tpu.memory_space<hbm>>) dst(%arg8 : memref<64xf32, #tpu.memory_space<vmem>>)
      tpu.yield
    }) : () -> ()
    %iota3A = tpu.iota {dimensions = array<i32: 0>} : vector<16xi32>
    %get3A = arith.constant 0 : index
    %get3A_3 = tpu.vector_load %arg8[%get3A] {strides = array<i32>} : memref<64xf32, #tpu.memory_space<vmem>>, vector<16xf32>,
    %get3A_4 = arith.constant 16 : index
    %get3A_5 = tpu.vector_load %arg8[%get3A_4] {strides = array<i32>} : memref<64xf32, #tpu.memory_space<vmem>>, vector<16xf32>,
    %get3A_6 = arith.constant 32 : index
    %get3A_7 = tpu.vector_load %arg8[%get3A_6] {strides = array<i32>} : memref<64xf32, #tpu.memory_space<vmem>>, vector<16xf32>,
    %get3A_8 = arith.constant 48 : index
    %get3A_9 = tpu.vector_load %arg8[%get3A_8] {strides = array<i32>} : memref<64xf32, #tpu.memory_space<vmem>>, vector<16xf32>,
    %broadcast_in_dim3A = arith.constant -3.000000e+38 : f32
    %broadcast_in_dim3A_10 = vector.broadcast %broadcast_in_dim3A : f32 to vector<16xf32>
    %broadcast_in_dim3A_11 = arith.constant -3.000000e+38 : f32
    %broadcast_in_dim3A_12 = vector.broadcast %broadcast_in_dim3A_11 : f32 to vector<16xf32>
    %broadcast_in_dim3A_13 = arith.constant -3.000000e+38 : f32
    %broadcast_in_dim3A_14 = vector.broadcast %broadcast_in_dim3A_13 : f32 to vector<16xf32>
    %broadcast_in_dim3A_15 = arith.constant -3.000000e+38 : f32
    %broadcast_in_dim3A_16 = vector.broadcast %broadcast_in_dim3A_15 : f32 to vector<16xf32>
    %broadcast_in_dim3A_17 = arith.constant 0 : i32
    %broadcast_in_dim3A_18 = vector.broadcast %broadcast_in_dim3A_17 : i32 to vector<16xi32>
    %broadcast_in_dim3A_19 = arith.constant 0 : i32
    %broadcast_in_dim3A_20 = vector.broadcast %broadcast_in_dim3A_19 : i32 to vector<16xi32>
    %broadcast_in_dim3A_21 = arith.constant 0 : i32
    %broadcast_in_dim3A_22 = vector.broadcast %broadcast_in_dim3A_21 : i32 to vector<16xi32>
    %broadcast_in_dim3A_23 = arith.constant 0 : i32
    %broadcast_in_dim3A_24 = vector.broadcast %broadcast_in_dim3A_23 : i32 to vector<16xi32>
    %add3A_25 = arith.constant 0 : i32
    %add3A_26 = arith.addi %add3A_25, %mul3A_2 : i32
    %multiple_of3A = tpu.assume_multiple %add3A_26, 8 : i32
    %dma_start3A = arith.constant 0 : i32
    %dma_start3A_27 = tpu.memref_slice %arg3[%multiple_of3A, %dma_start3A] : memref<1000000x64xf32, #tpu.memory_space<hbm>> -> memref<256x64xf32, #tpu.memory_space<hbm>>
    %dma_start3A_28 = arith.constant 0 : i32
    %dma_start3A_29 = tpu.memref_slice %arg3[%multiple_of3A, %dma_start3A_28] : memref<1000000x64xf32, #tpu.memory_space<hbm>> -> memref<256x64xf32, #tpu.memory_space<hbm>>
    tpu.enqueue_dma source(%dma_start3A_29 : memref<256x64xf32, #tpu.memory_space<hbm>>) target(%arg6 : memref<256x64xf32, #tpu.memory_space<vmem>>) target_semaphore(%arg11 : memref<!tpu.dma_semaphore, #tpu.memory_space<semaphore_mem>>)
    %scan3A = arith.constant 0 : i32
    %scan3A_30 = arith.constant 61 : i32
    %scan3A_31 = arith.addi %scan3A, %scan3A_30 : i32
    %scan3A_32 = arith.constant 1 : i32
    %scan3A_33:8 = scf.for %scan3A_904 = %scan3A to %scan3A_31 step %scan3A_32 iter_args(%scan3A_905 = %broadcast_in_dim3A_10, %scan3A_906 = %broadcast_in_dim3A_12, %scan3A_907 = %broadcast_in_dim3A_14, %scan3A_908 = %broadcast_in_dim3A_16, %scan3A_909 = %broadcast_in_dim3A_18, %scan3A_910 = %broadcast_in_dim3A_20, %scan3A_911 = %broadcast_in_dim3A_22, %scan3A_912 = %broadcast_in_dim3A_24) -> (vector<16xf32>, vector<16xf32>, vector<16xf32>, vector<16xf32>, vector<16xi32>, vector<16xi32>, vector<16xi32>, vector<16xi32>)  : i32 {
      %mul3A_913 = arith.constant 2 : i32
      %mul3A_914 = arith.muli %mul3A_913, %scan3A_904 : i32
      %add3A_915 = arith.constant 1 : i32
      %add3A_916 = arith.addi %mul3A_914, %add3A_915 : i32
      %mul3A_917 = arith.constant 256 : i32
      %mul3A_918 = arith.muli %add3A_916, %mul3A_917 : i32
      %add3A_919 = arith.addi %mul3A_918, %mul3A_2 : i32
      %multiple_of3A_920 = tpu.assume_multiple %add3A_919, 8 : i32
      %dma_start3A_921 = arith.constant 0 : i32
      %dma_start3A_922 = tpu.memref_slice %arg3[%multiple_of3A_920, %dma_start3A_921] : memref<1000000x64xf32, #tpu.memory_space<hbm>> -> memref<256x64xf32, #tpu.memory_space<hbm>>
      %dma_start3A_923 = arith.constant 0 : i32
      %dma_start3A_924 = tpu.memref_slice %arg3[%multiple_of3A_920, %dma_start3A_923] : memref<1000000x64xf32, #tpu.memory_space<hbm>> -> memref<256x64xf32, #tpu.memory_space<hbm>>
      tpu.enqueue_dma source(%dma_start3A_924 : memref<256x64xf32, #tpu.memory_space<hbm>>) target(%arg7 : memref<256x64xf32, #tpu.memory_space<vmem>>) target_semaphore(%arg12 : memref<!tpu.dma_semaphore, #tpu.memory_space<semaphore_mem>>)
      %dma_wait3A_925 = arith.constant 0 : i32
      %dma_wait3A_926 = tpu.memref_slice %arg3[%mul3A_2, %dma_wait3A_925] : memref<1000000x64xf32, #tpu.memory_space<hbm>> -> memref<256x64xf32, #tpu.memory_space<hbm>>
      %dma_wait3A_927 = arith.constant 0 : i32
      %dma_wait3A_928 = tpu.memref_slice %arg3[%mul3A_2, %dma_wait3A_927] : memref<1000000x64xf32, #tpu.memory_space<hbm>> -> memref<256x64xf32, #tpu.memory_space<hbm>>
      tpu.wait_dma2 semaphore(%arg11 : memref<!tpu.dma_semaphore, #tpu.memory_space<semaphore_mem>>) src(%dma_wait3A_928 : memref<256x64xf32, #tpu.memory_space<hbm>>) dst(%arg6 : memref<256x64xf32, #tpu.memory_space<vmem>>)
      %mul3A_929 = arith.constant 256 : i32
      %mul3A_930 = arith.muli %mul3A_914, %mul3A_929 : i32
      %add3A_931 = arith.addi %mul3A_2, %mul3A_930 : i32
      %scan3A_932 = arith.constant 0 : i32
      %scan3A_933 = arith.constant 16 : i32
      %scan3A_934 = arith.addi %scan3A_932, %scan3A_933 : i32
      %scan3A_935 = arith.constant 1 : i32
      %scan3A_936:8 = scf.for %scan3A_964 = %scan3A_932 to %scan3A_934 step %scan3A_935 iter_args(%scan3A_965 = %scan3A_905, %scan3A_966 = %scan3A_906, %scan3A_967 = %scan3A_907, %scan3A_968 = %scan3A_908, %scan3A_969 = %scan3A_909, %scan3A_970 = %scan3A_910, %scan3A_971 = %scan3A_911, %scan3A_972 = %scan3A_912) -> (vector<16xf32>, vector<16xf32>, vector<16xf32>, vector<16xf32>, vector<16xi32>, vector<16xi32>, vector<16xi32>, vector<16xi32>)  : i32 {
        %broadcast_in_dim3A_973 = arith.constant 0.000000e+00 : f32
        %broadcast_in_dim3A_974 = vector.broadcast %broadcast_in_dim3A_973 : f32 to vector<16xf32>
        %broadcast_in_dim3A_975 = arith.constant 1.000000e+00 : f32
        %broadcast_in_dim3A_976 = vector.broadcast %broadcast_in_dim3A_975 : f32 to vector<16xf32>
        %mul3A_977 = arith.constant 16 : i32
        %mul3A_978 = arith.muli %scan3A_964, %mul3A_977 : i32
        %add3A_979 = arith.constant 0 : i32
        %add3A_980 = arith.addi %mul3A_978, %add3A_979 : i32
        %get3A_981 = arith.index_cast %add3A_980 : i32 to index
        %get3A_982 = arith.constant 0 : index
        %get3A_983 = tpu.vector_load %arg6[%get3A_981, %get3A_982] {strides = array<i32>} : memref<256x64xf32, #tpu.memory_space<vmem>>, vector<16xf32>,
        %get3A_984 = arith.index_cast %add3A_980 : i32 to index
        %get3A_985 = arith.constant 16 : index
        %get3A_986 = tpu.vector_load %arg6[%get3A_984, %get3A_985] {strides = array<i32>} : memref<256x64xf32, #tpu.memory_space<vmem>>, vector<16xf32>,
        %get3A_987 = arith.index_cast %add3A_980 : i32 to index
        %get3A_988 = arith.constant 32 : index
        %get3A_989 = tpu.vector_load %arg6[%get3A_987, %get3A_988] {strides = array<i32>} : memref<256x64xf32, #tpu.memory_space<vmem>>, vector<16xf32>,
        %get3A_990 = arith.index_cast %add3A_980 : i32 to index
        %get3A_991 = arith.constant 48 : index
        %get3A_992 = tpu.vector_load %arg6[%get3A_990, %get3A_991] {strides = array<i32>} : memref<256x64xf32, #tpu.memory_space<vmem>>, vector<16xf32>,
        %mul3A_993 = arith.mulf %get3A_983, %get3A_3 : vector<16xf32>
        %mul3A_994 = arith.mulf %get3A_986, %get3A_5 : vector<16xf32>
        %add3A_995 = arith.addf %mul3A_993, %mul3A_994 : vector<16xf32>
        %mul3A_996 = arith.mulf %get3A_989, %get3A_7 : vector<16xf32>
        %add3A_997 = arith.addf %add3A_995, %mul3A_996 : vector<16xf32>
        %mul3A_998 = arith.mulf %get3A_992, %get3A_9 : vector<16xf32>
        %add3A_999 = arith.addf %add3A_997, %mul3A_998 : vector<16xf32>
        %mul3A_1000 = arith.mulf %get3A_983, %get3A_983 : vector<16xf32>
        %mul3A_1001 = arith.mulf %get3A_986, %get3A_986 : vector<16xf32>
        %add3A_1002 = arith.addf %mul3A_1000, %mul3A_1001 : vector<16xf32>
        %mul3A_1003 = arith.mulf %get3A_989, %get3A_989 : vector<16xf32>
        %add3A_1004 = arith.addf %add3A_1002, %mul3A_1003 : vector<16xf32>
        %mul3A_1005 = arith.mulf %get3A_992, %get3A_992 : vector<16xf32>
        %add3A_1006 = arith.addf %add3A_1004, %mul3A_1005 : vector<16xf32>
        %eq3A_1007 = arith.constant 0 : i32
        %eq3A_1008 = vector.broadcast %eq3A_1007 : i32 to vector<16xi32>
        %eq3A_1009 = arith.cmpi eq, %iota3A, %eq3A_1008 : vector<16xi32>
        %reduce_sum3A_1010 = arith.constant true
        %reduce_sum3A_1011 = vector.broadcast %reduce_sum3A_1010 : i1 to vector<16xi1>
        %reduce_sum3A_1012 = tpu.scan <sum>, %add3A_999 masked %reduce_sum3A_1011 : vector<16xf32>, vector<16xi1> -> vector<16xf32>
        %reduce_sum3A_1013 = vector.extract %reduce_sum3A_1012[15] : f32 from vector<16xf32>
        %broadcast_in_dim3A_1014 = vector.broadcast %reduce_sum3A_1013 : f32 to vector<16xf32>
        %select_n3A_1015 = arith.select %eq3A_1009, %broadcast_in_dim3A_1014, %broadcast_in_dim3A_974 : vector<16xi1>, vector<16xf32>
        %eq3A_1016 = arith.constant 0 : i32
        %eq3A_1017 = vector.broadcast %eq3A_1016 : i32 to vector<16xi32>
        %eq3A_1018 = arith.cmpi eq, %iota3A, %eq3A_1017 : vector<16xi32>
        %reduce_sum3A_1019 = arith.constant true
        %reduce_sum3A_1020 = vector.broadcast %reduce_sum3A_1019 : i1 to vector<16xi1>
        %reduce_sum3A_1021 = tpu.scan <sum>, %add3A_1006 masked %reduce_sum3A_1020 : vector<16xf32>, vector<16xi1> -> vector<16xf32>
        %reduce_sum3A_1022 = vector.extract %reduce_sum3A_1021[15] : f32 from vector<16xf32>
        %broadcast_in_dim3A_1023 = vector.broadcast %reduce_sum3A_1022 : f32 to vector<16xf32>
        %select_n3A_1024 = arith.select %eq3A_1018, %broadcast_in_dim3A_1023, %broadcast_in_dim3A_976 : vector<16xi1>, vector<16xf32>
        %mul3A_1025 = arith.constant 16 : i32
        %mul3A_1026 = arith.muli %scan3A_964, %mul3A_1025 : i32
        %add3A_1027 = arith.constant 1 : i32
        %add3A_1028 = arith.addi %mul3A_1026, %add3A_1027 : i32
        %get3A_1029 = arith.index_cast %add3A_1028 : i32 to index
        %get3A_1030 = arith.constant 0 : index
        %get3A_1031 = tpu.vector_load %arg6[%get3A_1029, %get3A_1030] {strides = array<i32>} : memref<256x64xf32, #tpu.memory_space<vmem>>, vector<16xf32>,
        %get3A_1032 = arith.index_cast %add3A_1028 : i32 to index
        %get3A_1033 = arith.constant 16 : index
        %get3A_1034 = tpu.vector_load %arg6[%get3A_1032, %get3A_1033] {strides = array<i32>} : memref<256x64xf32, #tpu.memory_space<vmem>>, vector<16xf32>,
        %get3A_1035 = arith.index_cast %add3A_1028 : i32 to index
        %get3A_1036 = arith.constant 32 : index
        %get3A_1037 = tpu.vector_load %arg6[%get3A_1035, %get3A_1036] {strides = array<i32>} : memref<256x64xf32, #tpu.memory_space<vmem>>, vector<16xf32>,
        %get3A_1038 = arith.index_cast %add3A_1028 : i32 to index
        %get3A_1039 = arith.constant 48 : index
        %get3A_1040 = tpu.vector_load %arg6[%get3A_1038, %get3A_1039] {strides = array<i32>} : memref<256x64xf32, #tpu.memory_space<vmem>>, vector<16xf32>,
        %mul3A_1041 = arith.mulf %get3A_1031, %get3A_3 : vector<16xf32>
        %mul3A_1042 = arith.mulf %get3A_1034, %get3A_5 : vector<16xf32>
        %add3A_1043 = arith.addf %mul3A_1041, %mul3A_1042 : vector<16xf32>
        %mul3A_1044 = arith.mulf %get3A_1037, %get3A_7 : vector<16xf32>
        %add3A_1045 = arith.addf %add3A_1043, %mul3A_1044 : vector<16xf32>
        %mul3A_1046 = arith.mulf %get3A_1040, %get3A_9 : vector<16xf32>
        %add3A_1047 = arith.addf %add3A_1045, %mul3A_1046 : vector<16xf32>
        %mul3A_1048 = arith.mulf %get3A_1031, %get3A_1031 : vector<16xf32>
        %mul3A_1049 = arith.mulf %get3A_1034, %get3A_1034 : vector<16xf32>
        %add3A_1050 = arith.addf %mul3A_1048, %mul3A_1049 : vector<16xf32>
        %mul3A_1051 = arith.mulf %get3A_1037, %get3A_1037 : vector<16xf32>
        %add3A_1052 = arith.addf %add3A_1050, %mul3A_1051 : vector<16xf32>
        %mul3A_1053 = arith.mulf %get3A_1040, %get3A_1040 : vector<16xf32>
        %add3A_1054 = arith.addf %add3A_1052, %mul3A_1053 : vector<16xf32>
        %eq3A_1055 = arith.constant 1 : i32
        %eq3A_1056 = vector.broadcast %eq3A_1055 : i32 to vector<16xi32>
        %eq3A_1057 = arith.cmpi eq, %iota3A, %eq3A_1056 : vector<16xi32>
        %reduce_sum3A_1058 = arith.constant true
        %reduce_sum3A_1059 = vector.broadcast %reduce_sum3A_1058 : i1 to vector<16xi1>
        %reduce_sum3A_1060 = tpu.scan <sum>, %add3A_1047 masked %reduce_sum3A_1059 : vector<16xf32>, vector<16xi1> -> vector<16xf32>
        %reduce_sum3A_1061 = vector.extract %reduce_sum3A_1060[15] : f32 from vector<16xf32>
        %broadcast_in_dim3A_1062 = vector.broadcast %reduce_sum3A_1061 : f32 to vector<16xf32>
        %select_n3A_1063 = arith.select %eq3A_1057, %broadcast_in_dim3A_1062, %select_n3A_1015 : vector<16xi1>, vector<16xf32>
        %eq3A_1064 = arith.constant 1 : i32
        %eq3A_1065 = vector.broadcast %eq3A_1064 : i32 to vector<16xi32>
        %eq3A_1066 = arith.cmpi eq, %iota3A, %eq3A_1065 : vector<16xi32>
        %reduce_sum3A_1067 = arith.constant true
        %reduce_sum3A_1068 = vector.broadcast %reduce_sum3A_1067 : i1 to vector<16xi1>
        %reduce_sum3A_1069 = tpu.scan <sum>, %add3A_1054 masked %reduce_sum3A_1068 : vector<16xf32>, vector<16xi1> -> vector<16xf32>
        %reduce_sum3A_1070 = vector.extract %reduce_sum3A_1069[15] : f32 from vector<16xf32>
        %broadcast_in_dim3A_1071 = vector.broadcast %reduce_sum3A_1070 : f32 to vector<16xf32>
        %select_n3A_1072 = arith.select %eq3A_1066, %broadcast_in_dim3A_1071, %select_n3A_1024 : vector<16xi1>, vector<16xf32>
        %mul3A_1073 = arith.constant 16 : i32
        %mul3A_1074 = arith.muli %scan3A_964, %mul3A_1073 : i32
        %add3A_1075 = arith.constant 2 : i32
        %add3A_1076 = arith.addi %mul3A_1074, %add3A_1075 : i32
        %get3A_1077 = arith.index_cast %add3A_1076 : i32 to index
        %get3A_1078 = arith.constant 0 : index
        %get3A_1079 = tpu.vector_load %arg6[%get3A_1077, %get3A_1078] {strides = array<i32>} : memref<256x64xf32, #tpu.memory_space<vmem>>, vector<16xf32>,
        %get3A_1080 = arith.index_cast %add3A_1076 : i32 to index
        %get3A_1081 = arith.constant 16 : index
        %get3A_1082 = tpu.vector_load %arg6[%get3A_1080, %get3A_1081] {strides = array<i32>} : memref<256x64xf32, #tpu.memory_space<vmem>>, vector<16xf32>,
        %get3A_1083 = arith.index_cast %add3A_1076 : i32 to index
        %get3A_1084 = arith.constant 32 : index
        %get3A_1085 = tpu.vector_load %arg6[%get3A_1083, %get3A_1084] {strides = array<i32>} : memref<256x64xf32, #tpu.memory_space<vmem>>, vector<16xf32>,
        %get3A_1086 = arith.index_cast %add3A_1076 : i32 to index
        %get3A_1087 = arith.constant 48 : index
        %get3A_1088 = tpu.vector_load %arg6[%get3A_1086, %get3A_1087] {strides = array<i32>} : memref<256x64xf32, #tpu.memory_space<vmem>>, vector<16xf32>,
        %mul3A_1089 = arith.mulf %get3A_1079, %get3A_3 : vector<16xf32>
        %mul3A_1090 = arith.mulf %get3A_1082, %get3A_5 : vector<16xf32>
        %add3A_1091 = arith.addf %mul3A_1089, %mul3A_1090 : vector<16xf32>
        %mul3A_1092 = arith.mulf %get3A_1085, %get3A_7 : vector<16xf32>
        %add3A_1093 = arith.addf %add3A_1091, %mul3A_1092 : vector<16xf32>
        %mul3A_1094 = arith.mulf %get3A_1088, %get3A_9 : vector<16xf32>
        %add3A_1095 = arith.addf %add3A_1093, %mul3A_1094 : vector<16xf32>
        %mul3A_1096 = arith.mulf %get3A_1079, %get3A_1079 : vector<16xf32>
        %mul3A_1097 = arith.mulf %get3A_1082, %get3A_1082 : vector<16xf32>
        %add3A_1098 = arith.addf %mul3A_1096, %mul3A_1097 : vector<16xf32>
        %mul3A_1099 = arith.mulf %get3A_1085, %get3A_1085 : vector<16xf32>
        %add3A_1100 = arith.addf %add3A_1098, %mul3A_1099 : vector<16xf32>
        %mul3A_1101 = arith.mulf %get3A_1088, %get3A_1088 : vector<16xf32>
        %add3A_1102 = arith.addf %add3A_1100, %mul3A_1101 : vector<16xf32>
        %eq3A_1103 = arith.constant 2 : i32
        %eq3A_1104 = vector.broadcast %eq3A_1103 : i32 to vector<16xi32>
        %eq3A_1105 = arith.cmpi eq, %iota3A, %eq3A_1104 : vector<16xi32>
        %reduce_sum3A_1106 = arith.constant true
        %reduce_sum3A_1107 = vector.broadcast %reduce_sum3A_1106 : i1 to vector<16xi1>
        %reduce_sum3A_1108 = tpu.scan <sum>, %add3A_1095 masked %reduce_sum3A_1107 : vector<16xf32>, vector<16xi1> -> vector<16xf32>
        %reduce_sum3A_1109 = vector.extract %reduce_sum3A_1108[15] : f32 from vector<16xf32>
        %broadcast_in_dim3A_1110 = vector.broadcast %reduce_sum3A_1109 : f32 to vector<16xf32>
        %select_n3A_1111 = arith.select %eq3A_1105, %broadcast_in_dim3A_1110, %select_n3A_1063 : vector<16xi1>, vector<16xf32>
        %eq3A_1112 = arith.constant 2 : i32
        %eq3A_1113 = vector.broadcast %eq3A_1112 : i32 to vector<16xi32>
        %eq3A_1114 = arith.cmpi eq, %iota3A, %eq3A_1113 : vector<16xi32>
        %reduce_sum3A_1115 = arith.constant true
        %reduce_sum3A_1116 = vector.broadcast %reduce_sum3A_1115 : i1 to vector<16xi1>
        %reduce_sum3A_1117 = tpu.scan <sum>, %add3A_1102 masked %reduce_sum3A_1116 : vector<16xf32>, vector<16xi1> -> vector<16xf32>
        %reduce_sum3A_1118 = vector.extract %reduce_sum3A_1117[15] : f32 from vector<16xf32>
        %broadcast_in_dim3A_1119 = vector.broadcast %reduce_sum3A_1118 : f32 to vector<16xf32>
        %select_n3A_1120 = arith.select %eq3A_1114, %broadcast_in_dim3A_1119, %select_n3A_1072 : vector<16xi1>, vector<16xf32>
        %mul3A_1121 = arith.constant 16 : i32
        %mul3A_1122 = arith.muli %scan3A_964, %mul3A_1121 : i32
        %add3A_1123 = arith.constant 3 : i32
        %add3A_1124 = arith.addi %mul3A_1122, %add3A_1123 : i32
        %get3A_1125 = arith.index_cast %add3A_1124 : i32 to index
        %get3A_1126 = arith.constant 0 : index
        %get3A_1127 = tpu.vector_load %arg6[%get3A_1125, %get3A_1126] {strides = array<i32>} : memref<256x64xf32, #tpu.memory_space<vmem>>, vector<16xf32>,
        %get3A_1128 = arith.index_cast %add3A_1124 : i32 to index
        %get3A_1129 = arith.constant 16 : index
        %get3A_1130 = tpu.vector_load %arg6[%get3A_1128, %get3A_1129] {strides = array<i32>} : memref<256x64xf32, #tpu.memory_space<vmem>>, vector<16xf32>,
        %get3A_1131 = arith.index_cast %add3A_1124 : i32 to index
        %get3A_1132 = arith.constant 32 : index
        %get3A_1133 = tpu.vector_load %arg6[%get3A_1131, %get3A_1132] {strides = array<i32>} : memref<256x64xf32, #tpu.memory_space<vmem>>, vector<16xf32>,
        %get3A_1134 = arith.index_cast %add3A_1124 : i32 to index
        %get3A_1135 = arith.constant 48 : index
        %get3A_1136 = tpu.vector_load %arg6[%get3A_1134, %get3A_1135] {strides = array<i32>} : memref<256x64xf32, #tpu.memory_space<vmem>>, vector<16xf32>,
        %mul3A_1137 = arith.mulf %get3A_1127, %get3A_3 : vector<16xf32>
        %mul3A_1138 = arith.mulf %get3A_1130, %get3A_5 : vector<16xf32>
        %add3A_1139 = arith.addf %mul3A_1137, %mul3A_1138 : vector<16xf32>
        %mul3A_1140 = arith.mulf %get3A_1133, %get3A_7 : vector<16xf32>
        %add3A_1141 = arith.addf %add3A_1139, %mul3A_1140 : vector<16xf32>
        %mul3A_1142 = arith.mulf %get3A_1136, %get3A_9 : vector<16xf32>
        %add3A_1143 = arith.addf %add3A_1141, %mul3A_1142 : vector<16xf32>
        %mul3A_1144 = arith.mulf %get3A_1127, %get3A_1127 : vector<16xf32>
        %mul3A_1145 = arith.mulf %get3A_1130, %get3A_1130 : vector<16xf32>
        %add3A_1146 = arith.addf %mul3A_1144, %mul3A_1145 : vector<16xf32>
        %mul3A_1147 = arith.mulf %get3A_1133, %get3A_1133 : vector<16xf32>
        %add3A_1148 = arith.addf %add3A_1146, %mul3A_1147 : vector<16xf32>
        %mul3A_1149 = arith.mulf %get3A_1136, %get3A_1136 : vector<16xf32>
        %add3A_1150 = arith.addf %add3A_1148, %mul3A_1149 : vector<16xf32>
        %eq3A_1151 = arith.constant 3 : i32
        %eq3A_1152 = vector.broadcast %eq3A_1151 : i32 to vector<16xi32>
        %eq3A_1153 = arith.cmpi eq, %iota3A, %eq3A_1152 : vector<16xi32>
        %reduce_sum3A_1154 = arith.constant true
        %reduce_sum3A_1155 = vector.broadcast %reduce_sum3A_1154 : i1 to vector<16xi1>
        %reduce_sum3A_1156 = tpu.scan <sum>, %add3A_1143 masked %reduce_sum3A_1155 : vector<16xf32>, vector<16xi1> -> vector<16xf32>
        %reduce_sum3A_1157 = vector.extract %reduce_sum3A_1156[15] : f32 from vector<16xf32>
        %broadcast_in_dim3A_1158 = vector.broadcast %reduce_sum3A_1157 : f32 to vector<16xf32>
        %select_n3A_1159 = arith.select %eq3A_1153, %broadcast_in_dim3A_1158, %select_n3A_1111 : vector<16xi1>, vector<16xf32>
        %eq3A_1160 = arith.constant 3 : i32
        %eq3A_1161 = vector.broadcast %eq3A_1160 : i32 to vector<16xi32>
        %eq3A_1162 = arith.cmpi eq, %iota3A, %eq3A_1161 : vector<16xi32>
        %reduce_sum3A_1163 = arith.constant true
        %reduce_sum3A_1164 = vector.broadcast %reduce_sum3A_1163 : i1 to vector<16xi1>
        %reduce_sum3A_1165 = tpu.scan <sum>, %add3A_1150 masked %reduce_sum3A_1164 : vector<16xf32>, vector<16xi1> -> vector<16xf32>
        %reduce_sum3A_1166 = vector.extract %reduce_sum3A_1165[15] : f32 from vector<16xf32>
        %broadcast_in_dim3A_1167 = vector.broadcast %reduce_sum3A_1166 : f32 to vector<16xf32>
        %select_n3A_1168 = arith.select %eq3A_1162, %broadcast_in_dim3A_1167, %select_n3A_1120 : vector<16xi1>, vector<16xf32>
        %mul3A_1169 = arith.constant 16 : i32
        %mul3A_1170 = arith.muli %scan3A_964, %mul3A_1169 : i32
        %add3A_1171 = arith.constant 4 : i32
        %add3A_1172 = arith.addi %mul3A_1170, %add3A_1171 : i32
        %get3A_1173 = arith.index_cast %add3A_1172 : i32 to index
        %get3A_1174 = arith.constant 0 : index
        %get3A_1175 = tpu.vector_load %arg6[%get3A_1173, %get3A_1174] {strides = array<i32>} : memref<256x64xf32, #tpu.memory_space<vmem>>, vector<16xf32>,
        %get3A_1176 = arith.index_cast %add3A_1172 : i32 to index
        %get3A_1177 = arith.constant 16 : index
        %get3A_1178 = tpu.vector_load %arg6[%get3A_1176, %get3A_1177] {strides = array<i32>} : memref<256x64xf32, #tpu.memory_space<vmem>>, vector<16xf32>,
        %get3A_1179 = arith.index_cast %add3A_1172 : i32 to index
        %get3A_1180 = arith.constant 32 : index
        %get3A_1181 = tpu.vector_load %arg6[%get3A_1179, %get3A_1180] {strides = array<i32>} : memref<256x64xf32, #tpu.memory_space<vmem>>, vector<16xf32>,
        %get3A_1182 = arith.index_cast %add3A_1172 : i32 to index
        %get3A_1183 = arith.constant 48 : index
        %get3A_1184 = tpu.vector_load %arg6[%get3A_1182, %get3A_1183] {strides = array<i32>} : memref<256x64xf32, #tpu.memory_space<vmem>>, vector<16xf32>,
        %mul3A_1185 = arith.mulf %get3A_1175, %get3A_3 : vector<16xf32>
        %mul3A_1186 = arith.mulf %get3A_1178, %get3A_5 : vector<16xf32>
        %add3A_1187 = arith.addf %mul3A_1185, %mul3A_1186 : vector<16xf32>
        %mul3A_1188 = arith.mulf %get3A_1181, %get3A_7 : vector<16xf32>
        %add3A_1189 = arith.addf %add3A_1187, %mul3A_1188 : vector<16xf32>
        %mul3A_1190 = arith.mulf %get3A_1184, %get3A_9 : vector<16xf32>
        %add3A_1191 = arith.addf %add3A_1189, %mul3A_1190 : vector<16xf32>
        %mul3A_1192 = arith.mulf %get3A_1175, %get3A_1175 : vector<16xf32>
        %mul3A_1193 = arith.mulf %get3A_1178, %get3A_1178 : vector<16xf32>
        %add3A_1194 = arith.addf %mul3A_1192, %mul3A_1193 : vector<16xf32>
        %mul3A_1195 = arith.mulf %get3A_1181, %get3A_1181 : vector<16xf32>
        %add3A_1196 = arith.addf %add3A_1194, %mul3A_1195 : vector<16xf32>
        %mul3A_1197 = arith.mulf %get3A_1184, %get3A_1184 : vector<16xf32>
        %add3A_1198 = arith.addf %add3A_1196, %mul3A_1197 : vector<16xf32>
        %eq3A_1199 = arith.constant 4 : i32
        %eq3A_1200 = vector.broadcast %eq3A_1199 : i32 to vector<16xi32>
        %eq3A_1201 = arith.cmpi eq, %iota3A, %eq3A_1200 : vector<16xi32>
        %reduce_sum3A_1202 = arith.constant true
        %reduce_sum3A_1203 = vector.broadcast %reduce_sum3A_1202 : i1 to vector<16xi1>
        %reduce_sum3A_1204 = tpu.scan <sum>, %add3A_1191 masked %reduce_sum3A_1203 : vector<16xf32>, vector<16xi1> -> vector<16xf32>
        %reduce_sum3A_1205 = vector.extract %reduce_sum3A_1204[15] : f32 from vector<16xf32>
        %broadcast_in_dim3A_1206 = vector.broadcast %reduce_sum3A_1205 : f32 to vector<16xf32>
        %select_n3A_1207 = arith.select %eq3A_1201, %broadcast_in_dim3A_1206, %select_n3A_1159 : vector<16xi1>, vector<16xf32>
        %eq3A_1208 = arith.constant 4 : i32
        %eq3A_1209 = vector.broadcast %eq3A_1208 : i32 to vector<16xi32>
        %eq3A_1210 = arith.cmpi eq, %iota3A, %eq3A_1209 : vector<16xi32>
        %reduce_sum3A_1211 = arith.constant true
        %reduce_sum3A_1212 = vector.broadcast %reduce_sum3A_1211 : i1 to vector<16xi1>
        %reduce_sum3A_1213 = tpu.scan <sum>, %add3A_1198 masked %reduce_sum3A_1212 : vector<16xf32>, vector<16xi1> -> vector<16xf32>
        %reduce_sum3A_1214 = vector.extract %reduce_sum3A_1213[15] : f32 from vector<16xf32>
        %broadcast_in_dim3A_1215 = vector.broadcast %reduce_sum3A_1214 : f32 to vector<16xf32>
        %select_n3A_1216 = arith.select %eq3A_1210, %broadcast_in_dim3A_1215, %select_n3A_1168 : vector<16xi1>, vector<16xf32>
        %mul3A_1217 = arith.constant 16 : i32
        %mul3A_1218 = arith.muli %scan3A_964, %mul3A_1217 : i32
        %add3A_1219 = arith.constant 5 : i32
        %add3A_1220 = arith.addi %mul3A_1218, %add3A_1219 : i32
        %get3A_1221 = arith.index_cast %add3A_1220 : i32 to index
        %get3A_1222 = arith.constant 0 : index
        %get3A_1223 = tpu.vector_load %arg6[%get3A_1221, %get3A_1222] {strides = array<i32>} : memref<256x64xf32, #tpu.memory_space<vmem>>, vector<16xf32>,
        %get3A_1224 = arith.index_cast %add3A_1220 : i32 to index
        %get3A_1225 = arith.constant 16 : index
        %get3A_1226 = tpu.vector_load %arg6[%get3A_1224, %get3A_1225] {strides = array<i32>} : memref<256x64xf32, #tpu.memory_space<vmem>>, vector<16xf32>,
        %get3A_1227 = arith.index_cast %add3A_1220 : i32 to index
        %get3A_1228 = arith.constant 32 : index
        %get3A_1229 = tpu.vector_load %arg6[%get3A_1227, %get3A_1228] {strides = array<i32>} : memref<256x64xf32, #tpu.memory_space<vmem>>, vector<16xf32>,
        %get3A_1230 = arith.index_cast %add3A_1220 : i32 to index
        %get3A_1231 = arith.constant 48 : index
        %get3A_1232 = tpu.vector_load %arg6[%get3A_1230, %get3A_1231] {strides = array<i32>} : memref<256x64xf32, #tpu.memory_space<vmem>>, vector<16xf32>,
        %mul3A_1233 = arith.mulf %get3A_1223, %get3A_3 : vector<16xf32>
        %mul3A_1234 = arith.mulf %get3A_1226, %get3A_5 : vector<16xf32>
        %add3A_1235 = arith.addf %mul3A_1233, %mul3A_1234 : vector<16xf32>
        %mul3A_1236 = arith.mulf %get3A_1229, %get3A_7 : vector<16xf32>
        %add3A_1237 = arith.addf %add3A_1235, %mul3A_1236 : vector<16xf32>
        %mul3A_1238 = arith.mulf %get3A_1232, %get3A_9 : vector<16xf32>
        %add3A_1239 = arith.addf %add3A_1237, %mul3A_1238 : vector<16xf32>
        %mul3A_1240 = arith.mulf %get3A_1223, %get3A_1223 : vector<16xf32>
        %mul3A_1241 = arith.mulf %get3A_1226, %get3A_1226 : vector<16xf32>
        %add3A_1242 = arith.addf %mul3A_1240, %mul3A_1241 : vector<16xf32>
        %mul3A_1243 = arith.mulf %get3A_1229, %get3A_1229 : vector<16xf32>
        %add3A_1244 = arith.addf %add3A_1242, %mul3A_1243 : vector<16xf32>
        %mul3A_1245 = arith.mulf %get3A_1232, %get3A_1232 : vector<16xf32>
        %add3A_1246 = arith.addf %add3A_1244, %mul3A_1245 : vector<16xf32>
        %eq3A_1247 = arith.constant 5 : i32
        %eq3A_1248 = vector.broadcast %eq3A_1247 : i32 to vector<16xi32>
        %eq3A_1249 = arith.cmpi eq, %iota3A, %eq3A_1248 : vector<16xi32>
        %reduce_sum3A_1250 = arith.constant true
        %reduce_sum3A_1251 = vector.broadcast %reduce_sum3A_1250 : i1 to vector<16xi1>
        %reduce_sum3A_1252 = tpu.scan <sum>, %add3A_1239 masked %reduce_sum3A_1251 : vector<16xf32>, vector<16xi1> -> vector<16xf32>
        %reduce_sum3A_1253 = vector.extract %reduce_sum3A_1252[15] : f32 from vector<16xf32>
        %broadcast_in_dim3A_1254 = vector.broadcast %reduce_sum3A_1253 : f32 to vector<16xf32>
        %select_n3A_1255 = arith.select %eq3A_1249, %broadcast_in_dim3A_1254, %select_n3A_1207 : vector<16xi1>, vector<16xf32>
        %eq3A_1256 = arith.constant 5 : i32
        %eq3A_1257 = vector.broadcast %eq3A_1256 : i32 to vector<16xi32>
        %eq3A_1258 = arith.cmpi eq, %iota3A, %eq3A_1257 : vector<16xi32>
        %reduce_sum3A_1259 = arith.constant true
        %reduce_sum3A_1260 = vector.broadcast %reduce_sum3A_1259 : i1 to vector<16xi1>
        %reduce_sum3A_1261 = tpu.scan <sum>, %add3A_1246 masked %reduce_sum3A_1260 : vector<16xf32>, vector<16xi1> -> vector<16xf32>
        %reduce_sum3A_1262 = vector.extract %reduce_sum3A_1261[15] : f32 from vector<16xf32>
        %broadcast_in_dim3A_1263 = vector.broadcast %reduce_sum3A_1262 : f32 to vector<16xf32>
        %select_n3A_1264 = arith.select %eq3A_1258, %broadcast_in_dim3A_1263, %select_n3A_1216 : vector<16xi1>, vector<16xf32>
        %mul3A_1265 = arith.constant 16 : i32
        %mul3A_1266 = arith.muli %scan3A_964, %mul3A_1265 : i32
        %add3A_1267 = arith.constant 6 : i32
        %add3A_1268 = arith.addi %mul3A_1266, %add3A_1267 : i32
        %get3A_1269 = arith.index_cast %add3A_1268 : i32 to index
        %get3A_1270 = arith.constant 0 : index
        %get3A_1271 = tpu.vector_load %arg6[%get3A_1269, %get3A_1270] {strides = array<i32>} : memref<256x64xf32, #tpu.memory_space<vmem>>, vector<16xf32>,
        %get3A_1272 = arith.index_cast %add3A_1268 : i32 to index
        %get3A_1273 = arith.constant 16 : index
        %get3A_1274 = tpu.vector_load %arg6[%get3A_1272, %get3A_1273] {strides = array<i32>} : memref<256x64xf32, #tpu.memory_space<vmem>>, vector<16xf32>,
        %get3A_1275 = arith.index_cast %add3A_1268 : i32 to index
        %get3A_1276 = arith.constant 32 : index
        %get3A_1277 = tpu.vector_load %arg6[%get3A_1275, %get3A_1276] {strides = array<i32>} : memref<256x64xf32, #tpu.memory_space<vmem>>, vector<16xf32>,
        %get3A_1278 = arith.index_cast %add3A_1268 : i32 to index
        %get3A_1279 = arith.constant 48 : index
        %get3A_1280 = tpu.vector_load %arg6[%get3A_1278, %get3A_1279] {strides = array<i32>} : memref<256x64xf32, #tpu.memory_space<vmem>>, vector<16xf32>,
        %mul3A_1281 = arith.mulf %get3A_1271, %get3A_3 : vector<16xf32>
        %mul3A_1282 = arith.mulf %get3A_1274, %get3A_5 : vector<16xf32>
        %add3A_1283 = arith.addf %mul3A_1281, %mul3A_1282 : vector<16xf32>
        %mul3A_1284 = arith.mulf %get3A_1277, %get3A_7 : vector<16xf32>
        %add3A_1285 = arith.addf %add3A_1283, %mul3A_1284 : vector<16xf32>
        %mul3A_1286 = arith.mulf %get3A_1280, %get3A_9 : vector<16xf32>
        %add3A_1287 = arith.addf %add3A_1285, %mul3A_1286 : vector<16xf32>
        %mul3A_1288 = arith.mulf %get3A_1271, %get3A_1271 : vector<16xf32>
        %mul3A_1289 = arith.mulf %get3A_1274, %get3A_1274 : vector<16xf32>
        %add3A_1290 = arith.addf %mul3A_1288, %mul3A_1289 : vector<16xf32>
        %mul3A_1291 = arith.mulf %get3A_1277, %get3A_1277 : vector<16xf32>
        %add3A_1292 = arith.addf %add3A_1290, %mul3A_1291 : vector<16xf32>
        %mul3A_1293 = arith.mulf %get3A_1280, %get3A_1280 : vector<16xf32>
        %add3A_1294 = arith.addf %add3A_1292, %mul3A_1293 : vector<16xf32>
        %eq3A_1295 = arith.constant 6 : i32
        %eq3A_1296 = vector.broadcast %eq3A_1295 : i32 to vector<16xi32>
        %eq3A_1297 = arith.cmpi eq, %iota3A, %eq3A_1296 : vector<16xi32>
        %reduce_sum3A_1298 = arith.constant true
        %reduce_sum3A_1299 = vector.broadcast %reduce_sum3A_1298 : i1 to vector<16xi1>
        %reduce_sum3A_1300 = tpu.scan <sum>, %add3A_1287 masked %reduce_sum3A_1299 : vector<16xf32>, vector<16xi1> -> vector<16xf32>
        %reduce_sum3A_1301 = vector.extract %reduce_sum3A_1300[15] : f32 from vector<16xf32>
        %broadcast_in_dim3A_1302 = vector.broadcast %reduce_sum3A_1301 : f32 to vector<16xf32>
        %select_n3A_1303 = arith.select %eq3A_1297, %broadcast_in_dim3A_1302, %select_n3A_1255 : vector<16xi1>, vector<16xf32>
        %eq3A_1304 = arith.constant 6 : i32
        %eq3A_1305 = vector.broadcast %eq3A_1304 : i32 to vector<16xi32>
        %eq3A_1306 = arith.cmpi eq, %iota3A, %eq3A_1305 : vector<16xi32>
        %reduce_sum3A_1307 = arith.constant true
        %reduce_sum3A_1308 = vector.broadcast %reduce_sum3A_1307 : i1 to vector<16xi1>
        %reduce_sum3A_1309 = tpu.scan <sum>, %add3A_1294 masked %reduce_sum3A_1308 : vector<16xf32>, vector<16xi1> -> vector<16xf32>
        %reduce_sum3A_1310 = vector.extract %reduce_sum3A_1309[15] : f32 from vector<16xf32>
        %broadcast_in_dim3A_1311 = vector.broadcast %reduce_sum3A_1310 : f32 to vector<16xf32>
        %select_n3A_1312 = arith.select %eq3A_1306, %broadcast_in_dim3A_1311, %select_n3A_1264 : vector<16xi1>, vector<16xf32>
        %mul3A_1313 = arith.constant 16 : i32
        %mul3A_1314 = arith.muli %scan3A_964, %mul3A_1313 : i32
        %add3A_1315 = arith.constant 7 : i32
        %add3A_1316 = arith.addi %mul3A_1314, %add3A_1315 : i32
        %get3A_1317 = arith.index_cast %add3A_1316 : i32 to index
        %get3A_1318 = arith.constant 0 : index
        %get3A_1319 = tpu.vector_load %arg6[%get3A_1317, %get3A_1318] {strides = array<i32>} : memref<256x64xf32, #tpu.memory_space<vmem>>, vector<16xf32>,
        %get3A_1320 = arith.index_cast %add3A_1316 : i32 to index
        %get3A_1321 = arith.constant 16 : index
        %get3A_1322 = tpu.vector_load %arg6[%get3A_1320, %get3A_1321] {strides = array<i32>} : memref<256x64xf32, #tpu.memory_space<vmem>>, vector<16xf32>,
        %get3A_1323 = arith.index_cast %add3A_1316 : i32 to index
        %get3A_1324 = arith.constant 32 : index
        %get3A_1325 = tpu.vector_load %arg6[%get3A_1323, %get3A_1324] {strides = array<i32>} : memref<256x64xf32, #tpu.memory_space<vmem>>, vector<16xf32>,
        %get3A_1326 = arith.index_cast %add3A_1316 : i32 to index
        %get3A_1327 = arith.constant 48 : index
        %get3A_1328 = tpu.vector_load %arg6[%get3A_1326, %get3A_1327] {strides = array<i32>} : memref<256x64xf32, #tpu.memory_space<vmem>>, vector<16xf32>,
        %mul3A_1329 = arith.mulf %get3A_1319, %get3A_3 : vector<16xf32>
        %mul3A_1330 = arith.mulf %get3A_1322, %get3A_5 : vector<16xf32>
        %add3A_1331 = arith.addf %mul3A_1329, %mul3A_1330 : vector<16xf32>
        %mul3A_1332 = arith.mulf %get3A_1325, %get3A_7 : vector<16xf32>
        %add3A_1333 = arith.addf %add3A_1331, %mul3A_1332 : vector<16xf32>
        %mul3A_1334 = arith.mulf %get3A_1328, %get3A_9 : vector<16xf32>
        %add3A_1335 = arith.addf %add3A_1333, %mul3A_1334 : vector<16xf32>
        %mul3A_1336 = arith.mulf %get3A_1319, %get3A_1319 : vector<16xf32>
        %mul3A_1337 = arith.mulf %get3A_1322, %get3A_1322 : vector<16xf32>
        %add3A_1338 = arith.addf %mul3A_1336, %mul3A_1337 : vector<16xf32>
        %mul3A_1339 = arith.mulf %get3A_1325, %get3A_1325 : vector<16xf32>
        %add3A_1340 = arith.addf %add3A_1338, %mul3A_1339 : vector<16xf32>
        %mul3A_1341 = arith.mulf %get3A_1328, %get3A_1328 : vector<16xf32>
        %add3A_1342 = arith.addf %add3A_1340, %mul3A_1341 : vector<16xf32>
        %eq3A_1343 = arith.constant 7 : i32
        %eq3A_1344 = vector.broadcast %eq3A_1343 : i32 to vector<16xi32>
        %eq3A_1345 = arith.cmpi eq, %iota3A, %eq3A_1344 : vector<16xi32>
        %reduce_sum3A_1346 = arith.constant true
        %reduce_sum3A_1347 = vector.broadcast %reduce_sum3A_1346 : i1 to vector<16xi1>
        %reduce_sum3A_1348 = tpu.scan <sum>, %add3A_1335 masked %reduce_sum3A_1347 : vector<16xf32>, vector<16xi1> -> vector<16xf32>
        %reduce_sum3A_1349 = vector.extract %reduce_sum3A_1348[15] : f32 from vector<16xf32>
        %broadcast_in_dim3A_1350 = vector.broadcast %reduce_sum3A_1349 : f32 to vector<16xf32>
        %select_n3A_1351 = arith.select %eq3A_1345, %broadcast_in_dim3A_1350, %select_n3A_1303 : vector<16xi1>, vector<16xf32>
        %eq3A_1352 = arith.constant 7 : i32
        %eq3A_1353 = vector.broadcast %eq3A_1352 : i32 to vector<16xi32>
        %eq3A_1354 = arith.cmpi eq, %iota3A, %eq3A_1353 : vector<16xi32>
        %reduce_sum3A_1355 = arith.constant true
        %reduce_sum3A_1356 = vector.broadcast %reduce_sum3A_1355 : i1 to vector<16xi1>
        %reduce_sum3A_1357 = tpu.scan <sum>, %add3A_1342 masked %reduce_sum3A_1356 : vector<16xf32>, vector<16xi1> -> vector<16xf32>
        %reduce_sum3A_1358 = vector.extract %reduce_sum3A_1357[15] : f32 from vector<16xf32>
        %broadcast_in_dim3A_1359 = vector.broadcast %reduce_sum3A_1358 : f32 to vector<16xf32>
        %select_n3A_1360 = arith.select %eq3A_1354, %broadcast_in_dim3A_1359, %select_n3A_1312 : vector<16xi1>, vector<16xf32>
        %mul3A_1361 = arith.constant 16 : i32
        %mul3A_1362 = arith.muli %scan3A_964, %mul3A_1361 : i32
        %add3A_1363 = arith.constant 8 : i32
        %add3A_1364 = arith.addi %mul3A_1362, %add3A_1363 : i32
        %get3A_1365 = arith.index_cast %add3A_1364 : i32 to index
        %get3A_1366 = arith.constant 0 : index
        %get3A_1367 = tpu.vector_load %arg6[%get3A_1365, %get3A_1366] {strides = array<i32>} : memref<256x64xf32, #tpu.memory_space<vmem>>, vector<16xf32>,
        %get3A_1368 = arith.index_cast %add3A_1364 : i32 to index
        %get3A_1369 = arith.constant 16 : index
        %get3A_1370 = tpu.vector_load %arg6[%get3A_1368, %get3A_1369] {strides = array<i32>} : memref<256x64xf32, #tpu.memory_space<vmem>>, vector<16xf32>,
        %get3A_1371 = arith.index_cast %add3A_1364 : i32 to index
        %get3A_1372 = arith.constant 32 : index
        %get3A_1373 = tpu.vector_load %arg6[%get3A_1371, %get3A_1372] {strides = array<i32>} : memref<256x64xf32, #tpu.memory_space<vmem>>, vector<16xf32>,
        %get3A_1374 = arith.index_cast %add3A_1364 : i32 to index
        %get3A_1375 = arith.constant 48 : index
        %get3A_1376 = tpu.vector_load %arg6[%get3A_1374, %get3A_1375] {strides = array<i32>} : memref<256x64xf32, #tpu.memory_space<vmem>>, vector<16xf32>,
        %mul3A_1377 = arith.mulf %get3A_1367, %get3A_3 : vector<16xf32>
        %mul3A_1378 = arith.mulf %get3A_1370, %get3A_5 : vector<16xf32>
        %add3A_1379 = arith.addf %mul3A_1377, %mul3A_1378 : vector<16xf32>
        %mul3A_1380 = arith.mulf %get3A_1373, %get3A_7 : vector<16xf32>
        %add3A_1381 = arith.addf %add3A_1379, %mul3A_1380 : vector<16xf32>
        %mul3A_1382 = arith.mulf %get3A_1376, %get3A_9 : vector<16xf32>
        %add3A_1383 = arith.addf %add3A_1381, %mul3A_1382 : vector<16xf32>
        %mul3A_1384 = arith.mulf %get3A_1367, %get3A_1367 : vector<16xf32>
        %mul3A_1385 = arith.mulf %get3A_1370, %get3A_1370 : vector<16xf32>
        %add3A_1386 = arith.addf %mul3A_1384, %mul3A_1385 : vector<16xf32>
        %mul3A_1387 = arith.mulf %get3A_1373, %get3A_1373 : vector<16xf32>
        %add3A_1388 = arith.addf %add3A_1386, %mul3A_1387 : vector<16xf32>
        %mul3A_1389 = arith.mulf %get3A_1376, %get3A_1376 : vector<16xf32>
        %add3A_1390 = arith.addf %add3A_1388, %mul3A_1389 : vector<16xf32>
        %eq3A_1391 = arith.constant 8 : i32
        %eq3A_1392 = vector.broadcast %eq3A_1391 : i32 to vector<16xi32>
        %eq3A_1393 = arith.cmpi eq, %iota3A, %eq3A_1392 : vector<16xi32>
        %reduce_sum3A_1394 = arith.constant true
        %reduce_sum3A_1395 = vector.broadcast %reduce_sum3A_1394 : i1 to vector<16xi1>
        %reduce_sum3A_1396 = tpu.scan <sum>, %add3A_1383 masked %reduce_sum3A_1395 : vector<16xf32>, vector<16xi1> -> vector<16xf32>
        %reduce_sum3A_1397 = vector.extract %reduce_sum3A_1396[15] : f32 from vector<16xf32>
        %broadcast_in_dim3A_1398 = vector.broadcast %reduce_sum3A_1397 : f32 to vector<16xf32>
        %select_n3A_1399 = arith.select %eq3A_1393, %broadcast_in_dim3A_1398, %select_n3A_1351 : vector<16xi1>, vector<16xf32>
        %eq3A_1400 = arith.constant 8 : i32
        %eq3A_1401 = vector.broadcast %eq3A_1400 : i32 to vector<16xi32>
        %eq3A_1402 = arith.cmpi eq, %iota3A, %eq3A_1401 : vector<16xi32>
        %reduce_sum3A_1403 = arith.constant true
        %reduce_sum3A_1404 = vector.broadcast %reduce_sum3A_1403 : i1 to vector<16xi1>
        %reduce_sum3A_1405 = tpu.scan <sum>, %add3A_1390 masked %reduce_sum3A_1404 : vector<16xf32>, vector<16xi1> -> vector<16xf32>
        %reduce_sum3A_1406 = vector.extract %reduce_sum3A_1405[15] : f32 from vector<16xf32>
        %broadcast_in_dim3A_1407 = vector.broadcast %reduce_sum3A_1406 : f32 to vector<16xf32>
        %select_n3A_1408 = arith.select %eq3A_1402, %broadcast_in_dim3A_1407, %select_n3A_1360 : vector<16xi1>, vector<16xf32>
        %mul3A_1409 = arith.constant 16 : i32
        %mul3A_1410 = arith.muli %scan3A_964, %mul3A_1409 : i32
        %add3A_1411 = arith.constant 9 : i32
        %add3A_1412 = arith.addi %mul3A_1410, %add3A_1411 : i32
        %get3A_1413 = arith.index_cast %add3A_1412 : i32 to index
        %get3A_1414 = arith.constant 0 : index
        %get3A_1415 = tpu.vector_load %arg6[%get3A_1413, %get3A_1414] {strides = array<i32>} : memref<256x64xf32, #tpu.memory_space<vmem>>, vector<16xf32>,
        %get3A_1416 = arith.index_cast %add3A_1412 : i32 to index
        %get3A_1417 = arith.constant 16 : index
        %get3A_1418 = tpu.vector_load %arg6[%get3A_1416, %get3A_1417] {strides = array<i32>} : memref<256x64xf32, #tpu.memory_space<vmem>>, vector<16xf32>,
        %get3A_1419 = arith.index_cast %add3A_1412 : i32 to index
        %get3A_1420 = arith.constant 32 : index
        %get3A_1421 = tpu.vector_load %arg6[%get3A_1419, %get3A_1420] {strides = array<i32>} : memref<256x64xf32, #tpu.memory_space<vmem>>, vector<16xf32>,
        %get3A_1422 = arith.index_cast %add3A_1412 : i32 to index
        %get3A_1423 = arith.constant 48 : index
        %get3A_1424 = tpu.vector_load %arg6[%get3A_1422, %get3A_1423] {strides = array<i32>} : memref<256x64xf32, #tpu.memory_space<vmem>>, vector<16xf32>,
        %mul3A_1425 = arith.mulf %get3A_1415, %get3A_3 : vector<16xf32>
        %mul3A_1426 = arith.mulf %get3A_1418, %get3A_5 : vector<16xf32>
        %add3A_1427 = arith.addf %mul3A_1425, %mul3A_1426 : vector<16xf32>
        %mul3A_1428 = arith.mulf %get3A_1421, %get3A_7 : vector<16xf32>
        %add3A_1429 = arith.addf %add3A_1427, %mul3A_1428 : vector<16xf32>
        %mul3A_1430 = arith.mulf %get3A_1424, %get3A_9 : vector<16xf32>
        %add3A_1431 = arith.addf %add3A_1429, %mul3A_1430 : vector<16xf32>
        %mul3A_1432 = arith.mulf %get3A_1415, %get3A_1415 : vector<16xf32>
        %mul3A_1433 = arith.mulf %get3A_1418, %get3A_1418 : vector<16xf32>
        %add3A_1434 = arith.addf %mul3A_1432, %mul3A_1433 : vector<16xf32>
        %mul3A_1435 = arith.mulf %get3A_1421, %get3A_1421 : vector<16xf32>
        %add3A_1436 = arith.addf %add3A_1434, %mul3A_1435 : vector<16xf32>
        %mul3A_1437 = arith.mulf %get3A_1424, %get3A_1424 : vector<16xf32>
        %add3A_1438 = arith.addf %add3A_1436, %mul3A_1437 : vector<16xf32>
        %eq3A_1439 = arith.constant 9 : i32
        %eq3A_1440 = vector.broadcast %eq3A_1439 : i32 to vector<16xi32>
        %eq3A_1441 = arith.cmpi eq, %iota3A, %eq3A_1440 : vector<16xi32>
        %reduce_sum3A_1442 = arith.constant true
        %reduce_sum3A_1443 = vector.broadcast %reduce_sum3A_1442 : i1 to vector<16xi1>
        %reduce_sum3A_1444 = tpu.scan <sum>, %add3A_1431 masked %reduce_sum3A_1443 : vector<16xf32>, vector<16xi1> -> vector<16xf32>
        %reduce_sum3A_1445 = vector.extract %reduce_sum3A_1444[15] : f32 from vector<16xf32>
        %broadcast_in_dim3A_1446 = vector.broadcast %reduce_sum3A_1445 : f32 to vector<16xf32>
        %select_n3A_1447 = arith.select %eq3A_1441, %broadcast_in_dim3A_1446, %select_n3A_1399 : vector<16xi1>, vector<16xf32>
        %eq3A_1448 = arith.constant 9 : i32
        %eq3A_1449 = vector.broadcast %eq3A_1448 : i32 to vector<16xi32>
        %eq3A_1450 = arith.cmpi eq, %iota3A, %eq3A_1449 : vector<16xi32>
        %reduce_sum3A_1451 = arith.constant true
        %reduce_sum3A_1452 = vector.broadcast %reduce_sum3A_1451 : i1 to vector<16xi1>
        %reduce_sum3A_1453 = tpu.scan <sum>, %add3A_1438 masked %reduce_sum3A_1452 : vector<16xf32>, vector<16xi1> -> vector<16xf32>
        %reduce_sum3A_1454 = vector.extract %reduce_sum3A_1453[15] : f32 from vector<16xf32>
        %broadcast_in_dim3A_1455 = vector.broadcast %reduce_sum3A_1454 : f32 to vector<16xf32>
        %select_n3A_1456 = arith.select %eq3A_1450, %broadcast_in_dim3A_1455, %select_n3A_1408 : vector<16xi1>, vector<16xf32>
        %mul3A_1457 = arith.constant 16 : i32
        %mul3A_1458 = arith.muli %scan3A_964, %mul3A_1457 : i32
        %add3A_1459 = arith.constant 10 : i32
        %add3A_1460 = arith.addi %mul3A_1458, %add3A_1459 : i32
        %get3A_1461 = arith.index_cast %add3A_1460 : i32 to index
        %get3A_1462 = arith.constant 0 : index
        %get3A_1463 = tpu.vector_load %arg6[%get3A_1461, %get3A_1462] {strides = array<i32>} : memref<256x64xf32, #tpu.memory_space<vmem>>, vector<16xf32>,
        %get3A_1464 = arith.index_cast %add3A_1460 : i32 to index
        %get3A_1465 = arith.constant 16 : index
        %get3A_1466 = tpu.vector_load %arg6[%get3A_1464, %get3A_1465] {strides = array<i32>} : memref<256x64xf32, #tpu.memory_space<vmem>>, vector<16xf32>,
        %get3A_1467 = arith.index_cast %add3A_1460 : i32 to index
        %get3A_1468 = arith.constant 32 : index
        %get3A_1469 = tpu.vector_load %arg6[%get3A_1467, %get3A_1468] {strides = array<i32>} : memref<256x64xf32, #tpu.memory_space<vmem>>, vector<16xf32>,
        %get3A_1470 = arith.index_cast %add3A_1460 : i32 to index
        %get3A_1471 = arith.constant 48 : index
        %get3A_1472 = tpu.vector_load %arg6[%get3A_1470, %get3A_1471] {strides = array<i32>} : memref<256x64xf32, #tpu.memory_space<vmem>>, vector<16xf32>,
        %mul3A_1473 = arith.mulf %get3A_1463, %get3A_3 : vector<16xf32>
        %mul3A_1474 = arith.mulf %get3A_1466, %get3A_5 : vector<16xf32>
        %add3A_1475 = arith.addf %mul3A_1473, %mul3A_1474 : vector<16xf32>
        %mul3A_1476 = arith.mulf %get3A_1469, %get3A_7 : vector<16xf32>
        %add3A_1477 = arith.addf %add3A_1475, %mul3A_1476 : vector<16xf32>
        %mul3A_1478 = arith.mulf %get3A_1472, %get3A_9 : vector<16xf32>
        %add3A_1479 = arith.addf %add3A_1477, %mul3A_1478 : vector<16xf32>
        %mul3A_1480 = arith.mulf %get3A_1463, %get3A_1463 : vector<16xf32>
        %mul3A_1481 = arith.mulf %get3A_1466, %get3A_1466 : vector<16xf32>
        %add3A_1482 = arith.addf %mul3A_1480, %mul3A_1481 : vector<16xf32>
        %mul3A_1483 = arith.mulf %get3A_1469, %get3A_1469 : vector<16xf32>
        %add3A_1484 = arith.addf %add3A_1482, %mul3A_1483 : vector<16xf32>
        %mul3A_1485 = arith.mulf %get3A_1472, %get3A_1472 : vector<16xf32>
        %add3A_1486 = arith.addf %add3A_1484, %mul3A_1485 : vector<16xf32>
        %eq3A_1487 = arith.constant 10 : i32
        %eq3A_1488 = vector.broadcast %eq3A_1487 : i32 to vector<16xi32>
        %eq3A_1489 = arith.cmpi eq, %iota3A, %eq3A_1488 : vector<16xi32>
        %reduce_sum3A_1490 = arith.constant true
        %reduce_sum3A_1491 = vector.broadcast %reduce_sum3A_1490 : i1 to vector<16xi1>
        %reduce_sum3A_1492 = tpu.scan <sum>, %add3A_1479 masked %reduce_sum3A_1491 : vector<16xf32>, vector<16xi1> -> vector<16xf32>
        %reduce_sum3A_1493 = vector.extract %reduce_sum3A_1492[15] : f32 from vector<16xf32>
        %broadcast_in_dim3A_1494 = vector.broadcast %reduce_sum3A_1493 : f32 to vector<16xf32>
        %select_n3A_1495 = arith.select %eq3A_1489, %broadcast_in_dim3A_1494, %select_n3A_1447 : vector<16xi1>, vector<16xf32>
        %eq3A_1496 = arith.constant 10 : i32
        %eq3A_1497 = vector.broadcast %eq3A_1496 : i32 to vector<16xi32>
        %eq3A_1498 = arith.cmpi eq, %iota3A, %eq3A_1497 : vector<16xi32>
        %reduce_sum3A_1499 = arith.constant true
        %reduce_sum3A_1500 = vector.broadcast %reduce_sum3A_1499 : i1 to vector<16xi1>
        %reduce_sum3A_1501 = tpu.scan <sum>, %add3A_1486 masked %reduce_sum3A_1500 : vector<16xf32>, vector<16xi1> -> vector<16xf32>
        %reduce_sum3A_1502 = vector.extract %reduce_sum3A_1501[15] : f32 from vector<16xf32>
        %broadcast_in_dim3A_1503 = vector.broadcast %reduce_sum3A_1502 : f32 to vector<16xf32>
        %select_n3A_1504 = arith.select %eq3A_1498, %broadcast_in_dim3A_1503, %select_n3A_1456 : vector<16xi1>, vector<16xf32>
        %mul3A_1505 = arith.constant 16 : i32
        %mul3A_1506 = arith.muli %scan3A_964, %mul3A_1505 : i32
        %add3A_1507 = arith.constant 11 : i32
        %add3A_1508 = arith.addi %mul3A_1506, %add3A_1507 : i32
        %get3A_1509 = arith.index_cast %add3A_1508 : i32 to index
        %get3A_1510 = arith.constant 0 : index
        %get3A_1511 = tpu.vector_load %arg6[%get3A_1509, %get3A_1510] {strides = array<i32>} : memref<256x64xf32, #tpu.memory_space<vmem>>, vector<16xf32>,
        %get3A_1512 = arith.index_cast %add3A_1508 : i32 to index
        %get3A_1513 = arith.constant 16 : index
        %get3A_1514 = tpu.vector_load %arg6[%get3A_1512, %get3A_1513] {strides = array<i32>} : memref<256x64xf32, #tpu.memory_space<vmem>>, vector<16xf32>,
        %get3A_1515 = arith.index_cast %add3A_1508 : i32 to index
        %get3A_1516 = arith.constant 32 : index
        %get3A_1517 = tpu.vector_load %arg6[%get3A_1515, %get3A_1516] {strides = array<i32>} : memref<256x64xf32, #tpu.memory_space<vmem>>, vector<16xf32>,
        %get3A_1518 = arith.index_cast %add3A_1508 : i32 to index
        %get3A_1519 = arith.constant 48 : index
        %get3A_1520 = tpu.vector_load %arg6[%get3A_1518, %get3A_1519] {strides = array<i32>} : memref<256x64xf32, #tpu.memory_space<vmem>>, vector<16xf32>,
        %mul3A_1521 = arith.mulf %get3A_1511, %get3A_3 : vector<16xf32>
        %mul3A_1522 = arith.mulf %get3A_1514, %get3A_5 : vector<16xf32>
        %add3A_1523 = arith.addf %mul3A_1521, %mul3A_1522 : vector<16xf32>
        %mul3A_1524 = arith.mulf %get3A_1517, %get3A_7 : vector<16xf32>
        %add3A_1525 = arith.addf %add3A_1523, %mul3A_1524 : vector<16xf32>
        %mul3A_1526 = arith.mulf %get3A_1520, %get3A_9 : vector<16xf32>
        %add3A_1527 = arith.addf %add3A_1525, %mul3A_1526 : vector<16xf32>
        %mul3A_1528 = arith.mulf %get3A_1511, %get3A_1511 : vector<16xf32>
        %mul3A_1529 = arith.mulf %get3A_1514, %get3A_1514 : vector<16xf32>
        %add3A_1530 = arith.addf %mul3A_1528, %mul3A_1529 : vector<16xf32>
        %mul3A_1531 = arith.mulf %get3A_1517, %get3A_1517 : vector<16xf32>
        %add3A_1532 = arith.addf %add3A_1530, %mul3A_1531 : vector<16xf32>
        %mul3A_1533 = arith.mulf %get3A_1520, %get3A_1520 : vector<16xf32>
        %add3A_1534 = arith.addf %add3A_1532, %mul3A_1533 : vector<16xf32>
        %eq3A_1535 = arith.constant 11 : i32
        %eq3A_1536 = vector.broadcast %eq3A_1535 : i32 to vector<16xi32>
        %eq3A_1537 = arith.cmpi eq, %iota3A, %eq3A_1536 : vector<16xi32>
        %reduce_sum3A_1538 = arith.constant true
        %reduce_sum3A_1539 = vector.broadcast %reduce_sum3A_1538 : i1 to vector<16xi1>
        %reduce_sum3A_1540 = tpu.scan <sum>, %add3A_1527 masked %reduce_sum3A_1539 : vector<16xf32>, vector<16xi1> -> vector<16xf32>
        %reduce_sum3A_1541 = vector.extract %reduce_sum3A_1540[15] : f32 from vector<16xf32>
        %broadcast_in_dim3A_1542 = vector.broadcast %reduce_sum3A_1541 : f32 to vector<16xf32>
        %select_n3A_1543 = arith.select %eq3A_1537, %broadcast_in_dim3A_1542, %select_n3A_1495 : vector<16xi1>, vector<16xf32>
        %eq3A_1544 = arith.constant 11 : i32
        %eq3A_1545 = vector.broadcast %eq3A_1544 : i32 to vector<16xi32>
        %eq3A_1546 = arith.cmpi eq, %iota3A, %eq3A_1545 : vector<16xi32>
        %reduce_sum3A_1547 = arith.constant true
        %reduce_sum3A_1548 = vector.broadcast %reduce_sum3A_1547 : i1 to vector<16xi1>
        %reduce_sum3A_1549 = tpu.scan <sum>, %add3A_1534 masked %reduce_sum3A_1548 : vector<16xf32>, vector<16xi1> -> vector<16xf32>
        %reduce_sum3A_1550 = vector.extract %reduce_sum3A_1549[15] : f32 from vector<16xf32>
        %broadcast_in_dim3A_1551 = vector.broadcast %reduce_sum3A_1550 : f32 to vector<16xf32>
        %select_n3A_1552 = arith.select %eq3A_1546, %broadcast_in_dim3A_1551, %select_n3A_1504 : vector<16xi1>, vector<16xf32>
        %mul3A_1553 = arith.constant 16 : i32
        %mul3A_1554 = arith.muli %scan3A_964, %mul3A_1553 : i32
        %add3A_1555 = arith.constant 12 : i32
        %add3A_1556 = arith.addi %mul3A_1554, %add3A_1555 : i32
        %get3A_1557 = arith.index_cast %add3A_1556 : i32 to index
        %get3A_1558 = arith.constant 0 : index
        %get3A_1559 = tpu.vector_load %arg6[%get3A_1557, %get3A_1558] {strides = array<i32>} : memref<256x64xf32, #tpu.memory_space<vmem>>, vector<16xf32>,
        %get3A_1560 = arith.index_cast %add3A_1556 : i32 to index
        %get3A_1561 = arith.constant 16 : index
        %get3A_1562 = tpu.vector_load %arg6[%get3A_1560, %get3A_1561] {strides = array<i32>} : memref<256x64xf32, #tpu.memory_space<vmem>>, vector<16xf32>,
        %get3A_1563 = arith.index_cast %add3A_1556 : i32 to index
        %get3A_1564 = arith.constant 32 : index
        %get3A_1565 = tpu.vector_load %arg6[%get3A_1563, %get3A_1564] {strides = array<i32>} : memref<256x64xf32, #tpu.memory_space<vmem>>, vector<16xf32>,
        %get3A_1566 = arith.index_cast %add3A_1556 : i32 to index
        %get3A_1567 = arith.constant 48 : index
        %get3A_1568 = tpu.vector_load %arg6[%get3A_1566, %get3A_1567] {strides = array<i32>} : memref<256x64xf32, #tpu.memory_space<vmem>>, vector<16xf32>,
        %mul3A_1569 = arith.mulf %get3A_1559, %get3A_3 : vector<16xf32>
        %mul3A_1570 = arith.mulf %get3A_1562, %get3A_5 : vector<16xf32>
        %add3A_1571 = arith.addf %mul3A_1569, %mul3A_1570 : vector<16xf32>
        %mul3A_1572 = arith.mulf %get3A_1565, %get3A_7 : vector<16xf32>
        %add3A_1573 = arith.addf %add3A_1571, %mul3A_1572 : vector<16xf32>
        %mul3A_1574 = arith.mulf %get3A_1568, %get3A_9 : vector<16xf32>
        %add3A_1575 = arith.addf %add3A_1573, %mul3A_1574 : vector<16xf32>
        %mul3A_1576 = arith.mulf %get3A_1559, %get3A_1559 : vector<16xf32>
        %mul3A_1577 = arith.mulf %get3A_1562, %get3A_1562 : vector<16xf32>
        %add3A_1578 = arith.addf %mul3A_1576, %mul3A_1577 : vector<16xf32>
        %mul3A_1579 = arith.mulf %get3A_1565, %get3A_1565 : vector<16xf32>
        %add3A_1580 = arith.addf %add3A_1578, %mul3A_1579 : vector<16xf32>
        %mul3A_1581 = arith.mulf %get3A_1568, %get3A_1568 : vector<16xf32>
        %add3A_1582 = arith.addf %add3A_1580, %mul3A_1581 : vector<16xf32>
        %eq3A_1583 = arith.constant 12 : i32
        %eq3A_1584 = vector.broadcast %eq3A_1583 : i32 to vector<16xi32>
        %eq3A_1585 = arith.cmpi eq, %iota3A, %eq3A_1584 : vector<16xi32>
        %reduce_sum3A_1586 = arith.constant true
        %reduce_sum3A_1587 = vector.broadcast %reduce_sum3A_1586 : i1 to vector<16xi1>
        %reduce_sum3A_1588 = tpu.scan <sum>, %add3A_1575 masked %reduce_sum3A_1587 : vector<16xf32>, vector<16xi1> -> vector<16xf32>
        %reduce_sum3A_1589 = vector.extract %reduce_sum3A_1588[15] : f32 from vector<16xf32>
        %broadcast_in_dim3A_1590 = vector.broadcast %reduce_sum3A_1589 : f32 to vector<16xf32>
        %select_n3A_1591 = arith.select %eq3A_1585, %broadcast_in_dim3A_1590, %select_n3A_1543 : vector<16xi1>, vector<16xf32>
        %eq3A_1592 = arith.constant 12 : i32
        %eq3A_1593 = vector.broadcast %eq3A_1592 : i32 to vector<16xi32>
        %eq3A_1594 = arith.cmpi eq, %iota3A, %eq3A_1593 : vector<16xi32>
        %reduce_sum3A_1595 = arith.constant true
        %reduce_sum3A_1596 = vector.broadcast %reduce_sum3A_1595 : i1 to vector<16xi1>
        %reduce_sum3A_1597 = tpu.scan <sum>, %add3A_1582 masked %reduce_sum3A_1596 : vector<16xf32>, vector<16xi1> -> vector<16xf32>
        %reduce_sum3A_1598 = vector.extract %reduce_sum3A_1597[15] : f32 from vector<16xf32>
        %broadcast_in_dim3A_1599 = vector.broadcast %reduce_sum3A_1598 : f32 to vector<16xf32>
        %select_n3A_1600 = arith.select %eq3A_1594, %broadcast_in_dim3A_1599, %select_n3A_1552 : vector<16xi1>, vector<16xf32>
        %mul3A_1601 = arith.constant 16 : i32
        %mul3A_1602 = arith.muli %scan3A_964, %mul3A_1601 : i32
        %add3A_1603 = arith.constant 13 : i32
        %add3A_1604 = arith.addi %mul3A_1602, %add3A_1603 : i32
        %get3A_1605 = arith.index_cast %add3A_1604 : i32 to index
        %get3A_1606 = arith.constant 0 : index
        %get3A_1607 = tpu.vector_load %arg6[%get3A_1605, %get3A_1606] {strides = array<i32>} : memref<256x64xf32, #tpu.memory_space<vmem>>, vector<16xf32>,
        %get3A_1608 = arith.index_cast %add3A_1604 : i32 to index
        %get3A_1609 = arith.constant 16 : index
        %get3A_1610 = tpu.vector_load %arg6[%get3A_1608, %get3A_1609] {strides = array<i32>} : memref<256x64xf32, #tpu.memory_space<vmem>>, vector<16xf32>,
        %get3A_1611 = arith.index_cast %add3A_1604 : i32 to index
        %get3A_1612 = arith.constant 32 : index
        %get3A_1613 = tpu.vector_load %arg6[%get3A_1611, %get3A_1612] {strides = array<i32>} : memref<256x64xf32, #tpu.memory_space<vmem>>, vector<16xf32>,
        %get3A_1614 = arith.index_cast %add3A_1604 : i32 to index
        %get3A_1615 = arith.constant 48 : index
        %get3A_1616 = tpu.vector_load %arg6[%get3A_1614, %get3A_1615] {strides = array<i32>} : memref<256x64xf32, #tpu.memory_space<vmem>>, vector<16xf32>,
        %mul3A_1617 = arith.mulf %get3A_1607, %get3A_3 : vector<16xf32>
        %mul3A_1618 = arith.mulf %get3A_1610, %get3A_5 : vector<16xf32>
        %add3A_1619 = arith.addf %mul3A_1617, %mul3A_1618 : vector<16xf32>
        %mul3A_1620 = arith.mulf %get3A_1613, %get3A_7 : vector<16xf32>
        %add3A_1621 = arith.addf %add3A_1619, %mul3A_1620 : vector<16xf32>
        %mul3A_1622 = arith.mulf %get3A_1616, %get3A_9 : vector<16xf32>
        %add3A_1623 = arith.addf %add3A_1621, %mul3A_1622 : vector<16xf32>
        %mul3A_1624 = arith.mulf %get3A_1607, %get3A_1607 : vector<16xf32>
        %mul3A_1625 = arith.mulf %get3A_1610, %get3A_1610 : vector<16xf32>
        %add3A_1626 = arith.addf %mul3A_1624, %mul3A_1625 : vector<16xf32>
        %mul3A_1627 = arith.mulf %get3A_1613, %get3A_1613 : vector<16xf32>
        %add3A_1628 = arith.addf %add3A_1626, %mul3A_1627 : vector<16xf32>
        %mul3A_1629 = arith.mulf %get3A_1616, %get3A_1616 : vector<16xf32>
        %add3A_1630 = arith.addf %add3A_1628, %mul3A_1629 : vector<16xf32>
        %eq3A_1631 = arith.constant 13 : i32
        %eq3A_1632 = vector.broadcast %eq3A_1631 : i32 to vector<16xi32>
        %eq3A_1633 = arith.cmpi eq, %iota3A, %eq3A_1632 : vector<16xi32>
        %reduce_sum3A_1634 = arith.constant true
        %reduce_sum3A_1635 = vector.broadcast %reduce_sum3A_1634 : i1 to vector<16xi1>
        %reduce_sum3A_1636 = tpu.scan <sum>, %add3A_1623 masked %reduce_sum3A_1635 : vector<16xf32>, vector<16xi1> -> vector<16xf32>
        %reduce_sum3A_1637 = vector.extract %reduce_sum3A_1636[15] : f32 from vector<16xf32>
        %broadcast_in_dim3A_1638 = vector.broadcast %reduce_sum3A_1637 : f32 to vector<16xf32>
        %select_n3A_1639 = arith.select %eq3A_1633, %broadcast_in_dim3A_1638, %select_n3A_1591 : vector<16xi1>, vector<16xf32>
        %eq3A_1640 = arith.constant 13 : i32
        %eq3A_1641 = vector.broadcast %eq3A_1640 : i32 to vector<16xi32>
        %eq3A_1642 = arith.cmpi eq, %iota3A, %eq3A_1641 : vector<16xi32>
        %reduce_sum3A_1643 = arith.constant true
        %reduce_sum3A_1644 = vector.broadcast %reduce_sum3A_1643 : i1 to vector<16xi1>
        %reduce_sum3A_1645 = tpu.scan <sum>, %add3A_1630 masked %reduce_sum3A_1644 : vector<16xf32>, vector<16xi1> -> vector<16xf32>
        %reduce_sum3A_1646 = vector.extract %reduce_sum3A_1645[15] : f32 from vector<16xf32>
        %broadcast_in_dim3A_1647 = vector.broadcast %reduce_sum3A_1646 : f32 to vector<16xf32>
        %select_n3A_1648 = arith.select %eq3A_1642, %broadcast_in_dim3A_1647, %select_n3A_1600 : vector<16xi1>, vector<16xf32>
        %mul3A_1649 = arith.constant 16 : i32
        %mul3A_1650 = arith.muli %scan3A_964, %mul3A_1649 : i32
        %add3A_1651 = arith.constant 14 : i32
        %add3A_1652 = arith.addi %mul3A_1650, %add3A_1651 : i32
        %get3A_1653 = arith.index_cast %add3A_1652 : i32 to index
        %get3A_1654 = arith.constant 0 : index
        %get3A_1655 = tpu.vector_load %arg6[%get3A_1653, %get3A_1654] {strides = array<i32>} : memref<256x64xf32, #tpu.memory_space<vmem>>, vector<16xf32>,
        %get3A_1656 = arith.index_cast %add3A_1652 : i32 to index
        %get3A_1657 = arith.constant 16 : index
        %get3A_1658 = tpu.vector_load %arg6[%get3A_1656, %get3A_1657] {strides = array<i32>} : memref<256x64xf32, #tpu.memory_space<vmem>>, vector<16xf32>,
        %get3A_1659 = arith.index_cast %add3A_1652 : i32 to index
        %get3A_1660 = arith.constant 32 : index
        %get3A_1661 = tpu.vector_load %arg6[%get3A_1659, %get3A_1660] {strides = array<i32>} : memref<256x64xf32, #tpu.memory_space<vmem>>, vector<16xf32>,
        %get3A_1662 = arith.index_cast %add3A_1652 : i32 to index
        %get3A_1663 = arith.constant 48 : index
        %get3A_1664 = tpu.vector_load %arg6[%get3A_1662, %get3A_1663] {strides = array<i32>} : memref<256x64xf32, #tpu.memory_space<vmem>>, vector<16xf32>,
        %mul3A_1665 = arith.mulf %get3A_1655, %get3A_3 : vector<16xf32>
        %mul3A_1666 = arith.mulf %get3A_1658, %get3A_5 : vector<16xf32>
        %add3A_1667 = arith.addf %mul3A_1665, %mul3A_1666 : vector<16xf32>
        %mul3A_1668 = arith.mulf %get3A_1661, %get3A_7 : vector<16xf32>
        %add3A_1669 = arith.addf %add3A_1667, %mul3A_1668 : vector<16xf32>
        %mul3A_1670 = arith.mulf %get3A_1664, %get3A_9 : vector<16xf32>
        %add3A_1671 = arith.addf %add3A_1669, %mul3A_1670 : vector<16xf32>
        %mul3A_1672 = arith.mulf %get3A_1655, %get3A_1655 : vector<16xf32>
        %mul3A_1673 = arith.mulf %get3A_1658, %get3A_1658 : vector<16xf32>
        %add3A_1674 = arith.addf %mul3A_1672, %mul3A_1673 : vector<16xf32>
        %mul3A_1675 = arith.mulf %get3A_1661, %get3A_1661 : vector<16xf32>
        %add3A_1676 = arith.addf %add3A_1674, %mul3A_1675 : vector<16xf32>
        %mul3A_1677 = arith.mulf %get3A_1664, %get3A_1664 : vector<16xf32>
        %add3A_1678 = arith.addf %add3A_1676, %mul3A_1677 : vector<16xf32>
        %eq3A_1679 = arith.constant 14 : i32
        %eq3A_1680 = vector.broadcast %eq3A_1679 : i32 to vector<16xi32>
        %eq3A_1681 = arith.cmpi eq, %iota3A, %eq3A_1680 : vector<16xi32>
        %reduce_sum3A_1682 = arith.constant true
        %reduce_sum3A_1683 = vector.broadcast %reduce_sum3A_1682 : i1 to vector<16xi1>
        %reduce_sum3A_1684 = tpu.scan <sum>, %add3A_1671 masked %reduce_sum3A_1683 : vector<16xf32>, vector<16xi1> -> vector<16xf32>
        %reduce_sum3A_1685 = vector.extract %reduce_sum3A_1684[15] : f32 from vector<16xf32>
        %broadcast_in_dim3A_1686 = vector.broadcast %reduce_sum3A_1685 : f32 to vector<16xf32>
        %select_n3A_1687 = arith.select %eq3A_1681, %broadcast_in_dim3A_1686, %select_n3A_1639 : vector<16xi1>, vector<16xf32>
        %eq3A_1688 = arith.constant 14 : i32
        %eq3A_1689 = vector.broadcast %eq3A_1688 : i32 to vector<16xi32>
        %eq3A_1690 = arith.cmpi eq, %iota3A, %eq3A_1689 : vector<16xi32>
        %reduce_sum3A_1691 = arith.constant true
        %reduce_sum3A_1692 = vector.broadcast %reduce_sum3A_1691 : i1 to vector<16xi1>
        %reduce_sum3A_1693 = tpu.scan <sum>, %add3A_1678 masked %reduce_sum3A_1692 : vector<16xf32>, vector<16xi1> -> vector<16xf32>
        %reduce_sum3A_1694 = vector.extract %reduce_sum3A_1693[15] : f32 from vector<16xf32>
        %broadcast_in_dim3A_1695 = vector.broadcast %reduce_sum3A_1694 : f32 to vector<16xf32>
        %select_n3A_1696 = arith.select %eq3A_1690, %broadcast_in_dim3A_1695, %select_n3A_1648 : vector<16xi1>, vector<16xf32>
        %mul3A_1697 = arith.constant 16 : i32
        %mul3A_1698 = arith.muli %scan3A_964, %mul3A_1697 : i32
        %add3A_1699 = arith.constant 15 : i32
        %add3A_1700 = arith.addi %mul3A_1698, %add3A_1699 : i32
        %get3A_1701 = arith.index_cast %add3A_1700 : i32 to index
        %get3A_1702 = arith.constant 0 : index
        %get3A_1703 = tpu.vector_load %arg6[%get3A_1701, %get3A_1702] {strides = array<i32>} : memref<256x64xf32, #tpu.memory_space<vmem>>, vector<16xf32>,
        %get3A_1704 = arith.index_cast %add3A_1700 : i32 to index
        %get3A_1705 = arith.constant 16 : index
        %get3A_1706 = tpu.vector_load %arg6[%get3A_1704, %get3A_1705] {strides = array<i32>} : memref<256x64xf32, #tpu.memory_space<vmem>>, vector<16xf32>,
        %get3A_1707 = arith.index_cast %add3A_1700 : i32 to index
        %get3A_1708 = arith.constant 32 : index
        %get3A_1709 = tpu.vector_load %arg6[%get3A_1707, %get3A_1708] {strides = array<i32>} : memref<256x64xf32, #tpu.memory_space<vmem>>, vector<16xf32>,
        %get3A_1710 = arith.index_cast %add3A_1700 : i32 to index
        %get3A_1711 = arith.constant 48 : index
        %get3A_1712 = tpu.vector_load %arg6[%get3A_1710, %get3A_1711] {strides = array<i32>} : memref<256x64xf32, #tpu.memory_space<vmem>>, vector<16xf32>,
        %mul3A_1713 = arith.mulf %get3A_1703, %get3A_3 : vector<16xf32>
        %mul3A_1714 = arith.mulf %get3A_1706, %get3A_5 : vector<16xf32>
        %add3A_1715 = arith.addf %mul3A_1713, %mul3A_1714 : vector<16xf32>
        %mul3A_1716 = arith.mulf %get3A_1709, %get3A_7 : vector<16xf32>
        %add3A_1717 = arith.addf %add3A_1715, %mul3A_1716 : vector<16xf32>
        %mul3A_1718 = arith.mulf %get3A_1712, %get3A_9 : vector<16xf32>
        %add3A_1719 = arith.addf %add3A_1717, %mul3A_1718 : vector<16xf32>
        %mul3A_1720 = arith.mulf %get3A_1703, %get3A_1703 : vector<16xf32>
        %mul3A_1721 = arith.mulf %get3A_1706, %get3A_1706 : vector<16xf32>
        %add3A_1722 = arith.addf %mul3A_1720, %mul3A_1721 : vector<16xf32>
        %mul3A_1723 = arith.mulf %get3A_1709, %get3A_1709 : vector<16xf32>
        %add3A_1724 = arith.addf %add3A_1722, %mul3A_1723 : vector<16xf32>
        %mul3A_1725 = arith.mulf %get3A_1712, %get3A_1712 : vector<16xf32>
        %add3A_1726 = arith.addf %add3A_1724, %mul3A_1725 : vector<16xf32>
        %eq3A_1727 = arith.constant 15 : i32
        %eq3A_1728 = vector.broadcast %eq3A_1727 : i32 to vector<16xi32>
        %eq3A_1729 = arith.cmpi eq, %iota3A, %eq3A_1728 : vector<16xi32>
        %reduce_sum3A_1730 = arith.constant true
        %reduce_sum3A_1731 = vector.broadcast %reduce_sum3A_1730 : i1 to vector<16xi1>
        %reduce_sum3A_1732 = tpu.scan <sum>, %add3A_1719 masked %reduce_sum3A_1731 : vector<16xf32>, vector<16xi1> -> vector<16xf32>
        %reduce_sum3A_1733 = vector.extract %reduce_sum3A_1732[15] : f32 from vector<16xf32>
        %broadcast_in_dim3A_1734 = vector.broadcast %reduce_sum3A_1733 : f32 to vector<16xf32>
        %select_n3A_1735 = arith.select %eq3A_1729, %broadcast_in_dim3A_1734, %select_n3A_1687 : vector<16xi1>, vector<16xf32>
        %eq3A_1736 = arith.constant 15 : i32
        %eq3A_1737 = vector.broadcast %eq3A_1736 : i32 to vector<16xi32>
        %eq3A_1738 = arith.cmpi eq, %iota3A, %eq3A_1737 : vector<16xi32>
        %reduce_sum3A_1739 = arith.constant true
        %reduce_sum3A_1740 = vector.broadcast %reduce_sum3A_1739 : i1 to vector<16xi1>
        %reduce_sum3A_1741 = tpu.scan <sum>, %add3A_1726 masked %reduce_sum3A_1740 : vector<16xf32>, vector<16xi1> -> vector<16xf32>
        %reduce_sum3A_1742 = vector.extract %reduce_sum3A_1741[15] : f32 from vector<16xf32>
        %broadcast_in_dim3A_1743 = vector.broadcast %reduce_sum3A_1742 : f32 to vector<16xf32>
        %select_n3A_1744 = arith.select %eq3A_1738, %broadcast_in_dim3A_1743, %select_n3A_1696 : vector<16xi1>, vector<16xf32>
        %abs3A_1745 = math.absf %select_n3A_1735 : vector<16xf32>
        %mul3A_1746 = arith.mulf %select_n3A_1735, %abs3A_1745 : vector<16xf32>
        %div3A_1747 = arith.divf %mul3A_1746, %select_n3A_1744 : vector<16xf32>
        %mul3A_1748 = arith.constant 16 : i32
        %mul3A_1749 = arith.muli %scan3A_964, %mul3A_1748 : i32
        %add3A_1750 = arith.addi %add3A_931, %mul3A_1749 : i32
        %add3A_1751 = vector.broadcast %add3A_1750 : i32 to vector<16xi32>
        %add3A_1752 = arith.addi %add3A_1751, %iota3A : vector<16xi32>
        %gt3A_1753 = arith.cmpf ogt, %div3A_1747, %scan3A_965 : vector<16xf32>
        %select_n3A_1754 = arith.select %gt3A_1753, %div3A_1747, %scan3A_965 : vector<16xi1>, vector<16xf32>
        %select_n3A_1755 = arith.select %gt3A_1753, %add3A_1752, %scan3A_969 : vector<16xi1>, vector<16xi32>
        %select_n3A_1756 = arith.select %gt3A_1753, %scan3A_965, %div3A_1747 : vector<16xi1>, vector<16xf32>
        %select_n3A_1757 = arith.select %gt3A_1753, %scan3A_969, %add3A_1752 : vector<16xi1>, vector<16xi32>
        %gt3A_1758 = arith.cmpf ogt, %select_n3A_1756, %scan3A_966 : vector<16xf32>
        %select_n3A_1759 = arith.select %gt3A_1758, %select_n3A_1756, %scan3A_966 : vector<16xi1>, vector<16xf32>
        %select_n3A_1760 = arith.select %gt3A_1758, %select_n3A_1757, %scan3A_970 : vector<16xi1>, vector<16xi32>
        %select_n3A_1761 = arith.select %gt3A_1758, %scan3A_966, %select_n3A_1756 : vector<16xi1>, vector<16xf32>
        %select_n3A_1762 = arith.select %gt3A_1758, %scan3A_970, %select_n3A_1757 : vector<16xi1>, vector<16xi32>
        %gt3A_1763 = arith.cmpf ogt, %select_n3A_1761, %scan3A_967 : vector<16xf32>
        %select_n3A_1764 = arith.select %gt3A_1763, %select_n3A_1761, %scan3A_967 : vector<16xi1>, vector<16xf32>
        %select_n3A_1765 = arith.select %gt3A_1763, %select_n3A_1762, %scan3A_971 : vector<16xi1>, vector<16xi32>
        %select_n3A_1766 = arith.select %gt3A_1763, %scan3A_967, %select_n3A_1761 : vector<16xi1>, vector<16xf32>
        %select_n3A_1767 = arith.select %gt3A_1763, %scan3A_971, %select_n3A_1762 : vector<16xi1>, vector<16xi32>
        %gt3A_1768 = arith.cmpf ogt, %select_n3A_1766, %scan3A_968 : vector<16xf32>
        %select_n3A_1769 = arith.select %gt3A_1768, %select_n3A_1766, %scan3A_968 : vector<16xi1>, vector<16xf32>
        %select_n3A_1770 = arith.select %gt3A_1768, %select_n3A_1767, %scan3A_972 : vector<16xi1>, vector<16xi32>
        %select_n3A_1771 = arith.select %gt3A_1768, %scan3A_968, %select_n3A_1766 : vector<16xi1>, vector<16xf32>
        %select_n3A_1772 = arith.select %gt3A_1768, %scan3A_972, %select_n3A_1767 : vector<16xi1>, vector<16xi32>
        scf.yield %select_n3A_1754, %select_n3A_1759, %select_n3A_1764, %select_n3A_1769, %select_n3A_1755, %select_n3A_1760, %select_n3A_1765, %select_n3A_1770 : vector<16xf32>, vector<16xf32>, vector<16xf32>, vector<16xf32>, vector<16xi32>, vector<16xi32>, vector<16xi32>, vector<16xi32>
      }
      %scan3A_937 = arith.constant 16 : i32
      %add3A_938 = arith.constant 2 : i32
      %add3A_939 = arith.addi %mul3A_914, %add3A_938 : i32
      %min3A = arith.constant 120 : i32
      %min3A_940 = arith.minsi %add3A_939, %min3A : i32
      %mul3A_941 = arith.constant 256 : i32
      %mul3A_942 = arith.muli %min3A_940, %mul3A_941 : i32
      %add3A_943 = arith.addi %mul3A_942, %mul3A_2 : i32
      %multiple_of3A_944 = tpu.assume_multiple %add3A_943, 8 : i32
      %dma_start3A_945 = arith.constant 0 : i32
      %dma_start3A_946 = tpu.memref_slice %arg3[%multiple_of3A_944, %dma_start3A_945] : memref<1000000x64xf32, #tpu.memory_space<hbm>> -> memref<256x64xf32, #tpu.memory_space<hbm>>
      %dma_start3A_947 = arith.constant 0 : i32
      %dma_start3A_948 = tpu.memref_slice %arg3[%multiple_of3A_944, %dma_start3A_947] : memref<1000000x64xf32, #tpu.memory_space<hbm>> -> memref<256x64xf32, #tpu.memory_space<hbm>>
      tpu.enqueue_dma source(%dma_start3A_948 : memref<256x64xf32, #tpu.memory_space<hbm>>) target(%arg6 : memref<256x64xf32, #tpu.memory_space<vmem>>) target_semaphore(%arg11 : memref<!tpu.dma_semaphore, #tpu.memory_space<semaphore_mem>>)
      %dma_wait3A_949 = arith.constant 0 : i32
      %dma_wait3A_950 = tpu.memref_slice %arg3[%mul3A_2, %dma_wait3A_949] : memref<1000000x64xf32, #tpu.memory_space<hbm>> -> memref<256x64xf32, #tpu.memory_space<hbm>>
      %dma_wait3A_951 = arith.constant 0 : i32
      %dma_wait3A_952 = tpu.memref_slice %arg3[%mul3A_2, %dma_wait3A_951] : memref<1000000x64xf32, #tpu.memory_space<hbm>> -> memref<256x64xf32, #tpu.memory_space<hbm>>
      tpu.wait_dma2 semaphore(%arg12 : memref<!tpu.dma_semaphore, #tpu.memory_space<semaphore_mem>>) src(%dma_wait3A_952 : memref<256x64xf32, #tpu.memory_space<hbm>>) dst(%arg7 : memref<256x64xf32, #tpu.memory_space<vmem>>)
      %add3A_953 = arith.constant 1 : i32
      %add3A_954 = arith.addi %mul3A_914, %add3A_953 : i32
      %mul3A_955 = arith.constant 256 : i32
      %mul3A_956 = arith.muli %add3A_954, %mul3A_955 : i32
      %add3A_957 = arith.addi %mul3A_2, %mul3A_956 : i32
      %scan3A_958 = arith.constant 0 : i32
      %scan3A_959 = arith.constant 16 : i32
      %scan3A_960 = arith.addi %scan3A_958, %scan3A_959 : i32
      %scan3A_961 = arith.constant 1 : i32
      %scan3A_962:8 = scf.for %scan3A_964 = %scan3A_958 to %scan3A_960 step %scan3A_961 iter_args(%scan3A_965 = %scan3A_936#0, %scan3A_966 = %scan3A_936#1, %scan3A_967 = %scan3A_936#2, %scan3A_968 = %scan3A_936#3, %scan3A_969 = %scan3A_936#4, %scan3A_970 = %scan3A_936#5, %scan3A_971 = %scan3A_936#6, %scan3A_972 = %scan3A_936#7) -> (vector<16xf32>, vector<16xf32>, vector<16xf32>, vector<16xf32>, vector<16xi32>, vector<16xi32>, vector<16xi32>, vector<16xi32>)  : i32 {
        %broadcast_in_dim3A_973 = arith.constant 0.000000e+00 : f32
        %broadcast_in_dim3A_974 = vector.broadcast %broadcast_in_dim3A_973 : f32 to vector<16xf32>
        %broadcast_in_dim3A_975 = arith.constant 1.000000e+00 : f32
        %broadcast_in_dim3A_976 = vector.broadcast %broadcast_in_dim3A_975 : f32 to vector<16xf32>
        %mul3A_977 = arith.constant 16 : i32
        %mul3A_978 = arith.muli %scan3A_964, %mul3A_977 : i32
        %add3A_979 = arith.constant 0 : i32
        %add3A_980 = arith.addi %mul3A_978, %add3A_979 : i32
        %get3A_981 = arith.index_cast %add3A_980 : i32 to index
        %get3A_982 = arith.constant 0 : index
        %get3A_983 = tpu.vector_load %arg7[%get3A_981, %get3A_982] {strides = array<i32>} : memref<256x64xf32, #tpu.memory_space<vmem>>, vector<16xf32>,
        %get3A_984 = arith.index_cast %add3A_980 : i32 to index
        %get3A_985 = arith.constant 16 : index
        %get3A_986 = tpu.vector_load %arg7[%get3A_984, %get3A_985] {strides = array<i32>} : memref<256x64xf32, #tpu.memory_space<vmem>>, vector<16xf32>,
        %get3A_987 = arith.index_cast %add3A_980 : i32 to index
        %get3A_988 = arith.constant 32 : index
        %get3A_989 = tpu.vector_load %arg7[%get3A_987, %get3A_988] {strides = array<i32>} : memref<256x64xf32, #tpu.memory_space<vmem>>, vector<16xf32>,
        %get3A_990 = arith.index_cast %add3A_980 : i32 to index
        %get3A_991 = arith.constant 48 : index
        %get3A_992 = tpu.vector_load %arg7[%get3A_990, %get3A_991] {strides = array<i32>} : memref<256x64xf32, #tpu.memory_space<vmem>>, vector<16xf32>,
        %mul3A_993 = arith.mulf %get3A_983, %get3A_3 : vector<16xf32>
        %mul3A_994 = arith.mulf %get3A_986, %get3A_5 : vector<16xf32>
        %add3A_995 = arith.addf %mul3A_993, %mul3A_994 : vector<16xf32>
        %mul3A_996 = arith.mulf %get3A_989, %get3A_7 : vector<16xf32>
        %add3A_997 = arith.addf %add3A_995, %mul3A_996 : vector<16xf32>
        %mul3A_998 = arith.mulf %get3A_992, %get3A_9 : vector<16xf32>
        %add3A_999 = arith.addf %add3A_997, %mul3A_998 : vector<16xf32>
        %mul3A_1000 = arith.mulf %get3A_983, %get3A_983 : vector<16xf32>
        %mul3A_1001 = arith.mulf %get3A_986, %get3A_986 : vector<16xf32>
        %add3A_1002 = arith.addf %mul3A_1000, %mul3A_1001 : vector<16xf32>
        %mul3A_1003 = arith.mulf %get3A_989, %get3A_989 : vector<16xf32>
        %add3A_1004 = arith.addf %add3A_1002, %mul3A_1003 : vector<16xf32>
        %mul3A_1005 = arith.mulf %get3A_992, %get3A_992 : vector<16xf32>
        %add3A_1006 = arith.addf %add3A_1004, %mul3A_1005 : vector<16xf32>
        %eq3A_1007 = arith.constant 0 : i32
        %eq3A_1008 = vector.broadcast %eq3A_1007 : i32 to vector<16xi32>
        %eq3A_1009 = arith.cmpi eq, %iota3A, %eq3A_1008 : vector<16xi32>
        %reduce_sum3A_1010 = arith.constant true
        %reduce_sum3A_1011 = vector.broadcast %reduce_sum3A_1010 : i1 to vector<16xi1>
        %reduce_sum3A_1012 = tpu.scan <sum>, %add3A_999 masked %reduce_sum3A_1011 : vector<16xf32>, vector<16xi1> -> vector<16xf32>
        %reduce_sum3A_1013 = vector.extract %reduce_sum3A_1012[15] : f32 from vector<16xf32>
        %broadcast_in_dim3A_1014 = vector.broadcast %reduce_sum3A_1013 : f32 to vector<16xf32>
        %select_n3A_1015 = arith.select %eq3A_1009, %broadcast_in_dim3A_1014, %broadcast_in_dim3A_974 : vector<16xi1>, vector<16xf32>
        %eq3A_1016 = arith.constant 0 : i32
        %eq3A_1017 = vector.broadcast %eq3A_1016 : i32 to vector<16xi32>
        %eq3A_1018 = arith.cmpi eq, %iota3A, %eq3A_1017 : vector<16xi32>
        %reduce_sum3A_1019 = arith.constant true
        %reduce_sum3A_1020 = vector.broadcast %reduce_sum3A_1019 : i1 to vector<16xi1>
        %reduce_sum3A_1021 = tpu.scan <sum>, %add3A_1006 masked %reduce_sum3A_1020 : vector<16xf32>, vector<16xi1> -> vector<16xf32>
        %reduce_sum3A_1022 = vector.extract %reduce_sum3A_1021[15] : f32 from vector<16xf32>
        %broadcast_in_dim3A_1023 = vector.broadcast %reduce_sum3A_1022 : f32 to vector<16xf32>
        %select_n3A_1024 = arith.select %eq3A_1018, %broadcast_in_dim3A_1023, %broadcast_in_dim3A_976 : vector<16xi1>, vector<16xf32>
        %mul3A_1025 = arith.constant 16 : i32
        %mul3A_1026 = arith.muli %scan3A_964, %mul3A_1025 : i32
        %add3A_1027 = arith.constant 1 : i32
        %add3A_1028 = arith.addi %mul3A_1026, %add3A_1027 : i32
        %get3A_1029 = arith.index_cast %add3A_1028 : i32 to index
        %get3A_1030 = arith.constant 0 : index
        %get3A_1031 = tpu.vector_load %arg7[%get3A_1029, %get3A_1030] {strides = array<i32>} : memref<256x64xf32, #tpu.memory_space<vmem>>, vector<16xf32>,
        %get3A_1032 = arith.index_cast %add3A_1028 : i32 to index
        %get3A_1033 = arith.constant 16 : index
        %get3A_1034 = tpu.vector_load %arg7[%get3A_1032, %get3A_1033] {strides = array<i32>} : memref<256x64xf32, #tpu.memory_space<vmem>>, vector<16xf32>,
        %get3A_1035 = arith.index_cast %add3A_1028 : i32 to index
        %get3A_1036 = arith.constant 32 : index
        %get3A_1037 = tpu.vector_load %arg7[%get3A_1035, %get3A_1036] {strides = array<i32>} : memref<256x64xf32, #tpu.memory_space<vmem>>, vector<16xf32>,
        %get3A_1038 = arith.index_cast %add3A_1028 : i32 to index
        %get3A_1039 = arith.constant 48 : index
        %get3A_1040 = tpu.vector_load %arg7[%get3A_1038, %get3A_1039] {strides = array<i32>} : memref<256x64xf32, #tpu.memory_space<vmem>>, vector<16xf32>,
        %mul3A_1041 = arith.mulf %get3A_1031, %get3A_3 : vector<16xf32>
        %mul3A_1042 = arith.mulf %get3A_1034, %get3A_5 : vector<16xf32>
        %add3A_1043 = arith.addf %mul3A_1041, %mul3A_1042 : vector<16xf32>
        %mul3A_1044 = arith.mulf %get3A_1037, %get3A_7 : vector<16xf32>
        %add3A_1045 = arith.addf %add3A_1043, %mul3A_1044 : vector<16xf32>
        %mul3A_1046 = arith.mulf %get3A_1040, %get3A_9 : vector<16xf32>
        %add3A_1047 = arith.addf %add3A_1045, %mul3A_1046 : vector<16xf32>
        %mul3A_1048 = arith.mulf %get3A_1031, %get3A_1031 : vector<16xf32>
        %mul3A_1049 = arith.mulf %get3A_1034, %get3A_1034 : vector<16xf32>
        %add3A_1050 = arith.addf %mul3A_1048, %mul3A_1049 : vector<16xf32>
        %mul3A_1051 = arith.mulf %get3A_1037, %get3A_1037 : vector<16xf32>
        %add3A_1052 = arith.addf %add3A_1050, %mul3A_1051 : vector<16xf32>
        %mul3A_1053 = arith.mulf %get3A_1040, %get3A_1040 : vector<16xf32>
        %add3A_1054 = arith.addf %add3A_1052, %mul3A_1053 : vector<16xf32>
        %eq3A_1055 = arith.constant 1 : i32
        %eq3A_1056 = vector.broadcast %eq3A_1055 : i32 to vector<16xi32>
        %eq3A_1057 = arith.cmpi eq, %iota3A, %eq3A_1056 : vector<16xi32>
        %reduce_sum3A_1058 = arith.constant true
        %reduce_sum3A_1059 = vector.broadcast %reduce_sum3A_1058 : i1 to vector<16xi1>
        %reduce_sum3A_1060 = tpu.scan <sum>, %add3A_1047 masked %reduce_sum3A_1059 : vector<16xf32>, vector<16xi1> -> vector<16xf32>
        %reduce_sum3A_1061 = vector.extract %reduce_sum3A_1060[15] : f32 from vector<16xf32>
        %broadcast_in_dim3A_1062 = vector.broadcast %reduce_sum3A_1061 : f32 to vector<16xf32>
        %select_n3A_1063 = arith.select %eq3A_1057, %broadcast_in_dim3A_1062, %select_n3A_1015 : vector<16xi1>, vector<16xf32>
        %eq3A_1064 = arith.constant 1 : i32
        %eq3A_1065 = vector.broadcast %eq3A_1064 : i32 to vector<16xi32>
        %eq3A_1066 = arith.cmpi eq, %iota3A, %eq3A_1065 : vector<16xi32>
        %reduce_sum3A_1067 = arith.constant true
        %reduce_sum3A_1068 = vector.broadcast %reduce_sum3A_1067 : i1 to vector<16xi1>
        %reduce_sum3A_1069 = tpu.scan <sum>, %add3A_1054 masked %reduce_sum3A_1068 : vector<16xf32>, vector<16xi1> -> vector<16xf32>
        %reduce_sum3A_1070 = vector.extract %reduce_sum3A_1069[15] : f32 from vector<16xf32>
        %broadcast_in_dim3A_1071 = vector.broadcast %reduce_sum3A_1070 : f32 to vector<16xf32>
        %select_n3A_1072 = arith.select %eq3A_1066, %broadcast_in_dim3A_1071, %select_n3A_1024 : vector<16xi1>, vector<16xf32>
        %mul3A_1073 = arith.constant 16 : i32
        %mul3A_1074 = arith.muli %scan3A_964, %mul3A_1073 : i32
        %add3A_1075 = arith.constant 2 : i32
        %add3A_1076 = arith.addi %mul3A_1074, %add3A_1075 : i32
        %get3A_1077 = arith.index_cast %add3A_1076 : i32 to index
        %get3A_1078 = arith.constant 0 : index
        %get3A_1079 = tpu.vector_load %arg7[%get3A_1077, %get3A_1078] {strides = array<i32>} : memref<256x64xf32, #tpu.memory_space<vmem>>, vector<16xf32>,
        %get3A_1080 = arith.index_cast %add3A_1076 : i32 to index
        %get3A_1081 = arith.constant 16 : index
        %get3A_1082 = tpu.vector_load %arg7[%get3A_1080, %get3A_1081] {strides = array<i32>} : memref<256x64xf32, #tpu.memory_space<vmem>>, vector<16xf32>,
        %get3A_1083 = arith.index_cast %add3A_1076 : i32 to index
        %get3A_1084 = arith.constant 32 : index
        %get3A_1085 = tpu.vector_load %arg7[%get3A_1083, %get3A_1084] {strides = array<i32>} : memref<256x64xf32, #tpu.memory_space<vmem>>, vector<16xf32>,
        %get3A_1086 = arith.index_cast %add3A_1076 : i32 to index
        %get3A_1087 = arith.constant 48 : index
        %get3A_1088 = tpu.vector_load %arg7[%get3A_1086, %get3A_1087] {strides = array<i32>} : memref<256x64xf32, #tpu.memory_space<vmem>>, vector<16xf32>,
        %mul3A_1089 = arith.mulf %get3A_1079, %get3A_3 : vector<16xf32>
        %mul3A_1090 = arith.mulf %get3A_1082, %get3A_5 : vector<16xf32>
        %add3A_1091 = arith.addf %mul3A_1089, %mul3A_1090 : vector<16xf32>
        %mul3A_1092 = arith.mulf %get3A_1085, %get3A_7 : vector<16xf32>
        %add3A_1093 = arith.addf %add3A_1091, %mul3A_1092 : vector<16xf32>
        %mul3A_1094 = arith.mulf %get3A_1088, %get3A_9 : vector<16xf32>
        %add3A_1095 = arith.addf %add3A_1093, %mul3A_1094 : vector<16xf32>
        %mul3A_1096 = arith.mulf %get3A_1079, %get3A_1079 : vector<16xf32>
        %mul3A_1097 = arith.mulf %get3A_1082, %get3A_1082 : vector<16xf32>
        %add3A_1098 = arith.addf %mul3A_1096, %mul3A_1097 : vector<16xf32>
        %mul3A_1099 = arith.mulf %get3A_1085, %get3A_1085 : vector<16xf32>
        %add3A_1100 = arith.addf %add3A_1098, %mul3A_1099 : vector<16xf32>
        %mul3A_1101 = arith.mulf %get3A_1088, %get3A_1088 : vector<16xf32>
        %add3A_1102 = arith.addf %add3A_1100, %mul3A_1101 : vector<16xf32>
        %eq3A_1103 = arith.constant 2 : i32
        %eq3A_1104 = vector.broadcast %eq3A_1103 : i32 to vector<16xi32>
        %eq3A_1105 = arith.cmpi eq, %iota3A, %eq3A_1104 : vector<16xi32>
        %reduce_sum3A_1106 = arith.constant true
        %reduce_sum3A_1107 = vector.broadcast %reduce_sum3A_1106 : i1 to vector<16xi1>
        %reduce_sum3A_1108 = tpu.scan <sum>, %add3A_1095 masked %reduce_sum3A_1107 : vector<16xf32>, vector<16xi1> -> vector<16xf32>
        %reduce_sum3A_1109 = vector.extract %reduce_sum3A_1108[15] : f32 from vector<16xf32>
        %broadcast_in_dim3A_1110 = vector.broadcast %reduce_sum3A_1109 : f32 to vector<16xf32>
        %select_n3A_1111 = arith.select %eq3A_1105, %broadcast_in_dim3A_1110, %select_n3A_1063 : vector<16xi1>, vector<16xf32>
        %eq3A_1112 = arith.constant 2 : i32
        %eq3A_1113 = vector.broadcast %eq3A_1112 : i32 to vector<16xi32>
        %eq3A_1114 = arith.cmpi eq, %iota3A, %eq3A_1113 : vector<16xi32>
        %reduce_sum3A_1115 = arith.constant true
        %reduce_sum3A_1116 = vector.broadcast %reduce_sum3A_1115 : i1 to vector<16xi1>
        %reduce_sum3A_1117 = tpu.scan <sum>, %add3A_1102 masked %reduce_sum3A_1116 : vector<16xf32>, vector<16xi1> -> vector<16xf32>
        %reduce_sum3A_1118 = vector.extract %reduce_sum3A_1117[15] : f32 from vector<16xf32>
        %broadcast_in_dim3A_1119 = vector.broadcast %reduce_sum3A_1118 : f32 to vector<16xf32>
        %select_n3A_1120 = arith.select %eq3A_1114, %broadcast_in_dim3A_1119, %select_n3A_1072 : vector<16xi1>, vector<16xf32>
        %mul3A_1121 = arith.constant 16 : i32
        %mul3A_1122 = arith.muli %scan3A_964, %mul3A_1121 : i32
        %add3A_1123 = arith.constant 3 : i32
        %add3A_1124 = arith.addi %mul3A_1122, %add3A_1123 : i32
        %get3A_1125 = arith.index_cast %add3A_1124 : i32 to index
        %get3A_1126 = arith.constant 0 : index
        %get3A_1127 = tpu.vector_load %arg7[%get3A_1125, %get3A_1126] {strides = array<i32>} : memref<256x64xf32, #tpu.memory_space<vmem>>, vector<16xf32>,
        %get3A_1128 = arith.index_cast %add3A_1124 : i32 to index
        %get3A_1129 = arith.constant 16 : index
        %get3A_1130 = tpu.vector_load %arg7[%get3A_1128, %get3A_1129] {strides = array<i32>} : memref<256x64xf32, #tpu.memory_space<vmem>>, vector<16xf32>,
        %get3A_1131 = arith.index_cast %add3A_1124 : i32 to index
        %get3A_1132 = arith.constant 32 : index
        %get3A_1133 = tpu.vector_load %arg7[%get3A_1131, %get3A_1132] {strides = array<i32>} : memref<256x64xf32, #tpu.memory_space<vmem>>, vector<16xf32>,
        %get3A_1134 = arith.index_cast %add3A_1124 : i32 to index
        %get3A_1135 = arith.constant 48 : index
        %get3A_1136 = tpu.vector_load %arg7[%get3A_1134, %get3A_1135] {strides = array<i32>} : memref<256x64xf32, #tpu.memory_space<vmem>>, vector<16xf32>,
        %mul3A_1137 = arith.mulf %get3A_1127, %get3A_3 : vector<16xf32>
        %mul3A_1138 = arith.mulf %get3A_1130, %get3A_5 : vector<16xf32>
        %add3A_1139 = arith.addf %mul3A_1137, %mul3A_1138 : vector<16xf32>
        %mul3A_1140 = arith.mulf %get3A_1133, %get3A_7 : vector<16xf32>
        %add3A_1141 = arith.addf %add3A_1139, %mul3A_1140 : vector<16xf32>
        %mul3A_1142 = arith.mulf %get3A_1136, %get3A_9 : vector<16xf32>
        %add3A_1143 = arith.addf %add3A_1141, %mul3A_1142 : vector<16xf32>
        %mul3A_1144 = arith.mulf %get3A_1127, %get3A_1127 : vector<16xf32>
        %mul3A_1145 = arith.mulf %get3A_1130, %get3A_1130 : vector<16xf32>
        %add3A_1146 = arith.addf %mul3A_1144, %mul3A_1145 : vector<16xf32>
        %mul3A_1147 = arith.mulf %get3A_1133, %get3A_1133 : vector<16xf32>
        %add3A_1148 = arith.addf %add3A_1146, %mul3A_1147 : vector<16xf32>
        %mul3A_1149 = arith.mulf %get3A_1136, %get3A_1136 : vector<16xf32>
        %add3A_1150 = arith.addf %add3A_1148, %mul3A_1149 : vector<16xf32>
        %eq3A_1151 = arith.constant 3 : i32
        %eq3A_1152 = vector.broadcast %eq3A_1151 : i32 to vector<16xi32>
        %eq3A_1153 = arith.cmpi eq, %iota3A, %eq3A_1152 : vector<16xi32>
        %reduce_sum3A_1154 = arith.constant true
        %reduce_sum3A_1155 = vector.broadcast %reduce_sum3A_1154 : i1 to vector<16xi1>
        %reduce_sum3A_1156 = tpu.scan <sum>, %add3A_1143 masked %reduce_sum3A_1155 : vector<16xf32>, vector<16xi1> -> vector<16xf32>
        %reduce_sum3A_1157 = vector.extract %reduce_sum3A_1156[15] : f32 from vector<16xf32>
        %broadcast_in_dim3A_1158 = vector.broadcast %reduce_sum3A_1157 : f32 to vector<16xf32>
        %select_n3A_1159 = arith.select %eq3A_1153, %broadcast_in_dim3A_1158, %select_n3A_1111 : vector<16xi1>, vector<16xf32>
        %eq3A_1160 = arith.constant 3 : i32
        %eq3A_1161 = vector.broadcast %eq3A_1160 : i32 to vector<16xi32>
        %eq3A_1162 = arith.cmpi eq, %iota3A, %eq3A_1161 : vector<16xi32>
        %reduce_sum3A_1163 = arith.constant true
        %reduce_sum3A_1164 = vector.broadcast %reduce_sum3A_1163 : i1 to vector<16xi1>
        %reduce_sum3A_1165 = tpu.scan <sum>, %add3A_1150 masked %reduce_sum3A_1164 : vector<16xf32>, vector<16xi1> -> vector<16xf32>
        %reduce_sum3A_1166 = vector.extract %reduce_sum3A_1165[15] : f32 from vector<16xf32>
        %broadcast_in_dim3A_1167 = vector.broadcast %reduce_sum3A_1166 : f32 to vector<16xf32>
        %select_n3A_1168 = arith.select %eq3A_1162, %broadcast_in_dim3A_1167, %select_n3A_1120 : vector<16xi1>, vector<16xf32>
        %mul3A_1169 = arith.constant 16 : i32
        %mul3A_1170 = arith.muli %scan3A_964, %mul3A_1169 : i32
        %add3A_1171 = arith.constant 4 : i32
        %add3A_1172 = arith.addi %mul3A_1170, %add3A_1171 : i32
        %get3A_1173 = arith.index_cast %add3A_1172 : i32 to index
        %get3A_1174 = arith.constant 0 : index
        %get3A_1175 = tpu.vector_load %arg7[%get3A_1173, %get3A_1174] {strides = array<i32>} : memref<256x64xf32, #tpu.memory_space<vmem>>, vector<16xf32>,
        %get3A_1176 = arith.index_cast %add3A_1172 : i32 to index
        %get3A_1177 = arith.constant 16 : index
        %get3A_1178 = tpu.vector_load %arg7[%get3A_1176, %get3A_1177] {strides = array<i32>} : memref<256x64xf32, #tpu.memory_space<vmem>>, vector<16xf32>,
        %get3A_1179 = arith.index_cast %add3A_1172 : i32 to index
        %get3A_1180 = arith.constant 32 : index
        %get3A_1181 = tpu.vector_load %arg7[%get3A_1179, %get3A_1180] {strides = array<i32>} : memref<256x64xf32, #tpu.memory_space<vmem>>, vector<16xf32>,
        %get3A_1182 = arith.index_cast %add3A_1172 : i32 to index
        %get3A_1183 = arith.constant 48 : index
        %get3A_1184 = tpu.vector_load %arg7[%get3A_1182, %get3A_1183] {strides = array<i32>} : memref<256x64xf32, #tpu.memory_space<vmem>>, vector<16xf32>,
        %mul3A_1185 = arith.mulf %get3A_1175, %get3A_3 : vector<16xf32>
        %mul3A_1186 = arith.mulf %get3A_1178, %get3A_5 : vector<16xf32>
        %add3A_1187 = arith.addf %mul3A_1185, %mul3A_1186 : vector<16xf32>
        %mul3A_1188 = arith.mulf %get3A_1181, %get3A_7 : vector<16xf32>
        %add3A_1189 = arith.addf %add3A_1187, %mul3A_1188 : vector<16xf32>
        %mul3A_1190 = arith.mulf %get3A_1184, %get3A_9 : vector<16xf32>
        %add3A_1191 = arith.addf %add3A_1189, %mul3A_1190 : vector<16xf32>
        %mul3A_1192 = arith.mulf %get3A_1175, %get3A_1175 : vector<16xf32>
        %mul3A_1193 = arith.mulf %get3A_1178, %get3A_1178 : vector<16xf32>
        %add3A_1194 = arith.addf %mul3A_1192, %mul3A_1193 : vector<16xf32>
        %mul3A_1195 = arith.mulf %get3A_1181, %get3A_1181 : vector<16xf32>
        %add3A_1196 = arith.addf %add3A_1194, %mul3A_1195 : vector<16xf32>
        %mul3A_1197 = arith.mulf %get3A_1184, %get3A_1184 : vector<16xf32>
        %add3A_1198 = arith.addf %add3A_1196, %mul3A_1197 : vector<16xf32>
        %eq3A_1199 = arith.constant 4 : i32
        %eq3A_1200 = vector.broadcast %eq3A_1199 : i32 to vector<16xi32>
        %eq3A_1201 = arith.cmpi eq, %iota3A, %eq3A_1200 : vector<16xi32>
        %reduce_sum3A_1202 = arith.constant true
        %reduce_sum3A_1203 = vector.broadcast %reduce_sum3A_1202 : i1 to vector<16xi1>
        %reduce_sum3A_1204 = tpu.scan <sum>, %add3A_1191 masked %reduce_sum3A_1203 : vector<16xf32>, vector<16xi1> -> vector<16xf32>
        %reduce_sum3A_1205 = vector.extract %reduce_sum3A_1204[15] : f32 from vector<16xf32>
        %broadcast_in_dim3A_1206 = vector.broadcast %reduce_sum3A_1205 : f32 to vector<16xf32>
        %select_n3A_1207 = arith.select %eq3A_1201, %broadcast_in_dim3A_1206, %select_n3A_1159 : vector<16xi1>, vector<16xf32>
        %eq3A_1208 = arith.constant 4 : i32
        %eq3A_1209 = vector.broadcast %eq3A_1208 : i32 to vector<16xi32>
        %eq3A_1210 = arith.cmpi eq, %iota3A, %eq3A_1209 : vector<16xi32>
        %reduce_sum3A_1211 = arith.constant true
        %reduce_sum3A_1212 = vector.broadcast %reduce_sum3A_1211 : i1 to vector<16xi1>
        %reduce_sum3A_1213 = tpu.scan <sum>, %add3A_1198 masked %reduce_sum3A_1212 : vector<16xf32>, vector<16xi1> -> vector<16xf32>
        %reduce_sum3A_1214 = vector.extract %reduce_sum3A_1213[15] : f32 from vector<16xf32>
        %broadcast_in_dim3A_1215 = vector.broadcast %reduce_sum3A_1214 : f32 to vector<16xf32>
        %select_n3A_1216 = arith.select %eq3A_1210, %broadcast_in_dim3A_1215, %select_n3A_1168 : vector<16xi1>, vector<16xf32>
        %mul3A_1217 = arith.constant 16 : i32
        %mul3A_1218 = arith.muli %scan3A_964, %mul3A_1217 : i32
        %add3A_1219 = arith.constant 5 : i32
        %add3A_1220 = arith.addi %mul3A_1218, %add3A_1219 : i32
        %get3A_1221 = arith.index_cast %add3A_1220 : i32 to index
        %get3A_1222 = arith.constant 0 : index
        %get3A_1223 = tpu.vector_load %arg7[%get3A_1221, %get3A_1222] {strides = array<i32>} : memref<256x64xf32, #tpu.memory_space<vmem>>, vector<16xf32>,
        %get3A_1224 = arith.index_cast %add3A_1220 : i32 to index
        %get3A_1225 = arith.constant 16 : index
        %get3A_1226 = tpu.vector_load %arg7[%get3A_1224, %get3A_1225] {strides = array<i32>} : memref<256x64xf32, #tpu.memory_space<vmem>>, vector<16xf32>,
        %get3A_1227 = arith.index_cast %add3A_1220 : i32 to index
        %get3A_1228 = arith.constant 32 : index
        %get3A_1229 = tpu.vector_load %arg7[%get3A_1227, %get3A_1228] {strides = array<i32>} : memref<256x64xf32, #tpu.memory_space<vmem>>, vector<16xf32>,
        %get3A_1230 = arith.index_cast %add3A_1220 : i32 to index
        %get3A_1231 = arith.constant 48 : index
        %get3A_1232 = tpu.vector_load %arg7[%get3A_1230, %get3A_1231] {strides = array<i32>} : memref<256x64xf32, #tpu.memory_space<vmem>>, vector<16xf32>,
        %mul3A_1233 = arith.mulf %get3A_1223, %get3A_3 : vector<16xf32>
        %mul3A_1234 = arith.mulf %get3A_1226, %get3A_5 : vector<16xf32>
        %add3A_1235 = arith.addf %mul3A_1233, %mul3A_1234 : vector<16xf32>
        %mul3A_1236 = arith.mulf %get3A_1229, %get3A_7 : vector<16xf32>
        %add3A_1237 = arith.addf %add3A_1235, %mul3A_1236 : vector<16xf32>
        %mul3A_1238 = arith.mulf %get3A_1232, %get3A_9 : vector<16xf32>
        %add3A_1239 = arith.addf %add3A_1237, %mul3A_1238 : vector<16xf32>
        %mul3A_1240 = arith.mulf %get3A_1223, %get3A_1223 : vector<16xf32>
        %mul3A_1241 = arith.mulf %get3A_1226, %get3A_1226 : vector<16xf32>
        %add3A_1242 = arith.addf %mul3A_1240, %mul3A_1241 : vector<16xf32>
        %mul3A_1243 = arith.mulf %get3A_1229, %get3A_1229 : vector<16xf32>
        %add3A_1244 = arith.addf %add3A_1242, %mul3A_1243 : vector<16xf32>
        %mul3A_1245 = arith.mulf %get3A_1232, %get3A_1232 : vector<16xf32>
        %add3A_1246 = arith.addf %add3A_1244, %mul3A_1245 : vector<16xf32>
        %eq3A_1247 = arith.constant 5 : i32
        %eq3A_1248 = vector.broadcast %eq3A_1247 : i32 to vector<16xi32>
        %eq3A_1249 = arith.cmpi eq, %iota3A, %eq3A_1248 : vector<16xi32>
        %reduce_sum3A_1250 = arith.constant true
        %reduce_sum3A_1251 = vector.broadcast %reduce_sum3A_1250 : i1 to vector<16xi1>
        %reduce_sum3A_1252 = tpu.scan <sum>, %add3A_1239 masked %reduce_sum3A_1251 : vector<16xf32>, vector<16xi1> -> vector<16xf32>
        %reduce_sum3A_1253 = vector.extract %reduce_sum3A_1252[15] : f32 from vector<16xf32>
        %broadcast_in_dim3A_1254 = vector.broadcast %reduce_sum3A_1253 : f32 to vector<16xf32>
        %select_n3A_1255 = arith.select %eq3A_1249, %broadcast_in_dim3A_1254, %select_n3A_1207 : vector<16xi1>, vector<16xf32>
        %eq3A_1256 = arith.constant 5 : i32
        %eq3A_1257 = vector.broadcast %eq3A_1256 : i32 to vector<16xi32>
        %eq3A_1258 = arith.cmpi eq, %iota3A, %eq3A_1257 : vector<16xi32>
        %reduce_sum3A_1259 = arith.constant true
        %reduce_sum3A_1260 = vector.broadcast %reduce_sum3A_1259 : i1 to vector<16xi1>
        %reduce_sum3A_1261 = tpu.scan <sum>, %add3A_1246 masked %reduce_sum3A_1260 : vector<16xf32>, vector<16xi1> -> vector<16xf32>
        %reduce_sum3A_1262 = vector.extract %reduce_sum3A_1261[15] : f32 from vector<16xf32>
        %broadcast_in_dim3A_1263 = vector.broadcast %reduce_sum3A_1262 : f32 to vector<16xf32>
        %select_n3A_1264 = arith.select %eq3A_1258, %broadcast_in_dim3A_1263, %select_n3A_1216 : vector<16xi1>, vector<16xf32>
        %mul3A_1265 = arith.constant 16 : i32
        %mul3A_1266 = arith.muli %scan3A_964, %mul3A_1265 : i32
        %add3A_1267 = arith.constant 6 : i32
        %add3A_1268 = arith.addi %mul3A_1266, %add3A_1267 : i32
        %get3A_1269 = arith.index_cast %add3A_1268 : i32 to index
        %get3A_1270 = arith.constant 0 : index
        %get3A_1271 = tpu.vector_load %arg7[%get3A_1269, %get3A_1270] {strides = array<i32>} : memref<256x64xf32, #tpu.memory_space<vmem>>, vector<16xf32>,
        %get3A_1272 = arith.index_cast %add3A_1268 : i32 to index
        %get3A_1273 = arith.constant 16 : index
        %get3A_1274 = tpu.vector_load %arg7[%get3A_1272, %get3A_1273] {strides = array<i32>} : memref<256x64xf32, #tpu.memory_space<vmem>>, vector<16xf32>,
        %get3A_1275 = arith.index_cast %add3A_1268 : i32 to index
        %get3A_1276 = arith.constant 32 : index
        %get3A_1277 = tpu.vector_load %arg7[%get3A_1275, %get3A_1276] {strides = array<i32>} : memref<256x64xf32, #tpu.memory_space<vmem>>, vector<16xf32>,
        %get3A_1278 = arith.index_cast %add3A_1268 : i32 to index
        %get3A_1279 = arith.constant 48 : index
        %get3A_1280 = tpu.vector_load %arg7[%get3A_1278, %get3A_1279] {strides = array<i32>} : memref<256x64xf32, #tpu.memory_space<vmem>>, vector<16xf32>,
        %mul3A_1281 = arith.mulf %get3A_1271, %get3A_3 : vector<16xf32>
        %mul3A_1282 = arith.mulf %get3A_1274, %get3A_5 : vector<16xf32>
        %add3A_1283 = arith.addf %mul3A_1281, %mul3A_1282 : vector<16xf32>
        %mul3A_1284 = arith.mulf %get3A_1277, %get3A_7 : vector<16xf32>
        %add3A_1285 = arith.addf %add3A_1283, %mul3A_1284 : vector<16xf32>
        %mul3A_1286 = arith.mulf %get3A_1280, %get3A_9 : vector<16xf32>
        %add3A_1287 = arith.addf %add3A_1285, %mul3A_1286 : vector<16xf32>
        %mul3A_1288 = arith.mulf %get3A_1271, %get3A_1271 : vector<16xf32>
        %mul3A_1289 = arith.mulf %get3A_1274, %get3A_1274 : vector<16xf32>
        %add3A_1290 = arith.addf %mul3A_1288, %mul3A_1289 : vector<16xf32>
        %mul3A_1291 = arith.mulf %get3A_1277, %get3A_1277 : vector<16xf32>
        %add3A_1292 = arith.addf %add3A_1290, %mul3A_1291 : vector<16xf32>
        %mul3A_1293 = arith.mulf %get3A_1280, %get3A_1280 : vector<16xf32>
        %add3A_1294 = arith.addf %add3A_1292, %mul3A_1293 : vector<16xf32>
        %eq3A_1295 = arith.constant 6 : i32
        %eq3A_1296 = vector.broadcast %eq3A_1295 : i32 to vector<16xi32>
        %eq3A_1297 = arith.cmpi eq, %iota3A, %eq3A_1296 : vector<16xi32>
        %reduce_sum3A_1298 = arith.constant true
        %reduce_sum3A_1299 = vector.broadcast %reduce_sum3A_1298 : i1 to vector<16xi1>
        %reduce_sum3A_1300 = tpu.scan <sum>, %add3A_1287 masked %reduce_sum3A_1299 : vector<16xf32>, vector<16xi1> -> vector<16xf32>
        %reduce_sum3A_1301 = vector.extract %reduce_sum3A_1300[15] : f32 from vector<16xf32>
        %broadcast_in_dim3A_1302 = vector.broadcast %reduce_sum3A_1301 : f32 to vector<16xf32>
        %select_n3A_1303 = arith.select %eq3A_1297, %broadcast_in_dim3A_1302, %select_n3A_1255 : vector<16xi1>, vector<16xf32>
        %eq3A_1304 = arith.constant 6 : i32
        %eq3A_1305 = vector.broadcast %eq3A_1304 : i32 to vector<16xi32>
        %eq3A_1306 = arith.cmpi eq, %iota3A, %eq3A_1305 : vector<16xi32>
        %reduce_sum3A_1307 = arith.constant true
        %reduce_sum3A_1308 = vector.broadcast %reduce_sum3A_1307 : i1 to vector<16xi1>
        %reduce_sum3A_1309 = tpu.scan <sum>, %add3A_1294 masked %reduce_sum3A_1308 : vector<16xf32>, vector<16xi1> -> vector<16xf32>
        %reduce_sum3A_1310 = vector.extract %reduce_sum3A_1309[15] : f32 from vector<16xf32>
        %broadcast_in_dim3A_1311 = vector.broadcast %reduce_sum3A_1310 : f32 to vector<16xf32>
        %select_n3A_1312 = arith.select %eq3A_1306, %broadcast_in_dim3A_1311, %select_n3A_1264 : vector<16xi1>, vector<16xf32>
        %mul3A_1313 = arith.constant 16 : i32
        %mul3A_1314 = arith.muli %scan3A_964, %mul3A_1313 : i32
        %add3A_1315 = arith.constant 7 : i32
        %add3A_1316 = arith.addi %mul3A_1314, %add3A_1315 : i32
        %get3A_1317 = arith.index_cast %add3A_1316 : i32 to index
        %get3A_1318 = arith.constant 0 : index
        %get3A_1319 = tpu.vector_load %arg7[%get3A_1317, %get3A_1318] {strides = array<i32>} : memref<256x64xf32, #tpu.memory_space<vmem>>, vector<16xf32>,
        %get3A_1320 = arith.index_cast %add3A_1316 : i32 to index
        %get3A_1321 = arith.constant 16 : index
        %get3A_1322 = tpu.vector_load %arg7[%get3A_1320, %get3A_1321] {strides = array<i32>} : memref<256x64xf32, #tpu.memory_space<vmem>>, vector<16xf32>,
        %get3A_1323 = arith.index_cast %add3A_1316 : i32 to index
        %get3A_1324 = arith.constant 32 : index
        %get3A_1325 = tpu.vector_load %arg7[%get3A_1323, %get3A_1324] {strides = array<i32>} : memref<256x64xf32, #tpu.memory_space<vmem>>, vector<16xf32>,
        %get3A_1326 = arith.index_cast %add3A_1316 : i32 to index
        %get3A_1327 = arith.constant 48 : index
        %get3A_1328 = tpu.vector_load %arg7[%get3A_1326, %get3A_1327] {strides = array<i32>} : memref<256x64xf32, #tpu.memory_space<vmem>>, vector<16xf32>,
        %mul3A_1329 = arith.mulf %get3A_1319, %get3A_3 : vector<16xf32>
        %mul3A_1330 = arith.mulf %get3A_1322, %get3A_5 : vector<16xf32>
        %add3A_1331 = arith.addf %mul3A_1329, %mul3A_1330 : vector<16xf32>
        %mul3A_1332 = arith.mulf %get3A_1325, %get3A_7 : vector<16xf32>
        %add3A_1333 = arith.addf %add3A_1331, %mul3A_1332 : vector<16xf32>
        %mul3A_1334 = arith.mulf %get3A_1328, %get3A_9 : vector<16xf32>
        %add3A_1335 = arith.addf %add3A_1333, %mul3A_1334 : vector<16xf32>
        %mul3A_1336 = arith.mulf %get3A_1319, %get3A_1319 : vector<16xf32>
        %mul3A_1337 = arith.mulf %get3A_1322, %get3A_1322 : vector<16xf32>
        %add3A_1338 = arith.addf %mul3A_1336, %mul3A_1337 : vector<16xf32>
        %mul3A_1339 = arith.mulf %get3A_1325, %get3A_1325 : vector<16xf32>
        %add3A_1340 = arith.addf %add3A_1338, %mul3A_1339 : vector<16xf32>
        %mul3A_1341 = arith.mulf %get3A_1328, %get3A_1328 : vector<16xf32>
        %add3A_1342 = arith.addf %add3A_1340, %mul3A_1341 : vector<16xf32>
        %eq3A_1343 = arith.constant 7 : i32
        %eq3A_1344 = vector.broadcast %eq3A_1343 : i32 to vector<16xi32>
        %eq3A_1345 = arith.cmpi eq, %iota3A, %eq3A_1344 : vector<16xi32>
        %reduce_sum3A_1346 = arith.constant true
        %reduce_sum3A_1347 = vector.broadcast %reduce_sum3A_1346 : i1 to vector<16xi1>
        %reduce_sum3A_1348 = tpu.scan <sum>, %add3A_1335 masked %reduce_sum3A_1347 : vector<16xf32>, vector<16xi1> -> vector<16xf32>
        %reduce_sum3A_1349 = vector.extract %reduce_sum3A_1348[15] : f32 from vector<16xf32>
        %broadcast_in_dim3A_1350 = vector.broadcast %reduce_sum3A_1349 : f32 to vector<16xf32>
        %select_n3A_1351 = arith.select %eq3A_1345, %broadcast_in_dim3A_1350, %select_n3A_1303 : vector<16xi1>, vector<16xf32>
        %eq3A_1352 = arith.constant 7 : i32
        %eq3A_1353 = vector.broadcast %eq3A_1352 : i32 to vector<16xi32>
        %eq3A_1354 = arith.cmpi eq, %iota3A, %eq3A_1353 : vector<16xi32>
        %reduce_sum3A_1355 = arith.constant true
        %reduce_sum3A_1356 = vector.broadcast %reduce_sum3A_1355 : i1 to vector<16xi1>
        %reduce_sum3A_1357 = tpu.scan <sum>, %add3A_1342 masked %reduce_sum3A_1356 : vector<16xf32>, vector<16xi1> -> vector<16xf32>
        %reduce_sum3A_1358 = vector.extract %reduce_sum3A_1357[15] : f32 from vector<16xf32>
        %broadcast_in_dim3A_1359 = vector.broadcast %reduce_sum3A_1358 : f32 to vector<16xf32>
        %select_n3A_1360 = arith.select %eq3A_1354, %broadcast_in_dim3A_1359, %select_n3A_1312 : vector<16xi1>, vector<16xf32>
        %mul3A_1361 = arith.constant 16 : i32
        %mul3A_1362 = arith.muli %scan3A_964, %mul3A_1361 : i32
        %add3A_1363 = arith.constant 8 : i32
        %add3A_1364 = arith.addi %mul3A_1362, %add3A_1363 : i32
        %get3A_1365 = arith.index_cast %add3A_1364 : i32 to index
        %get3A_1366 = arith.constant 0 : index
        %get3A_1367 = tpu.vector_load %arg7[%get3A_1365, %get3A_1366] {strides = array<i32>} : memref<256x64xf32, #tpu.memory_space<vmem>>, vector<16xf32>,
        %get3A_1368 = arith.index_cast %add3A_1364 : i32 to index
        %get3A_1369 = arith.constant 16 : index
        %get3A_1370 = tpu.vector_load %arg7[%get3A_1368, %get3A_1369] {strides = array<i32>} : memref<256x64xf32, #tpu.memory_space<vmem>>, vector<16xf32>,
        %get3A_1371 = arith.index_cast %add3A_1364 : i32 to index
        %get3A_1372 = arith.constant 32 : index
        %get3A_1373 = tpu.vector_load %arg7[%get3A_1371, %get3A_1372] {strides = array<i32>} : memref<256x64xf32, #tpu.memory_space<vmem>>, vector<16xf32>,
        %get3A_1374 = arith.index_cast %add3A_1364 : i32 to index
        %get3A_1375 = arith.constant 48 : index
        %get3A_1376 = tpu.vector_load %arg7[%get3A_1374, %get3A_1375] {strides = array<i32>} : memref<256x64xf32, #tpu.memory_space<vmem>>, vector<16xf32>,
        %mul3A_1377 = arith.mulf %get3A_1367, %get3A_3 : vector<16xf32>
        %mul3A_1378 = arith.mulf %get3A_1370, %get3A_5 : vector<16xf32>
        %add3A_1379 = arith.addf %mul3A_1377, %mul3A_1378 : vector<16xf32>
        %mul3A_1380 = arith.mulf %get3A_1373, %get3A_7 : vector<16xf32>
        %add3A_1381 = arith.addf %add3A_1379, %mul3A_1380 : vector<16xf32>
        %mul3A_1382 = arith.mulf %get3A_1376, %get3A_9 : vector<16xf32>
        %add3A_1383 = arith.addf %add3A_1381, %mul3A_1382 : vector<16xf32>
        %mul3A_1384 = arith.mulf %get3A_1367, %get3A_1367 : vector<16xf32>
        %mul3A_1385 = arith.mulf %get3A_1370, %get3A_1370 : vector<16xf32>
        %add3A_1386 = arith.addf %mul3A_1384, %mul3A_1385 : vector<16xf32>
        %mul3A_1387 = arith.mulf %get3A_1373, %get3A_1373 : vector<16xf32>
        %add3A_1388 = arith.addf %add3A_1386, %mul3A_1387 : vector<16xf32>
        %mul3A_1389 = arith.mulf %get3A_1376, %get3A_1376 : vector<16xf32>
        %add3A_1390 = arith.addf %add3A_1388, %mul3A_1389 : vector<16xf32>
        %eq3A_1391 = arith.constant 8 : i32
        %eq3A_1392 = vector.broadcast %eq3A_1391 : i32 to vector<16xi32>
        %eq3A_1393 = arith.cmpi eq, %iota3A, %eq3A_1392 : vector<16xi32>
        %reduce_sum3A_1394 = arith.constant true
        %reduce_sum3A_1395 = vector.broadcast %reduce_sum3A_1394 : i1 to vector<16xi1>
        %reduce_sum3A_1396 = tpu.scan <sum>, %add3A_1383 masked %reduce_sum3A_1395 : vector<16xf32>, vector<16xi1> -> vector<16xf32>
        %reduce_sum3A_1397 = vector.extract %reduce_sum3A_1396[15] : f32 from vector<16xf32>
        %broadcast_in_dim3A_1398 = vector.broadcast %reduce_sum3A_1397 : f32 to vector<16xf32>
        %select_n3A_1399 = arith.select %eq3A_1393, %broadcast_in_dim3A_1398, %select_n3A_1351 : vector<16xi1>, vector<16xf32>
        %eq3A_1400 = arith.constant 8 : i32
        %eq3A_1401 = vector.broadcast %eq3A_1400 : i32 to vector<16xi32>
        %eq3A_1402 = arith.cmpi eq, %iota3A, %eq3A_1401 : vector<16xi32>
        %reduce_sum3A_1403 = arith.constant true
        %reduce_sum3A_1404 = vector.broadcast %reduce_sum3A_1403 : i1 to vector<16xi1>
        %reduce_sum3A_1405 = tpu.scan <sum>, %add3A_1390 masked %reduce_sum3A_1404 : vector<16xf32>, vector<16xi1> -> vector<16xf32>
        %reduce_sum3A_1406 = vector.extract %reduce_sum3A_1405[15] : f32 from vector<16xf32>
        %broadcast_in_dim3A_1407 = vector.broadcast %reduce_sum3A_1406 : f32 to vector<16xf32>
        %select_n3A_1408 = arith.select %eq3A_1402, %broadcast_in_dim3A_1407, %select_n3A_1360 : vector<16xi1>, vector<16xf32>
        %mul3A_1409 = arith.constant 16 : i32
        %mul3A_1410 = arith.muli %scan3A_964, %mul3A_1409 : i32
        %add3A_1411 = arith.constant 9 : i32
        %add3A_1412 = arith.addi %mul3A_1410, %add3A_1411 : i32
        %get3A_1413 = arith.index_cast %add3A_1412 : i32 to index
        %get3A_1414 = arith.constant 0 : index
        %get3A_1415 = tpu.vector_load %arg7[%get3A_1413, %get3A_1414] {strides = array<i32>} : memref<256x64xf32, #tpu.memory_space<vmem>>, vector<16xf32>,
        %get3A_1416 = arith.index_cast %add3A_1412 : i32 to index
        %get3A_1417 = arith.constant 16 : index
        %get3A_1418 = tpu.vector_load %arg7[%get3A_1416, %get3A_1417] {strides = array<i32>} : memref<256x64xf32, #tpu.memory_space<vmem>>, vector<16xf32>,
        %get3A_1419 = arith.index_cast %add3A_1412 : i32 to index
        %get3A_1420 = arith.constant 32 : index
        %get3A_1421 = tpu.vector_load %arg7[%get3A_1419, %get3A_1420] {strides = array<i32>} : memref<256x64xf32, #tpu.memory_space<vmem>>, vector<16xf32>,
        %get3A_1422 = arith.index_cast %add3A_1412 : i32 to index
        %get3A_1423 = arith.constant 48 : index
        %get3A_1424 = tpu.vector_load %arg7[%get3A_1422, %get3A_1423] {strides = array<i32>} : memref<256x64xf32, #tpu.memory_space<vmem>>, vector<16xf32>,
        %mul3A_1425 = arith.mulf %get3A_1415, %get3A_3 : vector<16xf32>
        %mul3A_1426 = arith.mulf %get3A_1418, %get3A_5 : vector<16xf32>
        %add3A_1427 = arith.addf %mul3A_1425, %mul3A_1426 : vector<16xf32>
        %mul3A_1428 = arith.mulf %get3A_1421, %get3A_7 : vector<16xf32>
        %add3A_1429 = arith.addf %add3A_1427, %mul3A_1428 : vector<16xf32>
        %mul3A_1430 = arith.mulf %get3A_1424, %get3A_9 : vector<16xf32>
        %add3A_1431 = arith.addf %add3A_1429, %mul3A_1430 : vector<16xf32>
        %mul3A_1432 = arith.mulf %get3A_1415, %get3A_1415 : vector<16xf32>
        %mul3A_1433 = arith.mulf %get3A_1418, %get3A_1418 : vector<16xf32>
        %add3A_1434 = arith.addf %mul3A_1432, %mul3A_1433 : vector<16xf32>
        %mul3A_1435 = arith.mulf %get3A_1421, %get3A_1421 : vector<16xf32>
        %add3A_1436 = arith.addf %add3A_1434, %mul3A_1435 : vector<16xf32>
        %mul3A_1437 = arith.mulf %get3A_1424, %get3A_1424 : vector<16xf32>
        %add3A_1438 = arith.addf %add3A_1436, %mul3A_1437 : vector<16xf32>
        %eq3A_1439 = arith.constant 9 : i32
        %eq3A_1440 = vector.broadcast %eq3A_1439 : i32 to vector<16xi32>
        %eq3A_1441 = arith.cmpi eq, %iota3A, %eq3A_1440 : vector<16xi32>
        %reduce_sum3A_1442 = arith.constant true
        %reduce_sum3A_1443 = vector.broadcast %reduce_sum3A_1442 : i1 to vector<16xi1>
        %reduce_sum3A_1444 = tpu.scan <sum>, %add3A_1431 masked %reduce_sum3A_1443 : vector<16xf32>, vector<16xi1> -> vector<16xf32>
        %reduce_sum3A_1445 = vector.extract %reduce_sum3A_1444[15] : f32 from vector<16xf32>
        %broadcast_in_dim3A_1446 = vector.broadcast %reduce_sum3A_1445 : f32 to vector<16xf32>
        %select_n3A_1447 = arith.select %eq3A_1441, %broadcast_in_dim3A_1446, %select_n3A_1399 : vector<16xi1>, vector<16xf32>
        %eq3A_1448 = arith.constant 9 : i32
        %eq3A_1449 = vector.broadcast %eq3A_1448 : i32 to vector<16xi32>
        %eq3A_1450 = arith.cmpi eq, %iota3A, %eq3A_1449 : vector<16xi32>
        %reduce_sum3A_1451 = arith.constant true
        %reduce_sum3A_1452 = vector.broadcast %reduce_sum3A_1451 : i1 to vector<16xi1>
        %reduce_sum3A_1453 = tpu.scan <sum>, %add3A_1438 masked %reduce_sum3A_1452 : vector<16xf32>, vector<16xi1> -> vector<16xf32>
        %reduce_sum3A_1454 = vector.extract %reduce_sum3A_1453[15] : f32 from vector<16xf32>
        %broadcast_in_dim3A_1455 = vector.broadcast %reduce_sum3A_1454 : f32 to vector<16xf32>
        %select_n3A_1456 = arith.select %eq3A_1450, %broadcast_in_dim3A_1455, %select_n3A_1408 : vector<16xi1>, vector<16xf32>
        %mul3A_1457 = arith.constant 16 : i32
        %mul3A_1458 = arith.muli %scan3A_964, %mul3A_1457 : i32
        %add3A_1459 = arith.constant 10 : i32
        %add3A_1460 = arith.addi %mul3A_1458, %add3A_1459 : i32
        %get3A_1461 = arith.index_cast %add3A_1460 : i32 to index
        %get3A_1462 = arith.constant 0 : index
        %get3A_1463 = tpu.vector_load %arg7[%get3A_1461, %get3A_1462] {strides = array<i32>} : memref<256x64xf32, #tpu.memory_space<vmem>>, vector<16xf32>,
        %get3A_1464 = arith.index_cast %add3A_1460 : i32 to index
        %get3A_1465 = arith.constant 16 : index
        %get3A_1466 = tpu.vector_load %arg7[%get3A_1464, %get3A_1465] {strides = array<i32>} : memref<256x64xf32, #tpu.memory_space<vmem>>, vector<16xf32>,
        %get3A_1467 = arith.index_cast %add3A_1460 : i32 to index
        %get3A_1468 = arith.constant 32 : index
        %get3A_1469 = tpu.vector_load %arg7[%get3A_1467, %get3A_1468] {strides = array<i32>} : memref<256x64xf32, #tpu.memory_space<vmem>>, vector<16xf32>,
        %get3A_1470 = arith.index_cast %add3A_1460 : i32 to index
        %get3A_1471 = arith.constant 48 : index
        %get3A_1472 = tpu.vector_load %arg7[%get3A_1470, %get3A_1471] {strides = array<i32>} : memref<256x64xf32, #tpu.memory_space<vmem>>, vector<16xf32>,
        %mul3A_1473 = arith.mulf %get3A_1463, %get3A_3 : vector<16xf32>
        %mul3A_1474 = arith.mulf %get3A_1466, %get3A_5 : vector<16xf32>
        %add3A_1475 = arith.addf %mul3A_1473, %mul3A_1474 : vector<16xf32>
        %mul3A_1476 = arith.mulf %get3A_1469, %get3A_7 : vector<16xf32>
        %add3A_1477 = arith.addf %add3A_1475, %mul3A_1476 : vector<16xf32>
        %mul3A_1478 = arith.mulf %get3A_1472, %get3A_9 : vector<16xf32>
        %add3A_1479 = arith.addf %add3A_1477, %mul3A_1478 : vector<16xf32>
        %mul3A_1480 = arith.mulf %get3A_1463, %get3A_1463 : vector<16xf32>
        %mul3A_1481 = arith.mulf %get3A_1466, %get3A_1466 : vector<16xf32>
        %add3A_1482 = arith.addf %mul3A_1480, %mul3A_1481 : vector<16xf32>
        %mul3A_1483 = arith.mulf %get3A_1469, %get3A_1469 : vector<16xf32>
        %add3A_1484 = arith.addf %add3A_1482, %mul3A_1483 : vector<16xf32>
        %mul3A_1485 = arith.mulf %get3A_1472, %get3A_1472 : vector<16xf32>
        %add3A_1486 = arith.addf %add3A_1484, %mul3A_1485 : vector<16xf32>
        %eq3A_1487 = arith.constant 10 : i32
        %eq3A_1488 = vector.broadcast %eq3A_1487 : i32 to vector<16xi32>
        %eq3A_1489 = arith.cmpi eq, %iota3A, %eq3A_1488 : vector<16xi32>
        %reduce_sum3A_1490 = arith.constant true
        %reduce_sum3A_1491 = vector.broadcast %reduce_sum3A_1490 : i1 to vector<16xi1>
        %reduce_sum3A_1492 = tpu.scan <sum>, %add3A_1479 masked %reduce_sum3A_1491 : vector<16xf32>, vector<16xi1> -> vector<16xf32>
        %reduce_sum3A_1493 = vector.extract %reduce_sum3A_1492[15] : f32 from vector<16xf32>
        %broadcast_in_dim3A_1494 = vector.broadcast %reduce_sum3A_1493 : f32 to vector<16xf32>
        %select_n3A_1495 = arith.select %eq3A_1489, %broadcast_in_dim3A_1494, %select_n3A_1447 : vector<16xi1>, vector<16xf32>
        %eq3A_1496 = arith.constant 10 : i32
        %eq3A_1497 = vector.broadcast %eq3A_1496 : i32 to vector<16xi32>
        %eq3A_1498 = arith.cmpi eq, %iota3A, %eq3A_1497 : vector<16xi32>
        %reduce_sum3A_1499 = arith.constant true
        %reduce_sum3A_1500 = vector.broadcast %reduce_sum3A_1499 : i1 to vector<16xi1>
        %reduce_sum3A_1501 = tpu.scan <sum>, %add3A_1486 masked %reduce_sum3A_1500 : vector<16xf32>, vector<16xi1> -> vector<16xf32>
        %reduce_sum3A_1502 = vector.extract %reduce_sum3A_1501[15] : f32 from vector<16xf32>
        %broadcast_in_dim3A_1503 = vector.broadcast %reduce_sum3A_1502 : f32 to vector<16xf32>
        %select_n3A_1504 = arith.select %eq3A_1498, %broadcast_in_dim3A_1503, %select_n3A_1456 : vector<16xi1>, vector<16xf32>
        %mul3A_1505 = arith.constant 16 : i32
        %mul3A_1506 = arith.muli %scan3A_964, %mul3A_1505 : i32
        %add3A_1507 = arith.constant 11 : i32
        %add3A_1508 = arith.addi %mul3A_1506, %add3A_1507 : i32
        %get3A_1509 = arith.index_cast %add3A_1508 : i32 to index
        %get3A_1510 = arith.constant 0 : index
        %get3A_1511 = tpu.vector_load %arg7[%get3A_1509, %get3A_1510] {strides = array<i32>} : memref<256x64xf32, #tpu.memory_space<vmem>>, vector<16xf32>,
        %get3A_1512 = arith.index_cast %add3A_1508 : i32 to index
        %get3A_1513 = arith.constant 16 : index
        %get3A_1514 = tpu.vector_load %arg7[%get3A_1512, %get3A_1513] {strides = array<i32>} : memref<256x64xf32, #tpu.memory_space<vmem>>, vector<16xf32>,
        %get3A_1515 = arith.index_cast %add3A_1508 : i32 to index
        %get3A_1516 = arith.constant 32 : index
        %get3A_1517 = tpu.vector_load %arg7[%get3A_1515, %get3A_1516] {strides = array<i32>} : memref<256x64xf32, #tpu.memory_space<vmem>>, vector<16xf32>,
        %get3A_1518 = arith.index_cast %add3A_1508 : i32 to index
        %get3A_1519 = arith.constant 48 : index
        %get3A_1520 = tpu.vector_load %arg7[%get3A_1518, %get3A_1519] {strides = array<i32>} : memref<256x64xf32, #tpu.memory_space<vmem>>, vector<16xf32>,
        %mul3A_1521 = arith.mulf %get3A_1511, %get3A_3 : vector<16xf32>
        %mul3A_1522 = arith.mulf %get3A_1514, %get3A_5 : vector<16xf32>
        %add3A_1523 = arith.addf %mul3A_1521, %mul3A_1522 : vector<16xf32>
        %mul3A_1524 = arith.mulf %get3A_1517, %get3A_7 : vector<16xf32>
        %add3A_1525 = arith.addf %add3A_1523, %mul3A_1524 : vector<16xf32>
        %mul3A_1526 = arith.mulf %get3A_1520, %get3A_9 : vector<16xf32>
        %add3A_1527 = arith.addf %add3A_1525, %mul3A_1526 : vector<16xf32>
        %mul3A_1528 = arith.mulf %get3A_1511, %get3A_1511 : vector<16xf32>
        %mul3A_1529 = arith.mulf %get3A_1514, %get3A_1514 : vector<16xf32>
        %add3A_1530 = arith.addf %mul3A_1528, %mul3A_1529 : vector<16xf32>
        %mul3A_1531 = arith.mulf %get3A_1517, %get3A_1517 : vector<16xf32>
        %add3A_1532 = arith.addf %add3A_1530, %mul3A_1531 : vector<16xf32>
        %mul3A_1533 = arith.mulf %get3A_1520, %get3A_1520 : vector<16xf32>
        %add3A_1534 = arith.addf %add3A_1532, %mul3A_1533 : vector<16xf32>
        %eq3A_1535 = arith.constant 11 : i32
        %eq3A_1536 = vector.broadcast %eq3A_1535 : i32 to vector<16xi32>
        %eq3A_1537 = arith.cmpi eq, %iota3A, %eq3A_1536 : vector<16xi32>
        %reduce_sum3A_1538 = arith.constant true
        %reduce_sum3A_1539 = vector.broadcast %reduce_sum3A_1538 : i1 to vector<16xi1>
        %reduce_sum3A_1540 = tpu.scan <sum>, %add3A_1527 masked %reduce_sum3A_1539 : vector<16xf32>, vector<16xi1> -> vector<16xf32>
        %reduce_sum3A_1541 = vector.extract %reduce_sum3A_1540[15] : f32 from vector<16xf32>
        %broadcast_in_dim3A_1542 = vector.broadcast %reduce_sum3A_1541 : f32 to vector<16xf32>
        %select_n3A_1543 = arith.select %eq3A_1537, %broadcast_in_dim3A_1542, %select_n3A_1495 : vector<16xi1>, vector<16xf32>
        %eq3A_1544 = arith.constant 11 : i32
        %eq3A_1545 = vector.broadcast %eq3A_1544 : i32 to vector<16xi32>
        %eq3A_1546 = arith.cmpi eq, %iota3A, %eq3A_1545 : vector<16xi32>
        %reduce_sum3A_1547 = arith.constant true
        %reduce_sum3A_1548 = vector.broadcast %reduce_sum3A_1547 : i1 to vector<16xi1>
        %reduce_sum3A_1549 = tpu.scan <sum>, %add3A_1534 masked %reduce_sum3A_1548 : vector<16xf32>, vector<16xi1> -> vector<16xf32>
        %reduce_sum3A_1550 = vector.extract %reduce_sum3A_1549[15] : f32 from vector<16xf32>
        %broadcast_in_dim3A_1551 = vector.broadcast %reduce_sum3A_1550 : f32 to vector<16xf32>
        %select_n3A_1552 = arith.select %eq3A_1546, %broadcast_in_dim3A_1551, %select_n3A_1504 : vector<16xi1>, vector<16xf32>
        %mul3A_1553 = arith.constant 16 : i32
        %mul3A_1554 = arith.muli %scan3A_964, %mul3A_1553 : i32
        %add3A_1555 = arith.constant 12 : i32
        %add3A_1556 = arith.addi %mul3A_1554, %add3A_1555 : i32
        %get3A_1557 = arith.index_cast %add3A_1556 : i32 to index
        %get3A_1558 = arith.constant 0 : index
        %get3A_1559 = tpu.vector_load %arg7[%get3A_1557, %get3A_1558] {strides = array<i32>} : memref<256x64xf32, #tpu.memory_space<vmem>>, vector<16xf32>,
        %get3A_1560 = arith.index_cast %add3A_1556 : i32 to index
        %get3A_1561 = arith.constant 16 : index
        %get3A_1562 = tpu.vector_load %arg7[%get3A_1560, %get3A_1561] {strides = array<i32>} : memref<256x64xf32, #tpu.memory_space<vmem>>, vector<16xf32>,
        %get3A_1563 = arith.index_cast %add3A_1556 : i32 to index
        %get3A_1564 = arith.constant 32 : index
        %get3A_1565 = tpu.vector_load %arg7[%get3A_1563, %get3A_1564] {strides = array<i32>} : memref<256x64xf32, #tpu.memory_space<vmem>>, vector<16xf32>,
        %get3A_1566 = arith.index_cast %add3A_1556 : i32 to index
        %get3A_1567 = arith.constant 48 : index
        %get3A_1568 = tpu.vector_load %arg7[%get3A_1566, %get3A_1567] {strides = array<i32>} : memref<256x64xf32, #tpu.memory_space<vmem>>, vector<16xf32>,
        %mul3A_1569 = arith.mulf %get3A_1559, %get3A_3 : vector<16xf32>
        %mul3A_1570 = arith.mulf %get3A_1562, %get3A_5 : vector<16xf32>
        %add3A_1571 = arith.addf %mul3A_1569, %mul3A_1570 : vector<16xf32>
        %mul3A_1572 = arith.mulf %get3A_1565, %get3A_7 : vector<16xf32>
        %add3A_1573 = arith.addf %add3A_1571, %mul3A_1572 : vector<16xf32>
        %mul3A_1574 = arith.mulf %get3A_1568, %get3A_9 : vector<16xf32>
        %add3A_1575 = arith.addf %add3A_1573, %mul3A_1574 : vector<16xf32>
        %mul3A_1576 = arith.mulf %get3A_1559, %get3A_1559 : vector<16xf32>
        %mul3A_1577 = arith.mulf %get3A_1562, %get3A_1562 : vector<16xf32>
        %add3A_1578 = arith.addf %mul3A_1576, %mul3A_1577 : vector<16xf32>
        %mul3A_1579 = arith.mulf %get3A_1565, %get3A_1565 : vector<16xf32>
        %add3A_1580 = arith.addf %add3A_1578, %mul3A_1579 : vector<16xf32>
        %mul3A_1581 = arith.mulf %get3A_1568, %get3A_1568 : vector<16xf32>
        %add3A_1582 = arith.addf %add3A_1580, %mul3A_1581 : vector<16xf32>
        %eq3A_1583 = arith.constant 12 : i32
        %eq3A_1584 = vector.broadcast %eq3A_1583 : i32 to vector<16xi32>
        %eq3A_1585 = arith.cmpi eq, %iota3A, %eq3A_1584 : vector<16xi32>
        %reduce_sum3A_1586 = arith.constant true
        %reduce_sum3A_1587 = vector.broadcast %reduce_sum3A_1586 : i1 to vector<16xi1>
        %reduce_sum3A_1588 = tpu.scan <sum>, %add3A_1575 masked %reduce_sum3A_1587 : vector<16xf32>, vector<16xi1> -> vector<16xf32>
        %reduce_sum3A_1589 = vector.extract %reduce_sum3A_1588[15] : f32 from vector<16xf32>
        %broadcast_in_dim3A_1590 = vector.broadcast %reduce_sum3A_1589 : f32 to vector<16xf32>
        %select_n3A_1591 = arith.select %eq3A_1585, %broadcast_in_dim3A_1590, %select_n3A_1543 : vector<16xi1>, vector<16xf32>
        %eq3A_1592 = arith.constant 12 : i32
        %eq3A_1593 = vector.broadcast %eq3A_1592 : i32 to vector<16xi32>
        %eq3A_1594 = arith.cmpi eq, %iota3A, %eq3A_1593 : vector<16xi32>
        %reduce_sum3A_1595 = arith.constant true
        %reduce_sum3A_1596 = vector.broadcast %reduce_sum3A_1595 : i1 to vector<16xi1>
        %reduce_sum3A_1597 = tpu.scan <sum>, %add3A_1582 masked %reduce_sum3A_1596 : vector<16xf32>, vector<16xi1> -> vector<16xf32>
        %reduce_sum3A_1598 = vector.extract %reduce_sum3A_1597[15] : f32 from vector<16xf32>
        %broadcast_in_dim3A_1599 = vector.broadcast %reduce_sum3A_1598 : f32 to vector<16xf32>
        %select_n3A_1600 = arith.select %eq3A_1594, %broadcast_in_dim3A_1599, %select_n3A_1552 : vector<16xi1>, vector<16xf32>
        %mul3A_1601 = arith.constant 16 : i32
        %mul3A_1602 = arith.muli %scan3A_964, %mul3A_1601 : i32
        %add3A_1603 = arith.constant 13 : i32
        %add3A_1604 = arith.addi %mul3A_1602, %add3A_1603 : i32
        %get3A_1605 = arith.index_cast %add3A_1604 : i32 to index
        %get3A_1606 = arith.constant 0 : index
        %get3A_1607 = tpu.vector_load %arg7[%get3A_1605, %get3A_1606] {strides = array<i32>} : memref<256x64xf32, #tpu.memory_space<vmem>>, vector<16xf32>,
        %get3A_1608 = arith.index_cast %add3A_1604 : i32 to index
        %get3A_1609 = arith.constant 16 : index
        %get3A_1610 = tpu.vector_load %arg7[%get3A_1608, %get3A_1609] {strides = array<i32>} : memref<256x64xf32, #tpu.memory_space<vmem>>, vector<16xf32>,
        %get3A_1611 = arith.index_cast %add3A_1604 : i32 to index
        %get3A_1612 = arith.constant 32 : index
        %get3A_1613 = tpu.vector_load %arg7[%get3A_1611, %get3A_1612] {strides = array<i32>} : memref<256x64xf32, #tpu.memory_space<vmem>>, vector<16xf32>,
        %get3A_1614 = arith.index_cast %add3A_1604 : i32 to index
        %get3A_1615 = arith.constant 48 : index
        %get3A_1616 = tpu.vector_load %arg7[%get3A_1614, %get3A_1615] {strides = array<i32>} : memref<256x64xf32, #tpu.memory_space<vmem>>, vector<16xf32>,
        %mul3A_1617 = arith.mulf %get3A_1607, %get3A_3 : vector<16xf32>
        %mul3A_1618 = arith.mulf %get3A_1610, %get3A_5 : vector<16xf32>
        %add3A_1619 = arith.addf %mul3A_1617, %mul3A_1618 : vector<16xf32>
        %mul3A_1620 = arith.mulf %get3A_1613, %get3A_7 : vector<16xf32>
        %add3A_1621 = arith.addf %add3A_1619, %mul3A_1620 : vector<16xf32>
        %mul3A_1622 = arith.mulf %get3A_1616, %get3A_9 : vector<16xf32>
        %add3A_1623 = arith.addf %add3A_1621, %mul3A_1622 : vector<16xf32>
        %mul3A_1624 = arith.mulf %get3A_1607, %get3A_1607 : vector<16xf32>
        %mul3A_1625 = arith.mulf %get3A_1610, %get3A_1610 : vector<16xf32>
        %add3A_1626 = arith.addf %mul3A_1624, %mul3A_1625 : vector<16xf32>
        %mul3A_1627 = arith.mulf %get3A_1613, %get3A_1613 : vector<16xf32>
        %add3A_1628 = arith.addf %add3A_1626, %mul3A_1627 : vector<16xf32>
        %mul3A_1629 = arith.mulf %get3A_1616, %get3A_1616 : vector<16xf32>
        %add3A_1630 = arith.addf %add3A_1628, %mul3A_1629 : vector<16xf32>
        %eq3A_1631 = arith.constant 13 : i32
        %eq3A_1632 = vector.broadcast %eq3A_1631 : i32 to vector<16xi32>
        %eq3A_1633 = arith.cmpi eq, %iota3A, %eq3A_1632 : vector<16xi32>
        %reduce_sum3A_1634 = arith.constant true
        %reduce_sum3A_1635 = vector.broadcast %reduce_sum3A_1634 : i1 to vector<16xi1>
        %reduce_sum3A_1636 = tpu.scan <sum>, %add3A_1623 masked %reduce_sum3A_1635 : vector<16xf32>, vector<16xi1> -> vector<16xf32>
        %reduce_sum3A_1637 = vector.extract %reduce_sum3A_1636[15] : f32 from vector<16xf32>
        %broadcast_in_dim3A_1638 = vector.broadcast %reduce_sum3A_1637 : f32 to vector<16xf32>
        %select_n3A_1639 = arith.select %eq3A_1633, %broadcast_in_dim3A_1638, %select_n3A_1591 : vector<16xi1>, vector<16xf32>
        %eq3A_1640 = arith.constant 13 : i32
        %eq3A_1641 = vector.broadcast %eq3A_1640 : i32 to vector<16xi32>
        %eq3A_1642 = arith.cmpi eq, %iota3A, %eq3A_1641 : vector<16xi32>
        %reduce_sum3A_1643 = arith.constant true
        %reduce_sum3A_1644 = vector.broadcast %reduce_sum3A_1643 : i1 to vector<16xi1>
        %reduce_sum3A_1645 = tpu.scan <sum>, %add3A_1630 masked %reduce_sum3A_1644 : vector<16xf32>, vector<16xi1> -> vector<16xf32>
        %reduce_sum3A_1646 = vector.extract %reduce_sum3A_1645[15] : f32 from vector<16xf32>
        %broadcast_in_dim3A_1647 = vector.broadcast %reduce_sum3A_1646 : f32 to vector<16xf32>
        %select_n3A_1648 = arith.select %eq3A_1642, %broadcast_in_dim3A_1647, %select_n3A_1600 : vector<16xi1>, vector<16xf32>
        %mul3A_1649 = arith.constant 16 : i32
        %mul3A_1650 = arith.muli %scan3A_964, %mul3A_1649 : i32
        %add3A_1651 = arith.constant 14 : i32
        %add3A_1652 = arith.addi %mul3A_1650, %add3A_1651 : i32
        %get3A_1653 = arith.index_cast %add3A_1652 : i32 to index
        %get3A_1654 = arith.constant 0 : index
        %get3A_1655 = tpu.vector_load %arg7[%get3A_1653, %get3A_1654] {strides = array<i32>} : memref<256x64xf32, #tpu.memory_space<vmem>>, vector<16xf32>,
        %get3A_1656 = arith.index_cast %add3A_1652 : i32 to index
        %get3A_1657 = arith.constant 16 : index
        %get3A_1658 = tpu.vector_load %arg7[%get3A_1656, %get3A_1657] {strides = array<i32>} : memref<256x64xf32, #tpu.memory_space<vmem>>, vector<16xf32>,
        %get3A_1659 = arith.index_cast %add3A_1652 : i32 to index
        %get3A_1660 = arith.constant 32 : index
        %get3A_1661 = tpu.vector_load %arg7[%get3A_1659, %get3A_1660] {strides = array<i32>} : memref<256x64xf32, #tpu.memory_space<vmem>>, vector<16xf32>,
        %get3A_1662 = arith.index_cast %add3A_1652 : i32 to index
        %get3A_1663 = arith.constant 48 : index
        %get3A_1664 = tpu.vector_load %arg7[%get3A_1662, %get3A_1663] {strides = array<i32>} : memref<256x64xf32, #tpu.memory_space<vmem>>, vector<16xf32>,
        %mul3A_1665 = arith.mulf %get3A_1655, %get3A_3 : vector<16xf32>
        %mul3A_1666 = arith.mulf %get3A_1658, %get3A_5 : vector<16xf32>
        %add3A_1667 = arith.addf %mul3A_1665, %mul3A_1666 : vector<16xf32>
        %mul3A_1668 = arith.mulf %get3A_1661, %get3A_7 : vector<16xf32>
        %add3A_1669 = arith.addf %add3A_1667, %mul3A_1668 : vector<16xf32>
        %mul3A_1670 = arith.mulf %get3A_1664, %get3A_9 : vector<16xf32>
        %add3A_1671 = arith.addf %add3A_1669, %mul3A_1670 : vector<16xf32>
        %mul3A_1672 = arith.mulf %get3A_1655, %get3A_1655 : vector<16xf32>
        %mul3A_1673 = arith.mulf %get3A_1658, %get3A_1658 : vector<16xf32>
        %add3A_1674 = arith.addf %mul3A_1672, %mul3A_1673 : vector<16xf32>
        %mul3A_1675 = arith.mulf %get3A_1661, %get3A_1661 : vector<16xf32>
        %add3A_1676 = arith.addf %add3A_1674, %mul3A_1675 : vector<16xf32>
        %mul3A_1677 = arith.mulf %get3A_1664, %get3A_1664 : vector<16xf32>
        %add3A_1678 = arith.addf %add3A_1676, %mul3A_1677 : vector<16xf32>
        %eq3A_1679 = arith.constant 14 : i32
        %eq3A_1680 = vector.broadcast %eq3A_1679 : i32 to vector<16xi32>
        %eq3A_1681 = arith.cmpi eq, %iota3A, %eq3A_1680 : vector<16xi32>
        %reduce_sum3A_1682 = arith.constant true
        %reduce_sum3A_1683 = vector.broadcast %reduce_sum3A_1682 : i1 to vector<16xi1>
        %reduce_sum3A_1684 = tpu.scan <sum>, %add3A_1671 masked %reduce_sum3A_1683 : vector<16xf32>, vector<16xi1> -> vector<16xf32>
        %reduce_sum3A_1685 = vector.extract %reduce_sum3A_1684[15] : f32 from vector<16xf32>
        %broadcast_in_dim3A_1686 = vector.broadcast %reduce_sum3A_1685 : f32 to vector<16xf32>
        %select_n3A_1687 = arith.select %eq3A_1681, %broadcast_in_dim3A_1686, %select_n3A_1639 : vector<16xi1>, vector<16xf32>
        %eq3A_1688 = arith.constant 14 : i32
        %eq3A_1689 = vector.broadcast %eq3A_1688 : i32 to vector<16xi32>
        %eq3A_1690 = arith.cmpi eq, %iota3A, %eq3A_1689 : vector<16xi32>
        %reduce_sum3A_1691 = arith.constant true
        %reduce_sum3A_1692 = vector.broadcast %reduce_sum3A_1691 : i1 to vector<16xi1>
        %reduce_sum3A_1693 = tpu.scan <sum>, %add3A_1678 masked %reduce_sum3A_1692 : vector<16xf32>, vector<16xi1> -> vector<16xf32>
        %reduce_sum3A_1694 = vector.extract %reduce_sum3A_1693[15] : f32 from vector<16xf32>
        %broadcast_in_dim3A_1695 = vector.broadcast %reduce_sum3A_1694 : f32 to vector<16xf32>
        %select_n3A_1696 = arith.select %eq3A_1690, %broadcast_in_dim3A_1695, %select_n3A_1648 : vector<16xi1>, vector<16xf32>
        %mul3A_1697 = arith.constant 16 : i32
        %mul3A_1698 = arith.muli %scan3A_964, %mul3A_1697 : i32
        %add3A_1699 = arith.constant 15 : i32
        %add3A_1700 = arith.addi %mul3A_1698, %add3A_1699 : i32
        %get3A_1701 = arith.index_cast %add3A_1700 : i32 to index
        %get3A_1702 = arith.constant 0 : index
        %get3A_1703 = tpu.vector_load %arg7[%get3A_1701, %get3A_1702] {strides = array<i32>} : memref<256x64xf32, #tpu.memory_space<vmem>>, vector<16xf32>,
        %get3A_1704 = arith.index_cast %add3A_1700 : i32 to index
        %get3A_1705 = arith.constant 16 : index
        %get3A_1706 = tpu.vector_load %arg7[%get3A_1704, %get3A_1705] {strides = array<i32>} : memref<256x64xf32, #tpu.memory_space<vmem>>, vector<16xf32>,
        %get3A_1707 = arith.index_cast %add3A_1700 : i32 to index
        %get3A_1708 = arith.constant 32 : index
        %get3A_1709 = tpu.vector_load %arg7[%get3A_1707, %get3A_1708] {strides = array<i32>} : memref<256x64xf32, #tpu.memory_space<vmem>>, vector<16xf32>,
        %get3A_1710 = arith.index_cast %add3A_1700 : i32 to index
        %get3A_1711 = arith.constant 48 : index
        %get3A_1712 = tpu.vector_load %arg7[%get3A_1710, %get3A_1711] {strides = array<i32>} : memref<256x64xf32, #tpu.memory_space<vmem>>, vector<16xf32>,
        %mul3A_1713 = arith.mulf %get3A_1703, %get3A_3 : vector<16xf32>
        %mul3A_1714 = arith.mulf %get3A_1706, %get3A_5 : vector<16xf32>
        %add3A_1715 = arith.addf %mul3A_1713, %mul3A_1714 : vector<16xf32>
        %mul3A_1716 = arith.mulf %get3A_1709, %get3A_7 : vector<16xf32>
        %add3A_1717 = arith.addf %add3A_1715, %mul3A_1716 : vector<16xf32>
        %mul3A_1718 = arith.mulf %get3A_1712, %get3A_9 : vector<16xf32>
        %add3A_1719 = arith.addf %add3A_1717, %mul3A_1718 : vector<16xf32>
        %mul3A_1720 = arith.mulf %get3A_1703, %get3A_1703 : vector<16xf32>
        %mul3A_1721 = arith.mulf %get3A_1706, %get3A_1706 : vector<16xf32>
        %add3A_1722 = arith.addf %mul3A_1720, %mul3A_1721 : vector<16xf32>
        %mul3A_1723 = arith.mulf %get3A_1709, %get3A_1709 : vector<16xf32>
        %add3A_1724 = arith.addf %add3A_1722, %mul3A_1723 : vector<16xf32>
        %mul3A_1725 = arith.mulf %get3A_1712, %get3A_1712 : vector<16xf32>
        %add3A_1726 = arith.addf %add3A_1724, %mul3A_1725 : vector<16xf32>
        %eq3A_1727 = arith.constant 15 : i32
        %eq3A_1728 = vector.broadcast %eq3A_1727 : i32 to vector<16xi32>
        %eq3A_1729 = arith.cmpi eq, %iota3A, %eq3A_1728 : vector<16xi32>
        %reduce_sum3A_1730 = arith.constant true
        %reduce_sum3A_1731 = vector.broadcast %reduce_sum3A_1730 : i1 to vector<16xi1>
        %reduce_sum3A_1732 = tpu.scan <sum>, %add3A_1719 masked %reduce_sum3A_1731 : vector<16xf32>, vector<16xi1> -> vector<16xf32>
        %reduce_sum3A_1733 = vector.extract %reduce_sum3A_1732[15] : f32 from vector<16xf32>
        %broadcast_in_dim3A_1734 = vector.broadcast %reduce_sum3A_1733 : f32 to vector<16xf32>
        %select_n3A_1735 = arith.select %eq3A_1729, %broadcast_in_dim3A_1734, %select_n3A_1687 : vector<16xi1>, vector<16xf32>
        %eq3A_1736 = arith.constant 15 : i32
        %eq3A_1737 = vector.broadcast %eq3A_1736 : i32 to vector<16xi32>
        %eq3A_1738 = arith.cmpi eq, %iota3A, %eq3A_1737 : vector<16xi32>
        %reduce_sum3A_1739 = arith.constant true
        %reduce_sum3A_1740 = vector.broadcast %reduce_sum3A_1739 : i1 to vector<16xi1>
        %reduce_sum3A_1741 = tpu.scan <sum>, %add3A_1726 masked %reduce_sum3A_1740 : vector<16xf32>, vector<16xi1> -> vector<16xf32>
        %reduce_sum3A_1742 = vector.extract %reduce_sum3A_1741[15] : f32 from vector<16xf32>
        %broadcast_in_dim3A_1743 = vector.broadcast %reduce_sum3A_1742 : f32 to vector<16xf32>
        %select_n3A_1744 = arith.select %eq3A_1738, %broadcast_in_dim3A_1743, %select_n3A_1696 : vector<16xi1>, vector<16xf32>
        %abs3A_1745 = math.absf %select_n3A_1735 : vector<16xf32>
        %mul3A_1746 = arith.mulf %select_n3A_1735, %abs3A_1745 : vector<16xf32>
        %div3A_1747 = arith.divf %mul3A_1746, %select_n3A_1744 : vector<16xf32>
        %mul3A_1748 = arith.constant 16 : i32
        %mul3A_1749 = arith.muli %scan3A_964, %mul3A_1748 : i32
        %add3A_1750 = arith.addi %add3A_957, %mul3A_1749 : i32
        %add3A_1751 = vector.broadcast %add3A_1750 : i32 to vector<16xi32>
        %add3A_1752 = arith.addi %add3A_1751, %iota3A : vector<16xi32>
        %gt3A_1753 = arith.cmpf ogt, %div3A_1747, %scan3A_965 : vector<16xf32>
        %select_n3A_1754 = arith.select %gt3A_1753, %div3A_1747, %scan3A_965 : vector<16xi1>, vector<16xf32>
        %select_n3A_1755 = arith.select %gt3A_1753, %add3A_1752, %scan3A_969 : vector<16xi1>, vector<16xi32>
        %select_n3A_1756 = arith.select %gt3A_1753, %scan3A_965, %div3A_1747 : vector<16xi1>, vector<16xf32>
        %select_n3A_1757 = arith.select %gt3A_1753, %scan3A_969, %add3A_1752 : vector<16xi1>, vector<16xi32>
        %gt3A_1758 = arith.cmpf ogt, %select_n3A_1756, %scan3A_966 : vector<16xf32>
        %select_n3A_1759 = arith.select %gt3A_1758, %select_n3A_1756, %scan3A_966 : vector<16xi1>, vector<16xf32>
        %select_n3A_1760 = arith.select %gt3A_1758, %select_n3A_1757, %scan3A_970 : vector<16xi1>, vector<16xi32>
        %select_n3A_1761 = arith.select %gt3A_1758, %scan3A_966, %select_n3A_1756 : vector<16xi1>, vector<16xf32>
        %select_n3A_1762 = arith.select %gt3A_1758, %scan3A_970, %select_n3A_1757 : vector<16xi1>, vector<16xi32>
        %gt3A_1763 = arith.cmpf ogt, %select_n3A_1761, %scan3A_967 : vector<16xf32>
        %select_n3A_1764 = arith.select %gt3A_1763, %select_n3A_1761, %scan3A_967 : vector<16xi1>, vector<16xf32>
        %select_n3A_1765 = arith.select %gt3A_1763, %select_n3A_1762, %scan3A_971 : vector<16xi1>, vector<16xi32>
        %select_n3A_1766 = arith.select %gt3A_1763, %scan3A_967, %select_n3A_1761 : vector<16xi1>, vector<16xf32>
        %select_n3A_1767 = arith.select %gt3A_1763, %scan3A_971, %select_n3A_1762 : vector<16xi1>, vector<16xi32>
        %gt3A_1768 = arith.cmpf ogt, %select_n3A_1766, %scan3A_968 : vector<16xf32>
        %select_n3A_1769 = arith.select %gt3A_1768, %select_n3A_1766, %scan3A_968 : vector<16xi1>, vector<16xf32>
        %select_n3A_1770 = arith.select %gt3A_1768, %select_n3A_1767, %scan3A_972 : vector<16xi1>, vector<16xi32>
        %select_n3A_1771 = arith.select %gt3A_1768, %scan3A_968, %select_n3A_1766 : vector<16xi1>, vector<16xf32>
        %select_n3A_1772 = arith.select %gt3A_1768, %scan3A_972, %select_n3A_1767 : vector<16xi1>, vector<16xi32>
        scf.yield %select_n3A_1754, %select_n3A_1759, %select_n3A_1764, %select_n3A_1769, %select_n3A_1755, %select_n3A_1760, %select_n3A_1765, %select_n3A_1770 : vector<16xf32>, vector<16xf32>, vector<16xf32>, vector<16xf32>, vector<16xi32>, vector<16xi32>, vector<16xi32>, vector<16xi32>
      }
      %scan3A_963 = arith.constant 16 : i32
      scf.yield %scan3A_962#0, %scan3A_962#1, %scan3A_962#2, %scan3A_962#3, %scan3A_962#4, %scan3A_962#5, %scan3A_962#6, %scan3A_962#7 : vector<16xf32>, vector<16xf32>, vector<16xf32>, vector<16xf32>, vector<16xi32>, vector<16xi32>, vector<16xi32>, vector<16xi32>
    }
    %scan3A_34 = arith.constant 61 : i32
    %dma_wait3A = arith.constant 0 : i32
    %dma_wait3A_35 = tpu.memref_slice %arg3[%mul3A_2, %dma_wait3A] : memref<1000000x64xf32, #tpu.memory_space<hbm>> -> memref<256x64xf32, #tpu.memory_space<hbm>>
    %dma_wait3A_36 = arith.constant 0 : i32
    %dma_wait3A_37 = tpu.memref_slice %arg3[%mul3A_2, %dma_wait3A_36] : memref<1000000x64xf32, #tpu.memory_space<hbm>> -> memref<256x64xf32, #tpu.memory_space<hbm>>
    tpu.wait_dma2 semaphore(%arg11 : memref<!tpu.dma_semaphore, #tpu.memory_space<semaphore_mem>>) src(%dma_wait3A_37 : memref<256x64xf32, #tpu.memory_space<hbm>>) dst(%arg6 : memref<256x64xf32, #tpu.memory_space<vmem>>)
    %add3A_38 = arith.constant 31232 : i32
    %add3A_39 = arith.addi %mul3A_2, %add3A_38 : i32
    "tpu.region"() ({
      %run_scoped3A_904 = tpu.sem_alloc : memref<!tpu.dma_semaphore, #tpu.memory_space<semaphore_mem>>
      %dma_start3A_905 = arith.constant 0 : i32
      %dma_start3A_906 = arith.constant 0 : i32
      %dma_start3A_907 = tpu.memref_slice %arg6[%dma_start3A_905, %dma_start3A_906] : memref<256x64xf32, #tpu.memory_space<vmem>> -> memref<16x64xf32, #tpu.memory_space<vmem>>
      %dma_start3A_908 = arith.constant 0 : i32
      %dma_start3A_909 = tpu.memref_slice %arg3[%add3A_39, %dma_start3A_908] : memref<1000000x64xf32, #tpu.memory_space<hbm>> -> memref<16x64xf32, #tpu.memory_space<hbm>>
      %dma_start3A_910 = arith.constant 0 : i32
      %dma_start3A_911 = arith.constant 0 : i32
      %dma_start3A_912 = tpu.memref_slice %arg6[%dma_start3A_910, %dma_start3A_911] : memref<256x64xf32, #tpu.memory_space<vmem>> -> memref<16x64xf32, #tpu.memory_space<vmem>>
      %dma_start3A_913 = arith.constant 0 : i32
      %dma_start3A_914 = tpu.memref_slice %arg3[%add3A_39, %dma_start3A_913] : memref<1000000x64xf32, #tpu.memory_space<hbm>> -> memref<16x64xf32, #tpu.memory_space<hbm>>
      tpu.enqueue_dma source(%dma_start3A_914 : memref<16x64xf32, #tpu.memory_space<hbm>>) target(%dma_start3A_912 : memref<16x64xf32, #tpu.memory_space<vmem>>) target_semaphore(%run_scoped3A_904 : memref<!tpu.dma_semaphore, #tpu.memory_space<semaphore_mem>>)
      %dma_wait3A_915 = arith.constant 0 : i32
      %dma_wait3A_916 = arith.constant 0 : i32
      %dma_wait3A_917 = tpu.memref_slice %arg6[%dma_wait3A_915, %dma_wait3A_916] : memref<256x64xf32, #tpu.memory_space<vmem>> -> memref<16x64xf32, #tpu.memory_space<vmem>>
      %dma_wait3A_918 = arith.constant 0 : i32
      %dma_wait3A_919 = tpu.memref_slice %arg3[%add3A_39, %dma_wait3A_918] : memref<1000000x64xf32, #tpu.memory_space<hbm>> -> memref<16x64xf32, #tpu.memory_space<hbm>>
      %dma_wait3A_920 = arith.constant 0 : i32
      %dma_wait3A_921 = arith.constant 0 : i32
      %dma_wait3A_922 = tpu.memref_slice %arg6[%dma_wait3A_920, %dma_wait3A_921] : memref<256x64xf32, #tpu.memory_space<vmem>> -> memref<16x64xf32, #tpu.memory_space<vmem>>
      %dma_wait3A_923 = arith.constant 0 : i32
      %dma_wait3A_924 = tpu.memref_slice %arg3[%add3A_39, %dma_wait3A_923] : memref<1000000x64xf32, #tpu.memory_space<hbm>> -> memref<16x64xf32, #tpu.memory_space<hbm>>
      tpu.wait_dma2 semaphore(%run_scoped3A_904 : memref<!tpu.dma_semaphore, #tpu.memory_space<semaphore_mem>>) src(%dma_wait3A_924 : memref<16x64xf32, #tpu.memory_space<hbm>>) dst(%dma_wait3A_922 : memref<16x64xf32, #tpu.memory_space<vmem>>)
      tpu.yield
    }) : () -> ()
    %add3A_40 = arith.constant 31232 : i32
    %add3A_41 = arith.addi %mul3A_2, %add3A_40 : i32
    %scan3A_42 = arith.constant 0 : i32
    %broadcast_in_dim3A_43 = arith.constant 0.000000e+00 : f32
    %broadcast_in_dim3A_44 = vector.broadcast %broadcast_in_dim3A_43 : f32 to vector<16xf32>
    %broadcast_in_dim3A_45 = arith.constant 1.000000e+00 : f32
    %broadcast_in_dim3A_46 = vector.broadcast %broadcast_in_dim3A_45 : f32 to vector<16xf32>
    %mul3A_47 = arith.constant 16 : i32
    %mul3A_48 = arith.muli %scan3A_42, %mul3A_47 : i32
    %add3A_49 = arith.constant 0 : i32
    %add3A_50 = arith.addi %mul3A_48, %add3A_49 : i32
    %get3A_51 = arith.index_cast %add3A_50 : i32 to index
    %get3A_52 = arith.constant 0 : index
    %get3A_53 = tpu.vector_load %arg6[%get3A_51, %get3A_52] {strides = array<i32>} : memref<256x64xf32, #tpu.memory_space<vmem>>, vector<16xf32>,
    %get3A_54 = arith.index_cast %add3A_50 : i32 to index
    %get3A_55 = arith.constant 16 : index
    %get3A_56 = tpu.vector_load %arg6[%get3A_54, %get3A_55] {strides = array<i32>} : memref<256x64xf32, #tpu.memory_space<vmem>>, vector<16xf32>,
    %get3A_57 = arith.index_cast %add3A_50 : i32 to index
    %get3A_58 = arith.constant 32 : index
    %get3A_59 = tpu.vector_load %arg6[%get3A_57, %get3A_58] {strides = array<i32>} : memref<256x64xf32, #tpu.memory_space<vmem>>, vector<16xf32>,
    %get3A_60 = arith.index_cast %add3A_50 : i32 to index
    %get3A_61 = arith.constant 48 : index
    %get3A_62 = tpu.vector_load %arg6[%get3A_60, %get3A_61] {strides = array<i32>} : memref<256x64xf32, #tpu.memory_space<vmem>>, vector<16xf32>,
    %mul3A_63 = arith.mulf %get3A_53, %get3A_3 : vector<16xf32>
    %mul3A_64 = arith.mulf %get3A_56, %get3A_5 : vector<16xf32>
    %add3A_65 = arith.addf %mul3A_63, %mul3A_64 : vector<16xf32>
    %mul3A_66 = arith.mulf %get3A_59, %get3A_7 : vector<16xf32>
    %add3A_67 = arith.addf %add3A_65, %mul3A_66 : vector<16xf32>
    %mul3A_68 = arith.mulf %get3A_62, %get3A_9 : vector<16xf32>
    %add3A_69 = arith.addf %add3A_67, %mul3A_68 : vector<16xf32>
    %mul3A_70 = arith.mulf %get3A_53, %get3A_53 : vector<16xf32>
    %mul3A_71 = arith.mulf %get3A_56, %get3A_56 : vector<16xf32>
    %add3A_72 = arith.addf %mul3A_70, %mul3A_71 : vector<16xf32>
    %mul3A_73 = arith.mulf %get3A_59, %get3A_59 : vector<16xf32>
    %add3A_74 = arith.addf %add3A_72, %mul3A_73 : vector<16xf32>
    %mul3A_75 = arith.mulf %get3A_62, %get3A_62 : vector<16xf32>
    %add3A_76 = arith.addf %add3A_74, %mul3A_75 : vector<16xf32>
    %eq3A = arith.constant 0 : i32
    %eq3A_77 = vector.broadcast %eq3A : i32 to vector<16xi32>
    %eq3A_78 = arith.cmpi eq, %iota3A, %eq3A_77 : vector<16xi32>
    %reduce_sum3A = arith.constant true
    %reduce_sum3A_79 = vector.broadcast %reduce_sum3A : i1 to vector<16xi1>
    %reduce_sum3A_80 = tpu.scan <sum>, %add3A_69 masked %reduce_sum3A_79 : vector<16xf32>, vector<16xi1> -> vector<16xf32>
    %reduce_sum3A_81 = vector.extract %reduce_sum3A_80[15] : f32 from vector<16xf32>
    %broadcast_in_dim3A_82 = vector.broadcast %reduce_sum3A_81 : f32 to vector<16xf32>
    %select_n3A = arith.select %eq3A_78, %broadcast_in_dim3A_82, %broadcast_in_dim3A_44 : vector<16xi1>, vector<16xf32>
    %eq3A_83 = arith.constant 0 : i32
    %eq3A_84 = vector.broadcast %eq3A_83 : i32 to vector<16xi32>
    %eq3A_85 = arith.cmpi eq, %iota3A, %eq3A_84 : vector<16xi32>
    %reduce_sum3A_86 = arith.constant true
    %reduce_sum3A_87 = vector.broadcast %reduce_sum3A_86 : i1 to vector<16xi1>
    %reduce_sum3A_88 = tpu.scan <sum>, %add3A_76 masked %reduce_sum3A_87 : vector<16xf32>, vector<16xi1> -> vector<16xf32>
    %reduce_sum3A_89 = vector.extract %reduce_sum3A_88[15] : f32 from vector<16xf32>
    %broadcast_in_dim3A_90 = vector.broadcast %reduce_sum3A_89 : f32 to vector<16xf32>
    %select_n3A_91 = arith.select %eq3A_85, %broadcast_in_dim3A_90, %broadcast_in_dim3A_46 : vector<16xi1>, vector<16xf32>
    %mul3A_92 = arith.constant 16 : i32
    %mul3A_93 = arith.muli %scan3A_42, %mul3A_92 : i32
    %add3A_94 = arith.constant 1 : i32
    %add3A_95 = arith.addi %mul3A_93, %add3A_94 : i32
    %get3A_96 = arith.index_cast %add3A_95 : i32 to index
    %get3A_97 = arith.constant 0 : index
    %get3A_98 = tpu.vector_load %arg6[%get3A_96, %get3A_97] {strides = array<i32>} : memref<256x64xf32, #tpu.memory_space<vmem>>, vector<16xf32>,
    %get3A_99 = arith.index_cast %add3A_95 : i32 to index
    %get3A_100 = arith.constant 16 : index
    %get3A_101 = tpu.vector_load %arg6[%get3A_99, %get3A_100] {strides = array<i32>} : memref<256x64xf32, #tpu.memory_space<vmem>>, vector<16xf32>,
    %get3A_102 = arith.index_cast %add3A_95 : i32 to index
    %get3A_103 = arith.constant 32 : index
    %get3A_104 = tpu.vector_load %arg6[%get3A_102, %get3A_103] {strides = array<i32>} : memref<256x64xf32, #tpu.memory_space<vmem>>, vector<16xf32>,
    %get3A_105 = arith.index_cast %add3A_95 : i32 to index
    %get3A_106 = arith.constant 48 : index
    %get3A_107 = tpu.vector_load %arg6[%get3A_105, %get3A_106] {strides = array<i32>} : memref<256x64xf32, #tpu.memory_space<vmem>>, vector<16xf32>,
    %mul3A_108 = arith.mulf %get3A_98, %get3A_3 : vector<16xf32>
    %mul3A_109 = arith.mulf %get3A_101, %get3A_5 : vector<16xf32>
    %add3A_110 = arith.addf %mul3A_108, %mul3A_109 : vector<16xf32>
    %mul3A_111 = arith.mulf %get3A_104, %get3A_7 : vector<16xf32>
    %add3A_112 = arith.addf %add3A_110, %mul3A_111 : vector<16xf32>
    %mul3A_113 = arith.mulf %get3A_107, %get3A_9 : vector<16xf32>
    %add3A_114 = arith.addf %add3A_112, %mul3A_113 : vector<16xf32>
    %mul3A_115 = arith.mulf %get3A_98, %get3A_98 : vector<16xf32>
    %mul3A_116 = arith.mulf %get3A_101, %get3A_101 : vector<16xf32>
    %add3A_117 = arith.addf %mul3A_115, %mul3A_116 : vector<16xf32>
    %mul3A_118 = arith.mulf %get3A_104, %get3A_104 : vector<16xf32>
    %add3A_119 = arith.addf %add3A_117, %mul3A_118 : vector<16xf32>
    %mul3A_120 = arith.mulf %get3A_107, %get3A_107 : vector<16xf32>
    %add3A_121 = arith.addf %add3A_119, %mul3A_120 : vector<16xf32>
    %eq3A_122 = arith.constant 1 : i32
    %eq3A_123 = vector.broadcast %eq3A_122 : i32 to vector<16xi32>
    %eq3A_124 = arith.cmpi eq, %iota3A, %eq3A_123 : vector<16xi32>
    %reduce_sum3A_125 = arith.constant true
    %reduce_sum3A_126 = vector.broadcast %reduce_sum3A_125 : i1 to vector<16xi1>
    %reduce_sum3A_127 = tpu.scan <sum>, %add3A_114 masked %reduce_sum3A_126 : vector<16xf32>, vector<16xi1> -> vector<16xf32>
    %reduce_sum3A_128 = vector.extract %reduce_sum3A_127[15] : f32 from vector<16xf32>
    %broadcast_in_dim3A_129 = vector.broadcast %reduce_sum3A_128 : f32 to vector<16xf32>
    %select_n3A_130 = arith.select %eq3A_124, %broadcast_in_dim3A_129, %select_n3A : vector<16xi1>, vector<16xf32>
    %eq3A_131 = arith.constant 1 : i32
    %eq3A_132 = vector.broadcast %eq3A_131 : i32 to vector<16xi32>
    %eq3A_133 = arith.cmpi eq, %iota3A, %eq3A_132 : vector<16xi32>
    %reduce_sum3A_134 = arith.constant true
    %reduce_sum3A_135 = vector.broadcast %reduce_sum3A_134 : i1 to vector<16xi1>
    %reduce_sum3A_136 = tpu.scan <sum>, %add3A_121 masked %reduce_sum3A_135 : vector<16xf32>, vector<16xi1> -> vector<16xf32>
    %reduce_sum3A_137 = vector.extract %reduce_sum3A_136[15] : f32 from vector<16xf32>
    %broadcast_in_dim3A_138 = vector.broadcast %reduce_sum3A_137 : f32 to vector<16xf32>
    %select_n3A_139 = arith.select %eq3A_133, %broadcast_in_dim3A_138, %select_n3A_91 : vector<16xi1>, vector<16xf32>
    %mul3A_140 = arith.constant 16 : i32
    %mul3A_141 = arith.muli %scan3A_42, %mul3A_140 : i32
    %add3A_142 = arith.constant 2 : i32
    %add3A_143 = arith.addi %mul3A_141, %add3A_142 : i32
    %get3A_144 = arith.index_cast %add3A_143 : i32 to index
    %get3A_145 = arith.constant 0 : index
    %get3A_146 = tpu.vector_load %arg6[%get3A_144, %get3A_145] {strides = array<i32>} : memref<256x64xf32, #tpu.memory_space<vmem>>, vector<16xf32>,
    %get3A_147 = arith.index_cast %add3A_143 : i32 to index
    %get3A_148 = arith.constant 16 : index
    %get3A_149 = tpu.vector_load %arg6[%get3A_147, %get3A_148] {strides = array<i32>} : memref<256x64xf32, #tpu.memory_space<vmem>>, vector<16xf32>,
    %get3A_150 = arith.index_cast %add3A_143 : i32 to index
    %get3A_151 = arith.constant 32 : index
    %get3A_152 = tpu.vector_load %arg6[%get3A_150, %get3A_151] {strides = array<i32>} : memref<256x64xf32, #tpu.memory_space<vmem>>, vector<16xf32>,
    %get3A_153 = arith.index_cast %add3A_143 : i32 to index
    %get3A_154 = arith.constant 48 : index
    %get3A_155 = tpu.vector_load %arg6[%get3A_153, %get3A_154] {strides = array<i32>} : memref<256x64xf32, #tpu.memory_space<vmem>>, vector<16xf32>,
    %mul3A_156 = arith.mulf %get3A_146, %get3A_3 : vector<16xf32>
    %mul3A_157 = arith.mulf %get3A_149, %get3A_5 : vector<16xf32>
    %add3A_158 = arith.addf %mul3A_156, %mul3A_157 : vector<16xf32>
    %mul3A_159 = arith.mulf %get3A_152, %get3A_7 : vector<16xf32>
    %add3A_160 = arith.addf %add3A_158, %mul3A_159 : vector<16xf32>
    %mul3A_161 = arith.mulf %get3A_155, %get3A_9 : vector<16xf32>
    %add3A_162 = arith.addf %add3A_160, %mul3A_161 : vector<16xf32>
    %mul3A_163 = arith.mulf %get3A_146, %get3A_146 : vector<16xf32>
    %mul3A_164 = arith.mulf %get3A_149, %get3A_149 : vector<16xf32>
    %add3A_165 = arith.addf %mul3A_163, %mul3A_164 : vector<16xf32>
    %mul3A_166 = arith.mulf %get3A_152, %get3A_152 : vector<16xf32>
    %add3A_167 = arith.addf %add3A_165, %mul3A_166 : vector<16xf32>
    %mul3A_168 = arith.mulf %get3A_155, %get3A_155 : vector<16xf32>
    %add3A_169 = arith.addf %add3A_167, %mul3A_168 : vector<16xf32>
    %eq3A_170 = arith.constant 2 : i32
    %eq3A_171 = vector.broadcast %eq3A_170 : i32 to vector<16xi32>
    %eq3A_172 = arith.cmpi eq, %iota3A, %eq3A_171 : vector<16xi32>
    %reduce_sum3A_173 = arith.constant true
    %reduce_sum3A_174 = vector.broadcast %reduce_sum3A_173 : i1 to vector<16xi1>
    %reduce_sum3A_175 = tpu.scan <sum>, %add3A_162 masked %reduce_sum3A_174 : vector<16xf32>, vector<16xi1> -> vector<16xf32>
    %reduce_sum3A_176 = vector.extract %reduce_sum3A_175[15] : f32 from vector<16xf32>
    %broadcast_in_dim3A_177 = vector.broadcast %reduce_sum3A_176 : f32 to vector<16xf32>
    %select_n3A_178 = arith.select %eq3A_172, %broadcast_in_dim3A_177, %select_n3A_130 : vector<16xi1>, vector<16xf32>
    %eq3A_179 = arith.constant 2 : i32
    %eq3A_180 = vector.broadcast %eq3A_179 : i32 to vector<16xi32>
    %eq3A_181 = arith.cmpi eq, %iota3A, %eq3A_180 : vector<16xi32>
    %reduce_sum3A_182 = arith.constant true
    %reduce_sum3A_183 = vector.broadcast %reduce_sum3A_182 : i1 to vector<16xi1>
    %reduce_sum3A_184 = tpu.scan <sum>, %add3A_169 masked %reduce_sum3A_183 : vector<16xf32>, vector<16xi1> -> vector<16xf32>
    %reduce_sum3A_185 = vector.extract %reduce_sum3A_184[15] : f32 from vector<16xf32>
    %broadcast_in_dim3A_186 = vector.broadcast %reduce_sum3A_185 : f32 to vector<16xf32>
    %select_n3A_187 = arith.select %eq3A_181, %broadcast_in_dim3A_186, %select_n3A_139 : vector<16xi1>, vector<16xf32>
    %mul3A_188 = arith.constant 16 : i32
    %mul3A_189 = arith.muli %scan3A_42, %mul3A_188 : i32
    %add3A_190 = arith.constant 3 : i32
    %add3A_191 = arith.addi %mul3A_189, %add3A_190 : i32
    %get3A_192 = arith.index_cast %add3A_191 : i32 to index
    %get3A_193 = arith.constant 0 : index
    %get3A_194 = tpu.vector_load %arg6[%get3A_192, %get3A_193] {strides = array<i32>} : memref<256x64xf32, #tpu.memory_space<vmem>>, vector<16xf32>,
    %get3A_195 = arith.index_cast %add3A_191 : i32 to index
    %get3A_196 = arith.constant 16 : index
    %get3A_197 = tpu.vector_load %arg6[%get3A_195, %get3A_196] {strides = array<i32>} : memref<256x64xf32, #tpu.memory_space<vmem>>, vector<16xf32>,
    %get3A_198 = arith.index_cast %add3A_191 : i32 to index
    %get3A_199 = arith.constant 32 : index
    %get3A_200 = tpu.vector_load %arg6[%get3A_198, %get3A_199] {strides = array<i32>} : memref<256x64xf32, #tpu.memory_space<vmem>>, vector<16xf32>,
    %get3A_201 = arith.index_cast %add3A_191 : i32 to index
    %get3A_202 = arith.constant 48 : index
    %get3A_203 = tpu.vector_load %arg6[%get3A_201, %get3A_202] {strides = array<i32>} : memref<256x64xf32, #tpu.memory_space<vmem>>, vector<16xf32>,
    %mul3A_204 = arith.mulf %get3A_194, %get3A_3 : vector<16xf32>
    %mul3A_205 = arith.mulf %get3A_197, %get3A_5 : vector<16xf32>
    %add3A_206 = arith.addf %mul3A_204, %mul3A_205 : vector<16xf32>
    %mul3A_207 = arith.mulf %get3A_200, %get3A_7 : vector<16xf32>
    %add3A_208 = arith.addf %add3A_206, %mul3A_207 : vector<16xf32>
    %mul3A_209 = arith.mulf %get3A_203, %get3A_9 : vector<16xf32>
    %add3A_210 = arith.addf %add3A_208, %mul3A_209 : vector<16xf32>
    %mul3A_211 = arith.mulf %get3A_194, %get3A_194 : vector<16xf32>
    %mul3A_212 = arith.mulf %get3A_197, %get3A_197 : vector<16xf32>
    %add3A_213 = arith.addf %mul3A_211, %mul3A_212 : vector<16xf32>
    %mul3A_214 = arith.mulf %get3A_200, %get3A_200 : vector<16xf32>
    %add3A_215 = arith.addf %add3A_213, %mul3A_214 : vector<16xf32>
    %mul3A_216 = arith.mulf %get3A_203, %get3A_203 : vector<16xf32>
    %add3A_217 = arith.addf %add3A_215, %mul3A_216 : vector<16xf32>
    %eq3A_218 = arith.constant 3 : i32
    %eq3A_219 = vector.broadcast %eq3A_218 : i32 to vector<16xi32>
    %eq3A_220 = arith.cmpi eq, %iota3A, %eq3A_219 : vector<16xi32>
    %reduce_sum3A_221 = arith.constant true
    %reduce_sum3A_222 = vector.broadcast %reduce_sum3A_221 : i1 to vector<16xi1>
    %reduce_sum3A_223 = tpu.scan <sum>, %add3A_210 masked %reduce_sum3A_222 : vector<16xf32>, vector<16xi1> -> vector<16xf32>
    %reduce_sum3A_224 = vector.extract %reduce_sum3A_223[15] : f32 from vector<16xf32>
    %broadcast_in_dim3A_225 = vector.broadcast %reduce_sum3A_224 : f32 to vector<16xf32>
    %select_n3A_226 = arith.select %eq3A_220, %broadcast_in_dim3A_225, %select_n3A_178 : vector<16xi1>, vector<16xf32>
    %eq3A_227 = arith.constant 3 : i32
    %eq3A_228 = vector.broadcast %eq3A_227 : i32 to vector<16xi32>
    %eq3A_229 = arith.cmpi eq, %iota3A, %eq3A_228 : vector<16xi32>
    %reduce_sum3A_230 = arith.constant true
    %reduce_sum3A_231 = vector.broadcast %reduce_sum3A_230 : i1 to vector<16xi1>
    %reduce_sum3A_232 = tpu.scan <sum>, %add3A_217 masked %reduce_sum3A_231 : vector<16xf32>, vector<16xi1> -> vector<16xf32>
    %reduce_sum3A_233 = vector.extract %reduce_sum3A_232[15] : f32 from vector<16xf32>
    %broadcast_in_dim3A_234 = vector.broadcast %reduce_sum3A_233 : f32 to vector<16xf32>
    %select_n3A_235 = arith.select %eq3A_229, %broadcast_in_dim3A_234, %select_n3A_187 : vector<16xi1>, vector<16xf32>
    %mul3A_236 = arith.constant 16 : i32
    %mul3A_237 = arith.muli %scan3A_42, %mul3A_236 : i32
    %add3A_238 = arith.constant 4 : i32
    %add3A_239 = arith.addi %mul3A_237, %add3A_238 : i32
    %get3A_240 = arith.index_cast %add3A_239 : i32 to index
    %get3A_241 = arith.constant 0 : index
    %get3A_242 = tpu.vector_load %arg6[%get3A_240, %get3A_241] {strides = array<i32>} : memref<256x64xf32, #tpu.memory_space<vmem>>, vector<16xf32>,
    %get3A_243 = arith.index_cast %add3A_239 : i32 to index
    %get3A_244 = arith.constant 16 : index
    %get3A_245 = tpu.vector_load %arg6[%get3A_243, %get3A_244] {strides = array<i32>} : memref<256x64xf32, #tpu.memory_space<vmem>>, vector<16xf32>,
    %get3A_246 = arith.index_cast %add3A_239 : i32 to index
    %get3A_247 = arith.constant 32 : index
    %get3A_248 = tpu.vector_load %arg6[%get3A_246, %get3A_247] {strides = array<i32>} : memref<256x64xf32, #tpu.memory_space<vmem>>, vector<16xf32>,
    %get3A_249 = arith.index_cast %add3A_239 : i32 to index
    %get3A_250 = arith.constant 48 : index
    %get3A_251 = tpu.vector_load %arg6[%get3A_249, %get3A_250] {strides = array<i32>} : memref<256x64xf32, #tpu.memory_space<vmem>>, vector<16xf32>,
    %mul3A_252 = arith.mulf %get3A_242, %get3A_3 : vector<16xf32>
    %mul3A_253 = arith.mulf %get3A_245, %get3A_5 : vector<16xf32>
    %add3A_254 = arith.addf %mul3A_252, %mul3A_253 : vector<16xf32>
    %mul3A_255 = arith.mulf %get3A_248, %get3A_7 : vector<16xf32>
    %add3A_256 = arith.addf %add3A_254, %mul3A_255 : vector<16xf32>
    %mul3A_257 = arith.mulf %get3A_251, %get3A_9 : vector<16xf32>
    %add3A_258 = arith.addf %add3A_256, %mul3A_257 : vector<16xf32>
    %mul3A_259 = arith.mulf %get3A_242, %get3A_242 : vector<16xf32>
    %mul3A_260 = arith.mulf %get3A_245, %get3A_245 : vector<16xf32>
    %add3A_261 = arith.addf %mul3A_259, %mul3A_260 : vector<16xf32>
    %mul3A_262 = arith.mulf %get3A_248, %get3A_248 : vector<16xf32>
    %add3A_263 = arith.addf %add3A_261, %mul3A_262 : vector<16xf32>
    %mul3A_264 = arith.mulf %get3A_251, %get3A_251 : vector<16xf32>
    %add3A_265 = arith.addf %add3A_263, %mul3A_264 : vector<16xf32>
    %eq3A_266 = arith.constant 4 : i32
    %eq3A_267 = vector.broadcast %eq3A_266 : i32 to vector<16xi32>
    %eq3A_268 = arith.cmpi eq, %iota3A, %eq3A_267 : vector<16xi32>
    %reduce_sum3A_269 = arith.constant true
    %reduce_sum3A_270 = vector.broadcast %reduce_sum3A_269 : i1 to vector<16xi1>
    %reduce_sum3A_271 = tpu.scan <sum>, %add3A_258 masked %reduce_sum3A_270 : vector<16xf32>, vector<16xi1> -> vector<16xf32>
    %reduce_sum3A_272 = vector.extract %reduce_sum3A_271[15] : f32 from vector<16xf32>
    %broadcast_in_dim3A_273 = vector.broadcast %reduce_sum3A_272 : f32 to vector<16xf32>
    %select_n3A_274 = arith.select %eq3A_268, %broadcast_in_dim3A_273, %select_n3A_226 : vector<16xi1>, vector<16xf32>
    %eq3A_275 = arith.constant 4 : i32
    %eq3A_276 = vector.broadcast %eq3A_275 : i32 to vector<16xi32>
    %eq3A_277 = arith.cmpi eq, %iota3A, %eq3A_276 : vector<16xi32>
    %reduce_sum3A_278 = arith.constant true
    %reduce_sum3A_279 = vector.broadcast %reduce_sum3A_278 : i1 to vector<16xi1>
    %reduce_sum3A_280 = tpu.scan <sum>, %add3A_265 masked %reduce_sum3A_279 : vector<16xf32>, vector<16xi1> -> vector<16xf32>
    %reduce_sum3A_281 = vector.extract %reduce_sum3A_280[15] : f32 from vector<16xf32>
    %broadcast_in_dim3A_282 = vector.broadcast %reduce_sum3A_281 : f32 to vector<16xf32>
    %select_n3A_283 = arith.select %eq3A_277, %broadcast_in_dim3A_282, %select_n3A_235 : vector<16xi1>, vector<16xf32>
    %mul3A_284 = arith.constant 16 : i32
    %mul3A_285 = arith.muli %scan3A_42, %mul3A_284 : i32
    %add3A_286 = arith.constant 5 : i32
    %add3A_287 = arith.addi %mul3A_285, %add3A_286 : i32
    %get3A_288 = arith.index_cast %add3A_287 : i32 to index
    %get3A_289 = arith.constant 0 : index
    %get3A_290 = tpu.vector_load %arg6[%get3A_288, %get3A_289] {strides = array<i32>} : memref<256x64xf32, #tpu.memory_space<vmem>>, vector<16xf32>,
    %get3A_291 = arith.index_cast %add3A_287 : i32 to index
    %get3A_292 = arith.constant 16 : index
    %get3A_293 = tpu.vector_load %arg6[%get3A_291, %get3A_292] {strides = array<i32>} : memref<256x64xf32, #tpu.memory_space<vmem>>, vector<16xf32>,
    %get3A_294 = arith.index_cast %add3A_287 : i32 to index
    %get3A_295 = arith.constant 32 : index
    %get3A_296 = tpu.vector_load %arg6[%get3A_294, %get3A_295] {strides = array<i32>} : memref<256x64xf32, #tpu.memory_space<vmem>>, vector<16xf32>,
    %get3A_297 = arith.index_cast %add3A_287 : i32 to index
    %get3A_298 = arith.constant 48 : index
    %get3A_299 = tpu.vector_load %arg6[%get3A_297, %get3A_298] {strides = array<i32>} : memref<256x64xf32, #tpu.memory_space<vmem>>, vector<16xf32>,
    %mul3A_300 = arith.mulf %get3A_290, %get3A_3 : vector<16xf32>
    %mul3A_301 = arith.mulf %get3A_293, %get3A_5 : vector<16xf32>
    %add3A_302 = arith.addf %mul3A_300, %mul3A_301 : vector<16xf32>
    %mul3A_303 = arith.mulf %get3A_296, %get3A_7 : vector<16xf32>
    %add3A_304 = arith.addf %add3A_302, %mul3A_303 : vector<16xf32>
    %mul3A_305 = arith.mulf %get3A_299, %get3A_9 : vector<16xf32>
    %add3A_306 = arith.addf %add3A_304, %mul3A_305 : vector<16xf32>
    %mul3A_307 = arith.mulf %get3A_290, %get3A_290 : vector<16xf32>
    %mul3A_308 = arith.mulf %get3A_293, %get3A_293 : vector<16xf32>
    %add3A_309 = arith.addf %mul3A_307, %mul3A_308 : vector<16xf32>
    %mul3A_310 = arith.mulf %get3A_296, %get3A_296 : vector<16xf32>
    %add3A_311 = arith.addf %add3A_309, %mul3A_310 : vector<16xf32>
    %mul3A_312 = arith.mulf %get3A_299, %get3A_299 : vector<16xf32>
    %add3A_313 = arith.addf %add3A_311, %mul3A_312 : vector<16xf32>
    %eq3A_314 = arith.constant 5 : i32
    %eq3A_315 = vector.broadcast %eq3A_314 : i32 to vector<16xi32>
    %eq3A_316 = arith.cmpi eq, %iota3A, %eq3A_315 : vector<16xi32>
    %reduce_sum3A_317 = arith.constant true
    %reduce_sum3A_318 = vector.broadcast %reduce_sum3A_317 : i1 to vector<16xi1>
    %reduce_sum3A_319 = tpu.scan <sum>, %add3A_306 masked %reduce_sum3A_318 : vector<16xf32>, vector<16xi1> -> vector<16xf32>
    %reduce_sum3A_320 = vector.extract %reduce_sum3A_319[15] : f32 from vector<16xf32>
    %broadcast_in_dim3A_321 = vector.broadcast %reduce_sum3A_320 : f32 to vector<16xf32>
    %select_n3A_322 = arith.select %eq3A_316, %broadcast_in_dim3A_321, %select_n3A_274 : vector<16xi1>, vector<16xf32>
    %eq3A_323 = arith.constant 5 : i32
    %eq3A_324 = vector.broadcast %eq3A_323 : i32 to vector<16xi32>
    %eq3A_325 = arith.cmpi eq, %iota3A, %eq3A_324 : vector<16xi32>
    %reduce_sum3A_326 = arith.constant true
    %reduce_sum3A_327 = vector.broadcast %reduce_sum3A_326 : i1 to vector<16xi1>
    %reduce_sum3A_328 = tpu.scan <sum>, %add3A_313 masked %reduce_sum3A_327 : vector<16xf32>, vector<16xi1> -> vector<16xf32>
    %reduce_sum3A_329 = vector.extract %reduce_sum3A_328[15] : f32 from vector<16xf32>
    %broadcast_in_dim3A_330 = vector.broadcast %reduce_sum3A_329 : f32 to vector<16xf32>
    %select_n3A_331 = arith.select %eq3A_325, %broadcast_in_dim3A_330, %select_n3A_283 : vector<16xi1>, vector<16xf32>
    %mul3A_332 = arith.constant 16 : i32
    %mul3A_333 = arith.muli %scan3A_42, %mul3A_332 : i32
    %add3A_334 = arith.constant 6 : i32
    %add3A_335 = arith.addi %mul3A_333, %add3A_334 : i32
    %get3A_336 = arith.index_cast %add3A_335 : i32 to index
    %get3A_337 = arith.constant 0 : index
    %get3A_338 = tpu.vector_load %arg6[%get3A_336, %get3A_337] {strides = array<i32>} : memref<256x64xf32, #tpu.memory_space<vmem>>, vector<16xf32>,
    %get3A_339 = arith.index_cast %add3A_335 : i32 to index
    %get3A_340 = arith.constant 16 : index
    %get3A_341 = tpu.vector_load %arg6[%get3A_339, %get3A_340] {strides = array<i32>} : memref<256x64xf32, #tpu.memory_space<vmem>>, vector<16xf32>,
    %get3A_342 = arith.index_cast %add3A_335 : i32 to index
    %get3A_343 = arith.constant 32 : index
    %get3A_344 = tpu.vector_load %arg6[%get3A_342, %get3A_343] {strides = array<i32>} : memref<256x64xf32, #tpu.memory_space<vmem>>, vector<16xf32>,
    %get3A_345 = arith.index_cast %add3A_335 : i32 to index
    %get3A_346 = arith.constant 48 : index
    %get3A_347 = tpu.vector_load %arg6[%get3A_345, %get3A_346] {strides = array<i32>} : memref<256x64xf32, #tpu.memory_space<vmem>>, vector<16xf32>,
    %mul3A_348 = arith.mulf %get3A_338, %get3A_3 : vector<16xf32>
    %mul3A_349 = arith.mulf %get3A_341, %get3A_5 : vector<16xf32>
    %add3A_350 = arith.addf %mul3A_348, %mul3A_349 : vector<16xf32>
    %mul3A_351 = arith.mulf %get3A_344, %get3A_7 : vector<16xf32>
    %add3A_352 = arith.addf %add3A_350, %mul3A_351 : vector<16xf32>
    %mul3A_353 = arith.mulf %get3A_347, %get3A_9 : vector<16xf32>
    %add3A_354 = arith.addf %add3A_352, %mul3A_353 : vector<16xf32>
    %mul3A_355 = arith.mulf %get3A_338, %get3A_338 : vector<16xf32>
    %mul3A_356 = arith.mulf %get3A_341, %get3A_341 : vector<16xf32>
    %add3A_357 = arith.addf %mul3A_355, %mul3A_356 : vector<16xf32>
    %mul3A_358 = arith.mulf %get3A_344, %get3A_344 : vector<16xf32>
    %add3A_359 = arith.addf %add3A_357, %mul3A_358 : vector<16xf32>
    %mul3A_360 = arith.mulf %get3A_347, %get3A_347 : vector<16xf32>
    %add3A_361 = arith.addf %add3A_359, %mul3A_360 : vector<16xf32>
    %eq3A_362 = arith.constant 6 : i32
    %eq3A_363 = vector.broadcast %eq3A_362 : i32 to vector<16xi32>
    %eq3A_364 = arith.cmpi eq, %iota3A, %eq3A_363 : vector<16xi32>
    %reduce_sum3A_365 = arith.constant true
    %reduce_sum3A_366 = vector.broadcast %reduce_sum3A_365 : i1 to vector<16xi1>
    %reduce_sum3A_367 = tpu.scan <sum>, %add3A_354 masked %reduce_sum3A_366 : vector<16xf32>, vector<16xi1> -> vector<16xf32>
    %reduce_sum3A_368 = vector.extract %reduce_sum3A_367[15] : f32 from vector<16xf32>
    %broadcast_in_dim3A_369 = vector.broadcast %reduce_sum3A_368 : f32 to vector<16xf32>
    %select_n3A_370 = arith.select %eq3A_364, %broadcast_in_dim3A_369, %select_n3A_322 : vector<16xi1>, vector<16xf32>
    %eq3A_371 = arith.constant 6 : i32
    %eq3A_372 = vector.broadcast %eq3A_371 : i32 to vector<16xi32>
    %eq3A_373 = arith.cmpi eq, %iota3A, %eq3A_372 : vector<16xi32>
    %reduce_sum3A_374 = arith.constant true
    %reduce_sum3A_375 = vector.broadcast %reduce_sum3A_374 : i1 to vector<16xi1>
    %reduce_sum3A_376 = tpu.scan <sum>, %add3A_361 masked %reduce_sum3A_375 : vector<16xf32>, vector<16xi1> -> vector<16xf32>
    %reduce_sum3A_377 = vector.extract %reduce_sum3A_376[15] : f32 from vector<16xf32>
    %broadcast_in_dim3A_378 = vector.broadcast %reduce_sum3A_377 : f32 to vector<16xf32>
    %select_n3A_379 = arith.select %eq3A_373, %broadcast_in_dim3A_378, %select_n3A_331 : vector<16xi1>, vector<16xf32>
    %mul3A_380 = arith.constant 16 : i32
    %mul3A_381 = arith.muli %scan3A_42, %mul3A_380 : i32
    %add3A_382 = arith.constant 7 : i32
    %add3A_383 = arith.addi %mul3A_381, %add3A_382 : i32
    %get3A_384 = arith.index_cast %add3A_383 : i32 to index
    %get3A_385 = arith.constant 0 : index
    %get3A_386 = tpu.vector_load %arg6[%get3A_384, %get3A_385] {strides = array<i32>} : memref<256x64xf32, #tpu.memory_space<vmem>>, vector<16xf32>,
    %get3A_387 = arith.index_cast %add3A_383 : i32 to index
    %get3A_388 = arith.constant 16 : index
    %get3A_389 = tpu.vector_load %arg6[%get3A_387, %get3A_388] {strides = array<i32>} : memref<256x64xf32, #tpu.memory_space<vmem>>, vector<16xf32>,
    %get3A_390 = arith.index_cast %add3A_383 : i32 to index
    %get3A_391 = arith.constant 32 : index
    %get3A_392 = tpu.vector_load %arg6[%get3A_390, %get3A_391] {strides = array<i32>} : memref<256x64xf32, #tpu.memory_space<vmem>>, vector<16xf32>,
    %get3A_393 = arith.index_cast %add3A_383 : i32 to index
    %get3A_394 = arith.constant 48 : index
    %get3A_395 = tpu.vector_load %arg6[%get3A_393, %get3A_394] {strides = array<i32>} : memref<256x64xf32, #tpu.memory_space<vmem>>, vector<16xf32>,
    %mul3A_396 = arith.mulf %get3A_386, %get3A_3 : vector<16xf32>
    %mul3A_397 = arith.mulf %get3A_389, %get3A_5 : vector<16xf32>
    %add3A_398 = arith.addf %mul3A_396, %mul3A_397 : vector<16xf32>
    %mul3A_399 = arith.mulf %get3A_392, %get3A_7 : vector<16xf32>
    %add3A_400 = arith.addf %add3A_398, %mul3A_399 : vector<16xf32>
    %mul3A_401 = arith.mulf %get3A_395, %get3A_9 : vector<16xf32>
    %add3A_402 = arith.addf %add3A_400, %mul3A_401 : vector<16xf32>
    %mul3A_403 = arith.mulf %get3A_386, %get3A_386 : vector<16xf32>
    %mul3A_404 = arith.mulf %get3A_389, %get3A_389 : vector<16xf32>
    %add3A_405 = arith.addf %mul3A_403, %mul3A_404 : vector<16xf32>
    %mul3A_406 = arith.mulf %get3A_392, %get3A_392 : vector<16xf32>
    %add3A_407 = arith.addf %add3A_405, %mul3A_406 : vector<16xf32>
    %mul3A_408 = arith.mulf %get3A_395, %get3A_395 : vector<16xf32>
    %add3A_409 = arith.addf %add3A_407, %mul3A_408 : vector<16xf32>
    %eq3A_410 = arith.constant 7 : i32
    %eq3A_411 = vector.broadcast %eq3A_410 : i32 to vector<16xi32>
    %eq3A_412 = arith.cmpi eq, %iota3A, %eq3A_411 : vector<16xi32>
    %reduce_sum3A_413 = arith.constant true
    %reduce_sum3A_414 = vector.broadcast %reduce_sum3A_413 : i1 to vector<16xi1>
    %reduce_sum3A_415 = tpu.scan <sum>, %add3A_402 masked %reduce_sum3A_414 : vector<16xf32>, vector<16xi1> -> vector<16xf32>
    %reduce_sum3A_416 = vector.extract %reduce_sum3A_415[15] : f32 from vector<16xf32>
    %broadcast_in_dim3A_417 = vector.broadcast %reduce_sum3A_416 : f32 to vector<16xf32>
    %select_n3A_418 = arith.select %eq3A_412, %broadcast_in_dim3A_417, %select_n3A_370 : vector<16xi1>, vector<16xf32>
    %eq3A_419 = arith.constant 7 : i32
    %eq3A_420 = vector.broadcast %eq3A_419 : i32 to vector<16xi32>
    %eq3A_421 = arith.cmpi eq, %iota3A, %eq3A_420 : vector<16xi32>
    %reduce_sum3A_422 = arith.constant true
    %reduce_sum3A_423 = vector.broadcast %reduce_sum3A_422 : i1 to vector<16xi1>
    %reduce_sum3A_424 = tpu.scan <sum>, %add3A_409 masked %reduce_sum3A_423 : vector<16xf32>, vector<16xi1> -> vector<16xf32>
    %reduce_sum3A_425 = vector.extract %reduce_sum3A_424[15] : f32 from vector<16xf32>
    %broadcast_in_dim3A_426 = vector.broadcast %reduce_sum3A_425 : f32 to vector<16xf32>
    %select_n3A_427 = arith.select %eq3A_421, %broadcast_in_dim3A_426, %select_n3A_379 : vector<16xi1>, vector<16xf32>
    %mul3A_428 = arith.constant 16 : i32
    %mul3A_429 = arith.muli %scan3A_42, %mul3A_428 : i32
    %add3A_430 = arith.constant 8 : i32
    %add3A_431 = arith.addi %mul3A_429, %add3A_430 : i32
    %get3A_432 = arith.index_cast %add3A_431 : i32 to index
    %get3A_433 = arith.constant 0 : index
    %get3A_434 = tpu.vector_load %arg6[%get3A_432, %get3A_433] {strides = array<i32>} : memref<256x64xf32, #tpu.memory_space<vmem>>, vector<16xf32>,
    %get3A_435 = arith.index_cast %add3A_431 : i32 to index
    %get3A_436 = arith.constant 16 : index
    %get3A_437 = tpu.vector_load %arg6[%get3A_435, %get3A_436] {strides = array<i32>} : memref<256x64xf32, #tpu.memory_space<vmem>>, vector<16xf32>,
    %get3A_438 = arith.index_cast %add3A_431 : i32 to index
    %get3A_439 = arith.constant 32 : index
    %get3A_440 = tpu.vector_load %arg6[%get3A_438, %get3A_439] {strides = array<i32>} : memref<256x64xf32, #tpu.memory_space<vmem>>, vector<16xf32>,
    %get3A_441 = arith.index_cast %add3A_431 : i32 to index
    %get3A_442 = arith.constant 48 : index
    %get3A_443 = tpu.vector_load %arg6[%get3A_441, %get3A_442] {strides = array<i32>} : memref<256x64xf32, #tpu.memory_space<vmem>>, vector<16xf32>,
    %mul3A_444 = arith.mulf %get3A_434, %get3A_3 : vector<16xf32>
    %mul3A_445 = arith.mulf %get3A_437, %get3A_5 : vector<16xf32>
    %add3A_446 = arith.addf %mul3A_444, %mul3A_445 : vector<16xf32>
    %mul3A_447 = arith.mulf %get3A_440, %get3A_7 : vector<16xf32>
    %add3A_448 = arith.addf %add3A_446, %mul3A_447 : vector<16xf32>
    %mul3A_449 = arith.mulf %get3A_443, %get3A_9 : vector<16xf32>
    %add3A_450 = arith.addf %add3A_448, %mul3A_449 : vector<16xf32>
    %mul3A_451 = arith.mulf %get3A_434, %get3A_434 : vector<16xf32>
    %mul3A_452 = arith.mulf %get3A_437, %get3A_437 : vector<16xf32>
    %add3A_453 = arith.addf %mul3A_451, %mul3A_452 : vector<16xf32>
    %mul3A_454 = arith.mulf %get3A_440, %get3A_440 : vector<16xf32>
    %add3A_455 = arith.addf %add3A_453, %mul3A_454 : vector<16xf32>
    %mul3A_456 = arith.mulf %get3A_443, %get3A_443 : vector<16xf32>
    %add3A_457 = arith.addf %add3A_455, %mul3A_456 : vector<16xf32>
    %eq3A_458 = arith.constant 8 : i32
    %eq3A_459 = vector.broadcast %eq3A_458 : i32 to vector<16xi32>
    %eq3A_460 = arith.cmpi eq, %iota3A, %eq3A_459 : vector<16xi32>
    %reduce_sum3A_461 = arith.constant true
    %reduce_sum3A_462 = vector.broadcast %reduce_sum3A_461 : i1 to vector<16xi1>
    %reduce_sum3A_463 = tpu.scan <sum>, %add3A_450 masked %reduce_sum3A_462 : vector<16xf32>, vector<16xi1> -> vector<16xf32>
    %reduce_sum3A_464 = vector.extract %reduce_sum3A_463[15] : f32 from vector<16xf32>
    %broadcast_in_dim3A_465 = vector.broadcast %reduce_sum3A_464 : f32 to vector<16xf32>
    %select_n3A_466 = arith.select %eq3A_460, %broadcast_in_dim3A_465, %select_n3A_418 : vector<16xi1>, vector<16xf32>
    %eq3A_467 = arith.constant 8 : i32
    %eq3A_468 = vector.broadcast %eq3A_467 : i32 to vector<16xi32>
    %eq3A_469 = arith.cmpi eq, %iota3A, %eq3A_468 : vector<16xi32>
    %reduce_sum3A_470 = arith.constant true
    %reduce_sum3A_471 = vector.broadcast %reduce_sum3A_470 : i1 to vector<16xi1>
    %reduce_sum3A_472 = tpu.scan <sum>, %add3A_457 masked %reduce_sum3A_471 : vector<16xf32>, vector<16xi1> -> vector<16xf32>
    %reduce_sum3A_473 = vector.extract %reduce_sum3A_472[15] : f32 from vector<16xf32>
    %broadcast_in_dim3A_474 = vector.broadcast %reduce_sum3A_473 : f32 to vector<16xf32>
    %select_n3A_475 = arith.select %eq3A_469, %broadcast_in_dim3A_474, %select_n3A_427 : vector<16xi1>, vector<16xf32>
    %mul3A_476 = arith.constant 16 : i32
    %mul3A_477 = arith.muli %scan3A_42, %mul3A_476 : i32
    %add3A_478 = arith.constant 9 : i32
    %add3A_479 = arith.addi %mul3A_477, %add3A_478 : i32
    %get3A_480 = arith.index_cast %add3A_479 : i32 to index
    %get3A_481 = arith.constant 0 : index
    %get3A_482 = tpu.vector_load %arg6[%get3A_480, %get3A_481] {strides = array<i32>} : memref<256x64xf32, #tpu.memory_space<vmem>>, vector<16xf32>,
    %get3A_483 = arith.index_cast %add3A_479 : i32 to index
    %get3A_484 = arith.constant 16 : index
    %get3A_485 = tpu.vector_load %arg6[%get3A_483, %get3A_484] {strides = array<i32>} : memref<256x64xf32, #tpu.memory_space<vmem>>, vector<16xf32>,
    %get3A_486 = arith.index_cast %add3A_479 : i32 to index
    %get3A_487 = arith.constant 32 : index
    %get3A_488 = tpu.vector_load %arg6[%get3A_486, %get3A_487] {strides = array<i32>} : memref<256x64xf32, #tpu.memory_space<vmem>>, vector<16xf32>,
    %get3A_489 = arith.index_cast %add3A_479 : i32 to index
    %get3A_490 = arith.constant 48 : index
    %get3A_491 = tpu.vector_load %arg6[%get3A_489, %get3A_490] {strides = array<i32>} : memref<256x64xf32, #tpu.memory_space<vmem>>, vector<16xf32>,
    %mul3A_492 = arith.mulf %get3A_482, %get3A_3 : vector<16xf32>
    %mul3A_493 = arith.mulf %get3A_485, %get3A_5 : vector<16xf32>
    %add3A_494 = arith.addf %mul3A_492, %mul3A_493 : vector<16xf32>
    %mul3A_495 = arith.mulf %get3A_488, %get3A_7 : vector<16xf32>
    %add3A_496 = arith.addf %add3A_494, %mul3A_495 : vector<16xf32>
    %mul3A_497 = arith.mulf %get3A_491, %get3A_9 : vector<16xf32>
    %add3A_498 = arith.addf %add3A_496, %mul3A_497 : vector<16xf32>
    %mul3A_499 = arith.mulf %get3A_482, %get3A_482 : vector<16xf32>
    %mul3A_500 = arith.mulf %get3A_485, %get3A_485 : vector<16xf32>
    %add3A_501 = arith.addf %mul3A_499, %mul3A_500 : vector<16xf32>
    %mul3A_502 = arith.mulf %get3A_488, %get3A_488 : vector<16xf32>
    %add3A_503 = arith.addf %add3A_501, %mul3A_502 : vector<16xf32>
    %mul3A_504 = arith.mulf %get3A_491, %get3A_491 : vector<16xf32>
    %add3A_505 = arith.addf %add3A_503, %mul3A_504 : vector<16xf32>
    %eq3A_506 = arith.constant 9 : i32
    %eq3A_507 = vector.broadcast %eq3A_506 : i32 to vector<16xi32>
    %eq3A_508 = arith.cmpi eq, %iota3A, %eq3A_507 : vector<16xi32>
    %reduce_sum3A_509 = arith.constant true
    %reduce_sum3A_510 = vector.broadcast %reduce_sum3A_509 : i1 to vector<16xi1>
    %reduce_sum3A_511 = tpu.scan <sum>, %add3A_498 masked %reduce_sum3A_510 : vector<16xf32>, vector<16xi1> -> vector<16xf32>
    %reduce_sum3A_512 = vector.extract %reduce_sum3A_511[15] : f32 from vector<16xf32>
    %broadcast_in_dim3A_513 = vector.broadcast %reduce_sum3A_512 : f32 to vector<16xf32>
    %select_n3A_514 = arith.select %eq3A_508, %broadcast_in_dim3A_513, %select_n3A_466 : vector<16xi1>, vector<16xf32>
    %eq3A_515 = arith.constant 9 : i32
    %eq3A_516 = vector.broadcast %eq3A_515 : i32 to vector<16xi32>
    %eq3A_517 = arith.cmpi eq, %iota3A, %eq3A_516 : vector<16xi32>
    %reduce_sum3A_518 = arith.constant true
    %reduce_sum3A_519 = vector.broadcast %reduce_sum3A_518 : i1 to vector<16xi1>
    %reduce_sum3A_520 = tpu.scan <sum>, %add3A_505 masked %reduce_sum3A_519 : vector<16xf32>, vector<16xi1> -> vector<16xf32>
    %reduce_sum3A_521 = vector.extract %reduce_sum3A_520[15] : f32 from vector<16xf32>
    %broadcast_in_dim3A_522 = vector.broadcast %reduce_sum3A_521 : f32 to vector<16xf32>
    %select_n3A_523 = arith.select %eq3A_517, %broadcast_in_dim3A_522, %select_n3A_475 : vector<16xi1>, vector<16xf32>
    %mul3A_524 = arith.constant 16 : i32
    %mul3A_525 = arith.muli %scan3A_42, %mul3A_524 : i32
    %add3A_526 = arith.constant 10 : i32
    %add3A_527 = arith.addi %mul3A_525, %add3A_526 : i32
    %get3A_528 = arith.index_cast %add3A_527 : i32 to index
    %get3A_529 = arith.constant 0 : index
    %get3A_530 = tpu.vector_load %arg6[%get3A_528, %get3A_529] {strides = array<i32>} : memref<256x64xf32, #tpu.memory_space<vmem>>, vector<16xf32>,
    %get3A_531 = arith.index_cast %add3A_527 : i32 to index
    %get3A_532 = arith.constant 16 : index
    %get3A_533 = tpu.vector_load %arg6[%get3A_531, %get3A_532] {strides = array<i32>} : memref<256x64xf32, #tpu.memory_space<vmem>>, vector<16xf32>,
    %get3A_534 = arith.index_cast %add3A_527 : i32 to index
    %get3A_535 = arith.constant 32 : index
    %get3A_536 = tpu.vector_load %arg6[%get3A_534, %get3A_535] {strides = array<i32>} : memref<256x64xf32, #tpu.memory_space<vmem>>, vector<16xf32>,
    %get3A_537 = arith.index_cast %add3A_527 : i32 to index
    %get3A_538 = arith.constant 48 : index
    %get3A_539 = tpu.vector_load %arg6[%get3A_537, %get3A_538] {strides = array<i32>} : memref<256x64xf32, #tpu.memory_space<vmem>>, vector<16xf32>,
    %mul3A_540 = arith.mulf %get3A_530, %get3A_3 : vector<16xf32>
    %mul3A_541 = arith.mulf %get3A_533, %get3A_5 : vector<16xf32>
    %add3A_542 = arith.addf %mul3A_540, %mul3A_541 : vector<16xf32>
    %mul3A_543 = arith.mulf %get3A_536, %get3A_7 : vector<16xf32>
    %add3A_544 = arith.addf %add3A_542, %mul3A_543 : vector<16xf32>
    %mul3A_545 = arith.mulf %get3A_539, %get3A_9 : vector<16xf32>
    %add3A_546 = arith.addf %add3A_544, %mul3A_545 : vector<16xf32>
    %mul3A_547 = arith.mulf %get3A_530, %get3A_530 : vector<16xf32>
    %mul3A_548 = arith.mulf %get3A_533, %get3A_533 : vector<16xf32>
    %add3A_549 = arith.addf %mul3A_547, %mul3A_548 : vector<16xf32>
    %mul3A_550 = arith.mulf %get3A_536, %get3A_536 : vector<16xf32>
    %add3A_551 = arith.addf %add3A_549, %mul3A_550 : vector<16xf32>
    %mul3A_552 = arith.mulf %get3A_539, %get3A_539 : vector<16xf32>
    %add3A_553 = arith.addf %add3A_551, %mul3A_552 : vector<16xf32>
    %eq3A_554 = arith.constant 10 : i32
    %eq3A_555 = vector.broadcast %eq3A_554 : i32 to vector<16xi32>
    %eq3A_556 = arith.cmpi eq, %iota3A, %eq3A_555 : vector<16xi32>
    %reduce_sum3A_557 = arith.constant true
    %reduce_sum3A_558 = vector.broadcast %reduce_sum3A_557 : i1 to vector<16xi1>
    %reduce_sum3A_559 = tpu.scan <sum>, %add3A_546 masked %reduce_sum3A_558 : vector<16xf32>, vector<16xi1> -> vector<16xf32>
    %reduce_sum3A_560 = vector.extract %reduce_sum3A_559[15] : f32 from vector<16xf32>
    %broadcast_in_dim3A_561 = vector.broadcast %reduce_sum3A_560 : f32 to vector<16xf32>
    %select_n3A_562 = arith.select %eq3A_556, %broadcast_in_dim3A_561, %select_n3A_514 : vector<16xi1>, vector<16xf32>
    %eq3A_563 = arith.constant 10 : i32
    %eq3A_564 = vector.broadcast %eq3A_563 : i32 to vector<16xi32>
    %eq3A_565 = arith.cmpi eq, %iota3A, %eq3A_564 : vector<16xi32>
    %reduce_sum3A_566 = arith.constant true
    %reduce_sum3A_567 = vector.broadcast %reduce_sum3A_566 : i1 to vector<16xi1>
    %reduce_sum3A_568 = tpu.scan <sum>, %add3A_553 masked %reduce_sum3A_567 : vector<16xf32>, vector<16xi1> -> vector<16xf32>
    %reduce_sum3A_569 = vector.extract %reduce_sum3A_568[15] : f32 from vector<16xf32>
    %broadcast_in_dim3A_570 = vector.broadcast %reduce_sum3A_569 : f32 to vector<16xf32>
    %select_n3A_571 = arith.select %eq3A_565, %broadcast_in_dim3A_570, %select_n3A_523 : vector<16xi1>, vector<16xf32>
    %mul3A_572 = arith.constant 16 : i32
    %mul3A_573 = arith.muli %scan3A_42, %mul3A_572 : i32
    %add3A_574 = arith.constant 11 : i32
    %add3A_575 = arith.addi %mul3A_573, %add3A_574 : i32
    %get3A_576 = arith.index_cast %add3A_575 : i32 to index
    %get3A_577 = arith.constant 0 : index
    %get3A_578 = tpu.vector_load %arg6[%get3A_576, %get3A_577] {strides = array<i32>} : memref<256x64xf32, #tpu.memory_space<vmem>>, vector<16xf32>,
    %get3A_579 = arith.index_cast %add3A_575 : i32 to index
    %get3A_580 = arith.constant 16 : index
    %get3A_581 = tpu.vector_load %arg6[%get3A_579, %get3A_580] {strides = array<i32>} : memref<256x64xf32, #tpu.memory_space<vmem>>, vector<16xf32>,
    %get3A_582 = arith.index_cast %add3A_575 : i32 to index
    %get3A_583 = arith.constant 32 : index
    %get3A_584 = tpu.vector_load %arg6[%get3A_582, %get3A_583] {strides = array<i32>} : memref<256x64xf32, #tpu.memory_space<vmem>>, vector<16xf32>,
    %get3A_585 = arith.index_cast %add3A_575 : i32 to index
    %get3A_586 = arith.constant 48 : index
    %get3A_587 = tpu.vector_load %arg6[%get3A_585, %get3A_586] {strides = array<i32>} : memref<256x64xf32, #tpu.memory_space<vmem>>, vector<16xf32>,
    %mul3A_588 = arith.mulf %get3A_578, %get3A_3 : vector<16xf32>
    %mul3A_589 = arith.mulf %get3A_581, %get3A_5 : vector<16xf32>
    %add3A_590 = arith.addf %mul3A_588, %mul3A_589 : vector<16xf32>
    %mul3A_591 = arith.mulf %get3A_584, %get3A_7 : vector<16xf32>
    %add3A_592 = arith.addf %add3A_590, %mul3A_591 : vector<16xf32>
    %mul3A_593 = arith.mulf %get3A_587, %get3A_9 : vector<16xf32>
    %add3A_594 = arith.addf %add3A_592, %mul3A_593 : vector<16xf32>
    %mul3A_595 = arith.mulf %get3A_578, %get3A_578 : vector<16xf32>
    %mul3A_596 = arith.mulf %get3A_581, %get3A_581 : vector<16xf32>
    %add3A_597 = arith.addf %mul3A_595, %mul3A_596 : vector<16xf32>
    %mul3A_598 = arith.mulf %get3A_584, %get3A_584 : vector<16xf32>
    %add3A_599 = arith.addf %add3A_597, %mul3A_598 : vector<16xf32>
    %mul3A_600 = arith.mulf %get3A_587, %get3A_587 : vector<16xf32>
    %add3A_601 = arith.addf %add3A_599, %mul3A_600 : vector<16xf32>
    %eq3A_602 = arith.constant 11 : i32
    %eq3A_603 = vector.broadcast %eq3A_602 : i32 to vector<16xi32>
    %eq3A_604 = arith.cmpi eq, %iota3A, %eq3A_603 : vector<16xi32>
    %reduce_sum3A_605 = arith.constant true
    %reduce_sum3A_606 = vector.broadcast %reduce_sum3A_605 : i1 to vector<16xi1>
    %reduce_sum3A_607 = tpu.scan <sum>, %add3A_594 masked %reduce_sum3A_606 : vector<16xf32>, vector<16xi1> -> vector<16xf32>
    %reduce_sum3A_608 = vector.extract %reduce_sum3A_607[15] : f32 from vector<16xf32>
    %broadcast_in_dim3A_609 = vector.broadcast %reduce_sum3A_608 : f32 to vector<16xf32>
    %select_n3A_610 = arith.select %eq3A_604, %broadcast_in_dim3A_609, %select_n3A_562 : vector<16xi1>, vector<16xf32>
    %eq3A_611 = arith.constant 11 : i32
    %eq3A_612 = vector.broadcast %eq3A_611 : i32 to vector<16xi32>
    %eq3A_613 = arith.cmpi eq, %iota3A, %eq3A_612 : vector<16xi32>
    %reduce_sum3A_614 = arith.constant true
    %reduce_sum3A_615 = vector.broadcast %reduce_sum3A_614 : i1 to vector<16xi1>
    %reduce_sum3A_616 = tpu.scan <sum>, %add3A_601 masked %reduce_sum3A_615 : vector<16xf32>, vector<16xi1> -> vector<16xf32>
    %reduce_sum3A_617 = vector.extract %reduce_sum3A_616[15] : f32 from vector<16xf32>
    %broadcast_in_dim3A_618 = vector.broadcast %reduce_sum3A_617 : f32 to vector<16xf32>
    %select_n3A_619 = arith.select %eq3A_613, %broadcast_in_dim3A_618, %select_n3A_571 : vector<16xi1>, vector<16xf32>
    %mul3A_620 = arith.constant 16 : i32
    %mul3A_621 = arith.muli %scan3A_42, %mul3A_620 : i32
    %add3A_622 = arith.constant 12 : i32
    %add3A_623 = arith.addi %mul3A_621, %add3A_622 : i32
    %get3A_624 = arith.index_cast %add3A_623 : i32 to index
    %get3A_625 = arith.constant 0 : index
    %get3A_626 = tpu.vector_load %arg6[%get3A_624, %get3A_625] {strides = array<i32>} : memref<256x64xf32, #tpu.memory_space<vmem>>, vector<16xf32>,
    %get3A_627 = arith.index_cast %add3A_623 : i32 to index
    %get3A_628 = arith.constant 16 : index
    %get3A_629 = tpu.vector_load %arg6[%get3A_627, %get3A_628] {strides = array<i32>} : memref<256x64xf32, #tpu.memory_space<vmem>>, vector<16xf32>,
    %get3A_630 = arith.index_cast %add3A_623 : i32 to index
    %get3A_631 = arith.constant 32 : index
    %get3A_632 = tpu.vector_load %arg6[%get3A_630, %get3A_631] {strides = array<i32>} : memref<256x64xf32, #tpu.memory_space<vmem>>, vector<16xf32>,
    %get3A_633 = arith.index_cast %add3A_623 : i32 to index
    %get3A_634 = arith.constant 48 : index
    %get3A_635 = tpu.vector_load %arg6[%get3A_633, %get3A_634] {strides = array<i32>} : memref<256x64xf32, #tpu.memory_space<vmem>>, vector<16xf32>,
    %mul3A_636 = arith.mulf %get3A_626, %get3A_3 : vector<16xf32>
    %mul3A_637 = arith.mulf %get3A_629, %get3A_5 : vector<16xf32>
    %add3A_638 = arith.addf %mul3A_636, %mul3A_637 : vector<16xf32>
    %mul3A_639 = arith.mulf %get3A_632, %get3A_7 : vector<16xf32>
    %add3A_640 = arith.addf %add3A_638, %mul3A_639 : vector<16xf32>
    %mul3A_641 = arith.mulf %get3A_635, %get3A_9 : vector<16xf32>
    %add3A_642 = arith.addf %add3A_640, %mul3A_641 : vector<16xf32>
    %mul3A_643 = arith.mulf %get3A_626, %get3A_626 : vector<16xf32>
    %mul3A_644 = arith.mulf %get3A_629, %get3A_629 : vector<16xf32>
    %add3A_645 = arith.addf %mul3A_643, %mul3A_644 : vector<16xf32>
    %mul3A_646 = arith.mulf %get3A_632, %get3A_632 : vector<16xf32>
    %add3A_647 = arith.addf %add3A_645, %mul3A_646 : vector<16xf32>
    %mul3A_648 = arith.mulf %get3A_635, %get3A_635 : vector<16xf32>
    %add3A_649 = arith.addf %add3A_647, %mul3A_648 : vector<16xf32>
    %eq3A_650 = arith.constant 12 : i32
    %eq3A_651 = vector.broadcast %eq3A_650 : i32 to vector<16xi32>
    %eq3A_652 = arith.cmpi eq, %iota3A, %eq3A_651 : vector<16xi32>
    %reduce_sum3A_653 = arith.constant true
    %reduce_sum3A_654 = vector.broadcast %reduce_sum3A_653 : i1 to vector<16xi1>
    %reduce_sum3A_655 = tpu.scan <sum>, %add3A_642 masked %reduce_sum3A_654 : vector<16xf32>, vector<16xi1> -> vector<16xf32>
    %reduce_sum3A_656 = vector.extract %reduce_sum3A_655[15] : f32 from vector<16xf32>
    %broadcast_in_dim3A_657 = vector.broadcast %reduce_sum3A_656 : f32 to vector<16xf32>
    %select_n3A_658 = arith.select %eq3A_652, %broadcast_in_dim3A_657, %select_n3A_610 : vector<16xi1>, vector<16xf32>
    %eq3A_659 = arith.constant 12 : i32
    %eq3A_660 = vector.broadcast %eq3A_659 : i32 to vector<16xi32>
    %eq3A_661 = arith.cmpi eq, %iota3A, %eq3A_660 : vector<16xi32>
    %reduce_sum3A_662 = arith.constant true
    %reduce_sum3A_663 = vector.broadcast %reduce_sum3A_662 : i1 to vector<16xi1>
    %reduce_sum3A_664 = tpu.scan <sum>, %add3A_649 masked %reduce_sum3A_663 : vector<16xf32>, vector<16xi1> -> vector<16xf32>
    %reduce_sum3A_665 = vector.extract %reduce_sum3A_664[15] : f32 from vector<16xf32>
    %broadcast_in_dim3A_666 = vector.broadcast %reduce_sum3A_665 : f32 to vector<16xf32>
    %select_n3A_667 = arith.select %eq3A_661, %broadcast_in_dim3A_666, %select_n3A_619 : vector<16xi1>, vector<16xf32>
    %mul3A_668 = arith.constant 16 : i32
    %mul3A_669 = arith.muli %scan3A_42, %mul3A_668 : i32
    %add3A_670 = arith.constant 13 : i32
    %add3A_671 = arith.addi %mul3A_669, %add3A_670 : i32
    %get3A_672 = arith.index_cast %add3A_671 : i32 to index
    %get3A_673 = arith.constant 0 : index
    %get3A_674 = tpu.vector_load %arg6[%get3A_672, %get3A_673] {strides = array<i32>} : memref<256x64xf32, #tpu.memory_space<vmem>>, vector<16xf32>,
    %get3A_675 = arith.index_cast %add3A_671 : i32 to index
    %get3A_676 = arith.constant 16 : index
    %get3A_677 = tpu.vector_load %arg6[%get3A_675, %get3A_676] {strides = array<i32>} : memref<256x64xf32, #tpu.memory_space<vmem>>, vector<16xf32>,
    %get3A_678 = arith.index_cast %add3A_671 : i32 to index
    %get3A_679 = arith.constant 32 : index
    %get3A_680 = tpu.vector_load %arg6[%get3A_678, %get3A_679] {strides = array<i32>} : memref<256x64xf32, #tpu.memory_space<vmem>>, vector<16xf32>,
    %get3A_681 = arith.index_cast %add3A_671 : i32 to index
    %get3A_682 = arith.constant 48 : index
    %get3A_683 = tpu.vector_load %arg6[%get3A_681, %get3A_682] {strides = array<i32>} : memref<256x64xf32, #tpu.memory_space<vmem>>, vector<16xf32>,
    %mul3A_684 = arith.mulf %get3A_674, %get3A_3 : vector<16xf32>
    %mul3A_685 = arith.mulf %get3A_677, %get3A_5 : vector<16xf32>
    %add3A_686 = arith.addf %mul3A_684, %mul3A_685 : vector<16xf32>
    %mul3A_687 = arith.mulf %get3A_680, %get3A_7 : vector<16xf32>
    %add3A_688 = arith.addf %add3A_686, %mul3A_687 : vector<16xf32>
    %mul3A_689 = arith.mulf %get3A_683, %get3A_9 : vector<16xf32>
    %add3A_690 = arith.addf %add3A_688, %mul3A_689 : vector<16xf32>
    %mul3A_691 = arith.mulf %get3A_674, %get3A_674 : vector<16xf32>
    %mul3A_692 = arith.mulf %get3A_677, %get3A_677 : vector<16xf32>
    %add3A_693 = arith.addf %mul3A_691, %mul3A_692 : vector<16xf32>
    %mul3A_694 = arith.mulf %get3A_680, %get3A_680 : vector<16xf32>
    %add3A_695 = arith.addf %add3A_693, %mul3A_694 : vector<16xf32>
    %mul3A_696 = arith.mulf %get3A_683, %get3A_683 : vector<16xf32>
    %add3A_697 = arith.addf %add3A_695, %mul3A_696 : vector<16xf32>
    %eq3A_698 = arith.constant 13 : i32
    %eq3A_699 = vector.broadcast %eq3A_698 : i32 to vector<16xi32>
    %eq3A_700 = arith.cmpi eq, %iota3A, %eq3A_699 : vector<16xi32>
    %reduce_sum3A_701 = arith.constant true
    %reduce_sum3A_702 = vector.broadcast %reduce_sum3A_701 : i1 to vector<16xi1>
    %reduce_sum3A_703 = tpu.scan <sum>, %add3A_690 masked %reduce_sum3A_702 : vector<16xf32>, vector<16xi1> -> vector<16xf32>
    %reduce_sum3A_704 = vector.extract %reduce_sum3A_703[15] : f32 from vector<16xf32>
    %broadcast_in_dim3A_705 = vector.broadcast %reduce_sum3A_704 : f32 to vector<16xf32>
    %select_n3A_706 = arith.select %eq3A_700, %broadcast_in_dim3A_705, %select_n3A_658 : vector<16xi1>, vector<16xf32>
    %eq3A_707 = arith.constant 13 : i32
    %eq3A_708 = vector.broadcast %eq3A_707 : i32 to vector<16xi32>
    %eq3A_709 = arith.cmpi eq, %iota3A, %eq3A_708 : vector<16xi32>
    %reduce_sum3A_710 = arith.constant true
    %reduce_sum3A_711 = vector.broadcast %reduce_sum3A_710 : i1 to vector<16xi1>
    %reduce_sum3A_712 = tpu.scan <sum>, %add3A_697 masked %reduce_sum3A_711 : vector<16xf32>, vector<16xi1> -> vector<16xf32>
    %reduce_sum3A_713 = vector.extract %reduce_sum3A_712[15] : f32 from vector<16xf32>
    %broadcast_in_dim3A_714 = vector.broadcast %reduce_sum3A_713 : f32 to vector<16xf32>
    %select_n3A_715 = arith.select %eq3A_709, %broadcast_in_dim3A_714, %select_n3A_667 : vector<16xi1>, vector<16xf32>
    %mul3A_716 = arith.constant 16 : i32
    %mul3A_717 = arith.muli %scan3A_42, %mul3A_716 : i32
    %add3A_718 = arith.constant 14 : i32
    %add3A_719 = arith.addi %mul3A_717, %add3A_718 : i32
    %get3A_720 = arith.index_cast %add3A_719 : i32 to index
    %get3A_721 = arith.constant 0 : index
    %get3A_722 = tpu.vector_load %arg6[%get3A_720, %get3A_721] {strides = array<i32>} : memref<256x64xf32, #tpu.memory_space<vmem>>, vector<16xf32>,
    %get3A_723 = arith.index_cast %add3A_719 : i32 to index
    %get3A_724 = arith.constant 16 : index
    %get3A_725 = tpu.vector_load %arg6[%get3A_723, %get3A_724] {strides = array<i32>} : memref<256x64xf32, #tpu.memory_space<vmem>>, vector<16xf32>,
    %get3A_726 = arith.index_cast %add3A_719 : i32 to index
    %get3A_727 = arith.constant 32 : index
    %get3A_728 = tpu.vector_load %arg6[%get3A_726, %get3A_727] {strides = array<i32>} : memref<256x64xf32, #tpu.memory_space<vmem>>, vector<16xf32>,
    %get3A_729 = arith.index_cast %add3A_719 : i32 to index
    %get3A_730 = arith.constant 48 : index
    %get3A_731 = tpu.vector_load %arg6[%get3A_729, %get3A_730] {strides = array<i32>} : memref<256x64xf32, #tpu.memory_space<vmem>>, vector<16xf32>,
    %mul3A_732 = arith.mulf %get3A_722, %get3A_3 : vector<16xf32>
    %mul3A_733 = arith.mulf %get3A_725, %get3A_5 : vector<16xf32>
    %add3A_734 = arith.addf %mul3A_732, %mul3A_733 : vector<16xf32>
    %mul3A_735 = arith.mulf %get3A_728, %get3A_7 : vector<16xf32>
    %add3A_736 = arith.addf %add3A_734, %mul3A_735 : vector<16xf32>
    %mul3A_737 = arith.mulf %get3A_731, %get3A_9 : vector<16xf32>
    %add3A_738 = arith.addf %add3A_736, %mul3A_737 : vector<16xf32>
    %mul3A_739 = arith.mulf %get3A_722, %get3A_722 : vector<16xf32>
    %mul3A_740 = arith.mulf %get3A_725, %get3A_725 : vector<16xf32>
    %add3A_741 = arith.addf %mul3A_739, %mul3A_740 : vector<16xf32>
    %mul3A_742 = arith.mulf %get3A_728, %get3A_728 : vector<16xf32>
    %add3A_743 = arith.addf %add3A_741, %mul3A_742 : vector<16xf32>
    %mul3A_744 = arith.mulf %get3A_731, %get3A_731 : vector<16xf32>
    %add3A_745 = arith.addf %add3A_743, %mul3A_744 : vector<16xf32>
    %eq3A_746 = arith.constant 14 : i32
    %eq3A_747 = vector.broadcast %eq3A_746 : i32 to vector<16xi32>
    %eq3A_748 = arith.cmpi eq, %iota3A, %eq3A_747 : vector<16xi32>
    %reduce_sum3A_749 = arith.constant true
    %reduce_sum3A_750 = vector.broadcast %reduce_sum3A_749 : i1 to vector<16xi1>
    %reduce_sum3A_751 = tpu.scan <sum>, %add3A_738 masked %reduce_sum3A_750 : vector<16xf32>, vector<16xi1> -> vector<16xf32>
    %reduce_sum3A_752 = vector.extract %reduce_sum3A_751[15] : f32 from vector<16xf32>
    %broadcast_in_dim3A_753 = vector.broadcast %reduce_sum3A_752 : f32 to vector<16xf32>
    %select_n3A_754 = arith.select %eq3A_748, %broadcast_in_dim3A_753, %select_n3A_706 : vector<16xi1>, vector<16xf32>
    %eq3A_755 = arith.constant 14 : i32
    %eq3A_756 = vector.broadcast %eq3A_755 : i32 to vector<16xi32>
    %eq3A_757 = arith.cmpi eq, %iota3A, %eq3A_756 : vector<16xi32>
    %reduce_sum3A_758 = arith.constant true
    %reduce_sum3A_759 = vector.broadcast %reduce_sum3A_758 : i1 to vector<16xi1>
    %reduce_sum3A_760 = tpu.scan <sum>, %add3A_745 masked %reduce_sum3A_759 : vector<16xf32>, vector<16xi1> -> vector<16xf32>
    %reduce_sum3A_761 = vector.extract %reduce_sum3A_760[15] : f32 from vector<16xf32>
    %broadcast_in_dim3A_762 = vector.broadcast %reduce_sum3A_761 : f32 to vector<16xf32>
    %select_n3A_763 = arith.select %eq3A_757, %broadcast_in_dim3A_762, %select_n3A_715 : vector<16xi1>, vector<16xf32>
    %mul3A_764 = arith.constant 16 : i32
    %mul3A_765 = arith.muli %scan3A_42, %mul3A_764 : i32
    %add3A_766 = arith.constant 15 : i32
    %add3A_767 = arith.addi %mul3A_765, %add3A_766 : i32
    %get3A_768 = arith.index_cast %add3A_767 : i32 to index
    %get3A_769 = arith.constant 0 : index
    %get3A_770 = tpu.vector_load %arg6[%get3A_768, %get3A_769] {strides = array<i32>} : memref<256x64xf32, #tpu.memory_space<vmem>>, vector<16xf32>,
    %get3A_771 = arith.index_cast %add3A_767 : i32 to index
    %get3A_772 = arith.constant 16 : index
    %get3A_773 = tpu.vector_load %arg6[%get3A_771, %get3A_772] {strides = array<i32>} : memref<256x64xf32, #tpu.memory_space<vmem>>, vector<16xf32>,
    %get3A_774 = arith.index_cast %add3A_767 : i32 to index
    %get3A_775 = arith.constant 32 : index
    %get3A_776 = tpu.vector_load %arg6[%get3A_774, %get3A_775] {strides = array<i32>} : memref<256x64xf32, #tpu.memory_space<vmem>>, vector<16xf32>,
    %get3A_777 = arith.index_cast %add3A_767 : i32 to index
    %get3A_778 = arith.constant 48 : index
    %get3A_779 = tpu.vector_load %arg6[%get3A_777, %get3A_778] {strides = array<i32>} : memref<256x64xf32, #tpu.memory_space<vmem>>, vector<16xf32>,
    %mul3A_780 = arith.mulf %get3A_770, %get3A_3 : vector<16xf32>
    %mul3A_781 = arith.mulf %get3A_773, %get3A_5 : vector<16xf32>
    %add3A_782 = arith.addf %mul3A_780, %mul3A_781 : vector<16xf32>
    %mul3A_783 = arith.mulf %get3A_776, %get3A_7 : vector<16xf32>
    %add3A_784 = arith.addf %add3A_782, %mul3A_783 : vector<16xf32>
    %mul3A_785 = arith.mulf %get3A_779, %get3A_9 : vector<16xf32>
    %add3A_786 = arith.addf %add3A_784, %mul3A_785 : vector<16xf32>
    %mul3A_787 = arith.mulf %get3A_770, %get3A_770 : vector<16xf32>
    %mul3A_788 = arith.mulf %get3A_773, %get3A_773 : vector<16xf32>
    %add3A_789 = arith.addf %mul3A_787, %mul3A_788 : vector<16xf32>
    %mul3A_790 = arith.mulf %get3A_776, %get3A_776 : vector<16xf32>
    %add3A_791 = arith.addf %add3A_789, %mul3A_790 : vector<16xf32>
    %mul3A_792 = arith.mulf %get3A_779, %get3A_779 : vector<16xf32>
    %add3A_793 = arith.addf %add3A_791, %mul3A_792 : vector<16xf32>
    %eq3A_794 = arith.constant 15 : i32
    %eq3A_795 = vector.broadcast %eq3A_794 : i32 to vector<16xi32>
    %eq3A_796 = arith.cmpi eq, %iota3A, %eq3A_795 : vector<16xi32>
    %reduce_sum3A_797 = arith.constant true
    %reduce_sum3A_798 = vector.broadcast %reduce_sum3A_797 : i1 to vector<16xi1>
    %reduce_sum3A_799 = tpu.scan <sum>, %add3A_786 masked %reduce_sum3A_798 : vector<16xf32>, vector<16xi1> -> vector<16xf32>
    %reduce_sum3A_800 = vector.extract %reduce_sum3A_799[15] : f32 from vector<16xf32>
    %broadcast_in_dim3A_801 = vector.broadcast %reduce_sum3A_800 : f32 to vector<16xf32>
    %select_n3A_802 = arith.select %eq3A_796, %broadcast_in_dim3A_801, %select_n3A_754 : vector<16xi1>, vector<16xf32>
    %eq3A_803 = arith.constant 15 : i32
    %eq3A_804 = vector.broadcast %eq3A_803 : i32 to vector<16xi32>
    %eq3A_805 = arith.cmpi eq, %iota3A, %eq3A_804 : vector<16xi32>
    %reduce_sum3A_806 = arith.constant true
    %reduce_sum3A_807 = vector.broadcast %reduce_sum3A_806 : i1 to vector<16xi1>
    %reduce_sum3A_808 = tpu.scan <sum>, %add3A_793 masked %reduce_sum3A_807 : vector<16xf32>, vector<16xi1> -> vector<16xf32>
    %reduce_sum3A_809 = vector.extract %reduce_sum3A_808[15] : f32 from vector<16xf32>
    %broadcast_in_dim3A_810 = vector.broadcast %reduce_sum3A_809 : f32 to vector<16xf32>
    %select_n3A_811 = arith.select %eq3A_805, %broadcast_in_dim3A_810, %select_n3A_763 : vector<16xi1>, vector<16xf32>
    %abs3A = math.absf %select_n3A_802 : vector<16xf32>
    %mul3A_812 = arith.mulf %select_n3A_802, %abs3A : vector<16xf32>
    %div3A = arith.divf %mul3A_812, %select_n3A_811 : vector<16xf32>
    %mul3A_813 = arith.constant 16 : i32
    %mul3A_814 = arith.muli %scan3A_42, %mul3A_813 : i32
    %add3A_815 = arith.addi %add3A_41, %mul3A_814 : i32
    %add3A_816 = vector.broadcast %add3A_815 : i32 to vector<16xi32>
    %add3A_817 = arith.addi %add3A_816, %iota3A : vector<16xi32>
    %gt3A = arith.cmpf ogt, %div3A, %scan3A_33#0 : vector<16xf32>
    %select_n3A_818 = arith.select %gt3A, %div3A, %scan3A_33#0 : vector<16xi1>, vector<16xf32>
    %select_n3A_819 = arith.select %gt3A, %add3A_817, %scan3A_33#4 : vector<16xi1>, vector<16xi32>
    %select_n3A_820 = arith.select %gt3A, %scan3A_33#0, %div3A : vector<16xi1>, vector<16xf32>
    %select_n3A_821 = arith.select %gt3A, %scan3A_33#4, %add3A_817 : vector<16xi1>, vector<16xi32>
    %gt3A_822 = arith.cmpf ogt, %select_n3A_820, %scan3A_33#1 : vector<16xf32>
    %select_n3A_823 = arith.select %gt3A_822, %select_n3A_820, %scan3A_33#1 : vector<16xi1>, vector<16xf32>
    %select_n3A_824 = arith.select %gt3A_822, %select_n3A_821, %scan3A_33#5 : vector<16xi1>, vector<16xi32>
    %select_n3A_825 = arith.select %gt3A_822, %scan3A_33#1, %select_n3A_820 : vector<16xi1>, vector<16xf32>
    %select_n3A_826 = arith.select %gt3A_822, %scan3A_33#5, %select_n3A_821 : vector<16xi1>, vector<16xi32>
    %gt3A_827 = arith.cmpf ogt, %select_n3A_825, %scan3A_33#2 : vector<16xf32>
    %select_n3A_828 = arith.select %gt3A_827, %select_n3A_825, %scan3A_33#2 : vector<16xi1>, vector<16xf32>
    %select_n3A_829 = arith.select %gt3A_827, %select_n3A_826, %scan3A_33#6 : vector<16xi1>, vector<16xi32>
    %select_n3A_830 = arith.select %gt3A_827, %scan3A_33#2, %select_n3A_825 : vector<16xi1>, vector<16xf32>
    %select_n3A_831 = arith.select %gt3A_827, %scan3A_33#6, %select_n3A_826 : vector<16xi1>, vector<16xi32>
    %gt3A_832 = arith.cmpf ogt, %select_n3A_830, %scan3A_33#3 : vector<16xf32>
    %select_n3A_833 = arith.select %gt3A_832, %select_n3A_830, %scan3A_33#3 : vector<16xi1>, vector<16xf32>
    %select_n3A_834 = arith.select %gt3A_832, %select_n3A_831, %scan3A_33#7 : vector<16xi1>, vector<16xi32>
    %select_n3A_835 = arith.select %gt3A_832, %scan3A_33#3, %select_n3A_830 : vector<16xi1>, vector<16xf32>
    %select_n3A_836 = arith.select %gt3A_832, %scan3A_33#7, %select_n3A_831 : vector<16xi1>, vector<16xi32>
    %scan3A_837 = arith.constant 1 : i32
    %eq3A_838 = arith.constant 31 : i32
    %eq3A_839 = arith.cmpi eq, %add3A, %eq3A_838 : i32
    %jit3A = arith.constant 999936 : i32
    %jit3A_840 = arith.constant 0 : i32
    %select_n3A_841 = arith.select %eq3A_839, %jit3A, %jit3A_840 : i32
    %multiple_of3A_842 = tpu.assume_multiple %select_n3A_841, 8 : i32
    "tpu.region"() ({
      %run_scoped3A_904 = tpu.sem_alloc : memref<!tpu.dma_semaphore, #tpu.memory_space<semaphore_mem>>
      %dma_start3A_905 = arith.constant 0 : i32
      %dma_start3A_906 = arith.constant 0 : i32
      %dma_start3A_907 = tpu.memref_slice %arg6[%dma_start3A_905, %dma_start3A_906] : memref<256x64xf32, #tpu.memory_space<vmem>> -> memref<64x64xf32, #tpu.memory_space<vmem>>
      %dma_start3A_908 = arith.constant 0 : i32
      %dma_start3A_909 = tpu.memref_slice %arg3[%multiple_of3A_842, %dma_start3A_908] : memref<1000000x64xf32, #tpu.memory_space<hbm>> -> memref<64x64xf32, #tpu.memory_space<hbm>>
      %dma_start3A_910 = arith.constant 0 : i32
      %dma_start3A_911 = arith.constant 0 : i32
      %dma_start3A_912 = tpu.memref_slice %arg6[%dma_start3A_910, %dma_start3A_911] : memref<256x64xf32, #tpu.memory_space<vmem>> -> memref<64x64xf32, #tpu.memory_space<vmem>>
      %dma_start3A_913 = arith.constant 0 : i32
      %dma_start3A_914 = tpu.memref_slice %arg3[%multiple_of3A_842, %dma_start3A_913] : memref<1000000x64xf32, #tpu.memory_space<hbm>> -> memref<64x64xf32, #tpu.memory_space<hbm>>
      tpu.enqueue_dma source(%dma_start3A_914 : memref<64x64xf32, #tpu.memory_space<hbm>>) target(%dma_start3A_912 : memref<64x64xf32, #tpu.memory_space<vmem>>) target_semaphore(%run_scoped3A_904 : memref<!tpu.dma_semaphore, #tpu.memory_space<semaphore_mem>>)
      %dma_wait3A_915 = arith.constant 0 : i32
      %dma_wait3A_916 = arith.constant 0 : i32
      %dma_wait3A_917 = tpu.memref_slice %arg6[%dma_wait3A_915, %dma_wait3A_916] : memref<256x64xf32, #tpu.memory_space<vmem>> -> memref<64x64xf32, #tpu.memory_space<vmem>>
      %dma_wait3A_918 = arith.constant 0 : i32
      %dma_wait3A_919 = tpu.memref_slice %arg3[%multiple_of3A_842, %dma_wait3A_918] : memref<1000000x64xf32, #tpu.memory_space<hbm>> -> memref<64x64xf32, #tpu.memory_space<hbm>>
      %dma_wait3A_920 = arith.constant 0 : i32
      %dma_wait3A_921 = arith.constant 0 : i32
      %dma_wait3A_922 = tpu.memref_slice %arg6[%dma_wait3A_920, %dma_wait3A_921] : memref<256x64xf32, #tpu.memory_space<vmem>> -> memref<64x64xf32, #tpu.memory_space<vmem>>
      %dma_wait3A_923 = arith.constant 0 : i32
      %dma_wait3A_924 = tpu.memref_slice %arg3[%multiple_of3A_842, %dma_wait3A_923] : memref<1000000x64xf32, #tpu.memory_space<hbm>> -> memref<64x64xf32, #tpu.memory_space<hbm>>
      tpu.wait_dma2 semaphore(%run_scoped3A_904 : memref<!tpu.dma_semaphore, #tpu.memory_space<semaphore_mem>>) src(%dma_wait3A_924 : memref<64x64xf32, #tpu.memory_space<hbm>>) dst(%dma_wait3A_922 : memref<64x64xf32, #tpu.memory_space<vmem>>)
      tpu.yield
    }) : () -> ()
    %scan3A_843 = arith.constant 0 : i32
    %scan3A_844 = arith.constant 4 : i32
    %scan3A_845 = arith.addi %scan3A_843, %scan3A_844 : i32
    %scan3A_846 = arith.constant 1 : i32
    %scan3A_847:8 = scf.for %scan3A_904 = %scan3A_843 to %scan3A_845 step %scan3A_846 iter_args(%scan3A_905 = %select_n3A_818, %scan3A_906 = %select_n3A_823, %scan3A_907 = %select_n3A_828, %scan3A_908 = %select_n3A_833, %scan3A_909 = %select_n3A_819, %scan3A_910 = %select_n3A_824, %scan3A_911 = %select_n3A_829, %scan3A_912 = %select_n3A_834) -> (vector<16xf32>, vector<16xf32>, vector<16xf32>, vector<16xf32>, vector<16xi32>, vector<16xi32>, vector<16xi32>, vector<16xi32>)  : i32 {
      %broadcast_in_dim3A_913 = arith.constant 0.000000e+00 : f32
      %broadcast_in_dim3A_914 = vector.broadcast %broadcast_in_dim3A_913 : f32 to vector<16xf32>
      %broadcast_in_dim3A_915 = arith.constant 1.000000e+00 : f32
      %broadcast_in_dim3A_916 = vector.broadcast %broadcast_in_dim3A_915 : f32 to vector<16xf32>
      %mul3A_917 = arith.constant 16 : i32
      %mul3A_918 = arith.muli %scan3A_904, %mul3A_917 : i32
      %add3A_919 = arith.constant 0 : i32
      %add3A_920 = arith.addi %mul3A_918, %add3A_919 : i32
      %get3A_921 = arith.index_cast %add3A_920 : i32 to index
      %get3A_922 = arith.constant 0 : index
      %get3A_923 = tpu.vector_load %arg6[%get3A_921, %get3A_922] {strides = array<i32>} : memref<256x64xf32, #tpu.memory_space<vmem>>, vector<16xf32>,
      %get3A_924 = arith.index_cast %add3A_920 : i32 to index
      %get3A_925 = arith.constant 16 : index
      %get3A_926 = tpu.vector_load %arg6[%get3A_924, %get3A_925] {strides = array<i32>} : memref<256x64xf32, #tpu.memory_space<vmem>>, vector<16xf32>,
      %get3A_927 = arith.index_cast %add3A_920 : i32 to index
      %get3A_928 = arith.constant 32 : index
      %get3A_929 = tpu.vector_load %arg6[%get3A_927, %get3A_928] {strides = array<i32>} : memref<256x64xf32, #tpu.memory_space<vmem>>, vector<16xf32>,
      %get3A_930 = arith.index_cast %add3A_920 : i32 to index
      %get3A_931 = arith.constant 48 : index
      %get3A_932 = tpu.vector_load %arg6[%get3A_930, %get3A_931] {strides = array<i32>} : memref<256x64xf32, #tpu.memory_space<vmem>>, vector<16xf32>,
      %mul3A_933 = arith.mulf %get3A_923, %get3A_3 : vector<16xf32>
      %mul3A_934 = arith.mulf %get3A_926, %get3A_5 : vector<16xf32>
      %add3A_935 = arith.addf %mul3A_933, %mul3A_934 : vector<16xf32>
      %mul3A_936 = arith.mulf %get3A_929, %get3A_7 : vector<16xf32>
      %add3A_937 = arith.addf %add3A_935, %mul3A_936 : vector<16xf32>
      %mul3A_938 = arith.mulf %get3A_932, %get3A_9 : vector<16xf32>
      %add3A_939 = arith.addf %add3A_937, %mul3A_938 : vector<16xf32>
      %mul3A_940 = arith.mulf %get3A_923, %get3A_923 : vector<16xf32>
      %mul3A_941 = arith.mulf %get3A_926, %get3A_926 : vector<16xf32>
      %add3A_942 = arith.addf %mul3A_940, %mul3A_941 : vector<16xf32>
      %mul3A_943 = arith.mulf %get3A_929, %get3A_929 : vector<16xf32>
      %add3A_944 = arith.addf %add3A_942, %mul3A_943 : vector<16xf32>
      %mul3A_945 = arith.mulf %get3A_932, %get3A_932 : vector<16xf32>
      %add3A_946 = arith.addf %add3A_944, %mul3A_945 : vector<16xf32>
      %eq3A_947 = arith.constant 0 : i32
      %eq3A_948 = vector.broadcast %eq3A_947 : i32 to vector<16xi32>
      %eq3A_949 = arith.cmpi eq, %iota3A, %eq3A_948 : vector<16xi32>
      %reduce_sum3A_950 = arith.constant true
      %reduce_sum3A_951 = vector.broadcast %reduce_sum3A_950 : i1 to vector<16xi1>
      %reduce_sum3A_952 = tpu.scan <sum>, %add3A_939 masked %reduce_sum3A_951 : vector<16xf32>, vector<16xi1> -> vector<16xf32>
      %reduce_sum3A_953 = vector.extract %reduce_sum3A_952[15] : f32 from vector<16xf32>
      %broadcast_in_dim3A_954 = vector.broadcast %reduce_sum3A_953 : f32 to vector<16xf32>
      %select_n3A_955 = arith.select %eq3A_949, %broadcast_in_dim3A_954, %broadcast_in_dim3A_914 : vector<16xi1>, vector<16xf32>
      %eq3A_956 = arith.constant 0 : i32
      %eq3A_957 = vector.broadcast %eq3A_956 : i32 to vector<16xi32>
      %eq3A_958 = arith.cmpi eq, %iota3A, %eq3A_957 : vector<16xi32>
      %reduce_sum3A_959 = arith.constant true
      %reduce_sum3A_960 = vector.broadcast %reduce_sum3A_959 : i1 to vector<16xi1>
      %reduce_sum3A_961 = tpu.scan <sum>, %add3A_946 masked %reduce_sum3A_960 : vector<16xf32>, vector<16xi1> -> vector<16xf32>
      %reduce_sum3A_962 = vector.extract %reduce_sum3A_961[15] : f32 from vector<16xf32>
      %broadcast_in_dim3A_963 = vector.broadcast %reduce_sum3A_962 : f32 to vector<16xf32>
      %select_n3A_964 = arith.select %eq3A_958, %broadcast_in_dim3A_963, %broadcast_in_dim3A_916 : vector<16xi1>, vector<16xf32>
      %mul3A_965 = arith.constant 16 : i32
      %mul3A_966 = arith.muli %scan3A_904, %mul3A_965 : i32
      %add3A_967 = arith.constant 1 : i32
      %add3A_968 = arith.addi %mul3A_966, %add3A_967 : i32
      %get3A_969 = arith.index_cast %add3A_968 : i32 to index
      %get3A_970 = arith.constant 0 : index
      %get3A_971 = tpu.vector_load %arg6[%get3A_969, %get3A_970] {strides = array<i32>} : memref<256x64xf32, #tpu.memory_space<vmem>>, vector<16xf32>,
      %get3A_972 = arith.index_cast %add3A_968 : i32 to index
      %get3A_973 = arith.constant 16 : index
      %get3A_974 = tpu.vector_load %arg6[%get3A_972, %get3A_973] {strides = array<i32>} : memref<256x64xf32, #tpu.memory_space<vmem>>, vector<16xf32>,
      %get3A_975 = arith.index_cast %add3A_968 : i32 to index
      %get3A_976 = arith.constant 32 : index
      %get3A_977 = tpu.vector_load %arg6[%get3A_975, %get3A_976] {strides = array<i32>} : memref<256x64xf32, #tpu.memory_space<vmem>>, vector<16xf32>,
      %get3A_978 = arith.index_cast %add3A_968 : i32 to index
      %get3A_979 = arith.constant 48 : index
      %get3A_980 = tpu.vector_load %arg6[%get3A_978, %get3A_979] {strides = array<i32>} : memref<256x64xf32, #tpu.memory_space<vmem>>, vector<16xf32>,
      %mul3A_981 = arith.mulf %get3A_971, %get3A_3 : vector<16xf32>
      %mul3A_982 = arith.mulf %get3A_974, %get3A_5 : vector<16xf32>
      %add3A_983 = arith.addf %mul3A_981, %mul3A_982 : vector<16xf32>
      %mul3A_984 = arith.mulf %get3A_977, %get3A_7 : vector<16xf32>
      %add3A_985 = arith.addf %add3A_983, %mul3A_984 : vector<16xf32>
      %mul3A_986 = arith.mulf %get3A_980, %get3A_9 : vector<16xf32>
      %add3A_987 = arith.addf %add3A_985, %mul3A_986 : vector<16xf32>
      %mul3A_988 = arith.mulf %get3A_971, %get3A_971 : vector<16xf32>
      %mul3A_989 = arith.mulf %get3A_974, %get3A_974 : vector<16xf32>
      %add3A_990 = arith.addf %mul3A_988, %mul3A_989 : vector<16xf32>
      %mul3A_991 = arith.mulf %get3A_977, %get3A_977 : vector<16xf32>
      %add3A_992 = arith.addf %add3A_990, %mul3A_991 : vector<16xf32>
      %mul3A_993 = arith.mulf %get3A_980, %get3A_980 : vector<16xf32>
      %add3A_994 = arith.addf %add3A_992, %mul3A_993 : vector<16xf32>
      %eq3A_995 = arith.constant 1 : i32
      %eq3A_996 = vector.broadcast %eq3A_995 : i32 to vector<16xi32>
      %eq3A_997 = arith.cmpi eq, %iota3A, %eq3A_996 : vector<16xi32>
      %reduce_sum3A_998 = arith.constant true
      %reduce_sum3A_999 = vector.broadcast %reduce_sum3A_998 : i1 to vector<16xi1>
      %reduce_sum3A_1000 = tpu.scan <sum>, %add3A_987 masked %reduce_sum3A_999 : vector<16xf32>, vector<16xi1> -> vector<16xf32>
      %reduce_sum3A_1001 = vector.extract %reduce_sum3A_1000[15] : f32 from vector<16xf32>
      %broadcast_in_dim3A_1002 = vector.broadcast %reduce_sum3A_1001 : f32 to vector<16xf32>
      %select_n3A_1003 = arith.select %eq3A_997, %broadcast_in_dim3A_1002, %select_n3A_955 : vector<16xi1>, vector<16xf32>
      %eq3A_1004 = arith.constant 1 : i32
      %eq3A_1005 = vector.broadcast %eq3A_1004 : i32 to vector<16xi32>
      %eq3A_1006 = arith.cmpi eq, %iota3A, %eq3A_1005 : vector<16xi32>
      %reduce_sum3A_1007 = arith.constant true
      %reduce_sum3A_1008 = vector.broadcast %reduce_sum3A_1007 : i1 to vector<16xi1>
      %reduce_sum3A_1009 = tpu.scan <sum>, %add3A_994 masked %reduce_sum3A_1008 : vector<16xf32>, vector<16xi1> -> vector<16xf32>
      %reduce_sum3A_1010 = vector.extract %reduce_sum3A_1009[15] : f32 from vector<16xf32>
      %broadcast_in_dim3A_1011 = vector.broadcast %reduce_sum3A_1010 : f32 to vector<16xf32>
      %select_n3A_1012 = arith.select %eq3A_1006, %broadcast_in_dim3A_1011, %select_n3A_964 : vector<16xi1>, vector<16xf32>
      %mul3A_1013 = arith.constant 16 : i32
      %mul3A_1014 = arith.muli %scan3A_904, %mul3A_1013 : i32
      %add3A_1015 = arith.constant 2 : i32
      %add3A_1016 = arith.addi %mul3A_1014, %add3A_1015 : i32
      %get3A_1017 = arith.index_cast %add3A_1016 : i32 to index
      %get3A_1018 = arith.constant 0 : index
      %get3A_1019 = tpu.vector_load %arg6[%get3A_1017, %get3A_1018] {strides = array<i32>} : memref<256x64xf32, #tpu.memory_space<vmem>>, vector<16xf32>,
      %get3A_1020 = arith.index_cast %add3A_1016 : i32 to index
      %get3A_1021 = arith.constant 16 : index
      %get3A_1022 = tpu.vector_load %arg6[%get3A_1020, %get3A_1021] {strides = array<i32>} : memref<256x64xf32, #tpu.memory_space<vmem>>, vector<16xf32>,
      %get3A_1023 = arith.index_cast %add3A_1016 : i32 to index
      %get3A_1024 = arith.constant 32 : index
      %get3A_1025 = tpu.vector_load %arg6[%get3A_1023, %get3A_1024] {strides = array<i32>} : memref<256x64xf32, #tpu.memory_space<vmem>>, vector<16xf32>,
      %get3A_1026 = arith.index_cast %add3A_1016 : i32 to index
      %get3A_1027 = arith.constant 48 : index
      %get3A_1028 = tpu.vector_load %arg6[%get3A_1026, %get3A_1027] {strides = array<i32>} : memref<256x64xf32, #tpu.memory_space<vmem>>, vector<16xf32>,
      %mul3A_1029 = arith.mulf %get3A_1019, %get3A_3 : vector<16xf32>
      %mul3A_1030 = arith.mulf %get3A_1022, %get3A_5 : vector<16xf32>
      %add3A_1031 = arith.addf %mul3A_1029, %mul3A_1030 : vector<16xf32>
      %mul3A_1032 = arith.mulf %get3A_1025, %get3A_7 : vector<16xf32>
      %add3A_1033 = arith.addf %add3A_1031, %mul3A_1032 : vector<16xf32>
      %mul3A_1034 = arith.mulf %get3A_1028, %get3A_9 : vector<16xf32>
      %add3A_1035 = arith.addf %add3A_1033, %mul3A_1034 : vector<16xf32>
      %mul3A_1036 = arith.mulf %get3A_1019, %get3A_1019 : vector<16xf32>
      %mul3A_1037 = arith.mulf %get3A_1022, %get3A_1022 : vector<16xf32>
      %add3A_1038 = arith.addf %mul3A_1036, %mul3A_1037 : vector<16xf32>
      %mul3A_1039 = arith.mulf %get3A_1025, %get3A_1025 : vector<16xf32>
      %add3A_1040 = arith.addf %add3A_1038, %mul3A_1039 : vector<16xf32>
      %mul3A_1041 = arith.mulf %get3A_1028, %get3A_1028 : vector<16xf32>
      %add3A_1042 = arith.addf %add3A_1040, %mul3A_1041 : vector<16xf32>
      %eq3A_1043 = arith.constant 2 : i32
      %eq3A_1044 = vector.broadcast %eq3A_1043 : i32 to vector<16xi32>
      %eq3A_1045 = arith.cmpi eq, %iota3A, %eq3A_1044 : vector<16xi32>
      %reduce_sum3A_1046 = arith.constant true
      %reduce_sum3A_1047 = vector.broadcast %reduce_sum3A_1046 : i1 to vector<16xi1>
      %reduce_sum3A_1048 = tpu.scan <sum>, %add3A_1035 masked %reduce_sum3A_1047 : vector<16xf32>, vector<16xi1> -> vector<16xf32>
      %reduce_sum3A_1049 = vector.extract %reduce_sum3A_1048[15] : f32 from vector<16xf32>
      %broadcast_in_dim3A_1050 = vector.broadcast %reduce_sum3A_1049 : f32 to vector<16xf32>
      %select_n3A_1051 = arith.select %eq3A_1045, %broadcast_in_dim3A_1050, %select_n3A_1003 : vector<16xi1>, vector<16xf32>
      %eq3A_1052 = arith.constant 2 : i32
      %eq3A_1053 = vector.broadcast %eq3A_1052 : i32 to vector<16xi32>
      %eq3A_1054 = arith.cmpi eq, %iota3A, %eq3A_1053 : vector<16xi32>
      %reduce_sum3A_1055 = arith.constant true
      %reduce_sum3A_1056 = vector.broadcast %reduce_sum3A_1055 : i1 to vector<16xi1>
      %reduce_sum3A_1057 = tpu.scan <sum>, %add3A_1042 masked %reduce_sum3A_1056 : vector<16xf32>, vector<16xi1> -> vector<16xf32>
      %reduce_sum3A_1058 = vector.extract %reduce_sum3A_1057[15] : f32 from vector<16xf32>
      %broadcast_in_dim3A_1059 = vector.broadcast %reduce_sum3A_1058 : f32 to vector<16xf32>
      %select_n3A_1060 = arith.select %eq3A_1054, %broadcast_in_dim3A_1059, %select_n3A_1012 : vector<16xi1>, vector<16xf32>
      %mul3A_1061 = arith.constant 16 : i32
      %mul3A_1062 = arith.muli %scan3A_904, %mul3A_1061 : i32
      %add3A_1063 = arith.constant 3 : i32
      %add3A_1064 = arith.addi %mul3A_1062, %add3A_1063 : i32
      %get3A_1065 = arith.index_cast %add3A_1064 : i32 to index
      %get3A_1066 = arith.constant 0 : index
      %get3A_1067 = tpu.vector_load %arg6[%get3A_1065, %get3A_1066] {strides = array<i32>} : memref<256x64xf32, #tpu.memory_space<vmem>>, vector<16xf32>,
      %get3A_1068 = arith.index_cast %add3A_1064 : i32 to index
      %get3A_1069 = arith.constant 16 : index
      %get3A_1070 = tpu.vector_load %arg6[%get3A_1068, %get3A_1069] {strides = array<i32>} : memref<256x64xf32, #tpu.memory_space<vmem>>, vector<16xf32>,
      %get3A_1071 = arith.index_cast %add3A_1064 : i32 to index
      %get3A_1072 = arith.constant 32 : index
      %get3A_1073 = tpu.vector_load %arg6[%get3A_1071, %get3A_1072] {strides = array<i32>} : memref<256x64xf32, #tpu.memory_space<vmem>>, vector<16xf32>,
      %get3A_1074 = arith.index_cast %add3A_1064 : i32 to index
      %get3A_1075 = arith.constant 48 : index
      %get3A_1076 = tpu.vector_load %arg6[%get3A_1074, %get3A_1075] {strides = array<i32>} : memref<256x64xf32, #tpu.memory_space<vmem>>, vector<16xf32>,
      %mul3A_1077 = arith.mulf %get3A_1067, %get3A_3 : vector<16xf32>
      %mul3A_1078 = arith.mulf %get3A_1070, %get3A_5 : vector<16xf32>
      %add3A_1079 = arith.addf %mul3A_1077, %mul3A_1078 : vector<16xf32>
      %mul3A_1080 = arith.mulf %get3A_1073, %get3A_7 : vector<16xf32>
      %add3A_1081 = arith.addf %add3A_1079, %mul3A_1080 : vector<16xf32>
      %mul3A_1082 = arith.mulf %get3A_1076, %get3A_9 : vector<16xf32>
      %add3A_1083 = arith.addf %add3A_1081, %mul3A_1082 : vector<16xf32>
      %mul3A_1084 = arith.mulf %get3A_1067, %get3A_1067 : vector<16xf32>
      %mul3A_1085 = arith.mulf %get3A_1070, %get3A_1070 : vector<16xf32>
      %add3A_1086 = arith.addf %mul3A_1084, %mul3A_1085 : vector<16xf32>
      %mul3A_1087 = arith.mulf %get3A_1073, %get3A_1073 : vector<16xf32>
      %add3A_1088 = arith.addf %add3A_1086, %mul3A_1087 : vector<16xf32>
      %mul3A_1089 = arith.mulf %get3A_1076, %get3A_1076 : vector<16xf32>
      %add3A_1090 = arith.addf %add3A_1088, %mul3A_1089 : vector<16xf32>
      %eq3A_1091 = arith.constant 3 : i32
      %eq3A_1092 = vector.broadcast %eq3A_1091 : i32 to vector<16xi32>
      %eq3A_1093 = arith.cmpi eq, %iota3A, %eq3A_1092 : vector<16xi32>
      %reduce_sum3A_1094 = arith.constant true
      %reduce_sum3A_1095 = vector.broadcast %reduce_sum3A_1094 : i1 to vector<16xi1>
      %reduce_sum3A_1096 = tpu.scan <sum>, %add3A_1083 masked %reduce_sum3A_1095 : vector<16xf32>, vector<16xi1> -> vector<16xf32>
      %reduce_sum3A_1097 = vector.extract %reduce_sum3A_1096[15] : f32 from vector<16xf32>
      %broadcast_in_dim3A_1098 = vector.broadcast %reduce_sum3A_1097 : f32 to vector<16xf32>
      %select_n3A_1099 = arith.select %eq3A_1093, %broadcast_in_dim3A_1098, %select_n3A_1051 : vector<16xi1>, vector<16xf32>
      %eq3A_1100 = arith.constant 3 : i32
      %eq3A_1101 = vector.broadcast %eq3A_1100 : i32 to vector<16xi32>
      %eq3A_1102 = arith.cmpi eq, %iota3A, %eq3A_1101 : vector<16xi32>
      %reduce_sum3A_1103 = arith.constant true
      %reduce_sum3A_1104 = vector.broadcast %reduce_sum3A_1103 : i1 to vector<16xi1>
      %reduce_sum3A_1105 = tpu.scan <sum>, %add3A_1090 masked %reduce_sum3A_1104 : vector<16xf32>, vector<16xi1> -> vector<16xf32>
      %reduce_sum3A_1106 = vector.extract %reduce_sum3A_1105[15] : f32 from vector<16xf32>
      %broadcast_in_dim3A_1107 = vector.broadcast %reduce_sum3A_1106 : f32 to vector<16xf32>
      %select_n3A_1108 = arith.select %eq3A_1102, %broadcast_in_dim3A_1107, %select_n3A_1060 : vector<16xi1>, vector<16xf32>
      %mul3A_1109 = arith.constant 16 : i32
      %mul3A_1110 = arith.muli %scan3A_904, %mul3A_1109 : i32
      %add3A_1111 = arith.constant 4 : i32
      %add3A_1112 = arith.addi %mul3A_1110, %add3A_1111 : i32
      %get3A_1113 = arith.index_cast %add3A_1112 : i32 to index
      %get3A_1114 = arith.constant 0 : index
      %get3A_1115 = tpu.vector_load %arg6[%get3A_1113, %get3A_1114] {strides = array<i32>} : memref<256x64xf32, #tpu.memory_space<vmem>>, vector<16xf32>,
      %get3A_1116 = arith.index_cast %add3A_1112 : i32 to index
      %get3A_1117 = arith.constant 16 : index
      %get3A_1118 = tpu.vector_load %arg6[%get3A_1116, %get3A_1117] {strides = array<i32>} : memref<256x64xf32, #tpu.memory_space<vmem>>, vector<16xf32>,
      %get3A_1119 = arith.index_cast %add3A_1112 : i32 to index
      %get3A_1120 = arith.constant 32 : index
      %get3A_1121 = tpu.vector_load %arg6[%get3A_1119, %get3A_1120] {strides = array<i32>} : memref<256x64xf32, #tpu.memory_space<vmem>>, vector<16xf32>,
      %get3A_1122 = arith.index_cast %add3A_1112 : i32 to index
      %get3A_1123 = arith.constant 48 : index
      %get3A_1124 = tpu.vector_load %arg6[%get3A_1122, %get3A_1123] {strides = array<i32>} : memref<256x64xf32, #tpu.memory_space<vmem>>, vector<16xf32>,
      %mul3A_1125 = arith.mulf %get3A_1115, %get3A_3 : vector<16xf32>
      %mul3A_1126 = arith.mulf %get3A_1118, %get3A_5 : vector<16xf32>
      %add3A_1127 = arith.addf %mul3A_1125, %mul3A_1126 : vector<16xf32>
      %mul3A_1128 = arith.mulf %get3A_1121, %get3A_7 : vector<16xf32>
      %add3A_1129 = arith.addf %add3A_1127, %mul3A_1128 : vector<16xf32>
      %mul3A_1130 = arith.mulf %get3A_1124, %get3A_9 : vector<16xf32>
      %add3A_1131 = arith.addf %add3A_1129, %mul3A_1130 : vector<16xf32>
      %mul3A_1132 = arith.mulf %get3A_1115, %get3A_1115 : vector<16xf32>
      %mul3A_1133 = arith.mulf %get3A_1118, %get3A_1118 : vector<16xf32>
      %add3A_1134 = arith.addf %mul3A_1132, %mul3A_1133 : vector<16xf32>
      %mul3A_1135 = arith.mulf %get3A_1121, %get3A_1121 : vector<16xf32>
      %add3A_1136 = arith.addf %add3A_1134, %mul3A_1135 : vector<16xf32>
      %mul3A_1137 = arith.mulf %get3A_1124, %get3A_1124 : vector<16xf32>
      %add3A_1138 = arith.addf %add3A_1136, %mul3A_1137 : vector<16xf32>
      %eq3A_1139 = arith.constant 4 : i32
      %eq3A_1140 = vector.broadcast %eq3A_1139 : i32 to vector<16xi32>
      %eq3A_1141 = arith.cmpi eq, %iota3A, %eq3A_1140 : vector<16xi32>
      %reduce_sum3A_1142 = arith.constant true
      %reduce_sum3A_1143 = vector.broadcast %reduce_sum3A_1142 : i1 to vector<16xi1>
      %reduce_sum3A_1144 = tpu.scan <sum>, %add3A_1131 masked %reduce_sum3A_1143 : vector<16xf32>, vector<16xi1> -> vector<16xf32>
      %reduce_sum3A_1145 = vector.extract %reduce_sum3A_1144[15] : f32 from vector<16xf32>
      %broadcast_in_dim3A_1146 = vector.broadcast %reduce_sum3A_1145 : f32 to vector<16xf32>
      %select_n3A_1147 = arith.select %eq3A_1141, %broadcast_in_dim3A_1146, %select_n3A_1099 : vector<16xi1>, vector<16xf32>
      %eq3A_1148 = arith.constant 4 : i32
      %eq3A_1149 = vector.broadcast %eq3A_1148 : i32 to vector<16xi32>
      %eq3A_1150 = arith.cmpi eq, %iota3A, %eq3A_1149 : vector<16xi32>
      %reduce_sum3A_1151 = arith.constant true
      %reduce_sum3A_1152 = vector.broadcast %reduce_sum3A_1151 : i1 to vector<16xi1>
      %reduce_sum3A_1153 = tpu.scan <sum>, %add3A_1138 masked %reduce_sum3A_1152 : vector<16xf32>, vector<16xi1> -> vector<16xf32>
      %reduce_sum3A_1154 = vector.extract %reduce_sum3A_1153[15] : f32 from vector<16xf32>
      %broadcast_in_dim3A_1155 = vector.broadcast %reduce_sum3A_1154 : f32 to vector<16xf32>
      %select_n3A_1156 = arith.select %eq3A_1150, %broadcast_in_dim3A_1155, %select_n3A_1108 : vector<16xi1>, vector<16xf32>
      %mul3A_1157 = arith.constant 16 : i32
      %mul3A_1158 = arith.muli %scan3A_904, %mul3A_1157 : i32
      %add3A_1159 = arith.constant 5 : i32
      %add3A_1160 = arith.addi %mul3A_1158, %add3A_1159 : i32
      %get3A_1161 = arith.index_cast %add3A_1160 : i32 to index
      %get3A_1162 = arith.constant 0 : index
      %get3A_1163 = tpu.vector_load %arg6[%get3A_1161, %get3A_1162] {strides = array<i32>} : memref<256x64xf32, #tpu.memory_space<vmem>>, vector<16xf32>,
      %get3A_1164 = arith.index_cast %add3A_1160 : i32 to index
      %get3A_1165 = arith.constant 16 : index
      %get3A_1166 = tpu.vector_load %arg6[%get3A_1164, %get3A_1165] {strides = array<i32>} : memref<256x64xf32, #tpu.memory_space<vmem>>, vector<16xf32>,
      %get3A_1167 = arith.index_cast %add3A_1160 : i32 to index
      %get3A_1168 = arith.constant 32 : index
      %get3A_1169 = tpu.vector_load %arg6[%get3A_1167, %get3A_1168] {strides = array<i32>} : memref<256x64xf32, #tpu.memory_space<vmem>>, vector<16xf32>,
      %get3A_1170 = arith.index_cast %add3A_1160 : i32 to index
      %get3A_1171 = arith.constant 48 : index
      %get3A_1172 = tpu.vector_load %arg6[%get3A_1170, %get3A_1171] {strides = array<i32>} : memref<256x64xf32, #tpu.memory_space<vmem>>, vector<16xf32>,
      %mul3A_1173 = arith.mulf %get3A_1163, %get3A_3 : vector<16xf32>
      %mul3A_1174 = arith.mulf %get3A_1166, %get3A_5 : vector<16xf32>
      %add3A_1175 = arith.addf %mul3A_1173, %mul3A_1174 : vector<16xf32>
      %mul3A_1176 = arith.mulf %get3A_1169, %get3A_7 : vector<16xf32>
      %add3A_1177 = arith.addf %add3A_1175, %mul3A_1176 : vector<16xf32>
      %mul3A_1178 = arith.mulf %get3A_1172, %get3A_9 : vector<16xf32>
      %add3A_1179 = arith.addf %add3A_1177, %mul3A_1178 : vector<16xf32>
      %mul3A_1180 = arith.mulf %get3A_1163, %get3A_1163 : vector<16xf32>
      %mul3A_1181 = arith.mulf %get3A_1166, %get3A_1166 : vector<16xf32>
      %add3A_1182 = arith.addf %mul3A_1180, %mul3A_1181 : vector<16xf32>
      %mul3A_1183 = arith.mulf %get3A_1169, %get3A_1169 : vector<16xf32>
      %add3A_1184 = arith.addf %add3A_1182, %mul3A_1183 : vector<16xf32>
      %mul3A_1185 = arith.mulf %get3A_1172, %get3A_1172 : vector<16xf32>
      %add3A_1186 = arith.addf %add3A_1184, %mul3A_1185 : vector<16xf32>
      %eq3A_1187 = arith.constant 5 : i32
      %eq3A_1188 = vector.broadcast %eq3A_1187 : i32 to vector<16xi32>
      %eq3A_1189 = arith.cmpi eq, %iota3A, %eq3A_1188 : vector<16xi32>
      %reduce_sum3A_1190 = arith.constant true
      %reduce_sum3A_1191 = vector.broadcast %reduce_sum3A_1190 : i1 to vector<16xi1>
      %reduce_sum3A_1192 = tpu.scan <sum>, %add3A_1179 masked %reduce_sum3A_1191 : vector<16xf32>, vector<16xi1> -> vector<16xf32>
      %reduce_sum3A_1193 = vector.extract %reduce_sum3A_1192[15] : f32 from vector<16xf32>
      %broadcast_in_dim3A_1194 = vector.broadcast %reduce_sum3A_1193 : f32 to vector<16xf32>
      %select_n3A_1195 = arith.select %eq3A_1189, %broadcast_in_dim3A_1194, %select_n3A_1147 : vector<16xi1>, vector<16xf32>
      %eq3A_1196 = arith.constant 5 : i32
      %eq3A_1197 = vector.broadcast %eq3A_1196 : i32 to vector<16xi32>
      %eq3A_1198 = arith.cmpi eq, %iota3A, %eq3A_1197 : vector<16xi32>
      %reduce_sum3A_1199 = arith.constant true
      %reduce_sum3A_1200 = vector.broadcast %reduce_sum3A_1199 : i1 to vector<16xi1>
      %reduce_sum3A_1201 = tpu.scan <sum>, %add3A_1186 masked %reduce_sum3A_1200 : vector<16xf32>, vector<16xi1> -> vector<16xf32>
      %reduce_sum3A_1202 = vector.extract %reduce_sum3A_1201[15] : f32 from vector<16xf32>
      %broadcast_in_dim3A_1203 = vector.broadcast %reduce_sum3A_1202 : f32 to vector<16xf32>
      %select_n3A_1204 = arith.select %eq3A_1198, %broadcast_in_dim3A_1203, %select_n3A_1156 : vector<16xi1>, vector<16xf32>
      %mul3A_1205 = arith.constant 16 : i32
      %mul3A_1206 = arith.muli %scan3A_904, %mul3A_1205 : i32
      %add3A_1207 = arith.constant 6 : i32
      %add3A_1208 = arith.addi %mul3A_1206, %add3A_1207 : i32
      %get3A_1209 = arith.index_cast %add3A_1208 : i32 to index
      %get3A_1210 = arith.constant 0 : index
      %get3A_1211 = tpu.vector_load %arg6[%get3A_1209, %get3A_1210] {strides = array<i32>} : memref<256x64xf32, #tpu.memory_space<vmem>>, vector<16xf32>,
      %get3A_1212 = arith.index_cast %add3A_1208 : i32 to index
      %get3A_1213 = arith.constant 16 : index
      %get3A_1214 = tpu.vector_load %arg6[%get3A_1212, %get3A_1213] {strides = array<i32>} : memref<256x64xf32, #tpu.memory_space<vmem>>, vector<16xf32>,
      %get3A_1215 = arith.index_cast %add3A_1208 : i32 to index
      %get3A_1216 = arith.constant 32 : index
      %get3A_1217 = tpu.vector_load %arg6[%get3A_1215, %get3A_1216] {strides = array<i32>} : memref<256x64xf32, #tpu.memory_space<vmem>>, vector<16xf32>,
      %get3A_1218 = arith.index_cast %add3A_1208 : i32 to index
      %get3A_1219 = arith.constant 48 : index
      %get3A_1220 = tpu.vector_load %arg6[%get3A_1218, %get3A_1219] {strides = array<i32>} : memref<256x64xf32, #tpu.memory_space<vmem>>, vector<16xf32>,
      %mul3A_1221 = arith.mulf %get3A_1211, %get3A_3 : vector<16xf32>
      %mul3A_1222 = arith.mulf %get3A_1214, %get3A_5 : vector<16xf32>
      %add3A_1223 = arith.addf %mul3A_1221, %mul3A_1222 : vector<16xf32>
      %mul3A_1224 = arith.mulf %get3A_1217, %get3A_7 : vector<16xf32>
      %add3A_1225 = arith.addf %add3A_1223, %mul3A_1224 : vector<16xf32>
      %mul3A_1226 = arith.mulf %get3A_1220, %get3A_9 : vector<16xf32>
      %add3A_1227 = arith.addf %add3A_1225, %mul3A_1226 : vector<16xf32>
      %mul3A_1228 = arith.mulf %get3A_1211, %get3A_1211 : vector<16xf32>
      %mul3A_1229 = arith.mulf %get3A_1214, %get3A_1214 : vector<16xf32>
      %add3A_1230 = arith.addf %mul3A_1228, %mul3A_1229 : vector<16xf32>
      %mul3A_1231 = arith.mulf %get3A_1217, %get3A_1217 : vector<16xf32>
      %add3A_1232 = arith.addf %add3A_1230, %mul3A_1231 : vector<16xf32>
      %mul3A_1233 = arith.mulf %get3A_1220, %get3A_1220 : vector<16xf32>
      %add3A_1234 = arith.addf %add3A_1232, %mul3A_1233 : vector<16xf32>
      %eq3A_1235 = arith.constant 6 : i32
      %eq3A_1236 = vector.broadcast %eq3A_1235 : i32 to vector<16xi32>
      %eq3A_1237 = arith.cmpi eq, %iota3A, %eq3A_1236 : vector<16xi32>
      %reduce_sum3A_1238 = arith.constant true
      %reduce_sum3A_1239 = vector.broadcast %reduce_sum3A_1238 : i1 to vector<16xi1>
      %reduce_sum3A_1240 = tpu.scan <sum>, %add3A_1227 masked %reduce_sum3A_1239 : vector<16xf32>, vector<16xi1> -> vector<16xf32>
      %reduce_sum3A_1241 = vector.extract %reduce_sum3A_1240[15] : f32 from vector<16xf32>
      %broadcast_in_dim3A_1242 = vector.broadcast %reduce_sum3A_1241 : f32 to vector<16xf32>
      %select_n3A_1243 = arith.select %eq3A_1237, %broadcast_in_dim3A_1242, %select_n3A_1195 : vector<16xi1>, vector<16xf32>
      %eq3A_1244 = arith.constant 6 : i32
      %eq3A_1245 = vector.broadcast %eq3A_1244 : i32 to vector<16xi32>
      %eq3A_1246 = arith.cmpi eq, %iota3A, %eq3A_1245 : vector<16xi32>
      %reduce_sum3A_1247 = arith.constant true
      %reduce_sum3A_1248 = vector.broadcast %reduce_sum3A_1247 : i1 to vector<16xi1>
      %reduce_sum3A_1249 = tpu.scan <sum>, %add3A_1234 masked %reduce_sum3A_1248 : vector<16xf32>, vector<16xi1> -> vector<16xf32>
      %reduce_sum3A_1250 = vector.extract %reduce_sum3A_1249[15] : f32 from vector<16xf32>
      %broadcast_in_dim3A_1251 = vector.broadcast %reduce_sum3A_1250 : f32 to vector<16xf32>
      %select_n3A_1252 = arith.select %eq3A_1246, %broadcast_in_dim3A_1251, %select_n3A_1204 : vector<16xi1>, vector<16xf32>
      %mul3A_1253 = arith.constant 16 : i32
      %mul3A_1254 = arith.muli %scan3A_904, %mul3A_1253 : i32
      %add3A_1255 = arith.constant 7 : i32
      %add3A_1256 = arith.addi %mul3A_1254, %add3A_1255 : i32
      %get3A_1257 = arith.index_cast %add3A_1256 : i32 to index
      %get3A_1258 = arith.constant 0 : index
      %get3A_1259 = tpu.vector_load %arg6[%get3A_1257, %get3A_1258] {strides = array<i32>} : memref<256x64xf32, #tpu.memory_space<vmem>>, vector<16xf32>,
      %get3A_1260 = arith.index_cast %add3A_1256 : i32 to index
      %get3A_1261 = arith.constant 16 : index
      %get3A_1262 = tpu.vector_load %arg6[%get3A_1260, %get3A_1261] {strides = array<i32>} : memref<256x64xf32, #tpu.memory_space<vmem>>, vector<16xf32>,
      %get3A_1263 = arith.index_cast %add3A_1256 : i32 to index
      %get3A_1264 = arith.constant 32 : index
      %get3A_1265 = tpu.vector_load %arg6[%get3A_1263, %get3A_1264] {strides = array<i32>} : memref<256x64xf32, #tpu.memory_space<vmem>>, vector<16xf32>,
      %get3A_1266 = arith.index_cast %add3A_1256 : i32 to index
      %get3A_1267 = arith.constant 48 : index
      %get3A_1268 = tpu.vector_load %arg6[%get3A_1266, %get3A_1267] {strides = array<i32>} : memref<256x64xf32, #tpu.memory_space<vmem>>, vector<16xf32>,
      %mul3A_1269 = arith.mulf %get3A_1259, %get3A_3 : vector<16xf32>
      %mul3A_1270 = arith.mulf %get3A_1262, %get3A_5 : vector<16xf32>
      %add3A_1271 = arith.addf %mul3A_1269, %mul3A_1270 : vector<16xf32>
      %mul3A_1272 = arith.mulf %get3A_1265, %get3A_7 : vector<16xf32>
      %add3A_1273 = arith.addf %add3A_1271, %mul3A_1272 : vector<16xf32>
      %mul3A_1274 = arith.mulf %get3A_1268, %get3A_9 : vector<16xf32>
      %add3A_1275 = arith.addf %add3A_1273, %mul3A_1274 : vector<16xf32>
      %mul3A_1276 = arith.mulf %get3A_1259, %get3A_1259 : vector<16xf32>
      %mul3A_1277 = arith.mulf %get3A_1262, %get3A_1262 : vector<16xf32>
      %add3A_1278 = arith.addf %mul3A_1276, %mul3A_1277 : vector<16xf32>
      %mul3A_1279 = arith.mulf %get3A_1265, %get3A_1265 : vector<16xf32>
      %add3A_1280 = arith.addf %add3A_1278, %mul3A_1279 : vector<16xf32>
      %mul3A_1281 = arith.mulf %get3A_1268, %get3A_1268 : vector<16xf32>
      %add3A_1282 = arith.addf %add3A_1280, %mul3A_1281 : vector<16xf32>
      %eq3A_1283 = arith.constant 7 : i32
      %eq3A_1284 = vector.broadcast %eq3A_1283 : i32 to vector<16xi32>
      %eq3A_1285 = arith.cmpi eq, %iota3A, %eq3A_1284 : vector<16xi32>
      %reduce_sum3A_1286 = arith.constant true
      %reduce_sum3A_1287 = vector.broadcast %reduce_sum3A_1286 : i1 to vector<16xi1>
      %reduce_sum3A_1288 = tpu.scan <sum>, %add3A_1275 masked %reduce_sum3A_1287 : vector<16xf32>, vector<16xi1> -> vector<16xf32>
      %reduce_sum3A_1289 = vector.extract %reduce_sum3A_1288[15] : f32 from vector<16xf32>
      %broadcast_in_dim3A_1290 = vector.broadcast %reduce_sum3A_1289 : f32 to vector<16xf32>
      %select_n3A_1291 = arith.select %eq3A_1285, %broadcast_in_dim3A_1290, %select_n3A_1243 : vector<16xi1>, vector<16xf32>
      %eq3A_1292 = arith.constant 7 : i32
      %eq3A_1293 = vector.broadcast %eq3A_1292 : i32 to vector<16xi32>
      %eq3A_1294 = arith.cmpi eq, %iota3A, %eq3A_1293 : vector<16xi32>
      %reduce_sum3A_1295 = arith.constant true
      %reduce_sum3A_1296 = vector.broadcast %reduce_sum3A_1295 : i1 to vector<16xi1>
      %reduce_sum3A_1297 = tpu.scan <sum>, %add3A_1282 masked %reduce_sum3A_1296 : vector<16xf32>, vector<16xi1> -> vector<16xf32>
      %reduce_sum3A_1298 = vector.extract %reduce_sum3A_1297[15] : f32 from vector<16xf32>
      %broadcast_in_dim3A_1299 = vector.broadcast %reduce_sum3A_1298 : f32 to vector<16xf32>
      %select_n3A_1300 = arith.select %eq3A_1294, %broadcast_in_dim3A_1299, %select_n3A_1252 : vector<16xi1>, vector<16xf32>
      %mul3A_1301 = arith.constant 16 : i32
      %mul3A_1302 = arith.muli %scan3A_904, %mul3A_1301 : i32
      %add3A_1303 = arith.constant 8 : i32
      %add3A_1304 = arith.addi %mul3A_1302, %add3A_1303 : i32
      %get3A_1305 = arith.index_cast %add3A_1304 : i32 to index
      %get3A_1306 = arith.constant 0 : index
      %get3A_1307 = tpu.vector_load %arg6[%get3A_1305, %get3A_1306] {strides = array<i32>} : memref<256x64xf32, #tpu.memory_space<vmem>>, vector<16xf32>,
      %get3A_1308 = arith.index_cast %add3A_1304 : i32 to index
      %get3A_1309 = arith.constant 16 : index
      %get3A_1310 = tpu.vector_load %arg6[%get3A_1308, %get3A_1309] {strides = array<i32>} : memref<256x64xf32, #tpu.memory_space<vmem>>, vector<16xf32>,
      %get3A_1311 = arith.index_cast %add3A_1304 : i32 to index
      %get3A_1312 = arith.constant 32 : index
      %get3A_1313 = tpu.vector_load %arg6[%get3A_1311, %get3A_1312] {strides = array<i32>} : memref<256x64xf32, #tpu.memory_space<vmem>>, vector<16xf32>,
      %get3A_1314 = arith.index_cast %add3A_1304 : i32 to index
      %get3A_1315 = arith.constant 48 : index
      %get3A_1316 = tpu.vector_load %arg6[%get3A_1314, %get3A_1315] {strides = array<i32>} : memref<256x64xf32, #tpu.memory_space<vmem>>, vector<16xf32>,
      %mul3A_1317 = arith.mulf %get3A_1307, %get3A_3 : vector<16xf32>
      %mul3A_1318 = arith.mulf %get3A_1310, %get3A_5 : vector<16xf32>
      %add3A_1319 = arith.addf %mul3A_1317, %mul3A_1318 : vector<16xf32>
      %mul3A_1320 = arith.mulf %get3A_1313, %get3A_7 : vector<16xf32>
      %add3A_1321 = arith.addf %add3A_1319, %mul3A_1320 : vector<16xf32>
      %mul3A_1322 = arith.mulf %get3A_1316, %get3A_9 : vector<16xf32>
      %add3A_1323 = arith.addf %add3A_1321, %mul3A_1322 : vector<16xf32>
      %mul3A_1324 = arith.mulf %get3A_1307, %get3A_1307 : vector<16xf32>
      %mul3A_1325 = arith.mulf %get3A_1310, %get3A_1310 : vector<16xf32>
      %add3A_1326 = arith.addf %mul3A_1324, %mul3A_1325 : vector<16xf32>
      %mul3A_1327 = arith.mulf %get3A_1313, %get3A_1313 : vector<16xf32>
      %add3A_1328 = arith.addf %add3A_1326, %mul3A_1327 : vector<16xf32>
      %mul3A_1329 = arith.mulf %get3A_1316, %get3A_1316 : vector<16xf32>
      %add3A_1330 = arith.addf %add3A_1328, %mul3A_1329 : vector<16xf32>
      %eq3A_1331 = arith.constant 8 : i32
      %eq3A_1332 = vector.broadcast %eq3A_1331 : i32 to vector<16xi32>
      %eq3A_1333 = arith.cmpi eq, %iota3A, %eq3A_1332 : vector<16xi32>
      %reduce_sum3A_1334 = arith.constant true
      %reduce_sum3A_1335 = vector.broadcast %reduce_sum3A_1334 : i1 to vector<16xi1>
      %reduce_sum3A_1336 = tpu.scan <sum>, %add3A_1323 masked %reduce_sum3A_1335 : vector<16xf32>, vector<16xi1> -> vector<16xf32>
      %reduce_sum3A_1337 = vector.extract %reduce_sum3A_1336[15] : f32 from vector<16xf32>
      %broadcast_in_dim3A_1338 = vector.broadcast %reduce_sum3A_1337 : f32 to vector<16xf32>
      %select_n3A_1339 = arith.select %eq3A_1333, %broadcast_in_dim3A_1338, %select_n3A_1291 : vector<16xi1>, vector<16xf32>
      %eq3A_1340 = arith.constant 8 : i32
      %eq3A_1341 = vector.broadcast %eq3A_1340 : i32 to vector<16xi32>
      %eq3A_1342 = arith.cmpi eq, %iota3A, %eq3A_1341 : vector<16xi32>
      %reduce_sum3A_1343 = arith.constant true
      %reduce_sum3A_1344 = vector.broadcast %reduce_sum3A_1343 : i1 to vector<16xi1>
      %reduce_sum3A_1345 = tpu.scan <sum>, %add3A_1330 masked %reduce_sum3A_1344 : vector<16xf32>, vector<16xi1> -> vector<16xf32>
      %reduce_sum3A_1346 = vector.extract %reduce_sum3A_1345[15] : f32 from vector<16xf32>
      %broadcast_in_dim3A_1347 = vector.broadcast %reduce_sum3A_1346 : f32 to vector<16xf32>
      %select_n3A_1348 = arith.select %eq3A_1342, %broadcast_in_dim3A_1347, %select_n3A_1300 : vector<16xi1>, vector<16xf32>
      %mul3A_1349 = arith.constant 16 : i32
      %mul3A_1350 = arith.muli %scan3A_904, %mul3A_1349 : i32
      %add3A_1351 = arith.constant 9 : i32
      %add3A_1352 = arith.addi %mul3A_1350, %add3A_1351 : i32
      %get3A_1353 = arith.index_cast %add3A_1352 : i32 to index
      %get3A_1354 = arith.constant 0 : index
      %get3A_1355 = tpu.vector_load %arg6[%get3A_1353, %get3A_1354] {strides = array<i32>} : memref<256x64xf32, #tpu.memory_space<vmem>>, vector<16xf32>,
      %get3A_1356 = arith.index_cast %add3A_1352 : i32 to index
      %get3A_1357 = arith.constant 16 : index
      %get3A_1358 = tpu.vector_load %arg6[%get3A_1356, %get3A_1357] {strides = array<i32>} : memref<256x64xf32, #tpu.memory_space<vmem>>, vector<16xf32>,
      %get3A_1359 = arith.index_cast %add3A_1352 : i32 to index
      %get3A_1360 = arith.constant 32 : index
      %get3A_1361 = tpu.vector_load %arg6[%get3A_1359, %get3A_1360] {strides = array<i32>} : memref<256x64xf32, #tpu.memory_space<vmem>>, vector<16xf32>,
      %get3A_1362 = arith.index_cast %add3A_1352 : i32 to index
      %get3A_1363 = arith.constant 48 : index
      %get3A_1364 = tpu.vector_load %arg6[%get3A_1362, %get3A_1363] {strides = array<i32>} : memref<256x64xf32, #tpu.memory_space<vmem>>, vector<16xf32>,
      %mul3A_1365 = arith.mulf %get3A_1355, %get3A_3 : vector<16xf32>
      %mul3A_1366 = arith.mulf %get3A_1358, %get3A_5 : vector<16xf32>
      %add3A_1367 = arith.addf %mul3A_1365, %mul3A_1366 : vector<16xf32>
      %mul3A_1368 = arith.mulf %get3A_1361, %get3A_7 : vector<16xf32>
      %add3A_1369 = arith.addf %add3A_1367, %mul3A_1368 : vector<16xf32>
      %mul3A_1370 = arith.mulf %get3A_1364, %get3A_9 : vector<16xf32>
      %add3A_1371 = arith.addf %add3A_1369, %mul3A_1370 : vector<16xf32>
      %mul3A_1372 = arith.mulf %get3A_1355, %get3A_1355 : vector<16xf32>
      %mul3A_1373 = arith.mulf %get3A_1358, %get3A_1358 : vector<16xf32>
      %add3A_1374 = arith.addf %mul3A_1372, %mul3A_1373 : vector<16xf32>
      %mul3A_1375 = arith.mulf %get3A_1361, %get3A_1361 : vector<16xf32>
      %add3A_1376 = arith.addf %add3A_1374, %mul3A_1375 : vector<16xf32>
      %mul3A_1377 = arith.mulf %get3A_1364, %get3A_1364 : vector<16xf32>
      %add3A_1378 = arith.addf %add3A_1376, %mul3A_1377 : vector<16xf32>
      %eq3A_1379 = arith.constant 9 : i32
      %eq3A_1380 = vector.broadcast %eq3A_1379 : i32 to vector<16xi32>
      %eq3A_1381 = arith.cmpi eq, %iota3A, %eq3A_1380 : vector<16xi32>
      %reduce_sum3A_1382 = arith.constant true
      %reduce_sum3A_1383 = vector.broadcast %reduce_sum3A_1382 : i1 to vector<16xi1>
      %reduce_sum3A_1384 = tpu.scan <sum>, %add3A_1371 masked %reduce_sum3A_1383 : vector<16xf32>, vector<16xi1> -> vector<16xf32>
      %reduce_sum3A_1385 = vector.extract %reduce_sum3A_1384[15] : f32 from vector<16xf32>
      %broadcast_in_dim3A_1386 = vector.broadcast %reduce_sum3A_1385 : f32 to vector<16xf32>
      %select_n3A_1387 = arith.select %eq3A_1381, %broadcast_in_dim3A_1386, %select_n3A_1339 : vector<16xi1>, vector<16xf32>
      %eq3A_1388 = arith.constant 9 : i32
      %eq3A_1389 = vector.broadcast %eq3A_1388 : i32 to vector<16xi32>
      %eq3A_1390 = arith.cmpi eq, %iota3A, %eq3A_1389 : vector<16xi32>
      %reduce_sum3A_1391 = arith.constant true
      %reduce_sum3A_1392 = vector.broadcast %reduce_sum3A_1391 : i1 to vector<16xi1>
      %reduce_sum3A_1393 = tpu.scan <sum>, %add3A_1378 masked %reduce_sum3A_1392 : vector<16xf32>, vector<16xi1> -> vector<16xf32>
      %reduce_sum3A_1394 = vector.extract %reduce_sum3A_1393[15] : f32 from vector<16xf32>
      %broadcast_in_dim3A_1395 = vector.broadcast %reduce_sum3A_1394 : f32 to vector<16xf32>
      %select_n3A_1396 = arith.select %eq3A_1390, %broadcast_in_dim3A_1395, %select_n3A_1348 : vector<16xi1>, vector<16xf32>
      %mul3A_1397 = arith.constant 16 : i32
      %mul3A_1398 = arith.muli %scan3A_904, %mul3A_1397 : i32
      %add3A_1399 = arith.constant 10 : i32
      %add3A_1400 = arith.addi %mul3A_1398, %add3A_1399 : i32
      %get3A_1401 = arith.index_cast %add3A_1400 : i32 to index
      %get3A_1402 = arith.constant 0 : index
      %get3A_1403 = tpu.vector_load %arg6[%get3A_1401, %get3A_1402] {strides = array<i32>} : memref<256x64xf32, #tpu.memory_space<vmem>>, vector<16xf32>,
      %get3A_1404 = arith.index_cast %add3A_1400 : i32 to index
      %get3A_1405 = arith.constant 16 : index
      %get3A_1406 = tpu.vector_load %arg6[%get3A_1404, %get3A_1405] {strides = array<i32>} : memref<256x64xf32, #tpu.memory_space<vmem>>, vector<16xf32>,
      %get3A_1407 = arith.index_cast %add3A_1400 : i32 to index
      %get3A_1408 = arith.constant 32 : index
      %get3A_1409 = tpu.vector_load %arg6[%get3A_1407, %get3A_1408] {strides = array<i32>} : memref<256x64xf32, #tpu.memory_space<vmem>>, vector<16xf32>,
      %get3A_1410 = arith.index_cast %add3A_1400 : i32 to index
      %get3A_1411 = arith.constant 48 : index
      %get3A_1412 = tpu.vector_load %arg6[%get3A_1410, %get3A_1411] {strides = array<i32>} : memref<256x64xf32, #tpu.memory_space<vmem>>, vector<16xf32>,
      %mul3A_1413 = arith.mulf %get3A_1403, %get3A_3 : vector<16xf32>
      %mul3A_1414 = arith.mulf %get3A_1406, %get3A_5 : vector<16xf32>
      %add3A_1415 = arith.addf %mul3A_1413, %mul3A_1414 : vector<16xf32>
      %mul3A_1416 = arith.mulf %get3A_1409, %get3A_7 : vector<16xf32>
      %add3A_1417 = arith.addf %add3A_1415, %mul3A_1416 : vector<16xf32>
      %mul3A_1418 = arith.mulf %get3A_1412, %get3A_9 : vector<16xf32>
      %add3A_1419 = arith.addf %add3A_1417, %mul3A_1418 : vector<16xf32>
      %mul3A_1420 = arith.mulf %get3A_1403, %get3A_1403 : vector<16xf32>
      %mul3A_1421 = arith.mulf %get3A_1406, %get3A_1406 : vector<16xf32>
      %add3A_1422 = arith.addf %mul3A_1420, %mul3A_1421 : vector<16xf32>
      %mul3A_1423 = arith.mulf %get3A_1409, %get3A_1409 : vector<16xf32>
      %add3A_1424 = arith.addf %add3A_1422, %mul3A_1423 : vector<16xf32>
      %mul3A_1425 = arith.mulf %get3A_1412, %get3A_1412 : vector<16xf32>
      %add3A_1426 = arith.addf %add3A_1424, %mul3A_1425 : vector<16xf32>
      %eq3A_1427 = arith.constant 10 : i32
      %eq3A_1428 = vector.broadcast %eq3A_1427 : i32 to vector<16xi32>
      %eq3A_1429 = arith.cmpi eq, %iota3A, %eq3A_1428 : vector<16xi32>
      %reduce_sum3A_1430 = arith.constant true
      %reduce_sum3A_1431 = vector.broadcast %reduce_sum3A_1430 : i1 to vector<16xi1>
      %reduce_sum3A_1432 = tpu.scan <sum>, %add3A_1419 masked %reduce_sum3A_1431 : vector<16xf32>, vector<16xi1> -> vector<16xf32>
      %reduce_sum3A_1433 = vector.extract %reduce_sum3A_1432[15] : f32 from vector<16xf32>
      %broadcast_in_dim3A_1434 = vector.broadcast %reduce_sum3A_1433 : f32 to vector<16xf32>
      %select_n3A_1435 = arith.select %eq3A_1429, %broadcast_in_dim3A_1434, %select_n3A_1387 : vector<16xi1>, vector<16xf32>
      %eq3A_1436 = arith.constant 10 : i32
      %eq3A_1437 = vector.broadcast %eq3A_1436 : i32 to vector<16xi32>
      %eq3A_1438 = arith.cmpi eq, %iota3A, %eq3A_1437 : vector<16xi32>
      %reduce_sum3A_1439 = arith.constant true
      %reduce_sum3A_1440 = vector.broadcast %reduce_sum3A_1439 : i1 to vector<16xi1>
      %reduce_sum3A_1441 = tpu.scan <sum>, %add3A_1426 masked %reduce_sum3A_1440 : vector<16xf32>, vector<16xi1> -> vector<16xf32>
      %reduce_sum3A_1442 = vector.extract %reduce_sum3A_1441[15] : f32 from vector<16xf32>
      %broadcast_in_dim3A_1443 = vector.broadcast %reduce_sum3A_1442 : f32 to vector<16xf32>
      %select_n3A_1444 = arith.select %eq3A_1438, %broadcast_in_dim3A_1443, %select_n3A_1396 : vector<16xi1>, vector<16xf32>
      %mul3A_1445 = arith.constant 16 : i32
      %mul3A_1446 = arith.muli %scan3A_904, %mul3A_1445 : i32
      %add3A_1447 = arith.constant 11 : i32
      %add3A_1448 = arith.addi %mul3A_1446, %add3A_1447 : i32
      %get3A_1449 = arith.index_cast %add3A_1448 : i32 to index
      %get3A_1450 = arith.constant 0 : index
      %get3A_1451 = tpu.vector_load %arg6[%get3A_1449, %get3A_1450] {strides = array<i32>} : memref<256x64xf32, #tpu.memory_space<vmem>>, vector<16xf32>,
      %get3A_1452 = arith.index_cast %add3A_1448 : i32 to index
      %get3A_1453 = arith.constant 16 : index
      %get3A_1454 = tpu.vector_load %arg6[%get3A_1452, %get3A_1453] {strides = array<i32>} : memref<256x64xf32, #tpu.memory_space<vmem>>, vector<16xf32>,
      %get3A_1455 = arith.index_cast %add3A_1448 : i32 to index
      %get3A_1456 = arith.constant 32 : index
      %get3A_1457 = tpu.vector_load %arg6[%get3A_1455, %get3A_1456] {strides = array<i32>} : memref<256x64xf32, #tpu.memory_space<vmem>>, vector<16xf32>,
      %get3A_1458 = arith.index_cast %add3A_1448 : i32 to index
      %get3A_1459 = arith.constant 48 : index
      %get3A_1460 = tpu.vector_load %arg6[%get3A_1458, %get3A_1459] {strides = array<i32>} : memref<256x64xf32, #tpu.memory_space<vmem>>, vector<16xf32>,
      %mul3A_1461 = arith.mulf %get3A_1451, %get3A_3 : vector<16xf32>
      %mul3A_1462 = arith.mulf %get3A_1454, %get3A_5 : vector<16xf32>
      %add3A_1463 = arith.addf %mul3A_1461, %mul3A_1462 : vector<16xf32>
      %mul3A_1464 = arith.mulf %get3A_1457, %get3A_7 : vector<16xf32>
      %add3A_1465 = arith.addf %add3A_1463, %mul3A_1464 : vector<16xf32>
      %mul3A_1466 = arith.mulf %get3A_1460, %get3A_9 : vector<16xf32>
      %add3A_1467 = arith.addf %add3A_1465, %mul3A_1466 : vector<16xf32>
      %mul3A_1468 = arith.mulf %get3A_1451, %get3A_1451 : vector<16xf32>
      %mul3A_1469 = arith.mulf %get3A_1454, %get3A_1454 : vector<16xf32>
      %add3A_1470 = arith.addf %mul3A_1468, %mul3A_1469 : vector<16xf32>
      %mul3A_1471 = arith.mulf %get3A_1457, %get3A_1457 : vector<16xf32>
      %add3A_1472 = arith.addf %add3A_1470, %mul3A_1471 : vector<16xf32>
      %mul3A_1473 = arith.mulf %get3A_1460, %get3A_1460 : vector<16xf32>
      %add3A_1474 = arith.addf %add3A_1472, %mul3A_1473 : vector<16xf32>
      %eq3A_1475 = arith.constant 11 : i32
      %eq3A_1476 = vector.broadcast %eq3A_1475 : i32 to vector<16xi32>
      %eq3A_1477 = arith.cmpi eq, %iota3A, %eq3A_1476 : vector<16xi32>
      %reduce_sum3A_1478 = arith.constant true
      %reduce_sum3A_1479 = vector.broadcast %reduce_sum3A_1478 : i1 to vector<16xi1>
      %reduce_sum3A_1480 = tpu.scan <sum>, %add3A_1467 masked %reduce_sum3A_1479 : vector<16xf32>, vector<16xi1> -> vector<16xf32>
      %reduce_sum3A_1481 = vector.extract %reduce_sum3A_1480[15] : f32 from vector<16xf32>
      %broadcast_in_dim3A_1482 = vector.broadcast %reduce_sum3A_1481 : f32 to vector<16xf32>
      %select_n3A_1483 = arith.select %eq3A_1477, %broadcast_in_dim3A_1482, %select_n3A_1435 : vector<16xi1>, vector<16xf32>
      %eq3A_1484 = arith.constant 11 : i32
      %eq3A_1485 = vector.broadcast %eq3A_1484 : i32 to vector<16xi32>
      %eq3A_1486 = arith.cmpi eq, %iota3A, %eq3A_1485 : vector<16xi32>
      %reduce_sum3A_1487 = arith.constant true
      %reduce_sum3A_1488 = vector.broadcast %reduce_sum3A_1487 : i1 to vector<16xi1>
      %reduce_sum3A_1489 = tpu.scan <sum>, %add3A_1474 masked %reduce_sum3A_1488 : vector<16xf32>, vector<16xi1> -> vector<16xf32>
      %reduce_sum3A_1490 = vector.extract %reduce_sum3A_1489[15] : f32 from vector<16xf32>
      %broadcast_in_dim3A_1491 = vector.broadcast %reduce_sum3A_1490 : f32 to vector<16xf32>
      %select_n3A_1492 = arith.select %eq3A_1486, %broadcast_in_dim3A_1491, %select_n3A_1444 : vector<16xi1>, vector<16xf32>
      %mul3A_1493 = arith.constant 16 : i32
      %mul3A_1494 = arith.muli %scan3A_904, %mul3A_1493 : i32
      %add3A_1495 = arith.constant 12 : i32
      %add3A_1496 = arith.addi %mul3A_1494, %add3A_1495 : i32
      %get3A_1497 = arith.index_cast %add3A_1496 : i32 to index
      %get3A_1498 = arith.constant 0 : index
      %get3A_1499 = tpu.vector_load %arg6[%get3A_1497, %get3A_1498] {strides = array<i32>} : memref<256x64xf32, #tpu.memory_space<vmem>>, vector<16xf32>,
      %get3A_1500 = arith.index_cast %add3A_1496 : i32 to index
      %get3A_1501 = arith.constant 16 : index
      %get3A_1502 = tpu.vector_load %arg6[%get3A_1500, %get3A_1501] {strides = array<i32>} : memref<256x64xf32, #tpu.memory_space<vmem>>, vector<16xf32>,
      %get3A_1503 = arith.index_cast %add3A_1496 : i32 to index
      %get3A_1504 = arith.constant 32 : index
      %get3A_1505 = tpu.vector_load %arg6[%get3A_1503, %get3A_1504] {strides = array<i32>} : memref<256x64xf32, #tpu.memory_space<vmem>>, vector<16xf32>,
      %get3A_1506 = arith.index_cast %add3A_1496 : i32 to index
      %get3A_1507 = arith.constant 48 : index
      %get3A_1508 = tpu.vector_load %arg6[%get3A_1506, %get3A_1507] {strides = array<i32>} : memref<256x64xf32, #tpu.memory_space<vmem>>, vector<16xf32>,
      %mul3A_1509 = arith.mulf %get3A_1499, %get3A_3 : vector<16xf32>
      %mul3A_1510 = arith.mulf %get3A_1502, %get3A_5 : vector<16xf32>
      %add3A_1511 = arith.addf %mul3A_1509, %mul3A_1510 : vector<16xf32>
      %mul3A_1512 = arith.mulf %get3A_1505, %get3A_7 : vector<16xf32>
      %add3A_1513 = arith.addf %add3A_1511, %mul3A_1512 : vector<16xf32>
      %mul3A_1514 = arith.mulf %get3A_1508, %get3A_9 : vector<16xf32>
      %add3A_1515 = arith.addf %add3A_1513, %mul3A_1514 : vector<16xf32>
      %mul3A_1516 = arith.mulf %get3A_1499, %get3A_1499 : vector<16xf32>
      %mul3A_1517 = arith.mulf %get3A_1502, %get3A_1502 : vector<16xf32>
      %add3A_1518 = arith.addf %mul3A_1516, %mul3A_1517 : vector<16xf32>
      %mul3A_1519 = arith.mulf %get3A_1505, %get3A_1505 : vector<16xf32>
      %add3A_1520 = arith.addf %add3A_1518, %mul3A_1519 : vector<16xf32>
      %mul3A_1521 = arith.mulf %get3A_1508, %get3A_1508 : vector<16xf32>
      %add3A_1522 = arith.addf %add3A_1520, %mul3A_1521 : vector<16xf32>
      %eq3A_1523 = arith.constant 12 : i32
      %eq3A_1524 = vector.broadcast %eq3A_1523 : i32 to vector<16xi32>
      %eq3A_1525 = arith.cmpi eq, %iota3A, %eq3A_1524 : vector<16xi32>
      %reduce_sum3A_1526 = arith.constant true
      %reduce_sum3A_1527 = vector.broadcast %reduce_sum3A_1526 : i1 to vector<16xi1>
      %reduce_sum3A_1528 = tpu.scan <sum>, %add3A_1515 masked %reduce_sum3A_1527 : vector<16xf32>, vector<16xi1> -> vector<16xf32>
      %reduce_sum3A_1529 = vector.extract %reduce_sum3A_1528[15] : f32 from vector<16xf32>
      %broadcast_in_dim3A_1530 = vector.broadcast %reduce_sum3A_1529 : f32 to vector<16xf32>
      %select_n3A_1531 = arith.select %eq3A_1525, %broadcast_in_dim3A_1530, %select_n3A_1483 : vector<16xi1>, vector<16xf32>
      %eq3A_1532 = arith.constant 12 : i32
      %eq3A_1533 = vector.broadcast %eq3A_1532 : i32 to vector<16xi32>
      %eq3A_1534 = arith.cmpi eq, %iota3A, %eq3A_1533 : vector<16xi32>
      %reduce_sum3A_1535 = arith.constant true
      %reduce_sum3A_1536 = vector.broadcast %reduce_sum3A_1535 : i1 to vector<16xi1>
      %reduce_sum3A_1537 = tpu.scan <sum>, %add3A_1522 masked %reduce_sum3A_1536 : vector<16xf32>, vector<16xi1> -> vector<16xf32>
      %reduce_sum3A_1538 = vector.extract %reduce_sum3A_1537[15] : f32 from vector<16xf32>
      %broadcast_in_dim3A_1539 = vector.broadcast %reduce_sum3A_1538 : f32 to vector<16xf32>
      %select_n3A_1540 = arith.select %eq3A_1534, %broadcast_in_dim3A_1539, %select_n3A_1492 : vector<16xi1>, vector<16xf32>
      %mul3A_1541 = arith.constant 16 : i32
      %mul3A_1542 = arith.muli %scan3A_904, %mul3A_1541 : i32
      %add3A_1543 = arith.constant 13 : i32
      %add3A_1544 = arith.addi %mul3A_1542, %add3A_1543 : i32
      %get3A_1545 = arith.index_cast %add3A_1544 : i32 to index
      %get3A_1546 = arith.constant 0 : index
      %get3A_1547 = tpu.vector_load %arg6[%get3A_1545, %get3A_1546] {strides = array<i32>} : memref<256x64xf32, #tpu.memory_space<vmem>>, vector<16xf32>,
      %get3A_1548 = arith.index_cast %add3A_1544 : i32 to index
      %get3A_1549 = arith.constant 16 : index
      %get3A_1550 = tpu.vector_load %arg6[%get3A_1548, %get3A_1549] {strides = array<i32>} : memref<256x64xf32, #tpu.memory_space<vmem>>, vector<16xf32>,
      %get3A_1551 = arith.index_cast %add3A_1544 : i32 to index
      %get3A_1552 = arith.constant 32 : index
      %get3A_1553 = tpu.vector_load %arg6[%get3A_1551, %get3A_1552] {strides = array<i32>} : memref<256x64xf32, #tpu.memory_space<vmem>>, vector<16xf32>,
      %get3A_1554 = arith.index_cast %add3A_1544 : i32 to index
      %get3A_1555 = arith.constant 48 : index
      %get3A_1556 = tpu.vector_load %arg6[%get3A_1554, %get3A_1555] {strides = array<i32>} : memref<256x64xf32, #tpu.memory_space<vmem>>, vector<16xf32>,
      %mul3A_1557 = arith.mulf %get3A_1547, %get3A_3 : vector<16xf32>
      %mul3A_1558 = arith.mulf %get3A_1550, %get3A_5 : vector<16xf32>
      %add3A_1559 = arith.addf %mul3A_1557, %mul3A_1558 : vector<16xf32>
      %mul3A_1560 = arith.mulf %get3A_1553, %get3A_7 : vector<16xf32>
      %add3A_1561 = arith.addf %add3A_1559, %mul3A_1560 : vector<16xf32>
      %mul3A_1562 = arith.mulf %get3A_1556, %get3A_9 : vector<16xf32>
      %add3A_1563 = arith.addf %add3A_1561, %mul3A_1562 : vector<16xf32>
      %mul3A_1564 = arith.mulf %get3A_1547, %get3A_1547 : vector<16xf32>
      %mul3A_1565 = arith.mulf %get3A_1550, %get3A_1550 : vector<16xf32>
      %add3A_1566 = arith.addf %mul3A_1564, %mul3A_1565 : vector<16xf32>
      %mul3A_1567 = arith.mulf %get3A_1553, %get3A_1553 : vector<16xf32>
      %add3A_1568 = arith.addf %add3A_1566, %mul3A_1567 : vector<16xf32>
      %mul3A_1569 = arith.mulf %get3A_1556, %get3A_1556 : vector<16xf32>
      %add3A_1570 = arith.addf %add3A_1568, %mul3A_1569 : vector<16xf32>
      %eq3A_1571 = arith.constant 13 : i32
      %eq3A_1572 = vector.broadcast %eq3A_1571 : i32 to vector<16xi32>
      %eq3A_1573 = arith.cmpi eq, %iota3A, %eq3A_1572 : vector<16xi32>
      %reduce_sum3A_1574 = arith.constant true
      %reduce_sum3A_1575 = vector.broadcast %reduce_sum3A_1574 : i1 to vector<16xi1>
      %reduce_sum3A_1576 = tpu.scan <sum>, %add3A_1563 masked %reduce_sum3A_1575 : vector<16xf32>, vector<16xi1> -> vector<16xf32>
      %reduce_sum3A_1577 = vector.extract %reduce_sum3A_1576[15] : f32 from vector<16xf32>
      %broadcast_in_dim3A_1578 = vector.broadcast %reduce_sum3A_1577 : f32 to vector<16xf32>
      %select_n3A_1579 = arith.select %eq3A_1573, %broadcast_in_dim3A_1578, %select_n3A_1531 : vector<16xi1>, vector<16xf32>
      %eq3A_1580 = arith.constant 13 : i32
      %eq3A_1581 = vector.broadcast %eq3A_1580 : i32 to vector<16xi32>
      %eq3A_1582 = arith.cmpi eq, %iota3A, %eq3A_1581 : vector<16xi32>
      %reduce_sum3A_1583 = arith.constant true
      %reduce_sum3A_1584 = vector.broadcast %reduce_sum3A_1583 : i1 to vector<16xi1>
      %reduce_sum3A_1585 = tpu.scan <sum>, %add3A_1570 masked %reduce_sum3A_1584 : vector<16xf32>, vector<16xi1> -> vector<16xf32>
      %reduce_sum3A_1586 = vector.extract %reduce_sum3A_1585[15] : f32 from vector<16xf32>
      %broadcast_in_dim3A_1587 = vector.broadcast %reduce_sum3A_1586 : f32 to vector<16xf32>
      %select_n3A_1588 = arith.select %eq3A_1582, %broadcast_in_dim3A_1587, %select_n3A_1540 : vector<16xi1>, vector<16xf32>
      %mul3A_1589 = arith.constant 16 : i32
      %mul3A_1590 = arith.muli %scan3A_904, %mul3A_1589 : i32
      %add3A_1591 = arith.constant 14 : i32
      %add3A_1592 = arith.addi %mul3A_1590, %add3A_1591 : i32
      %get3A_1593 = arith.index_cast %add3A_1592 : i32 to index
      %get3A_1594 = arith.constant 0 : index
      %get3A_1595 = tpu.vector_load %arg6[%get3A_1593, %get3A_1594] {strides = array<i32>} : memref<256x64xf32, #tpu.memory_space<vmem>>, vector<16xf32>,
      %get3A_1596 = arith.index_cast %add3A_1592 : i32 to index
      %get3A_1597 = arith.constant 16 : index
      %get3A_1598 = tpu.vector_load %arg6[%get3A_1596, %get3A_1597] {strides = array<i32>} : memref<256x64xf32, #tpu.memory_space<vmem>>, vector<16xf32>,
      %get3A_1599 = arith.index_cast %add3A_1592 : i32 to index
      %get3A_1600 = arith.constant 32 : index
      %get3A_1601 = tpu.vector_load %arg6[%get3A_1599, %get3A_1600] {strides = array<i32>} : memref<256x64xf32, #tpu.memory_space<vmem>>, vector<16xf32>,
      %get3A_1602 = arith.index_cast %add3A_1592 : i32 to index
      %get3A_1603 = arith.constant 48 : index
      %get3A_1604 = tpu.vector_load %arg6[%get3A_1602, %get3A_1603] {strides = array<i32>} : memref<256x64xf32, #tpu.memory_space<vmem>>, vector<16xf32>,
      %mul3A_1605 = arith.mulf %get3A_1595, %get3A_3 : vector<16xf32>
      %mul3A_1606 = arith.mulf %get3A_1598, %get3A_5 : vector<16xf32>
      %add3A_1607 = arith.addf %mul3A_1605, %mul3A_1606 : vector<16xf32>
      %mul3A_1608 = arith.mulf %get3A_1601, %get3A_7 : vector<16xf32>
      %add3A_1609 = arith.addf %add3A_1607, %mul3A_1608 : vector<16xf32>
      %mul3A_1610 = arith.mulf %get3A_1604, %get3A_9 : vector<16xf32>
      %add3A_1611 = arith.addf %add3A_1609, %mul3A_1610 : vector<16xf32>
      %mul3A_1612 = arith.mulf %get3A_1595, %get3A_1595 : vector<16xf32>
      %mul3A_1613 = arith.mulf %get3A_1598, %get3A_1598 : vector<16xf32>
      %add3A_1614 = arith.addf %mul3A_1612, %mul3A_1613 : vector<16xf32>
      %mul3A_1615 = arith.mulf %get3A_1601, %get3A_1601 : vector<16xf32>
      %add3A_1616 = arith.addf %add3A_1614, %mul3A_1615 : vector<16xf32>
      %mul3A_1617 = arith.mulf %get3A_1604, %get3A_1604 : vector<16xf32>
      %add3A_1618 = arith.addf %add3A_1616, %mul3A_1617 : vector<16xf32>
      %eq3A_1619 = arith.constant 14 : i32
      %eq3A_1620 = vector.broadcast %eq3A_1619 : i32 to vector<16xi32>
      %eq3A_1621 = arith.cmpi eq, %iota3A, %eq3A_1620 : vector<16xi32>
      %reduce_sum3A_1622 = arith.constant true
      %reduce_sum3A_1623 = vector.broadcast %reduce_sum3A_1622 : i1 to vector<16xi1>
      %reduce_sum3A_1624 = tpu.scan <sum>, %add3A_1611 masked %reduce_sum3A_1623 : vector<16xf32>, vector<16xi1> -> vector<16xf32>
      %reduce_sum3A_1625 = vector.extract %reduce_sum3A_1624[15] : f32 from vector<16xf32>
      %broadcast_in_dim3A_1626 = vector.broadcast %reduce_sum3A_1625 : f32 to vector<16xf32>
      %select_n3A_1627 = arith.select %eq3A_1621, %broadcast_in_dim3A_1626, %select_n3A_1579 : vector<16xi1>, vector<16xf32>
      %eq3A_1628 = arith.constant 14 : i32
      %eq3A_1629 = vector.broadcast %eq3A_1628 : i32 to vector<16xi32>
      %eq3A_1630 = arith.cmpi eq, %iota3A, %eq3A_1629 : vector<16xi32>
      %reduce_sum3A_1631 = arith.constant true
      %reduce_sum3A_1632 = vector.broadcast %reduce_sum3A_1631 : i1 to vector<16xi1>
      %reduce_sum3A_1633 = tpu.scan <sum>, %add3A_1618 masked %reduce_sum3A_1632 : vector<16xf32>, vector<16xi1> -> vector<16xf32>
      %reduce_sum3A_1634 = vector.extract %reduce_sum3A_1633[15] : f32 from vector<16xf32>
      %broadcast_in_dim3A_1635 = vector.broadcast %reduce_sum3A_1634 : f32 to vector<16xf32>
      %select_n3A_1636 = arith.select %eq3A_1630, %broadcast_in_dim3A_1635, %select_n3A_1588 : vector<16xi1>, vector<16xf32>
      %mul3A_1637 = arith.constant 16 : i32
      %mul3A_1638 = arith.muli %scan3A_904, %mul3A_1637 : i32
      %add3A_1639 = arith.constant 15 : i32
      %add3A_1640 = arith.addi %mul3A_1638, %add3A_1639 : i32
      %get3A_1641 = arith.index_cast %add3A_1640 : i32 to index
      %get3A_1642 = arith.constant 0 : index
      %get3A_1643 = tpu.vector_load %arg6[%get3A_1641, %get3A_1642] {strides = array<i32>} : memref<256x64xf32, #tpu.memory_space<vmem>>, vector<16xf32>,
      %get3A_1644 = arith.index_cast %add3A_1640 : i32 to index
      %get3A_1645 = arith.constant 16 : index
      %get3A_1646 = tpu.vector_load %arg6[%get3A_1644, %get3A_1645] {strides = array<i32>} : memref<256x64xf32, #tpu.memory_space<vmem>>, vector<16xf32>,
      %get3A_1647 = arith.index_cast %add3A_1640 : i32 to index
      %get3A_1648 = arith.constant 32 : index
      %get3A_1649 = tpu.vector_load %arg6[%get3A_1647, %get3A_1648] {strides = array<i32>} : memref<256x64xf32, #tpu.memory_space<vmem>>, vector<16xf32>,
      %get3A_1650 = arith.index_cast %add3A_1640 : i32 to index
      %get3A_1651 = arith.constant 48 : index
      %get3A_1652 = tpu.vector_load %arg6[%get3A_1650, %get3A_1651] {strides = array<i32>} : memref<256x64xf32, #tpu.memory_space<vmem>>, vector<16xf32>,
      %mul3A_1653 = arith.mulf %get3A_1643, %get3A_3 : vector<16xf32>
      %mul3A_1654 = arith.mulf %get3A_1646, %get3A_5 : vector<16xf32>
      %add3A_1655 = arith.addf %mul3A_1653, %mul3A_1654 : vector<16xf32>
      %mul3A_1656 = arith.mulf %get3A_1649, %get3A_7 : vector<16xf32>
      %add3A_1657 = arith.addf %add3A_1655, %mul3A_1656 : vector<16xf32>
      %mul3A_1658 = arith.mulf %get3A_1652, %get3A_9 : vector<16xf32>
      %add3A_1659 = arith.addf %add3A_1657, %mul3A_1658 : vector<16xf32>
      %mul3A_1660 = arith.mulf %get3A_1643, %get3A_1643 : vector<16xf32>
      %mul3A_1661 = arith.mulf %get3A_1646, %get3A_1646 : vector<16xf32>
      %add3A_1662 = arith.addf %mul3A_1660, %mul3A_1661 : vector<16xf32>
      %mul3A_1663 = arith.mulf %get3A_1649, %get3A_1649 : vector<16xf32>
      %add3A_1664 = arith.addf %add3A_1662, %mul3A_1663 : vector<16xf32>
      %mul3A_1665 = arith.mulf %get3A_1652, %get3A_1652 : vector<16xf32>
      %add3A_1666 = arith.addf %add3A_1664, %mul3A_1665 : vector<16xf32>
      %eq3A_1667 = arith.constant 15 : i32
      %eq3A_1668 = vector.broadcast %eq3A_1667 : i32 to vector<16xi32>
      %eq3A_1669 = arith.cmpi eq, %iota3A, %eq3A_1668 : vector<16xi32>
      %reduce_sum3A_1670 = arith.constant true
      %reduce_sum3A_1671 = vector.broadcast %reduce_sum3A_1670 : i1 to vector<16xi1>
      %reduce_sum3A_1672 = tpu.scan <sum>, %add3A_1659 masked %reduce_sum3A_1671 : vector<16xf32>, vector<16xi1> -> vector<16xf32>
      %reduce_sum3A_1673 = vector.extract %reduce_sum3A_1672[15] : f32 from vector<16xf32>
      %broadcast_in_dim3A_1674 = vector.broadcast %reduce_sum3A_1673 : f32 to vector<16xf32>
      %select_n3A_1675 = arith.select %eq3A_1669, %broadcast_in_dim3A_1674, %select_n3A_1627 : vector<16xi1>, vector<16xf32>
      %eq3A_1676 = arith.constant 15 : i32
      %eq3A_1677 = vector.broadcast %eq3A_1676 : i32 to vector<16xi32>
      %eq3A_1678 = arith.cmpi eq, %iota3A, %eq3A_1677 : vector<16xi32>
      %reduce_sum3A_1679 = arith.constant true
      %reduce_sum3A_1680 = vector.broadcast %reduce_sum3A_1679 : i1 to vector<16xi1>
      %reduce_sum3A_1681 = tpu.scan <sum>, %add3A_1666 masked %reduce_sum3A_1680 : vector<16xf32>, vector<16xi1> -> vector<16xf32>
      %reduce_sum3A_1682 = vector.extract %reduce_sum3A_1681[15] : f32 from vector<16xf32>
      %broadcast_in_dim3A_1683 = vector.broadcast %reduce_sum3A_1682 : f32 to vector<16xf32>
      %select_n3A_1684 = arith.select %eq3A_1678, %broadcast_in_dim3A_1683, %select_n3A_1636 : vector<16xi1>, vector<16xf32>
      %abs3A_1685 = math.absf %select_n3A_1675 : vector<16xf32>
      %mul3A_1686 = arith.mulf %select_n3A_1675, %abs3A_1685 : vector<16xf32>
      %div3A_1687 = arith.divf %mul3A_1686, %select_n3A_1684 : vector<16xf32>
      %mul3A_1688 = arith.constant 16 : i32
      %mul3A_1689 = arith.muli %scan3A_904, %mul3A_1688 : i32
      %add3A_1690 = arith.addi %multiple_of3A_842, %mul3A_1689 : i32
      %add3A_1691 = vector.broadcast %add3A_1690 : i32 to vector<16xi32>
      %add3A_1692 = arith.addi %add3A_1691, %iota3A : vector<16xi32>
      %gt3A_1693 = arith.cmpf ogt, %div3A_1687, %scan3A_905 : vector<16xf32>
      %select_n3A_1694 = arith.select %gt3A_1693, %div3A_1687, %scan3A_905 : vector<16xi1>, vector<16xf32>
      %select_n3A_1695 = arith.select %gt3A_1693, %add3A_1692, %scan3A_909 : vector<16xi1>, vector<16xi32>
      %select_n3A_1696 = arith.select %gt3A_1693, %scan3A_905, %div3A_1687 : vector<16xi1>, vector<16xf32>
      %select_n3A_1697 = arith.select %gt3A_1693, %scan3A_909, %add3A_1692 : vector<16xi1>, vector<16xi32>
      %gt3A_1698 = arith.cmpf ogt, %select_n3A_1696, %scan3A_906 : vector<16xf32>
      %select_n3A_1699 = arith.select %gt3A_1698, %select_n3A_1696, %scan3A_906 : vector<16xi1>, vector<16xf32>
      %select_n3A_1700 = arith.select %gt3A_1698, %select_n3A_1697, %scan3A_910 : vector<16xi1>, vector<16xi32>
      %select_n3A_1701 = arith.select %gt3A_1698, %scan3A_906, %select_n3A_1696 : vector<16xi1>, vector<16xf32>
      %select_n3A_1702 = arith.select %gt3A_1698, %scan3A_910, %select_n3A_1697 : vector<16xi1>, vector<16xi32>
      %gt3A_1703 = arith.cmpf ogt, %select_n3A_1701, %scan3A_907 : vector<16xf32>
      %select_n3A_1704 = arith.select %gt3A_1703, %select_n3A_1701, %scan3A_907 : vector<16xi1>, vector<16xf32>
      %select_n3A_1705 = arith.select %gt3A_1703, %select_n3A_1702, %scan3A_911 : vector<16xi1>, vector<16xi32>
      %select_n3A_1706 = arith.select %gt3A_1703, %scan3A_907, %select_n3A_1701 : vector<16xi1>, vector<16xf32>
      %select_n3A_1707 = arith.select %gt3A_1703, %scan3A_911, %select_n3A_1702 : vector<16xi1>, vector<16xi32>
      %gt3A_1708 = arith.cmpf ogt, %select_n3A_1706, %scan3A_908 : vector<16xf32>
      %select_n3A_1709 = arith.select %gt3A_1708, %select_n3A_1706, %scan3A_908 : vector<16xi1>, vector<16xf32>
      %select_n3A_1710 = arith.select %gt3A_1708, %select_n3A_1707, %scan3A_912 : vector<16xi1>, vector<16xi32>
      %select_n3A_1711 = arith.select %gt3A_1708, %scan3A_908, %select_n3A_1706 : vector<16xi1>, vector<16xf32>
      %select_n3A_1712 = arith.select %gt3A_1708, %scan3A_912, %select_n3A_1707 : vector<16xi1>, vector<16xi32>
      scf.yield %select_n3A_1694, %select_n3A_1699, %select_n3A_1704, %select_n3A_1709, %select_n3A_1695, %select_n3A_1700, %select_n3A_1705, %select_n3A_1710 : vector<16xf32>, vector<16xf32>, vector<16xf32>, vector<16xf32>, vector<16xi32>, vector<16xi32>, vector<16xi32>, vector<16xi32>
    }
    %scan3A_848 = arith.constant 4 : i32
    %select_n3A_849 = arith.select %eq3A_839, %scan3A_847#0, %select_n3A_818 : vector<16xf32>
    %select_n3A_850 = arith.select %eq3A_839, %scan3A_847#1, %select_n3A_823 : vector<16xf32>
    %select_n3A_851 = arith.select %eq3A_839, %scan3A_847#2, %select_n3A_828 : vector<16xf32>
    %select_n3A_852 = arith.select %eq3A_839, %scan3A_847#3, %select_n3A_833 : vector<16xf32>
    %select_n3A_853 = arith.select %eq3A_839, %scan3A_847#4, %select_n3A_819 : vector<16xi32>
    %select_n3A_854 = arith.select %eq3A_839, %scan3A_847#5, %select_n3A_824 : vector<16xi32>
    %select_n3A_855 = arith.select %eq3A_839, %scan3A_847#6, %select_n3A_829 : vector<16xi32>
    %select_n3A_856 = arith.select %eq3A_839, %scan3A_847#7, %select_n3A_834 : vector<16xi32>
    %swap3A = arith.constant 0 : index
    %swap3A_857 = tpu.vector_load %arg9[%swap3A] {strides = array<i32>} : memref<128xf32, #tpu.memory_space<vmem>>, vector<16xf32>,
    tpu.vector_store %arg9[%swap3A], %select_n3A_849 {strides = array<i32>} : memref<128xf32, #tpu.memory_space<vmem>>, vector<16xf32>,
    %swap3A_858 = arith.constant 0 : index
    %swap3A_859 = tpu.vector_load %arg10[%swap3A_858] {strides = array<i32>} : memref<128xi32, #tpu.memory_space<vmem>>, vector<16xi32>,
    tpu.vector_store %arg10[%swap3A_858], %select_n3A_853 {strides = array<i32>} : memref<128xi32, #tpu.memory_space<vmem>>, vector<16xi32>,
    %swap3A_860 = arith.constant 16 : index
    %swap3A_861 = tpu.vector_load %arg9[%swap3A_860] {strides = array<i32>} : memref<128xf32, #tpu.memory_space<vmem>>, vector<16xf32>,
    tpu.vector_store %arg9[%swap3A_860], %select_n3A_850 {strides = array<i32>} : memref<128xf32, #tpu.memory_space<vmem>>, vector<16xf32>,
    %swap3A_862 = arith.constant 16 : index
    %swap3A_863 = tpu.vector_load %arg10[%swap3A_862] {strides = array<i32>} : memref<128xi32, #tpu.memory_space<vmem>>, vector<16xi32>,
    tpu.vector_store %arg10[%swap3A_862], %select_n3A_854 {strides = array<i32>} : memref<128xi32, #tpu.memory_space<vmem>>, vector<16xi32>,
    %swap3A_864 = arith.constant 32 : index
    %swap3A_865 = tpu.vector_load %arg9[%swap3A_864] {strides = array<i32>} : memref<128xf32, #tpu.memory_space<vmem>>, vector<16xf32>,
    tpu.vector_store %arg9[%swap3A_864], %select_n3A_851 {strides = array<i32>} : memref<128xf32, #tpu.memory_space<vmem>>, vector<16xf32>,
    %swap3A_866 = arith.constant 32 : index
    %swap3A_867 = tpu.vector_load %arg10[%swap3A_866] {strides = array<i32>} : memref<128xi32, #tpu.memory_space<vmem>>, vector<16xi32>,
    tpu.vector_store %arg10[%swap3A_866], %select_n3A_855 {strides = array<i32>} : memref<128xi32, #tpu.memory_space<vmem>>, vector<16xi32>,
    %swap3A_868 = arith.constant 48 : index
    %swap3A_869 = tpu.vector_load %arg9[%swap3A_868] {strides = array<i32>} : memref<128xf32, #tpu.memory_space<vmem>>, vector<16xf32>,
    tpu.vector_store %arg9[%swap3A_868], %select_n3A_852 {strides = array<i32>} : memref<128xf32, #tpu.memory_space<vmem>>, vector<16xf32>,
    %swap3A_870 = arith.constant 48 : index
    %swap3A_871 = tpu.vector_load %arg10[%swap3A_870] {strides = array<i32>} : memref<128xi32, #tpu.memory_space<vmem>>, vector<16xi32>,
    tpu.vector_store %arg10[%swap3A_870], %select_n3A_856 {strides = array<i32>} : memref<128xi32, #tpu.memory_space<vmem>>, vector<16xi32>,
    %broadcast_in_dim3A_872 = arith.constant -3.000000e+38 : f32
    %broadcast_in_dim3A_873 = vector.broadcast %broadcast_in_dim3A_872 : f32 to vector<16xf32>
    %swap3A_874 = arith.constant 64 : index
    %swap3A_875 = tpu.vector_load %arg9[%swap3A_874] {strides = array<i32>} : memref<128xf32, #tpu.memory_space<vmem>>, vector<16xf32>,
    tpu.vector_store %arg9[%swap3A_874], %broadcast_in_dim3A_873 {strides = array<i32>} : memref<128xf32, #tpu.memory_space<vmem>>, vector<16xf32>,
    %broadcast_in_dim3A_876 = arith.constant 0 : i32
    %broadcast_in_dim3A_877 = vector.broadcast %broadcast_in_dim3A_876 : i32 to vector<16xi32>
    %swap3A_878 = arith.constant 64 : index
    %swap3A_879 = tpu.vector_load %arg10[%swap3A_878] {strides = array<i32>} : memref<128xi32, #tpu.memory_space<vmem>>, vector<16xi32>,
    tpu.vector_store %arg10[%swap3A_878], %broadcast_in_dim3A_877 {strides = array<i32>} : memref<128xi32, #tpu.memory_space<vmem>>, vector<16xi32>,
    %broadcast_in_dim3A_880 = arith.constant -3.000000e+38 : f32
    %broadcast_in_dim3A_881 = vector.broadcast %broadcast_in_dim3A_880 : f32 to vector<16xf32>
    %swap3A_882 = arith.constant 80 : index
    %swap3A_883 = tpu.vector_load %arg9[%swap3A_882] {strides = array<i32>} : memref<128xf32, #tpu.memory_space<vmem>>, vector<16xf32>,
    tpu.vector_store %arg9[%swap3A_882], %broadcast_in_dim3A_881 {strides = array<i32>} : memref<128xf32, #tpu.memory_space<vmem>>, vector<16xf32>,
    %broadcast_in_dim3A_884 = arith.constant 0 : i32
    %broadcast_in_dim3A_885 = vector.broadcast %broadcast_in_dim3A_884 : i32 to vector<16xi32>
    %swap3A_886 = arith.constant 80 : index
    %swap3A_887 = tpu.vector_load %arg10[%swap3A_886] {strides = array<i32>} : memref<128xi32, #tpu.memory_space<vmem>>, vector<16xi32>,
    tpu.vector_store %arg10[%swap3A_886], %broadcast_in_dim3A_885 {strides = array<i32>} : memref<128xi32, #tpu.memory_space<vmem>>, vector<16xi32>,
    %broadcast_in_dim3A_888 = arith.constant -3.000000e+38 : f32
    %broadcast_in_dim3A_889 = vector.broadcast %broadcast_in_dim3A_888 : f32 to vector<16xf32>
    %swap3A_890 = arith.constant 96 : index
    %swap3A_891 = tpu.vector_load %arg9[%swap3A_890] {strides = array<i32>} : memref<128xf32, #tpu.memory_space<vmem>>, vector<16xf32>,
    tpu.vector_store %arg9[%swap3A_890], %broadcast_in_dim3A_889 {strides = array<i32>} : memref<128xf32, #tpu.memory_space<vmem>>, vector<16xf32>,
    %broadcast_in_dim3A_892 = arith.constant 0 : i32
    %broadcast_in_dim3A_893 = vector.broadcast %broadcast_in_dim3A_892 : i32 to vector<16xi32>
    %swap3A_894 = arith.constant 96 : index
    %swap3A_895 = tpu.vector_load %arg10[%swap3A_894] {strides = array<i32>} : memref<128xi32, #tpu.memory_space<vmem>>, vector<16xi32>,
    tpu.vector_store %arg10[%swap3A_894], %broadcast_in_dim3A_893 {strides = array<i32>} : memref<128xi32, #tpu.memory_space<vmem>>, vector<16xi32>,
    %broadcast_in_dim3A_896 = arith.constant -3.000000e+38 : f32
    %broadcast_in_dim3A_897 = vector.broadcast %broadcast_in_dim3A_896 : f32 to vector<16xf32>
    %swap3A_898 = arith.constant 112 : index
    %swap3A_899 = tpu.vector_load %arg9[%swap3A_898] {strides = array<i32>} : memref<128xf32, #tpu.memory_space<vmem>>, vector<16xf32>,
    tpu.vector_store %arg9[%swap3A_898], %broadcast_in_dim3A_897 {strides = array<i32>} : memref<128xf32, #tpu.memory_space<vmem>>, vector<16xf32>,
    %broadcast_in_dim3A_900 = arith.constant 0 : i32
    %broadcast_in_dim3A_901 = vector.broadcast %broadcast_in_dim3A_900 : i32 to vector<16xi32>
    %swap3A_902 = arith.constant 112 : index
    %swap3A_903 = tpu.vector_load %arg10[%swap3A_902] {strides = array<i32>} : memref<128xi32, #tpu.memory_space<vmem>>, vector<16xi32>,
    tpu.vector_store %arg10[%swap3A_902], %broadcast_in_dim3A_901 {strides = array<i32>} : memref<128xi32, #tpu.memory_space<vmem>>, vector<16xi32>,
    "tpu.region"() ({
      %run_scoped3A_904 = tpu.sem_alloc : memref<!tpu.dma_semaphore, #tpu.memory_space<semaphore_mem>>
      %dma_start3A_905 = arith.constant 0 : i32
      %dma_start3A_906 = tpu.memref_slice %arg4[%add3A, %dma_start3A_905] : memref<32x128xf32, #tpu.memory_space<hbm>> -> memref<1x128xf32, #tpu.memory_space<hbm>>
      %dma_start3A_907 = tpu.memref_squeeze %dma_start3A_906 : memref<1x128xf32, #tpu.memory_space<hbm>> -> memref<128xf32, #tpu.memory_space<hbm>>
      %dma_start3A_908 = arith.constant 0 : i32
      %dma_start3A_909 = tpu.memref_slice %arg4[%add3A, %dma_start3A_908] : memref<32x128xf32, #tpu.memory_space<hbm>> -> memref<1x128xf32, #tpu.memory_space<hbm>>
      %dma_start3A_910 = tpu.memref_squeeze %dma_start3A_909 : memref<1x128xf32, #tpu.memory_space<hbm>> -> memref<128xf32, #tpu.memory_space<hbm>>
      tpu.enqueue_dma source(%arg9 : memref<128xf32, #tpu.memory_space<vmem>>) target(%dma_start3A_910 : memref<128xf32, #tpu.memory_space<hbm>>) target_semaphore(%run_scoped3A_904 : memref<!tpu.dma_semaphore, #tpu.memory_space<semaphore_mem>>)
      %dma_wait3A_911 = arith.constant 0 : i32
      %dma_wait3A_912 = tpu.memref_slice %arg4[%add3A, %dma_wait3A_911] : memref<32x128xf32, #tpu.memory_space<hbm>> -> memref<1x128xf32, #tpu.memory_space<hbm>>
      %dma_wait3A_913 = tpu.memref_squeeze %dma_wait3A_912 : memref<1x128xf32, #tpu.memory_space<hbm>> -> memref<128xf32, #tpu.memory_space<hbm>>
      %dma_wait3A_914 = arith.constant 0 : i32
      %dma_wait3A_915 = tpu.memref_slice %arg4[%add3A, %dma_wait3A_914] : memref<32x128xf32, #tpu.memory_space<hbm>> -> memref<1x128xf32, #tpu.memory_space<hbm>>
      %dma_wait3A_916 = tpu.memref_squeeze %dma_wait3A_915 : memref<1x128xf32, #tpu.memory_space<hbm>> -> memref<128xf32, #tpu.memory_space<hbm>>
      tpu.wait_dma2 semaphore(%run_scoped3A_904 : memref<!tpu.dma_semaphore, #tpu.memory_space<semaphore_mem>>) src(%arg9 : memref<128xf32, #tpu.memory_space<vmem>>) dst(%dma_wait3A_916 : memref<128xf32, #tpu.memory_space<hbm>>)
      tpu.yield
    }) : () -> ()
    "tpu.region"() ({
      %run_scoped3A_904 = tpu.sem_alloc : memref<!tpu.dma_semaphore, #tpu.memory_space<semaphore_mem>>
      %dma_start3A_905 = arith.constant 0 : i32
      %dma_start3A_906 = tpu.memref_slice %arg5[%add3A, %dma_start3A_905] : memref<32x128xi32, #tpu.memory_space<hbm>> -> memref<1x128xi32, #tpu.memory_space<hbm>>
      %dma_start3A_907 = tpu.memref_squeeze %dma_start3A_906 : memref<1x128xi32, #tpu.memory_space<hbm>> -> memref<128xi32, #tpu.memory_space<hbm>>
      %dma_start3A_908 = arith.constant 0 : i32
      %dma_start3A_909 = tpu.memref_slice %arg5[%add3A, %dma_start3A_908] : memref<32x128xi32, #tpu.memory_space<hbm>> -> memref<1x128xi32, #tpu.memory_space<hbm>>
      %dma_start3A_910 = tpu.memref_squeeze %dma_start3A_909 : memref<1x128xi32, #tpu.memory_space<hbm>> -> memref<128xi32, #tpu.memory_space<hbm>>
      tpu.enqueue_dma source(%arg10 : memref<128xi32, #tpu.memory_space<vmem>>) target(%dma_start3A_910 : memref<128xi32, #tpu.memory_space<hbm>>) target_semaphore(%run_scoped3A_904 : memref<!tpu.dma_semaphore, #tpu.memory_space<semaphore_mem>>)
      %dma_wait3A_911 = arith.constant 0 : i32
      %dma_wait3A_912 = tpu.memref_slice %arg5[%add3A, %dma_wait3A_911] : memref<32x128xi32, #tpu.memory_space<hbm>> -> memref<1x128xi32, #tpu.memory_space<hbm>>
      %dma_wait3A_913 = tpu.memref_squeeze %dma_wait3A_912 : memref<1x128xi32, #tpu.memory_space<hbm>> -> memref<128xi32, #tpu.memory_space<hbm>>
      %dma_wait3A_914 = arith.constant 0 : i32
      %dma_wait3A_915 = tpu.memref_slice %arg5[%add3A, %dma_wait3A_914] : memref<32x128xi32, #tpu.memory_space<hbm>> -> memref<1x128xi32, #tpu.memory_space<hbm>>
      %dma_wait3A_916 = tpu.memref_squeeze %dma_wait3A_915 : memref<1x128xi32, #tpu.memory_space<hbm>> -> memref<128xi32, #tpu.memory_space<hbm>>
      tpu.wait_dma2 semaphore(%run_scoped3A_904 : memref<!tpu.dma_semaphore, #tpu.memory_space<semaphore_mem>>) src(%arg10 : memref<128xi32, #tpu.memory_space<vmem>>) dst(%dma_wait3A_916 : memref<128xi32, #tpu.memory_space<hbm>>)
      tpu.yield
    }) : () -> ()
    return
  }
}

module attributes {stable_mosaic.version = 14 : i64} {
  func.func @_rescore_body(%arg0: i32, %arg1: memref<32xi32, #tpu.memory_space<smem>>, %arg2: memref<1x64xf32, #tpu.memory_space<vmem>>, %arg3: memref<8x64xf32, #tpu.memory_space<vmem>>, %arg4: memref<1x16xf32, #tpu.memory_space<vmem>>, %arg5: memref<1x16xi32, #tpu.memory_space<vmem>>, %arg6: memref<1x32xf32, #tpu.memory_space<vmem>>, %arg7: memref<1x32xi32, #tpu.memory_space<vmem>>) attributes {dimension_semantics = [#tpu.dimension_semantics<arbitrary>], iteration_bounds = array<i64: 32>, scalar_prefetch = 1 : i64, scratch_operands = 2 : i64, tpu.core_type = #tpu.core_type<tc>, window_params = [{pipeline_mode = #tpu.pipeline_mode<synchronous>, transform_indices = @transform_0, window_bounds = array<i64: 1, 64>}, {transform_indices = @transform_1, window_bounds = array<i64: 8, 64>}, {pipeline_mode = #tpu.pipeline_mode<synchronous>, transform_indices = @transform_2, window_bounds = array<i64: 1, 16>}, {pipeline_mode = #tpu.pipeline_mode<synchronous>, transform_indices = @transform_3, window_bounds = array<i64: 1, 16>}]} {
    %get3A = arith.index_cast %arg0 : i32 to index
    %get3A_0 = memref.load %arg1[%get3A] : memref<32xi32, #tpu.memory_space<smem>>
    %get3A_1 = arith.constant 0 : index
    %get3A_2 = arith.constant 0 : index
    %get3A_3 = vector.load %arg3[%get3A_1, %get3A_2] : memref<8x64xf32, #tpu.memory_space<vmem>>, vector<8x64xf32>
    %get3A_4 = arith.constant 0 : index
    %get3A_5 = arith.constant 0 : index
    %get3A_6 = vector.load %arg2[%get3A_4, %get3A_5] : memref<1x64xf32, #tpu.memory_space<vmem>>, vector<1x64xf32>
    %mul3A = arith.mulf %get3A_6, %get3A_6 : vector<1x64xf32>
    %max3A = arith.constant 9.99999996E-13 : f32
    %max3A_7 = vector.broadcast %max3A : f32 to vector<1x64xf32>
    %max3A_8 = arith.maximumf %mul3A, %max3A_7 : vector<1x64xf32>
    %reduce_sum3A = vector.shape_cast %max3A_8 : vector<1x64xf32> to vector<1x1x64xf32>
    %reduce_sum3A_9 = arith.constant dense<0.000000e+00> : vector<1xf32>
    %reduce_sum3A_10 = vector.multi_reduction <add>, %reduce_sum3A, %reduce_sum3A_9 [1, 2] : vector<1x1x64xf32> to vector<1xf32>
    %reduce_sum3A_11 = vector.shape_cast %reduce_sum3A_10 : vector<1xf32> to vector<1x1x1xf32>
    %reduce_sum3A_12 = vector.extract %reduce_sum3A_11[0, 0, 0] : f32 from vector<1x1x1xf32>
    %mul3A_13 = vector.broadcast %get3A_6 : vector<1x64xf32> to vector<8x64xf32>
    %mul3A_14 = arith.mulf %get3A_3, %mul3A_13 : vector<8x64xf32>
    %reduce_sum3A_15 = arith.constant dense<0.000000e+00> : vector<8xf32>
    %reduce_sum3A_16 = vector.multi_reduction <add>, %mul3A_14, %reduce_sum3A_15 [1] : vector<8x64xf32> to vector<8xf32>
    %broadcast_in_dim3A = vector.shape_cast %reduce_sum3A_16 : vector<8xf32> to vector<8x1xf32>
    %mul3A_17 = arith.mulf %get3A_3, %get3A_3 : vector<8x64xf32>
    %max3A_18 = arith.constant 9.99999996E-13 : f32
    %max3A_19 = vector.broadcast %max3A_18 : f32 to vector<8x64xf32>
    %max3A_20 = arith.maximumf %mul3A_17, %max3A_19 : vector<8x64xf32>
    %reduce_sum3A_21 = arith.constant dense<0.000000e+00> : vector<8xf32>
    %reduce_sum3A_22 = vector.multi_reduction <add>, %max3A_20, %reduce_sum3A_21 [1] : vector<8x64xf32> to vector<8xf32>
    %broadcast_in_dim3A_23 = vector.shape_cast %reduce_sum3A_22 : vector<8xf32> to vector<8x1xf32>
    %sqrt3A = math.sqrt %broadcast_in_dim3A_23 : vector<8x1xf32>
    %sqrt3A_24 = math.sqrt %reduce_sum3A_12 : f32
    %mul3A_25 = vector.broadcast %sqrt3A_24 : f32 to vector<8x1xf32>
    %mul3A_26 = arith.mulf %sqrt3A, %mul3A_25 : vector<8x1xf32>
    %div3A = arith.divf %broadcast_in_dim3A, %mul3A_26 : vector<8x1xf32>
    %jit3A = arith.constant 8 : i32
    %div3A_27 = arith.divsi %get3A_0, %jit3A : i32
    %sign3A = arith.constant 0 : i32
    %sign3A_28 = arith.cmpi sgt, %get3A_0, %sign3A : i32
    %sign3A_29 = arith.extui %sign3A_28 : i1 to i32
    %sign3A_30 = arith.constant 0 : i32
    %sign3A_31 = arith.cmpi slt, %get3A_0, %sign3A_30 : i32
    %sign3A_32 = arith.extui %sign3A_31 : i1 to i32
    %sign3A_33 = arith.subi %sign3A_29, %sign3A_32 : i32
    %sign3A_34 = arith.constant 0 : i32
    %sign3A_35 = arith.cmpi sgt, %jit3A, %sign3A_34 : i32
    %sign3A_36 = arith.extui %sign3A_35 : i1 to i32
    %sign3A_37 = arith.constant 0 : i32
    %sign3A_38 = arith.cmpi slt, %jit3A, %sign3A_37 : i32
    %sign3A_39 = arith.extui %sign3A_38 : i1 to i32
    %sign3A_40 = arith.subi %sign3A_36, %sign3A_39 : i32
    %ne3A = arith.cmpi ne, %sign3A_33, %sign3A_40 : i32
    %rem3A = arith.remsi %get3A_0, %jit3A : i32
    %ne3A_41 = arith.constant 0 : i32
    %ne3A_42 = arith.cmpi ne, %rem3A, %ne3A_41 : i32
    %and3A = arith.andi %ne3A, %ne3A_42 : i1
    %sub3A = arith.constant 1 : i32
    %sub3A_43 = arith.subi %div3A_27, %sub3A : i32
    %select_n3A = arith.select %and3A, %sub3A_43, %div3A_27 : i32
    %mul3A_44 = arith.constant 8 : i32
    %mul3A_45 = arith.muli %select_n3A, %mul3A_44 : i32
    %sub3A_46 = arith.subi %get3A_0, %mul3A_45 : i32
    %iota3A = tpu.iota {dimensions = array<i32: 0>} : vector<8x1xi32>
    %eq3A = vector.broadcast %sub3A_46 : i32 to vector<8x1xi32>
    %eq3A_47 = arith.cmpi eq, %iota3A, %eq3A : vector<8x1xi32>
    %jit3A_48 = arith.constant 0xFF800000 : f32
    %broadcast_in_dim3A_49 = vector.broadcast %jit3A_48 : f32 to vector<8x1xf32>
    %select_n3A_50 = arith.select %eq3A_47, %div3A, %broadcast_in_dim3A_49 : vector<8x1xi1>, vector<8x1xf32>
    %reduce_max3A = vector.shape_cast %select_n3A_50 : vector<8x1xf32> to vector<1x8x1xf32>
    %reduce_max3A_51 = arith.constant dense<0xFF800000> : vector<1xf32>
    %reduce_max3A_52 = vector.multi_reduction <maximumf>, %reduce_max3A, %reduce_max3A_51 [1, 2] : vector<1x8x1xf32> to vector<1xf32>
    %reduce_max3A_53 = vector.shape_cast %reduce_max3A_52 : vector<1xf32> to vector<1x1x1xf32>
    %reduce_max3A_54 = vector.extract %reduce_max3A_53[0, 0, 0] : f32 from vector<1x1x1xf32>
    %eq3A_55 = arith.constant 0 : i32
    %eq3A_56 = arith.cmpi eq, %arg0, %eq3A_55 : i32
    %convert_element_type3A = arith.extui %eq3A_56 : i1 to i32
    %cond3A = arith.constant 0 : i32
    %cond3A_57 = arith.cmpi ne, %convert_element_type3A, %cond3A : i32
    scf.if %cond3A_57 {
      %broadcast_in_dim3A_83 = arith.constant 0xFF800000 : f32
      %broadcast_in_dim3A_84 = vector.broadcast %broadcast_in_dim3A_83 : f32 to vector<1x32xf32>
      %swap3A_85 = arith.constant 0 : index
      %swap3A_86 = arith.constant 0 : index
      %swap3A_87 = vector.load %arg6[%swap3A_85, %swap3A_86] : memref<1x32xf32, #tpu.memory_space<vmem>>, vector<1x32xf32>
      tpu.vector_store %arg6[%swap3A_85, %swap3A_86], %broadcast_in_dim3A_84 {strides = array<i32>} : memref<1x32xf32, #tpu.memory_space<vmem>>, vector<1x32xf32>,
      %broadcast_in_dim3A_88 = arith.constant 0 : i32
      %broadcast_in_dim3A_89 = vector.broadcast %broadcast_in_dim3A_88 : i32 to vector<1x32xi32>
      %swap3A_90 = arith.constant 0 : index
      %swap3A_91 = arith.constant 0 : index
      %swap3A_92 = vector.load %arg7[%swap3A_90, %swap3A_91] : memref<1x32xi32, #tpu.memory_space<vmem>>, vector<1x32xi32>
      tpu.vector_store %arg7[%swap3A_90, %swap3A_91], %broadcast_in_dim3A_89 {strides = array<i32>} : memref<1x32xi32, #tpu.memory_space<vmem>>, vector<1x32xi32>,
    } else {
    }
    %iota3A_58 = tpu.iota {dimensions = array<i32: 1>} : vector<1x32xi32>
    %eq3A_59 = vector.broadcast %arg0 : i32 to vector<1x32xi32>
    %eq3A_60 = arith.cmpi eq, %iota3A_58, %eq3A_59 : vector<1x32xi32>
    %get3A_61 = arith.constant 0 : index
    %get3A_62 = arith.constant 0 : index
    %get3A_63 = vector.load %arg6[%get3A_61, %get3A_62] : memref<1x32xf32, #tpu.memory_space<vmem>>, vector<1x32xf32>
    %broadcast_in_dim3A_64 = vector.broadcast %reduce_max3A_54 : f32 to vector<1x32xf32>
    %select_n3A_65 = arith.select %eq3A_60, %broadcast_in_dim3A_64, %get3A_63 : vector<1x32xi1>, vector<1x32xf32>
    %swap3A = arith.constant 0 : index
    %swap3A_66 = arith.constant 0 : index
    %swap3A_67 = vector.load %arg6[%swap3A, %swap3A_66] : memref<1x32xf32, #tpu.memory_space<vmem>>, vector<1x32xf32>
    tpu.vector_store %arg6[%swap3A, %swap3A_66], %select_n3A_65 {strides = array<i32>} : memref<1x32xf32, #tpu.memory_space<vmem>>, vector<1x32xf32>,
    %eq3A_68 = vector.broadcast %arg0 : i32 to vector<1x32xi32>
    %eq3A_69 = arith.cmpi eq, %iota3A_58, %eq3A_68 : vector<1x32xi32>
    %get3A_70 = arith.constant 0 : index
    %get3A_71 = arith.constant 0 : index
    %get3A_72 = vector.load %arg7[%get3A_70, %get3A_71] : memref<1x32xi32, #tpu.memory_space<vmem>>, vector<1x32xi32>
    %broadcast_in_dim3A_73 = vector.broadcast %get3A_0 : i32 to vector<1x32xi32>
    %select_n3A_74 = arith.select %eq3A_69, %broadcast_in_dim3A_73, %get3A_72 : vector<1x32xi1>, vector<1x32xi32>
    %swap3A_75 = arith.constant 0 : index
    %swap3A_76 = arith.constant 0 : index
    %swap3A_77 = vector.load %arg7[%swap3A_75, %swap3A_76] : memref<1x32xi32, #tpu.memory_space<vmem>>, vector<1x32xi32>
    tpu.vector_store %arg7[%swap3A_75, %swap3A_76], %select_n3A_74 {strides = array<i32>} : memref<1x32xi32, #tpu.memory_space<vmem>>, vector<1x32xi32>,
    %eq3A_78 = arith.constant 31 : i32
    %eq3A_79 = arith.cmpi eq, %arg0, %eq3A_78 : i32
    %convert_element_type3A_80 = arith.extui %eq3A_79 : i1 to i32
    %cond3A_81 = arith.constant 0 : i32
    %cond3A_82 = arith.cmpi ne, %convert_element_type3A_80, %cond3A_81 : i32
    scf.if %cond3A_82 {
      %get3A_83 = arith.constant 0 : index
      %get3A_84 = arith.constant 0 : index
      %get3A_85 = vector.load %arg6[%get3A_83, %get3A_84] : memref<1x32xf32, #tpu.memory_space<vmem>>, vector<1x32xf32>
      %get3A_86 = arith.constant 0 : index
      %get3A_87 = arith.constant 0 : index
      %get3A_88 = vector.load %arg7[%get3A_86, %get3A_87] : memref<1x32xi32, #tpu.memory_space<vmem>>, vector<1x32xi32>
      %iota3A_89 = tpu.iota {dimensions = array<i32: 1>} : vector<1x16xi32>
      %broadcast_in_dim3A_90 = arith.constant 0xFF800000 : f32
      %broadcast_in_dim3A_91 = vector.broadcast %broadcast_in_dim3A_90 : f32 to vector<1x16xf32>
      %broadcast_in_dim3A_92 = arith.constant 0 : i32
      %broadcast_in_dim3A_93 = vector.broadcast %broadcast_in_dim3A_92 : i32 to vector<1x16xi32>
      %reduce_max3A_94 = vector.shape_cast %get3A_85 : vector<1x32xf32> to vector<1x1x32xf32>
      %reduce_max3A_95 = arith.constant dense<0xFF800000> : vector<1xf32>
      %reduce_max3A_96 = vector.multi_reduction <maximumf>, %reduce_max3A_94, %reduce_max3A_95 [1, 2] : vector<1x1x32xf32> to vector<1xf32>
      %reduce_max3A_97 = vector.shape_cast %reduce_max3A_96 : vector<1xf32> to vector<1x1x1xf32>
      %reduce_max3A_98 = vector.extract %reduce_max3A_97[0, 0, 0] : f32 from vector<1x1x1xf32>
      %eq3A_99 = vector.broadcast %reduce_max3A_98 : f32 to vector<1x32xf32>
      %eq3A_100 = arith.cmpf oeq, %get3A_85, %eq3A_99 : vector<1x32xf32>
      %jit3A_101 = arith.constant 2147483647 : i32
      %broadcast_in_dim3A_102 = vector.broadcast %jit3A_101 : i32 to vector<1x32xi32>
      %select_n3A_103 = arith.select %eq3A_100, %get3A_88, %broadcast_in_dim3A_102 : vector<1x32xi1>, vector<1x32xi32>
      %reduce_min3A = vector.shape_cast %select_n3A_103 : vector<1x32xi32> to vector<1x1x32xi32>
      %reduce_min3A_104 = arith.constant dense<2147483647> : vector<1xi32>
      %reduce_min3A_105 = vector.multi_reduction <minsi>, %reduce_min3A, %reduce_min3A_104 [1, 2] : vector<1x1x32xi32> to vector<1xi32>
      %reduce_min3A_106 = vector.shape_cast %reduce_min3A_105 : vector<1xi32> to vector<1x1x1xi32>
      %reduce_min3A_107 = vector.extract %reduce_min3A_106[0, 0, 0] : i32 from vector<1x1x1xi32>
      %eq3A_108 = arith.constant 0 : i32
      %eq3A_109 = vector.broadcast %eq3A_108 : i32 to vector<1x16xi32>
      %eq3A_110 = arith.cmpi eq, %iota3A_89, %eq3A_109 : vector<1x16xi32>
      %broadcast_in_dim3A_111 = vector.broadcast %reduce_max3A_98 : f32 to vector<1x16xf32>
      %select_n3A_112 = arith.select %eq3A_110, %broadcast_in_dim3A_111, %broadcast_in_dim3A_91 : vector<1x16xi1>, vector<1x16xf32>
      %eq3A_113 = arith.constant 0 : i32
      %eq3A_114 = vector.broadcast %eq3A_113 : i32 to vector<1x16xi32>
      %eq3A_115 = arith.cmpi eq, %iota3A_89, %eq3A_114 : vector<1x16xi32>
      %broadcast_in_dim3A_116 = vector.broadcast %reduce_min3A_107 : i32 to vector<1x16xi32>
      %select_n3A_117 = arith.select %eq3A_115, %broadcast_in_dim3A_116, %broadcast_in_dim3A_93 : vector<1x16xi1>, vector<1x16xi32>
      %eq3A_118 = vector.broadcast %reduce_min3A_107 : i32 to vector<1x32xi32>
      %eq3A_119 = arith.cmpi eq, %get3A_88, %eq3A_118 : vector<1x32xi32>
      %jit3A_120 = arith.constant 0xFF800000 : f32
      %broadcast_in_dim3A_121 = vector.broadcast %jit3A_120 : f32 to vector<1x32xf32>
      %select_n3A_122 = arith.select %eq3A_119, %broadcast_in_dim3A_121, %get3A_85 : vector<1x32xi1>, vector<1x32xf32>
      %reduce_max3A_123 = vector.shape_cast %select_n3A_122 : vector<1x32xf32> to vector<1x1x32xf32>
      %reduce_max3A_124 = arith.constant dense<0xFF800000> : vector<1xf32>
      %reduce_max3A_125 = vector.multi_reduction <maximumf>, %reduce_max3A_123, %reduce_max3A_124 [1, 2] : vector<1x1x32xf32> to vector<1xf32>
      %reduce_max3A_126 = vector.shape_cast %reduce_max3A_125 : vector<1xf32> to vector<1x1x1xf32>
      %reduce_max3A_127 = vector.extract %reduce_max3A_126[0, 0, 0] : f32 from vector<1x1x1xf32>
      %eq3A_128 = vector.broadcast %reduce_max3A_127 : f32 to vector<1x32xf32>
      %eq3A_129 = arith.cmpf oeq, %select_n3A_122, %eq3A_128 : vector<1x32xf32>
      %jit3A_130 = arith.constant 2147483647 : i32
      %broadcast_in_dim3A_131 = vector.broadcast %jit3A_130 : i32 to vector<1x32xi32>
      %select_n3A_132 = arith.select %eq3A_129, %get3A_88, %broadcast_in_dim3A_131 : vector<1x32xi1>, vector<1x32xi32>
      %reduce_min3A_133 = vector.shape_cast %select_n3A_132 : vector<1x32xi32> to vector<1x1x32xi32>
      %reduce_min3A_134 = arith.constant dense<2147483647> : vector<1xi32>
      %reduce_min3A_135 = vector.multi_reduction <minsi>, %reduce_min3A_133, %reduce_min3A_134 [1, 2] : vector<1x1x32xi32> to vector<1xi32>
      %reduce_min3A_136 = vector.shape_cast %reduce_min3A_135 : vector<1xi32> to vector<1x1x1xi32>
      %reduce_min3A_137 = vector.extract %reduce_min3A_136[0, 0, 0] : i32 from vector<1x1x1xi32>
      %eq3A_138 = arith.constant 1 : i32
      %eq3A_139 = vector.broadcast %eq3A_138 : i32 to vector<1x16xi32>
      %eq3A_140 = arith.cmpi eq, %iota3A_89, %eq3A_139 : vector<1x16xi32>
      %broadcast_in_dim3A_141 = vector.broadcast %reduce_max3A_127 : f32 to vector<1x16xf32>
      %select_n3A_142 = arith.select %eq3A_140, %broadcast_in_dim3A_141, %select_n3A_112 : vector<1x16xi1>, vector<1x16xf32>
      %eq3A_143 = arith.constant 1 : i32
      %eq3A_144 = vector.broadcast %eq3A_143 : i32 to vector<1x16xi32>
      %eq3A_145 = arith.cmpi eq, %iota3A_89, %eq3A_144 : vector<1x16xi32>
      %broadcast_in_dim3A_146 = vector.broadcast %reduce_min3A_137 : i32 to vector<1x16xi32>
      %select_n3A_147 = arith.select %eq3A_145, %broadcast_in_dim3A_146, %select_n3A_117 : vector<1x16xi1>, vector<1x16xi32>
      %eq3A_148 = vector.broadcast %reduce_min3A_137 : i32 to vector<1x32xi32>
      %eq3A_149 = arith.cmpi eq, %get3A_88, %eq3A_148 : vector<1x32xi32>
      %jit3A_150 = arith.constant 0xFF800000 : f32
      %broadcast_in_dim3A_151 = vector.broadcast %jit3A_150 : f32 to vector<1x32xf32>
      %select_n3A_152 = arith.select %eq3A_149, %broadcast_in_dim3A_151, %select_n3A_122 : vector<1x32xi1>, vector<1x32xf32>
      %reduce_max3A_153 = vector.shape_cast %select_n3A_152 : vector<1x32xf32> to vector<1x1x32xf32>
      %reduce_max3A_154 = arith.constant dense<0xFF800000> : vector<1xf32>
      %reduce_max3A_155 = vector.multi_reduction <maximumf>, %reduce_max3A_153, %reduce_max3A_154 [1, 2] : vector<1x1x32xf32> to vector<1xf32>
      %reduce_max3A_156 = vector.shape_cast %reduce_max3A_155 : vector<1xf32> to vector<1x1x1xf32>
      %reduce_max3A_157 = vector.extract %reduce_max3A_156[0, 0, 0] : f32 from vector<1x1x1xf32>
      %eq3A_158 = vector.broadcast %reduce_max3A_157 : f32 to vector<1x32xf32>
      %eq3A_159 = arith.cmpf oeq, %select_n3A_152, %eq3A_158 : vector<1x32xf32>
      %jit3A_160 = arith.constant 2147483647 : i32
      %broadcast_in_dim3A_161 = vector.broadcast %jit3A_160 : i32 to vector<1x32xi32>
      %select_n3A_162 = arith.select %eq3A_159, %get3A_88, %broadcast_in_dim3A_161 : vector<1x32xi1>, vector<1x32xi32>
      %reduce_min3A_163 = vector.shape_cast %select_n3A_162 : vector<1x32xi32> to vector<1x1x32xi32>
      %reduce_min3A_164 = arith.constant dense<2147483647> : vector<1xi32>
      %reduce_min3A_165 = vector.multi_reduction <minsi>, %reduce_min3A_163, %reduce_min3A_164 [1, 2] : vector<1x1x32xi32> to vector<1xi32>
      %reduce_min3A_166 = vector.shape_cast %reduce_min3A_165 : vector<1xi32> to vector<1x1x1xi32>
      %reduce_min3A_167 = vector.extract %reduce_min3A_166[0, 0, 0] : i32 from vector<1x1x1xi32>
      %eq3A_168 = arith.constant 2 : i32
      %eq3A_169 = vector.broadcast %eq3A_168 : i32 to vector<1x16xi32>
      %eq3A_170 = arith.cmpi eq, %iota3A_89, %eq3A_169 : vector<1x16xi32>
      %broadcast_in_dim3A_171 = vector.broadcast %reduce_max3A_157 : f32 to vector<1x16xf32>
      %select_n3A_172 = arith.select %eq3A_170, %broadcast_in_dim3A_171, %select_n3A_142 : vector<1x16xi1>, vector<1x16xf32>
      %eq3A_173 = arith.constant 2 : i32
      %eq3A_174 = vector.broadcast %eq3A_173 : i32 to vector<1x16xi32>
      %eq3A_175 = arith.cmpi eq, %iota3A_89, %eq3A_174 : vector<1x16xi32>
      %broadcast_in_dim3A_176 = vector.broadcast %reduce_min3A_167 : i32 to vector<1x16xi32>
      %select_n3A_177 = arith.select %eq3A_175, %broadcast_in_dim3A_176, %select_n3A_147 : vector<1x16xi1>, vector<1x16xi32>
      %eq3A_178 = vector.broadcast %reduce_min3A_167 : i32 to vector<1x32xi32>
      %eq3A_179 = arith.cmpi eq, %get3A_88, %eq3A_178 : vector<1x32xi32>
      %jit3A_180 = arith.constant 0xFF800000 : f32
      %broadcast_in_dim3A_181 = vector.broadcast %jit3A_180 : f32 to vector<1x32xf32>
      %select_n3A_182 = arith.select %eq3A_179, %broadcast_in_dim3A_181, %select_n3A_152 : vector<1x32xi1>, vector<1x32xf32>
      %reduce_max3A_183 = vector.shape_cast %select_n3A_182 : vector<1x32xf32> to vector<1x1x32xf32>
      %reduce_max3A_184 = arith.constant dense<0xFF800000> : vector<1xf32>
      %reduce_max3A_185 = vector.multi_reduction <maximumf>, %reduce_max3A_183, %reduce_max3A_184 [1, 2] : vector<1x1x32xf32> to vector<1xf32>
      %reduce_max3A_186 = vector.shape_cast %reduce_max3A_185 : vector<1xf32> to vector<1x1x1xf32>
      %reduce_max3A_187 = vector.extract %reduce_max3A_186[0, 0, 0] : f32 from vector<1x1x1xf32>
      %eq3A_188 = vector.broadcast %reduce_max3A_187 : f32 to vector<1x32xf32>
      %eq3A_189 = arith.cmpf oeq, %select_n3A_182, %eq3A_188 : vector<1x32xf32>
      %jit3A_190 = arith.constant 2147483647 : i32
      %broadcast_in_dim3A_191 = vector.broadcast %jit3A_190 : i32 to vector<1x32xi32>
      %select_n3A_192 = arith.select %eq3A_189, %get3A_88, %broadcast_in_dim3A_191 : vector<1x32xi1>, vector<1x32xi32>
      %reduce_min3A_193 = vector.shape_cast %select_n3A_192 : vector<1x32xi32> to vector<1x1x32xi32>
      %reduce_min3A_194 = arith.constant dense<2147483647> : vector<1xi32>
      %reduce_min3A_195 = vector.multi_reduction <minsi>, %reduce_min3A_193, %reduce_min3A_194 [1, 2] : vector<1x1x32xi32> to vector<1xi32>
      %reduce_min3A_196 = vector.shape_cast %reduce_min3A_195 : vector<1xi32> to vector<1x1x1xi32>
      %reduce_min3A_197 = vector.extract %reduce_min3A_196[0, 0, 0] : i32 from vector<1x1x1xi32>
      %eq3A_198 = arith.constant 3 : i32
      %eq3A_199 = vector.broadcast %eq3A_198 : i32 to vector<1x16xi32>
      %eq3A_200 = arith.cmpi eq, %iota3A_89, %eq3A_199 : vector<1x16xi32>
      %broadcast_in_dim3A_201 = vector.broadcast %reduce_max3A_187 : f32 to vector<1x16xf32>
      %select_n3A_202 = arith.select %eq3A_200, %broadcast_in_dim3A_201, %select_n3A_172 : vector<1x16xi1>, vector<1x16xf32>
      %eq3A_203 = arith.constant 3 : i32
      %eq3A_204 = vector.broadcast %eq3A_203 : i32 to vector<1x16xi32>
      %eq3A_205 = arith.cmpi eq, %iota3A_89, %eq3A_204 : vector<1x16xi32>
      %broadcast_in_dim3A_206 = vector.broadcast %reduce_min3A_197 : i32 to vector<1x16xi32>
      %select_n3A_207 = arith.select %eq3A_205, %broadcast_in_dim3A_206, %select_n3A_177 : vector<1x16xi1>, vector<1x16xi32>
      %eq3A_208 = vector.broadcast %reduce_min3A_197 : i32 to vector<1x32xi32>
      %eq3A_209 = arith.cmpi eq, %get3A_88, %eq3A_208 : vector<1x32xi32>
      %jit3A_210 = arith.constant 0xFF800000 : f32
      %broadcast_in_dim3A_211 = vector.broadcast %jit3A_210 : f32 to vector<1x32xf32>
      %select_n3A_212 = arith.select %eq3A_209, %broadcast_in_dim3A_211, %select_n3A_182 : vector<1x32xi1>, vector<1x32xf32>
      %reduce_max3A_213 = vector.shape_cast %select_n3A_212 : vector<1x32xf32> to vector<1x1x32xf32>
      %reduce_max3A_214 = arith.constant dense<0xFF800000> : vector<1xf32>
      %reduce_max3A_215 = vector.multi_reduction <maximumf>, %reduce_max3A_213, %reduce_max3A_214 [1, 2] : vector<1x1x32xf32> to vector<1xf32>
      %reduce_max3A_216 = vector.shape_cast %reduce_max3A_215 : vector<1xf32> to vector<1x1x1xf32>
      %reduce_max3A_217 = vector.extract %reduce_max3A_216[0, 0, 0] : f32 from vector<1x1x1xf32>
      %eq3A_218 = vector.broadcast %reduce_max3A_217 : f32 to vector<1x32xf32>
      %eq3A_219 = arith.cmpf oeq, %select_n3A_212, %eq3A_218 : vector<1x32xf32>
      %jit3A_220 = arith.constant 2147483647 : i32
      %broadcast_in_dim3A_221 = vector.broadcast %jit3A_220 : i32 to vector<1x32xi32>
      %select_n3A_222 = arith.select %eq3A_219, %get3A_88, %broadcast_in_dim3A_221 : vector<1x32xi1>, vector<1x32xi32>
      %reduce_min3A_223 = vector.shape_cast %select_n3A_222 : vector<1x32xi32> to vector<1x1x32xi32>
      %reduce_min3A_224 = arith.constant dense<2147483647> : vector<1xi32>
      %reduce_min3A_225 = vector.multi_reduction <minsi>, %reduce_min3A_223, %reduce_min3A_224 [1, 2] : vector<1x1x32xi32> to vector<1xi32>
      %reduce_min3A_226 = vector.shape_cast %reduce_min3A_225 : vector<1xi32> to vector<1x1x1xi32>
      %reduce_min3A_227 = vector.extract %reduce_min3A_226[0, 0, 0] : i32 from vector<1x1x1xi32>
      %eq3A_228 = arith.constant 4 : i32
      %eq3A_229 = vector.broadcast %eq3A_228 : i32 to vector<1x16xi32>
      %eq3A_230 = arith.cmpi eq, %iota3A_89, %eq3A_229 : vector<1x16xi32>
      %broadcast_in_dim3A_231 = vector.broadcast %reduce_max3A_217 : f32 to vector<1x16xf32>
      %select_n3A_232 = arith.select %eq3A_230, %broadcast_in_dim3A_231, %select_n3A_202 : vector<1x16xi1>, vector<1x16xf32>
      %eq3A_233 = arith.constant 4 : i32
      %eq3A_234 = vector.broadcast %eq3A_233 : i32 to vector<1x16xi32>
      %eq3A_235 = arith.cmpi eq, %iota3A_89, %eq3A_234 : vector<1x16xi32>
      %broadcast_in_dim3A_236 = vector.broadcast %reduce_min3A_227 : i32 to vector<1x16xi32>
      %select_n3A_237 = arith.select %eq3A_235, %broadcast_in_dim3A_236, %select_n3A_207 : vector<1x16xi1>, vector<1x16xi32>
      %eq3A_238 = vector.broadcast %reduce_min3A_227 : i32 to vector<1x32xi32>
      %eq3A_239 = arith.cmpi eq, %get3A_88, %eq3A_238 : vector<1x32xi32>
      %jit3A_240 = arith.constant 0xFF800000 : f32
      %broadcast_in_dim3A_241 = vector.broadcast %jit3A_240 : f32 to vector<1x32xf32>
      %select_n3A_242 = arith.select %eq3A_239, %broadcast_in_dim3A_241, %select_n3A_212 : vector<1x32xi1>, vector<1x32xf32>
      %reduce_max3A_243 = vector.shape_cast %select_n3A_242 : vector<1x32xf32> to vector<1x1x32xf32>
      %reduce_max3A_244 = arith.constant dense<0xFF800000> : vector<1xf32>
      %reduce_max3A_245 = vector.multi_reduction <maximumf>, %reduce_max3A_243, %reduce_max3A_244 [1, 2] : vector<1x1x32xf32> to vector<1xf32>
      %reduce_max3A_246 = vector.shape_cast %reduce_max3A_245 : vector<1xf32> to vector<1x1x1xf32>
      %reduce_max3A_247 = vector.extract %reduce_max3A_246[0, 0, 0] : f32 from vector<1x1x1xf32>
      %eq3A_248 = vector.broadcast %reduce_max3A_247 : f32 to vector<1x32xf32>
      %eq3A_249 = arith.cmpf oeq, %select_n3A_242, %eq3A_248 : vector<1x32xf32>
      %jit3A_250 = arith.constant 2147483647 : i32
      %broadcast_in_dim3A_251 = vector.broadcast %jit3A_250 : i32 to vector<1x32xi32>
      %select_n3A_252 = arith.select %eq3A_249, %get3A_88, %broadcast_in_dim3A_251 : vector<1x32xi1>, vector<1x32xi32>
      %reduce_min3A_253 = vector.shape_cast %select_n3A_252 : vector<1x32xi32> to vector<1x1x32xi32>
      %reduce_min3A_254 = arith.constant dense<2147483647> : vector<1xi32>
      %reduce_min3A_255 = vector.multi_reduction <minsi>, %reduce_min3A_253, %reduce_min3A_254 [1, 2] : vector<1x1x32xi32> to vector<1xi32>
      %reduce_min3A_256 = vector.shape_cast %reduce_min3A_255 : vector<1xi32> to vector<1x1x1xi32>
      %reduce_min3A_257 = vector.extract %reduce_min3A_256[0, 0, 0] : i32 from vector<1x1x1xi32>
      %eq3A_258 = arith.constant 5 : i32
      %eq3A_259 = vector.broadcast %eq3A_258 : i32 to vector<1x16xi32>
      %eq3A_260 = arith.cmpi eq, %iota3A_89, %eq3A_259 : vector<1x16xi32>
      %broadcast_in_dim3A_261 = vector.broadcast %reduce_max3A_247 : f32 to vector<1x16xf32>
      %select_n3A_262 = arith.select %eq3A_260, %broadcast_in_dim3A_261, %select_n3A_232 : vector<1x16xi1>, vector<1x16xf32>
      %eq3A_263 = arith.constant 5 : i32
      %eq3A_264 = vector.broadcast %eq3A_263 : i32 to vector<1x16xi32>
      %eq3A_265 = arith.cmpi eq, %iota3A_89, %eq3A_264 : vector<1x16xi32>
      %broadcast_in_dim3A_266 = vector.broadcast %reduce_min3A_257 : i32 to vector<1x16xi32>
      %select_n3A_267 = arith.select %eq3A_265, %broadcast_in_dim3A_266, %select_n3A_237 : vector<1x16xi1>, vector<1x16xi32>
      %eq3A_268 = vector.broadcast %reduce_min3A_257 : i32 to vector<1x32xi32>
      %eq3A_269 = arith.cmpi eq, %get3A_88, %eq3A_268 : vector<1x32xi32>
      %jit3A_270 = arith.constant 0xFF800000 : f32
      %broadcast_in_dim3A_271 = vector.broadcast %jit3A_270 : f32 to vector<1x32xf32>
      %select_n3A_272 = arith.select %eq3A_269, %broadcast_in_dim3A_271, %select_n3A_242 : vector<1x32xi1>, vector<1x32xf32>
      %reduce_max3A_273 = vector.shape_cast %select_n3A_272 : vector<1x32xf32> to vector<1x1x32xf32>
      %reduce_max3A_274 = arith.constant dense<0xFF800000> : vector<1xf32>
      %reduce_max3A_275 = vector.multi_reduction <maximumf>, %reduce_max3A_273, %reduce_max3A_274 [1, 2] : vector<1x1x32xf32> to vector<1xf32>
      %reduce_max3A_276 = vector.shape_cast %reduce_max3A_275 : vector<1xf32> to vector<1x1x1xf32>
      %reduce_max3A_277 = vector.extract %reduce_max3A_276[0, 0, 0] : f32 from vector<1x1x1xf32>
      %eq3A_278 = vector.broadcast %reduce_max3A_277 : f32 to vector<1x32xf32>
      %eq3A_279 = arith.cmpf oeq, %select_n3A_272, %eq3A_278 : vector<1x32xf32>
      %jit3A_280 = arith.constant 2147483647 : i32
      %broadcast_in_dim3A_281 = vector.broadcast %jit3A_280 : i32 to vector<1x32xi32>
      %select_n3A_282 = arith.select %eq3A_279, %get3A_88, %broadcast_in_dim3A_281 : vector<1x32xi1>, vector<1x32xi32>
      %reduce_min3A_283 = vector.shape_cast %select_n3A_282 : vector<1x32xi32> to vector<1x1x32xi32>
      %reduce_min3A_284 = arith.constant dense<2147483647> : vector<1xi32>
      %reduce_min3A_285 = vector.multi_reduction <minsi>, %reduce_min3A_283, %reduce_min3A_284 [1, 2] : vector<1x1x32xi32> to vector<1xi32>
      %reduce_min3A_286 = vector.shape_cast %reduce_min3A_285 : vector<1xi32> to vector<1x1x1xi32>
      %reduce_min3A_287 = vector.extract %reduce_min3A_286[0, 0, 0] : i32 from vector<1x1x1xi32>
      %eq3A_288 = arith.constant 6 : i32
      %eq3A_289 = vector.broadcast %eq3A_288 : i32 to vector<1x16xi32>
      %eq3A_290 = arith.cmpi eq, %iota3A_89, %eq3A_289 : vector<1x16xi32>
      %broadcast_in_dim3A_291 = vector.broadcast %reduce_max3A_277 : f32 to vector<1x16xf32>
      %select_n3A_292 = arith.select %eq3A_290, %broadcast_in_dim3A_291, %select_n3A_262 : vector<1x16xi1>, vector<1x16xf32>
      %eq3A_293 = arith.constant 6 : i32
      %eq3A_294 = vector.broadcast %eq3A_293 : i32 to vector<1x16xi32>
      %eq3A_295 = arith.cmpi eq, %iota3A_89, %eq3A_294 : vector<1x16xi32>
      %broadcast_in_dim3A_296 = vector.broadcast %reduce_min3A_287 : i32 to vector<1x16xi32>
      %select_n3A_297 = arith.select %eq3A_295, %broadcast_in_dim3A_296, %select_n3A_267 : vector<1x16xi1>, vector<1x16xi32>
      %eq3A_298 = vector.broadcast %reduce_min3A_287 : i32 to vector<1x32xi32>
      %eq3A_299 = arith.cmpi eq, %get3A_88, %eq3A_298 : vector<1x32xi32>
      %jit3A_300 = arith.constant 0xFF800000 : f32
      %broadcast_in_dim3A_301 = vector.broadcast %jit3A_300 : f32 to vector<1x32xf32>
      %select_n3A_302 = arith.select %eq3A_299, %broadcast_in_dim3A_301, %select_n3A_272 : vector<1x32xi1>, vector<1x32xf32>
      %reduce_max3A_303 = vector.shape_cast %select_n3A_302 : vector<1x32xf32> to vector<1x1x32xf32>
      %reduce_max3A_304 = arith.constant dense<0xFF800000> : vector<1xf32>
      %reduce_max3A_305 = vector.multi_reduction <maximumf>, %reduce_max3A_303, %reduce_max3A_304 [1, 2] : vector<1x1x32xf32> to vector<1xf32>
      %reduce_max3A_306 = vector.shape_cast %reduce_max3A_305 : vector<1xf32> to vector<1x1x1xf32>
      %reduce_max3A_307 = vector.extract %reduce_max3A_306[0, 0, 0] : f32 from vector<1x1x1xf32>
      %eq3A_308 = vector.broadcast %reduce_max3A_307 : f32 to vector<1x32xf32>
      %eq3A_309 = arith.cmpf oeq, %select_n3A_302, %eq3A_308 : vector<1x32xf32>
      %jit3A_310 = arith.constant 2147483647 : i32
      %broadcast_in_dim3A_311 = vector.broadcast %jit3A_310 : i32 to vector<1x32xi32>
      %select_n3A_312 = arith.select %eq3A_309, %get3A_88, %broadcast_in_dim3A_311 : vector<1x32xi1>, vector<1x32xi32>
      %reduce_min3A_313 = vector.shape_cast %select_n3A_312 : vector<1x32xi32> to vector<1x1x32xi32>
      %reduce_min3A_314 = arith.constant dense<2147483647> : vector<1xi32>
      %reduce_min3A_315 = vector.multi_reduction <minsi>, %reduce_min3A_313, %reduce_min3A_314 [1, 2] : vector<1x1x32xi32> to vector<1xi32>
      %reduce_min3A_316 = vector.shape_cast %reduce_min3A_315 : vector<1xi32> to vector<1x1x1xi32>
      %reduce_min3A_317 = vector.extract %reduce_min3A_316[0, 0, 0] : i32 from vector<1x1x1xi32>
      %eq3A_318 = arith.constant 7 : i32
      %eq3A_319 = vector.broadcast %eq3A_318 : i32 to vector<1x16xi32>
      %eq3A_320 = arith.cmpi eq, %iota3A_89, %eq3A_319 : vector<1x16xi32>
      %broadcast_in_dim3A_321 = vector.broadcast %reduce_max3A_307 : f32 to vector<1x16xf32>
      %select_n3A_322 = arith.select %eq3A_320, %broadcast_in_dim3A_321, %select_n3A_292 : vector<1x16xi1>, vector<1x16xf32>
      %eq3A_323 = arith.constant 7 : i32
      %eq3A_324 = vector.broadcast %eq3A_323 : i32 to vector<1x16xi32>
      %eq3A_325 = arith.cmpi eq, %iota3A_89, %eq3A_324 : vector<1x16xi32>
      %broadcast_in_dim3A_326 = vector.broadcast %reduce_min3A_317 : i32 to vector<1x16xi32>
      %select_n3A_327 = arith.select %eq3A_325, %broadcast_in_dim3A_326, %select_n3A_297 : vector<1x16xi1>, vector<1x16xi32>
      %eq3A_328 = vector.broadcast %reduce_min3A_317 : i32 to vector<1x32xi32>
      %eq3A_329 = arith.cmpi eq, %get3A_88, %eq3A_328 : vector<1x32xi32>
      %jit3A_330 = arith.constant 0xFF800000 : f32
      %broadcast_in_dim3A_331 = vector.broadcast %jit3A_330 : f32 to vector<1x32xf32>
      %select_n3A_332 = arith.select %eq3A_329, %broadcast_in_dim3A_331, %select_n3A_302 : vector<1x32xi1>, vector<1x32xf32>
      %reduce_max3A_333 = vector.shape_cast %select_n3A_332 : vector<1x32xf32> to vector<1x1x32xf32>
      %reduce_max3A_334 = arith.constant dense<0xFF800000> : vector<1xf32>
      %reduce_max3A_335 = vector.multi_reduction <maximumf>, %reduce_max3A_333, %reduce_max3A_334 [1, 2] : vector<1x1x32xf32> to vector<1xf32>
      %reduce_max3A_336 = vector.shape_cast %reduce_max3A_335 : vector<1xf32> to vector<1x1x1xf32>
      %reduce_max3A_337 = vector.extract %reduce_max3A_336[0, 0, 0] : f32 from vector<1x1x1xf32>
      %eq3A_338 = vector.broadcast %reduce_max3A_337 : f32 to vector<1x32xf32>
      %eq3A_339 = arith.cmpf oeq, %select_n3A_332, %eq3A_338 : vector<1x32xf32>
      %jit3A_340 = arith.constant 2147483647 : i32
      %broadcast_in_dim3A_341 = vector.broadcast %jit3A_340 : i32 to vector<1x32xi32>
      %select_n3A_342 = arith.select %eq3A_339, %get3A_88, %broadcast_in_dim3A_341 : vector<1x32xi1>, vector<1x32xi32>
      %reduce_min3A_343 = vector.shape_cast %select_n3A_342 : vector<1x32xi32> to vector<1x1x32xi32>
      %reduce_min3A_344 = arith.constant dense<2147483647> : vector<1xi32>
      %reduce_min3A_345 = vector.multi_reduction <minsi>, %reduce_min3A_343, %reduce_min3A_344 [1, 2] : vector<1x1x32xi32> to vector<1xi32>
      %reduce_min3A_346 = vector.shape_cast %reduce_min3A_345 : vector<1xi32> to vector<1x1x1xi32>
      %reduce_min3A_347 = vector.extract %reduce_min3A_346[0, 0, 0] : i32 from vector<1x1x1xi32>
      %eq3A_348 = arith.constant 8 : i32
      %eq3A_349 = vector.broadcast %eq3A_348 : i32 to vector<1x16xi32>
      %eq3A_350 = arith.cmpi eq, %iota3A_89, %eq3A_349 : vector<1x16xi32>
      %broadcast_in_dim3A_351 = vector.broadcast %reduce_max3A_337 : f32 to vector<1x16xf32>
      %select_n3A_352 = arith.select %eq3A_350, %broadcast_in_dim3A_351, %select_n3A_322 : vector<1x16xi1>, vector<1x16xf32>
      %eq3A_353 = arith.constant 8 : i32
      %eq3A_354 = vector.broadcast %eq3A_353 : i32 to vector<1x16xi32>
      %eq3A_355 = arith.cmpi eq, %iota3A_89, %eq3A_354 : vector<1x16xi32>
      %broadcast_in_dim3A_356 = vector.broadcast %reduce_min3A_347 : i32 to vector<1x16xi32>
      %select_n3A_357 = arith.select %eq3A_355, %broadcast_in_dim3A_356, %select_n3A_327 : vector<1x16xi1>, vector<1x16xi32>
      %eq3A_358 = vector.broadcast %reduce_min3A_347 : i32 to vector<1x32xi32>
      %eq3A_359 = arith.cmpi eq, %get3A_88, %eq3A_358 : vector<1x32xi32>
      %jit3A_360 = arith.constant 0xFF800000 : f32
      %broadcast_in_dim3A_361 = vector.broadcast %jit3A_360 : f32 to vector<1x32xf32>
      %select_n3A_362 = arith.select %eq3A_359, %broadcast_in_dim3A_361, %select_n3A_332 : vector<1x32xi1>, vector<1x32xf32>
      %reduce_max3A_363 = vector.shape_cast %select_n3A_362 : vector<1x32xf32> to vector<1x1x32xf32>
      %reduce_max3A_364 = arith.constant dense<0xFF800000> : vector<1xf32>
      %reduce_max3A_365 = vector.multi_reduction <maximumf>, %reduce_max3A_363, %reduce_max3A_364 [1, 2] : vector<1x1x32xf32> to vector<1xf32>
      %reduce_max3A_366 = vector.shape_cast %reduce_max3A_365 : vector<1xf32> to vector<1x1x1xf32>
      %reduce_max3A_367 = vector.extract %reduce_max3A_366[0, 0, 0] : f32 from vector<1x1x1xf32>
      %eq3A_368 = vector.broadcast %reduce_max3A_367 : f32 to vector<1x32xf32>
      %eq3A_369 = arith.cmpf oeq, %select_n3A_362, %eq3A_368 : vector<1x32xf32>
      %jit3A_370 = arith.constant 2147483647 : i32
      %broadcast_in_dim3A_371 = vector.broadcast %jit3A_370 : i32 to vector<1x32xi32>
      %select_n3A_372 = arith.select %eq3A_369, %get3A_88, %broadcast_in_dim3A_371 : vector<1x32xi1>, vector<1x32xi32>
      %reduce_min3A_373 = vector.shape_cast %select_n3A_372 : vector<1x32xi32> to vector<1x1x32xi32>
      %reduce_min3A_374 = arith.constant dense<2147483647> : vector<1xi32>
      %reduce_min3A_375 = vector.multi_reduction <minsi>, %reduce_min3A_373, %reduce_min3A_374 [1, 2] : vector<1x1x32xi32> to vector<1xi32>
      %reduce_min3A_376 = vector.shape_cast %reduce_min3A_375 : vector<1xi32> to vector<1x1x1xi32>
      %reduce_min3A_377 = vector.extract %reduce_min3A_376[0, 0, 0] : i32 from vector<1x1x1xi32>
      %eq3A_378 = arith.constant 9 : i32
      %eq3A_379 = vector.broadcast %eq3A_378 : i32 to vector<1x16xi32>
      %eq3A_380 = arith.cmpi eq, %iota3A_89, %eq3A_379 : vector<1x16xi32>
      %broadcast_in_dim3A_381 = vector.broadcast %reduce_max3A_367 : f32 to vector<1x16xf32>
      %select_n3A_382 = arith.select %eq3A_380, %broadcast_in_dim3A_381, %select_n3A_352 : vector<1x16xi1>, vector<1x16xf32>
      %eq3A_383 = arith.constant 9 : i32
      %eq3A_384 = vector.broadcast %eq3A_383 : i32 to vector<1x16xi32>
      %eq3A_385 = arith.cmpi eq, %iota3A_89, %eq3A_384 : vector<1x16xi32>
      %broadcast_in_dim3A_386 = vector.broadcast %reduce_min3A_377 : i32 to vector<1x16xi32>
      %select_n3A_387 = arith.select %eq3A_385, %broadcast_in_dim3A_386, %select_n3A_357 : vector<1x16xi1>, vector<1x16xi32>
      %swap3A_388 = arith.constant 0 : index
      %swap3A_389 = arith.constant 0 : index
      %swap3A_390 = vector.load %arg4[%swap3A_388, %swap3A_389] : memref<1x16xf32, #tpu.memory_space<vmem>>, vector<1x16xf32>
      tpu.vector_store %arg4[%swap3A_388, %swap3A_389], %select_n3A_382 {strides = array<i32>} : memref<1x16xf32, #tpu.memory_space<vmem>>, vector<1x16xf32>,
      %swap3A_391 = arith.constant 0 : index
      %swap3A_392 = arith.constant 0 : index
      %swap3A_393 = vector.load %arg5[%swap3A_391, %swap3A_392] : memref<1x16xi32, #tpu.memory_space<vmem>>, vector<1x16xi32>
      tpu.vector_store %arg5[%swap3A_391, %swap3A_392], %select_n3A_387 {strides = array<i32>} : memref<1x16xi32, #tpu.memory_space<vmem>>, vector<1x16xi32>,
    } else {
    }
    return
  }
  func.func @transform_0(%arg0: i32, %arg1: memref<32xi32, #tpu.memory_space<smem>>) -> (i32, i32) {
    %c0_i32 = arith.constant 0 : i32
    %c0_i32_0 = arith.constant 0 : i32
    %c0_i32_1 = arith.constant 0 : i32
    return %c0_i32, %c0_i32_0 : i32, i32
  }
  func.func @transform_1(%arg0: i32, %arg1: memref<32xi32, #tpu.memory_space<smem>>) -> (i32, i32) {
    %get3A = arith.index_cast %arg0 : i32 to index
    %get3A_0 = memref.load %arg1[%get3A] : memref<32xi32, #tpu.memory_space<smem>>
    %jit3A = arith.constant 8 : i32
    %div3A = arith.divsi %get3A_0, %jit3A : i32
    %sign3A = arith.constant 0 : i32
    %sign3A_1 = arith.cmpi sgt, %get3A_0, %sign3A : i32
    %sign3A_2 = arith.extui %sign3A_1 : i1 to i32
    %sign3A_3 = arith.constant 0 : i32
    %sign3A_4 = arith.cmpi slt, %get3A_0, %sign3A_3 : i32
    %sign3A_5 = arith.extui %sign3A_4 : i1 to i32
    %sign3A_6 = arith.subi %sign3A_2, %sign3A_5 : i32
    %sign3A_7 = arith.constant 0 : i32
    %sign3A_8 = arith.cmpi sgt, %jit3A, %sign3A_7 : i32
    %sign3A_9 = arith.extui %sign3A_8 : i1 to i32
    %sign3A_10 = arith.constant 0 : i32
    %sign3A_11 = arith.cmpi slt, %jit3A, %sign3A_10 : i32
    %sign3A_12 = arith.extui %sign3A_11 : i1 to i32
    %sign3A_13 = arith.subi %sign3A_9, %sign3A_12 : i32
    %ne3A = arith.cmpi ne, %sign3A_6, %sign3A_13 : i32
    %rem3A = arith.remsi %get3A_0, %jit3A : i32
    %ne3A_14 = arith.constant 0 : i32
    %ne3A_15 = arith.cmpi ne, %rem3A, %ne3A_14 : i32
    %and3A = arith.andi %ne3A, %ne3A_15 : i1
    %sub3A = arith.constant 1 : i32
    %sub3A_16 = arith.subi %div3A, %sub3A : i32
    %select_n3A = arith.select %and3A, %sub3A_16, %div3A : i32
    %c0_i32 = arith.constant 0 : i32
    %c0_i32_17 = arith.constant 0 : i32
    return %select_n3A, %c0_i32 : i32, i32
  }
  func.func @transform_2(%arg0: i32, %arg1: memref<32xi32, #tpu.memory_space<smem>>) -> (i32, i32) {
    %c0_i32 = arith.constant 0 : i32
    %c0_i32_0 = arith.constant 0 : i32
    %c0_i32_1 = arith.constant 0 : i32
    return %c0_i32, %c0_i32_0 : i32, i32
  }
  func.func @transform_3(%arg0: i32, %arg1: memref<32xi32, #tpu.memory_space<smem>>) -> (i32, i32) {
    %c0_i32 = arith.constant 0 : i32
    %c0_i32_0 = arith.constant 0 : i32
    %c0_i32_1 = arith.constant 0 : i32
    return %c0_i32, %c0_i32_0 : i32, i32
  }
}

module attributes {stable_mosaic.version = 14 : i64} {
  func.func @_merge_body(%arg0: memref<32x128xf32, #tpu.memory_space<vmem>>, %arg1: memref<32x128xi32, #tpu.memory_space<vmem>>, %arg2: memref<1x32xi32, #tpu.memory_space<vmem>>) attributes {dimension_semantics = [], scalar_prefetch = 0 : i64, scratch_operands = 0 : i64, tpu.core_type = #tpu.core_type<tc>} {
    %get3A = arith.constant 0 : index
    %get3A_0 = arith.constant 0 : index
    %get3A_1 = vector.load %arg0[%get3A, %get3A_0] : memref<32x128xf32, #tpu.memory_space<vmem>>, vector<32x128xf32>
    %get3A_2 = arith.constant 0 : index
    %get3A_3 = arith.constant 0 : index
    %get3A_4 = vector.load %arg1[%get3A_2, %get3A_3] : memref<32x128xi32, #tpu.memory_space<vmem>>, vector<32x128xi32>
    %iota3A = tpu.iota {dimensions = array<i32: 1>} : vector<1x32xi32>
    %broadcast_in_dim3A = arith.constant 0 : i32
    %broadcast_in_dim3A_5 = vector.broadcast %broadcast_in_dim3A : i32 to vector<1x32xi32>
    %reduce_max3A = vector.shape_cast %get3A_1 : vector<32x128xf32> to vector<1x32x128xf32>
    %reduce_max3A_6 = arith.constant dense<0xFF800000> : vector<1xf32>
    %reduce_max3A_7 = vector.multi_reduction <maximumf>, %reduce_max3A, %reduce_max3A_6 [1, 2] : vector<1x32x128xf32> to vector<1xf32>
    %reduce_max3A_8 = vector.shape_cast %reduce_max3A_7 : vector<1xf32> to vector<1x1x1xf32>
    %reduce_max3A_9 = vector.extract %reduce_max3A_8[0, 0, 0] : f32 from vector<1x1x1xf32>
    %eq3A = vector.broadcast %reduce_max3A_9 : f32 to vector<32x128xf32>
    %eq3A_10 = arith.cmpf oeq, %get3A_1, %eq3A : vector<32x128xf32>
    %jit3A = arith.constant 2147483647 : i32
    %broadcast_in_dim3A_11 = vector.broadcast %jit3A : i32 to vector<32x128xi32>
    %select_n3A = arith.select %eq3A_10, %get3A_4, %broadcast_in_dim3A_11 : vector<32x128xi1>, vector<32x128xi32>
    %reduce_min3A = vector.shape_cast %select_n3A : vector<32x128xi32> to vector<1x32x128xi32>
    %reduce_min3A_12 = arith.constant dense<2147483647> : vector<1xi32>
    %reduce_min3A_13 = vector.multi_reduction <minsi>, %reduce_min3A, %reduce_min3A_12 [1, 2] : vector<1x32x128xi32> to vector<1xi32>
    %reduce_min3A_14 = vector.shape_cast %reduce_min3A_13 : vector<1xi32> to vector<1x1x1xi32>
    %reduce_min3A_15 = vector.extract %reduce_min3A_14[0, 0, 0] : i32 from vector<1x1x1xi32>
    %eq3A_16 = arith.constant 0 : i32
    %eq3A_17 = vector.broadcast %eq3A_16 : i32 to vector<1x32xi32>
    %eq3A_18 = arith.cmpi eq, %iota3A, %eq3A_17 : vector<1x32xi32>
    %broadcast_in_dim3A_19 = vector.broadcast %reduce_min3A_15 : i32 to vector<1x32xi32>
    %select_n3A_20 = arith.select %eq3A_18, %broadcast_in_dim3A_19, %broadcast_in_dim3A_5 : vector<1x32xi1>, vector<1x32xi32>
    %eq3A_21 = vector.broadcast %reduce_max3A_9 : f32 to vector<32x128xf32>
    %eq3A_22 = arith.cmpf oeq, %get3A_1, %eq3A_21 : vector<32x128xf32>
    %eq3A_23 = vector.broadcast %reduce_min3A_15 : i32 to vector<32x128xi32>
    %eq3A_24 = arith.cmpi eq, %get3A_4, %eq3A_23 : vector<32x128xi32>
    %and3A = arith.andi %eq3A_22, %eq3A_24 : vector<32x128xi1>
    %jit3A_25 = arith.constant -3.000000e+38 : f32
    %broadcast_in_dim3A_26 = vector.broadcast %jit3A_25 : f32 to vector<32x128xf32>
    %select_n3A_27 = arith.select %and3A, %broadcast_in_dim3A_26, %get3A_1 : vector<32x128xi1>, vector<32x128xf32>
    %reduce_max3A_28 = vector.shape_cast %select_n3A_27 : vector<32x128xf32> to vector<1x32x128xf32>
    %reduce_max3A_29 = arith.constant dense<0xFF800000> : vector<1xf32>
    %reduce_max3A_30 = vector.multi_reduction <maximumf>, %reduce_max3A_28, %reduce_max3A_29 [1, 2] : vector<1x32x128xf32> to vector<1xf32>
    %reduce_max3A_31 = vector.shape_cast %reduce_max3A_30 : vector<1xf32> to vector<1x1x1xf32>
    %reduce_max3A_32 = vector.extract %reduce_max3A_31[0, 0, 0] : f32 from vector<1x1x1xf32>
    %eq3A_33 = vector.broadcast %reduce_max3A_32 : f32 to vector<32x128xf32>
    %eq3A_34 = arith.cmpf oeq, %select_n3A_27, %eq3A_33 : vector<32x128xf32>
    %jit3A_35 = arith.constant 2147483647 : i32
    %broadcast_in_dim3A_36 = vector.broadcast %jit3A_35 : i32 to vector<32x128xi32>
    %select_n3A_37 = arith.select %eq3A_34, %get3A_4, %broadcast_in_dim3A_36 : vector<32x128xi1>, vector<32x128xi32>
    %reduce_min3A_38 = vector.shape_cast %select_n3A_37 : vector<32x128xi32> to vector<1x32x128xi32>
    %reduce_min3A_39 = arith.constant dense<2147483647> : vector<1xi32>
    %reduce_min3A_40 = vector.multi_reduction <minsi>, %reduce_min3A_38, %reduce_min3A_39 [1, 2] : vector<1x32x128xi32> to vector<1xi32>
    %reduce_min3A_41 = vector.shape_cast %reduce_min3A_40 : vector<1xi32> to vector<1x1x1xi32>
    %reduce_min3A_42 = vector.extract %reduce_min3A_41[0, 0, 0] : i32 from vector<1x1x1xi32>
    %eq3A_43 = arith.constant 1 : i32
    %eq3A_44 = vector.broadcast %eq3A_43 : i32 to vector<1x32xi32>
    %eq3A_45 = arith.cmpi eq, %iota3A, %eq3A_44 : vector<1x32xi32>
    %broadcast_in_dim3A_46 = vector.broadcast %reduce_min3A_42 : i32 to vector<1x32xi32>
    %select_n3A_47 = arith.select %eq3A_45, %broadcast_in_dim3A_46, %select_n3A_20 : vector<1x32xi1>, vector<1x32xi32>
    %eq3A_48 = vector.broadcast %reduce_max3A_32 : f32 to vector<32x128xf32>
    %eq3A_49 = arith.cmpf oeq, %select_n3A_27, %eq3A_48 : vector<32x128xf32>
    %eq3A_50 = vector.broadcast %reduce_min3A_42 : i32 to vector<32x128xi32>
    %eq3A_51 = arith.cmpi eq, %get3A_4, %eq3A_50 : vector<32x128xi32>
    %and3A_52 = arith.andi %eq3A_49, %eq3A_51 : vector<32x128xi1>
    %jit3A_53 = arith.constant -3.000000e+38 : f32
    %broadcast_in_dim3A_54 = vector.broadcast %jit3A_53 : f32 to vector<32x128xf32>
    %select_n3A_55 = arith.select %and3A_52, %broadcast_in_dim3A_54, %select_n3A_27 : vector<32x128xi1>, vector<32x128xf32>
    %reduce_max3A_56 = vector.shape_cast %select_n3A_55 : vector<32x128xf32> to vector<1x32x128xf32>
    %reduce_max3A_57 = arith.constant dense<0xFF800000> : vector<1xf32>
    %reduce_max3A_58 = vector.multi_reduction <maximumf>, %reduce_max3A_56, %reduce_max3A_57 [1, 2] : vector<1x32x128xf32> to vector<1xf32>
    %reduce_max3A_59 = vector.shape_cast %reduce_max3A_58 : vector<1xf32> to vector<1x1x1xf32>
    %reduce_max3A_60 = vector.extract %reduce_max3A_59[0, 0, 0] : f32 from vector<1x1x1xf32>
    %eq3A_61 = vector.broadcast %reduce_max3A_60 : f32 to vector<32x128xf32>
    %eq3A_62 = arith.cmpf oeq, %select_n3A_55, %eq3A_61 : vector<32x128xf32>
    %jit3A_63 = arith.constant 2147483647 : i32
    %broadcast_in_dim3A_64 = vector.broadcast %jit3A_63 : i32 to vector<32x128xi32>
    %select_n3A_65 = arith.select %eq3A_62, %get3A_4, %broadcast_in_dim3A_64 : vector<32x128xi1>, vector<32x128xi32>
    %reduce_min3A_66 = vector.shape_cast %select_n3A_65 : vector<32x128xi32> to vector<1x32x128xi32>
    %reduce_min3A_67 = arith.constant dense<2147483647> : vector<1xi32>
    %reduce_min3A_68 = vector.multi_reduction <minsi>, %reduce_min3A_66, %reduce_min3A_67 [1, 2] : vector<1x32x128xi32> to vector<1xi32>
    %reduce_min3A_69 = vector.shape_cast %reduce_min3A_68 : vector<1xi32> to vector<1x1x1xi32>
    %reduce_min3A_70 = vector.extract %reduce_min3A_69[0, 0, 0] : i32 from vector<1x1x1xi32>
    %eq3A_71 = arith.constant 2 : i32
    %eq3A_72 = vector.broadcast %eq3A_71 : i32 to vector<1x32xi32>
    %eq3A_73 = arith.cmpi eq, %iota3A, %eq3A_72 : vector<1x32xi32>
    %broadcast_in_dim3A_74 = vector.broadcast %reduce_min3A_70 : i32 to vector<1x32xi32>
    %select_n3A_75 = arith.select %eq3A_73, %broadcast_in_dim3A_74, %select_n3A_47 : vector<1x32xi1>, vector<1x32xi32>
    %eq3A_76 = vector.broadcast %reduce_max3A_60 : f32 to vector<32x128xf32>
    %eq3A_77 = arith.cmpf oeq, %select_n3A_55, %eq3A_76 : vector<32x128xf32>
    %eq3A_78 = vector.broadcast %reduce_min3A_70 : i32 to vector<32x128xi32>
    %eq3A_79 = arith.cmpi eq, %get3A_4, %eq3A_78 : vector<32x128xi32>
    %and3A_80 = arith.andi %eq3A_77, %eq3A_79 : vector<32x128xi1>
    %jit3A_81 = arith.constant -3.000000e+38 : f32
    %broadcast_in_dim3A_82 = vector.broadcast %jit3A_81 : f32 to vector<32x128xf32>
    %select_n3A_83 = arith.select %and3A_80, %broadcast_in_dim3A_82, %select_n3A_55 : vector<32x128xi1>, vector<32x128xf32>
    %reduce_max3A_84 = vector.shape_cast %select_n3A_83 : vector<32x128xf32> to vector<1x32x128xf32>
    %reduce_max3A_85 = arith.constant dense<0xFF800000> : vector<1xf32>
    %reduce_max3A_86 = vector.multi_reduction <maximumf>, %reduce_max3A_84, %reduce_max3A_85 [1, 2] : vector<1x32x128xf32> to vector<1xf32>
    %reduce_max3A_87 = vector.shape_cast %reduce_max3A_86 : vector<1xf32> to vector<1x1x1xf32>
    %reduce_max3A_88 = vector.extract %reduce_max3A_87[0, 0, 0] : f32 from vector<1x1x1xf32>
    %eq3A_89 = vector.broadcast %reduce_max3A_88 : f32 to vector<32x128xf32>
    %eq3A_90 = arith.cmpf oeq, %select_n3A_83, %eq3A_89 : vector<32x128xf32>
    %jit3A_91 = arith.constant 2147483647 : i32
    %broadcast_in_dim3A_92 = vector.broadcast %jit3A_91 : i32 to vector<32x128xi32>
    %select_n3A_93 = arith.select %eq3A_90, %get3A_4, %broadcast_in_dim3A_92 : vector<32x128xi1>, vector<32x128xi32>
    %reduce_min3A_94 = vector.shape_cast %select_n3A_93 : vector<32x128xi32> to vector<1x32x128xi32>
    %reduce_min3A_95 = arith.constant dense<2147483647> : vector<1xi32>
    %reduce_min3A_96 = vector.multi_reduction <minsi>, %reduce_min3A_94, %reduce_min3A_95 [1, 2] : vector<1x32x128xi32> to vector<1xi32>
    %reduce_min3A_97 = vector.shape_cast %reduce_min3A_96 : vector<1xi32> to vector<1x1x1xi32>
    %reduce_min3A_98 = vector.extract %reduce_min3A_97[0, 0, 0] : i32 from vector<1x1x1xi32>
    %eq3A_99 = arith.constant 3 : i32
    %eq3A_100 = vector.broadcast %eq3A_99 : i32 to vector<1x32xi32>
    %eq3A_101 = arith.cmpi eq, %iota3A, %eq3A_100 : vector<1x32xi32>
    %broadcast_in_dim3A_102 = vector.broadcast %reduce_min3A_98 : i32 to vector<1x32xi32>
    %select_n3A_103 = arith.select %eq3A_101, %broadcast_in_dim3A_102, %select_n3A_75 : vector<1x32xi1>, vector<1x32xi32>
    %eq3A_104 = vector.broadcast %reduce_max3A_88 : f32 to vector<32x128xf32>
    %eq3A_105 = arith.cmpf oeq, %select_n3A_83, %eq3A_104 : vector<32x128xf32>
    %eq3A_106 = vector.broadcast %reduce_min3A_98 : i32 to vector<32x128xi32>
    %eq3A_107 = arith.cmpi eq, %get3A_4, %eq3A_106 : vector<32x128xi32>
    %and3A_108 = arith.andi %eq3A_105, %eq3A_107 : vector<32x128xi1>
    %jit3A_109 = arith.constant -3.000000e+38 : f32
    %broadcast_in_dim3A_110 = vector.broadcast %jit3A_109 : f32 to vector<32x128xf32>
    %select_n3A_111 = arith.select %and3A_108, %broadcast_in_dim3A_110, %select_n3A_83 : vector<32x128xi1>, vector<32x128xf32>
    %reduce_max3A_112 = vector.shape_cast %select_n3A_111 : vector<32x128xf32> to vector<1x32x128xf32>
    %reduce_max3A_113 = arith.constant dense<0xFF800000> : vector<1xf32>
    %reduce_max3A_114 = vector.multi_reduction <maximumf>, %reduce_max3A_112, %reduce_max3A_113 [1, 2] : vector<1x32x128xf32> to vector<1xf32>
    %reduce_max3A_115 = vector.shape_cast %reduce_max3A_114 : vector<1xf32> to vector<1x1x1xf32>
    %reduce_max3A_116 = vector.extract %reduce_max3A_115[0, 0, 0] : f32 from vector<1x1x1xf32>
    %eq3A_117 = vector.broadcast %reduce_max3A_116 : f32 to vector<32x128xf32>
    %eq3A_118 = arith.cmpf oeq, %select_n3A_111, %eq3A_117 : vector<32x128xf32>
    %jit3A_119 = arith.constant 2147483647 : i32
    %broadcast_in_dim3A_120 = vector.broadcast %jit3A_119 : i32 to vector<32x128xi32>
    %select_n3A_121 = arith.select %eq3A_118, %get3A_4, %broadcast_in_dim3A_120 : vector<32x128xi1>, vector<32x128xi32>
    %reduce_min3A_122 = vector.shape_cast %select_n3A_121 : vector<32x128xi32> to vector<1x32x128xi32>
    %reduce_min3A_123 = arith.constant dense<2147483647> : vector<1xi32>
    %reduce_min3A_124 = vector.multi_reduction <minsi>, %reduce_min3A_122, %reduce_min3A_123 [1, 2] : vector<1x32x128xi32> to vector<1xi32>
    %reduce_min3A_125 = vector.shape_cast %reduce_min3A_124 : vector<1xi32> to vector<1x1x1xi32>
    %reduce_min3A_126 = vector.extract %reduce_min3A_125[0, 0, 0] : i32 from vector<1x1x1xi32>
    %eq3A_127 = arith.constant 4 : i32
    %eq3A_128 = vector.broadcast %eq3A_127 : i32 to vector<1x32xi32>
    %eq3A_129 = arith.cmpi eq, %iota3A, %eq3A_128 : vector<1x32xi32>
    %broadcast_in_dim3A_130 = vector.broadcast %reduce_min3A_126 : i32 to vector<1x32xi32>
    %select_n3A_131 = arith.select %eq3A_129, %broadcast_in_dim3A_130, %select_n3A_103 : vector<1x32xi1>, vector<1x32xi32>
    %eq3A_132 = vector.broadcast %reduce_max3A_116 : f32 to vector<32x128xf32>
    %eq3A_133 = arith.cmpf oeq, %select_n3A_111, %eq3A_132 : vector<32x128xf32>
    %eq3A_134 = vector.broadcast %reduce_min3A_126 : i32 to vector<32x128xi32>
    %eq3A_135 = arith.cmpi eq, %get3A_4, %eq3A_134 : vector<32x128xi32>
    %and3A_136 = arith.andi %eq3A_133, %eq3A_135 : vector<32x128xi1>
    %jit3A_137 = arith.constant -3.000000e+38 : f32
    %broadcast_in_dim3A_138 = vector.broadcast %jit3A_137 : f32 to vector<32x128xf32>
    %select_n3A_139 = arith.select %and3A_136, %broadcast_in_dim3A_138, %select_n3A_111 : vector<32x128xi1>, vector<32x128xf32>
    %reduce_max3A_140 = vector.shape_cast %select_n3A_139 : vector<32x128xf32> to vector<1x32x128xf32>
    %reduce_max3A_141 = arith.constant dense<0xFF800000> : vector<1xf32>
    %reduce_max3A_142 = vector.multi_reduction <maximumf>, %reduce_max3A_140, %reduce_max3A_141 [1, 2] : vector<1x32x128xf32> to vector<1xf32>
    %reduce_max3A_143 = vector.shape_cast %reduce_max3A_142 : vector<1xf32> to vector<1x1x1xf32>
    %reduce_max3A_144 = vector.extract %reduce_max3A_143[0, 0, 0] : f32 from vector<1x1x1xf32>
    %eq3A_145 = vector.broadcast %reduce_max3A_144 : f32 to vector<32x128xf32>
    %eq3A_146 = arith.cmpf oeq, %select_n3A_139, %eq3A_145 : vector<32x128xf32>
    %jit3A_147 = arith.constant 2147483647 : i32
    %broadcast_in_dim3A_148 = vector.broadcast %jit3A_147 : i32 to vector<32x128xi32>
    %select_n3A_149 = arith.select %eq3A_146, %get3A_4, %broadcast_in_dim3A_148 : vector<32x128xi1>, vector<32x128xi32>
    %reduce_min3A_150 = vector.shape_cast %select_n3A_149 : vector<32x128xi32> to vector<1x32x128xi32>
    %reduce_min3A_151 = arith.constant dense<2147483647> : vector<1xi32>
    %reduce_min3A_152 = vector.multi_reduction <minsi>, %reduce_min3A_150, %reduce_min3A_151 [1, 2] : vector<1x32x128xi32> to vector<1xi32>
    %reduce_min3A_153 = vector.shape_cast %reduce_min3A_152 : vector<1xi32> to vector<1x1x1xi32>
    %reduce_min3A_154 = vector.extract %reduce_min3A_153[0, 0, 0] : i32 from vector<1x1x1xi32>
    %eq3A_155 = arith.constant 5 : i32
    %eq3A_156 = vector.broadcast %eq3A_155 : i32 to vector<1x32xi32>
    %eq3A_157 = arith.cmpi eq, %iota3A, %eq3A_156 : vector<1x32xi32>
    %broadcast_in_dim3A_158 = vector.broadcast %reduce_min3A_154 : i32 to vector<1x32xi32>
    %select_n3A_159 = arith.select %eq3A_157, %broadcast_in_dim3A_158, %select_n3A_131 : vector<1x32xi1>, vector<1x32xi32>
    %eq3A_160 = vector.broadcast %reduce_max3A_144 : f32 to vector<32x128xf32>
    %eq3A_161 = arith.cmpf oeq, %select_n3A_139, %eq3A_160 : vector<32x128xf32>
    %eq3A_162 = vector.broadcast %reduce_min3A_154 : i32 to vector<32x128xi32>
    %eq3A_163 = arith.cmpi eq, %get3A_4, %eq3A_162 : vector<32x128xi32>
    %and3A_164 = arith.andi %eq3A_161, %eq3A_163 : vector<32x128xi1>
    %jit3A_165 = arith.constant -3.000000e+38 : f32
    %broadcast_in_dim3A_166 = vector.broadcast %jit3A_165 : f32 to vector<32x128xf32>
    %select_n3A_167 = arith.select %and3A_164, %broadcast_in_dim3A_166, %select_n3A_139 : vector<32x128xi1>, vector<32x128xf32>
    %reduce_max3A_168 = vector.shape_cast %select_n3A_167 : vector<32x128xf32> to vector<1x32x128xf32>
    %reduce_max3A_169 = arith.constant dense<0xFF800000> : vector<1xf32>
    %reduce_max3A_170 = vector.multi_reduction <maximumf>, %reduce_max3A_168, %reduce_max3A_169 [1, 2] : vector<1x32x128xf32> to vector<1xf32>
    %reduce_max3A_171 = vector.shape_cast %reduce_max3A_170 : vector<1xf32> to vector<1x1x1xf32>
    %reduce_max3A_172 = vector.extract %reduce_max3A_171[0, 0, 0] : f32 from vector<1x1x1xf32>
    %eq3A_173 = vector.broadcast %reduce_max3A_172 : f32 to vector<32x128xf32>
    %eq3A_174 = arith.cmpf oeq, %select_n3A_167, %eq3A_173 : vector<32x128xf32>
    %jit3A_175 = arith.constant 2147483647 : i32
    %broadcast_in_dim3A_176 = vector.broadcast %jit3A_175 : i32 to vector<32x128xi32>
    %select_n3A_177 = arith.select %eq3A_174, %get3A_4, %broadcast_in_dim3A_176 : vector<32x128xi1>, vector<32x128xi32>
    %reduce_min3A_178 = vector.shape_cast %select_n3A_177 : vector<32x128xi32> to vector<1x32x128xi32>
    %reduce_min3A_179 = arith.constant dense<2147483647> : vector<1xi32>
    %reduce_min3A_180 = vector.multi_reduction <minsi>, %reduce_min3A_178, %reduce_min3A_179 [1, 2] : vector<1x32x128xi32> to vector<1xi32>
    %reduce_min3A_181 = vector.shape_cast %reduce_min3A_180 : vector<1xi32> to vector<1x1x1xi32>
    %reduce_min3A_182 = vector.extract %reduce_min3A_181[0, 0, 0] : i32 from vector<1x1x1xi32>
    %eq3A_183 = arith.constant 6 : i32
    %eq3A_184 = vector.broadcast %eq3A_183 : i32 to vector<1x32xi32>
    %eq3A_185 = arith.cmpi eq, %iota3A, %eq3A_184 : vector<1x32xi32>
    %broadcast_in_dim3A_186 = vector.broadcast %reduce_min3A_182 : i32 to vector<1x32xi32>
    %select_n3A_187 = arith.select %eq3A_185, %broadcast_in_dim3A_186, %select_n3A_159 : vector<1x32xi1>, vector<1x32xi32>
    %eq3A_188 = vector.broadcast %reduce_max3A_172 : f32 to vector<32x128xf32>
    %eq3A_189 = arith.cmpf oeq, %select_n3A_167, %eq3A_188 : vector<32x128xf32>
    %eq3A_190 = vector.broadcast %reduce_min3A_182 : i32 to vector<32x128xi32>
    %eq3A_191 = arith.cmpi eq, %get3A_4, %eq3A_190 : vector<32x128xi32>
    %and3A_192 = arith.andi %eq3A_189, %eq3A_191 : vector<32x128xi1>
    %jit3A_193 = arith.constant -3.000000e+38 : f32
    %broadcast_in_dim3A_194 = vector.broadcast %jit3A_193 : f32 to vector<32x128xf32>
    %select_n3A_195 = arith.select %and3A_192, %broadcast_in_dim3A_194, %select_n3A_167 : vector<32x128xi1>, vector<32x128xf32>
    %reduce_max3A_196 = vector.shape_cast %select_n3A_195 : vector<32x128xf32> to vector<1x32x128xf32>
    %reduce_max3A_197 = arith.constant dense<0xFF800000> : vector<1xf32>
    %reduce_max3A_198 = vector.multi_reduction <maximumf>, %reduce_max3A_196, %reduce_max3A_197 [1, 2] : vector<1x32x128xf32> to vector<1xf32>
    %reduce_max3A_199 = vector.shape_cast %reduce_max3A_198 : vector<1xf32> to vector<1x1x1xf32>
    %reduce_max3A_200 = vector.extract %reduce_max3A_199[0, 0, 0] : f32 from vector<1x1x1xf32>
    %eq3A_201 = vector.broadcast %reduce_max3A_200 : f32 to vector<32x128xf32>
    %eq3A_202 = arith.cmpf oeq, %select_n3A_195, %eq3A_201 : vector<32x128xf32>
    %jit3A_203 = arith.constant 2147483647 : i32
    %broadcast_in_dim3A_204 = vector.broadcast %jit3A_203 : i32 to vector<32x128xi32>
    %select_n3A_205 = arith.select %eq3A_202, %get3A_4, %broadcast_in_dim3A_204 : vector<32x128xi1>, vector<32x128xi32>
    %reduce_min3A_206 = vector.shape_cast %select_n3A_205 : vector<32x128xi32> to vector<1x32x128xi32>
    %reduce_min3A_207 = arith.constant dense<2147483647> : vector<1xi32>
    %reduce_min3A_208 = vector.multi_reduction <minsi>, %reduce_min3A_206, %reduce_min3A_207 [1, 2] : vector<1x32x128xi32> to vector<1xi32>
    %reduce_min3A_209 = vector.shape_cast %reduce_min3A_208 : vector<1xi32> to vector<1x1x1xi32>
    %reduce_min3A_210 = vector.extract %reduce_min3A_209[0, 0, 0] : i32 from vector<1x1x1xi32>
    %eq3A_211 = arith.constant 7 : i32
    %eq3A_212 = vector.broadcast %eq3A_211 : i32 to vector<1x32xi32>
    %eq3A_213 = arith.cmpi eq, %iota3A, %eq3A_212 : vector<1x32xi32>
    %broadcast_in_dim3A_214 = vector.broadcast %reduce_min3A_210 : i32 to vector<1x32xi32>
    %select_n3A_215 = arith.select %eq3A_213, %broadcast_in_dim3A_214, %select_n3A_187 : vector<1x32xi1>, vector<1x32xi32>
    %eq3A_216 = vector.broadcast %reduce_max3A_200 : f32 to vector<32x128xf32>
    %eq3A_217 = arith.cmpf oeq, %select_n3A_195, %eq3A_216 : vector<32x128xf32>
    %eq3A_218 = vector.broadcast %reduce_min3A_210 : i32 to vector<32x128xi32>
    %eq3A_219 = arith.cmpi eq, %get3A_4, %eq3A_218 : vector<32x128xi32>
    %and3A_220 = arith.andi %eq3A_217, %eq3A_219 : vector<32x128xi1>
    %jit3A_221 = arith.constant -3.000000e+38 : f32
    %broadcast_in_dim3A_222 = vector.broadcast %jit3A_221 : f32 to vector<32x128xf32>
    %select_n3A_223 = arith.select %and3A_220, %broadcast_in_dim3A_222, %select_n3A_195 : vector<32x128xi1>, vector<32x128xf32>
    %reduce_max3A_224 = vector.shape_cast %select_n3A_223 : vector<32x128xf32> to vector<1x32x128xf32>
    %reduce_max3A_225 = arith.constant dense<0xFF800000> : vector<1xf32>
    %reduce_max3A_226 = vector.multi_reduction <maximumf>, %reduce_max3A_224, %reduce_max3A_225 [1, 2] : vector<1x32x128xf32> to vector<1xf32>
    %reduce_max3A_227 = vector.shape_cast %reduce_max3A_226 : vector<1xf32> to vector<1x1x1xf32>
    %reduce_max3A_228 = vector.extract %reduce_max3A_227[0, 0, 0] : f32 from vector<1x1x1xf32>
    %eq3A_229 = vector.broadcast %reduce_max3A_228 : f32 to vector<32x128xf32>
    %eq3A_230 = arith.cmpf oeq, %select_n3A_223, %eq3A_229 : vector<32x128xf32>
    %jit3A_231 = arith.constant 2147483647 : i32
    %broadcast_in_dim3A_232 = vector.broadcast %jit3A_231 : i32 to vector<32x128xi32>
    %select_n3A_233 = arith.select %eq3A_230, %get3A_4, %broadcast_in_dim3A_232 : vector<32x128xi1>, vector<32x128xi32>
    %reduce_min3A_234 = vector.shape_cast %select_n3A_233 : vector<32x128xi32> to vector<1x32x128xi32>
    %reduce_min3A_235 = arith.constant dense<2147483647> : vector<1xi32>
    %reduce_min3A_236 = vector.multi_reduction <minsi>, %reduce_min3A_234, %reduce_min3A_235 [1, 2] : vector<1x32x128xi32> to vector<1xi32>
    %reduce_min3A_237 = vector.shape_cast %reduce_min3A_236 : vector<1xi32> to vector<1x1x1xi32>
    %reduce_min3A_238 = vector.extract %reduce_min3A_237[0, 0, 0] : i32 from vector<1x1x1xi32>
    %eq3A_239 = arith.constant 8 : i32
    %eq3A_240 = vector.broadcast %eq3A_239 : i32 to vector<1x32xi32>
    %eq3A_241 = arith.cmpi eq, %iota3A, %eq3A_240 : vector<1x32xi32>
    %broadcast_in_dim3A_242 = vector.broadcast %reduce_min3A_238 : i32 to vector<1x32xi32>
    %select_n3A_243 = arith.select %eq3A_241, %broadcast_in_dim3A_242, %select_n3A_215 : vector<1x32xi1>, vector<1x32xi32>
    %eq3A_244 = vector.broadcast %reduce_max3A_228 : f32 to vector<32x128xf32>
    %eq3A_245 = arith.cmpf oeq, %select_n3A_223, %eq3A_244 : vector<32x128xf32>
    %eq3A_246 = vector.broadcast %reduce_min3A_238 : i32 to vector<32x128xi32>
    %eq3A_247 = arith.cmpi eq, %get3A_4, %eq3A_246 : vector<32x128xi32>
    %and3A_248 = arith.andi %eq3A_245, %eq3A_247 : vector<32x128xi1>
    %jit3A_249 = arith.constant -3.000000e+38 : f32
    %broadcast_in_dim3A_250 = vector.broadcast %jit3A_249 : f32 to vector<32x128xf32>
    %select_n3A_251 = arith.select %and3A_248, %broadcast_in_dim3A_250, %select_n3A_223 : vector<32x128xi1>, vector<32x128xf32>
    %reduce_max3A_252 = vector.shape_cast %select_n3A_251 : vector<32x128xf32> to vector<1x32x128xf32>
    %reduce_max3A_253 = arith.constant dense<0xFF800000> : vector<1xf32>
    %reduce_max3A_254 = vector.multi_reduction <maximumf>, %reduce_max3A_252, %reduce_max3A_253 [1, 2] : vector<1x32x128xf32> to vector<1xf32>
    %reduce_max3A_255 = vector.shape_cast %reduce_max3A_254 : vector<1xf32> to vector<1x1x1xf32>
    %reduce_max3A_256 = vector.extract %reduce_max3A_255[0, 0, 0] : f32 from vector<1x1x1xf32>
    %eq3A_257 = vector.broadcast %reduce_max3A_256 : f32 to vector<32x128xf32>
    %eq3A_258 = arith.cmpf oeq, %select_n3A_251, %eq3A_257 : vector<32x128xf32>
    %jit3A_259 = arith.constant 2147483647 : i32
    %broadcast_in_dim3A_260 = vector.broadcast %jit3A_259 : i32 to vector<32x128xi32>
    %select_n3A_261 = arith.select %eq3A_258, %get3A_4, %broadcast_in_dim3A_260 : vector<32x128xi1>, vector<32x128xi32>
    %reduce_min3A_262 = vector.shape_cast %select_n3A_261 : vector<32x128xi32> to vector<1x32x128xi32>
    %reduce_min3A_263 = arith.constant dense<2147483647> : vector<1xi32>
    %reduce_min3A_264 = vector.multi_reduction <minsi>, %reduce_min3A_262, %reduce_min3A_263 [1, 2] : vector<1x32x128xi32> to vector<1xi32>
    %reduce_min3A_265 = vector.shape_cast %reduce_min3A_264 : vector<1xi32> to vector<1x1x1xi32>
    %reduce_min3A_266 = vector.extract %reduce_min3A_265[0, 0, 0] : i32 from vector<1x1x1xi32>
    %eq3A_267 = arith.constant 9 : i32
    %eq3A_268 = vector.broadcast %eq3A_267 : i32 to vector<1x32xi32>
    %eq3A_269 = arith.cmpi eq, %iota3A, %eq3A_268 : vector<1x32xi32>
    %broadcast_in_dim3A_270 = vector.broadcast %reduce_min3A_266 : i32 to vector<1x32xi32>
    %select_n3A_271 = arith.select %eq3A_269, %broadcast_in_dim3A_270, %select_n3A_243 : vector<1x32xi1>, vector<1x32xi32>
    %eq3A_272 = vector.broadcast %reduce_max3A_256 : f32 to vector<32x128xf32>
    %eq3A_273 = arith.cmpf oeq, %select_n3A_251, %eq3A_272 : vector<32x128xf32>
    %eq3A_274 = vector.broadcast %reduce_min3A_266 : i32 to vector<32x128xi32>
    %eq3A_275 = arith.cmpi eq, %get3A_4, %eq3A_274 : vector<32x128xi32>
    %and3A_276 = arith.andi %eq3A_273, %eq3A_275 : vector<32x128xi1>
    %jit3A_277 = arith.constant -3.000000e+38 : f32
    %broadcast_in_dim3A_278 = vector.broadcast %jit3A_277 : f32 to vector<32x128xf32>
    %select_n3A_279 = arith.select %and3A_276, %broadcast_in_dim3A_278, %select_n3A_251 : vector<32x128xi1>, vector<32x128xf32>
    %reduce_max3A_280 = vector.shape_cast %select_n3A_279 : vector<32x128xf32> to vector<1x32x128xf32>
    %reduce_max3A_281 = arith.constant dense<0xFF800000> : vector<1xf32>
    %reduce_max3A_282 = vector.multi_reduction <maximumf>, %reduce_max3A_280, %reduce_max3A_281 [1, 2] : vector<1x32x128xf32> to vector<1xf32>
    %reduce_max3A_283 = vector.shape_cast %reduce_max3A_282 : vector<1xf32> to vector<1x1x1xf32>
    %reduce_max3A_284 = vector.extract %reduce_max3A_283[0, 0, 0] : f32 from vector<1x1x1xf32>
    %eq3A_285 = vector.broadcast %reduce_max3A_284 : f32 to vector<32x128xf32>
    %eq3A_286 = arith.cmpf oeq, %select_n3A_279, %eq3A_285 : vector<32x128xf32>
    %jit3A_287 = arith.constant 2147483647 : i32
    %broadcast_in_dim3A_288 = vector.broadcast %jit3A_287 : i32 to vector<32x128xi32>
    %select_n3A_289 = arith.select %eq3A_286, %get3A_4, %broadcast_in_dim3A_288 : vector<32x128xi1>, vector<32x128xi32>
    %reduce_min3A_290 = vector.shape_cast %select_n3A_289 : vector<32x128xi32> to vector<1x32x128xi32>
    %reduce_min3A_291 = arith.constant dense<2147483647> : vector<1xi32>
    %reduce_min3A_292 = vector.multi_reduction <minsi>, %reduce_min3A_290, %reduce_min3A_291 [1, 2] : vector<1x32x128xi32> to vector<1xi32>
    %reduce_min3A_293 = vector.shape_cast %reduce_min3A_292 : vector<1xi32> to vector<1x1x1xi32>
    %reduce_min3A_294 = vector.extract %reduce_min3A_293[0, 0, 0] : i32 from vector<1x1x1xi32>
    %eq3A_295 = arith.constant 10 : i32
    %eq3A_296 = vector.broadcast %eq3A_295 : i32 to vector<1x32xi32>
    %eq3A_297 = arith.cmpi eq, %iota3A, %eq3A_296 : vector<1x32xi32>
    %broadcast_in_dim3A_298 = vector.broadcast %reduce_min3A_294 : i32 to vector<1x32xi32>
    %select_n3A_299 = arith.select %eq3A_297, %broadcast_in_dim3A_298, %select_n3A_271 : vector<1x32xi1>, vector<1x32xi32>
    %eq3A_300 = vector.broadcast %reduce_max3A_284 : f32 to vector<32x128xf32>
    %eq3A_301 = arith.cmpf oeq, %select_n3A_279, %eq3A_300 : vector<32x128xf32>
    %eq3A_302 = vector.broadcast %reduce_min3A_294 : i32 to vector<32x128xi32>
    %eq3A_303 = arith.cmpi eq, %get3A_4, %eq3A_302 : vector<32x128xi32>
    %and3A_304 = arith.andi %eq3A_301, %eq3A_303 : vector<32x128xi1>
    %jit3A_305 = arith.constant -3.000000e+38 : f32
    %broadcast_in_dim3A_306 = vector.broadcast %jit3A_305 : f32 to vector<32x128xf32>
    %select_n3A_307 = arith.select %and3A_304, %broadcast_in_dim3A_306, %select_n3A_279 : vector<32x128xi1>, vector<32x128xf32>
    %reduce_max3A_308 = vector.shape_cast %select_n3A_307 : vector<32x128xf32> to vector<1x32x128xf32>
    %reduce_max3A_309 = arith.constant dense<0xFF800000> : vector<1xf32>
    %reduce_max3A_310 = vector.multi_reduction <maximumf>, %reduce_max3A_308, %reduce_max3A_309 [1, 2] : vector<1x32x128xf32> to vector<1xf32>
    %reduce_max3A_311 = vector.shape_cast %reduce_max3A_310 : vector<1xf32> to vector<1x1x1xf32>
    %reduce_max3A_312 = vector.extract %reduce_max3A_311[0, 0, 0] : f32 from vector<1x1x1xf32>
    %eq3A_313 = vector.broadcast %reduce_max3A_312 : f32 to vector<32x128xf32>
    %eq3A_314 = arith.cmpf oeq, %select_n3A_307, %eq3A_313 : vector<32x128xf32>
    %jit3A_315 = arith.constant 2147483647 : i32
    %broadcast_in_dim3A_316 = vector.broadcast %jit3A_315 : i32 to vector<32x128xi32>
    %select_n3A_317 = arith.select %eq3A_314, %get3A_4, %broadcast_in_dim3A_316 : vector<32x128xi1>, vector<32x128xi32>
    %reduce_min3A_318 = vector.shape_cast %select_n3A_317 : vector<32x128xi32> to vector<1x32x128xi32>
    %reduce_min3A_319 = arith.constant dense<2147483647> : vector<1xi32>
    %reduce_min3A_320 = vector.multi_reduction <minsi>, %reduce_min3A_318, %reduce_min3A_319 [1, 2] : vector<1x32x128xi32> to vector<1xi32>
    %reduce_min3A_321 = vector.shape_cast %reduce_min3A_320 : vector<1xi32> to vector<1x1x1xi32>
    %reduce_min3A_322 = vector.extract %reduce_min3A_321[0, 0, 0] : i32 from vector<1x1x1xi32>
    %eq3A_323 = arith.constant 11 : i32
    %eq3A_324 = vector.broadcast %eq3A_323 : i32 to vector<1x32xi32>
    %eq3A_325 = arith.cmpi eq, %iota3A, %eq3A_324 : vector<1x32xi32>
    %broadcast_in_dim3A_326 = vector.broadcast %reduce_min3A_322 : i32 to vector<1x32xi32>
    %select_n3A_327 = arith.select %eq3A_325, %broadcast_in_dim3A_326, %select_n3A_299 : vector<1x32xi1>, vector<1x32xi32>
    %eq3A_328 = vector.broadcast %reduce_max3A_312 : f32 to vector<32x128xf32>
    %eq3A_329 = arith.cmpf oeq, %select_n3A_307, %eq3A_328 : vector<32x128xf32>
    %eq3A_330 = vector.broadcast %reduce_min3A_322 : i32 to vector<32x128xi32>
    %eq3A_331 = arith.cmpi eq, %get3A_4, %eq3A_330 : vector<32x128xi32>
    %and3A_332 = arith.andi %eq3A_329, %eq3A_331 : vector<32x128xi1>
    %jit3A_333 = arith.constant -3.000000e+38 : f32
    %broadcast_in_dim3A_334 = vector.broadcast %jit3A_333 : f32 to vector<32x128xf32>
    %select_n3A_335 = arith.select %and3A_332, %broadcast_in_dim3A_334, %select_n3A_307 : vector<32x128xi1>, vector<32x128xf32>
    %reduce_max3A_336 = vector.shape_cast %select_n3A_335 : vector<32x128xf32> to vector<1x32x128xf32>
    %reduce_max3A_337 = arith.constant dense<0xFF800000> : vector<1xf32>
    %reduce_max3A_338 = vector.multi_reduction <maximumf>, %reduce_max3A_336, %reduce_max3A_337 [1, 2] : vector<1x32x128xf32> to vector<1xf32>
    %reduce_max3A_339 = vector.shape_cast %reduce_max3A_338 : vector<1xf32> to vector<1x1x1xf32>
    %reduce_max3A_340 = vector.extract %reduce_max3A_339[0, 0, 0] : f32 from vector<1x1x1xf32>
    %eq3A_341 = vector.broadcast %reduce_max3A_340 : f32 to vector<32x128xf32>
    %eq3A_342 = arith.cmpf oeq, %select_n3A_335, %eq3A_341 : vector<32x128xf32>
    %jit3A_343 = arith.constant 2147483647 : i32
    %broadcast_in_dim3A_344 = vector.broadcast %jit3A_343 : i32 to vector<32x128xi32>
    %select_n3A_345 = arith.select %eq3A_342, %get3A_4, %broadcast_in_dim3A_344 : vector<32x128xi1>, vector<32x128xi32>
    %reduce_min3A_346 = vector.shape_cast %select_n3A_345 : vector<32x128xi32> to vector<1x32x128xi32>
    %reduce_min3A_347 = arith.constant dense<2147483647> : vector<1xi32>
    %reduce_min3A_348 = vector.multi_reduction <minsi>, %reduce_min3A_346, %reduce_min3A_347 [1, 2] : vector<1x32x128xi32> to vector<1xi32>
    %reduce_min3A_349 = vector.shape_cast %reduce_min3A_348 : vector<1xi32> to vector<1x1x1xi32>
    %reduce_min3A_350 = vector.extract %reduce_min3A_349[0, 0, 0] : i32 from vector<1x1x1xi32>
    %eq3A_351 = arith.constant 12 : i32
    %eq3A_352 = vector.broadcast %eq3A_351 : i32 to vector<1x32xi32>
    %eq3A_353 = arith.cmpi eq, %iota3A, %eq3A_352 : vector<1x32xi32>
    %broadcast_in_dim3A_354 = vector.broadcast %reduce_min3A_350 : i32 to vector<1x32xi32>
    %select_n3A_355 = arith.select %eq3A_353, %broadcast_in_dim3A_354, %select_n3A_327 : vector<1x32xi1>, vector<1x32xi32>
    %eq3A_356 = vector.broadcast %reduce_max3A_340 : f32 to vector<32x128xf32>
    %eq3A_357 = arith.cmpf oeq, %select_n3A_335, %eq3A_356 : vector<32x128xf32>
    %eq3A_358 = vector.broadcast %reduce_min3A_350 : i32 to vector<32x128xi32>
    %eq3A_359 = arith.cmpi eq, %get3A_4, %eq3A_358 : vector<32x128xi32>
    %and3A_360 = arith.andi %eq3A_357, %eq3A_359 : vector<32x128xi1>
    %jit3A_361 = arith.constant -3.000000e+38 : f32
    %broadcast_in_dim3A_362 = vector.broadcast %jit3A_361 : f32 to vector<32x128xf32>
    %select_n3A_363 = arith.select %and3A_360, %broadcast_in_dim3A_362, %select_n3A_335 : vector<32x128xi1>, vector<32x128xf32>
    %reduce_max3A_364 = vector.shape_cast %select_n3A_363 : vector<32x128xf32> to vector<1x32x128xf32>
    %reduce_max3A_365 = arith.constant dense<0xFF800000> : vector<1xf32>
    %reduce_max3A_366 = vector.multi_reduction <maximumf>, %reduce_max3A_364, %reduce_max3A_365 [1, 2] : vector<1x32x128xf32> to vector<1xf32>
    %reduce_max3A_367 = vector.shape_cast %reduce_max3A_366 : vector<1xf32> to vector<1x1x1xf32>
    %reduce_max3A_368 = vector.extract %reduce_max3A_367[0, 0, 0] : f32 from vector<1x1x1xf32>
    %eq3A_369 = vector.broadcast %reduce_max3A_368 : f32 to vector<32x128xf32>
    %eq3A_370 = arith.cmpf oeq, %select_n3A_363, %eq3A_369 : vector<32x128xf32>
    %jit3A_371 = arith.constant 2147483647 : i32
    %broadcast_in_dim3A_372 = vector.broadcast %jit3A_371 : i32 to vector<32x128xi32>
    %select_n3A_373 = arith.select %eq3A_370, %get3A_4, %broadcast_in_dim3A_372 : vector<32x128xi1>, vector<32x128xi32>
    %reduce_min3A_374 = vector.shape_cast %select_n3A_373 : vector<32x128xi32> to vector<1x32x128xi32>
    %reduce_min3A_375 = arith.constant dense<2147483647> : vector<1xi32>
    %reduce_min3A_376 = vector.multi_reduction <minsi>, %reduce_min3A_374, %reduce_min3A_375 [1, 2] : vector<1x32x128xi32> to vector<1xi32>
    %reduce_min3A_377 = vector.shape_cast %reduce_min3A_376 : vector<1xi32> to vector<1x1x1xi32>
    %reduce_min3A_378 = vector.extract %reduce_min3A_377[0, 0, 0] : i32 from vector<1x1x1xi32>
    %eq3A_379 = arith.constant 13 : i32
    %eq3A_380 = vector.broadcast %eq3A_379 : i32 to vector<1x32xi32>
    %eq3A_381 = arith.cmpi eq, %iota3A, %eq3A_380 : vector<1x32xi32>
    %broadcast_in_dim3A_382 = vector.broadcast %reduce_min3A_378 : i32 to vector<1x32xi32>
    %select_n3A_383 = arith.select %eq3A_381, %broadcast_in_dim3A_382, %select_n3A_355 : vector<1x32xi1>, vector<1x32xi32>
    %eq3A_384 = vector.broadcast %reduce_max3A_368 : f32 to vector<32x128xf32>
    %eq3A_385 = arith.cmpf oeq, %select_n3A_363, %eq3A_384 : vector<32x128xf32>
    %eq3A_386 = vector.broadcast %reduce_min3A_378 : i32 to vector<32x128xi32>
    %eq3A_387 = arith.cmpi eq, %get3A_4, %eq3A_386 : vector<32x128xi32>
    %and3A_388 = arith.andi %eq3A_385, %eq3A_387 : vector<32x128xi1>
    %jit3A_389 = arith.constant -3.000000e+38 : f32
    %broadcast_in_dim3A_390 = vector.broadcast %jit3A_389 : f32 to vector<32x128xf32>
    %select_n3A_391 = arith.select %and3A_388, %broadcast_in_dim3A_390, %select_n3A_363 : vector<32x128xi1>, vector<32x128xf32>
    %reduce_max3A_392 = vector.shape_cast %select_n3A_391 : vector<32x128xf32> to vector<1x32x128xf32>
    %reduce_max3A_393 = arith.constant dense<0xFF800000> : vector<1xf32>
    %reduce_max3A_394 = vector.multi_reduction <maximumf>, %reduce_max3A_392, %reduce_max3A_393 [1, 2] : vector<1x32x128xf32> to vector<1xf32>
    %reduce_max3A_395 = vector.shape_cast %reduce_max3A_394 : vector<1xf32> to vector<1x1x1xf32>
    %reduce_max3A_396 = vector.extract %reduce_max3A_395[0, 0, 0] : f32 from vector<1x1x1xf32>
    %eq3A_397 = vector.broadcast %reduce_max3A_396 : f32 to vector<32x128xf32>
    %eq3A_398 = arith.cmpf oeq, %select_n3A_391, %eq3A_397 : vector<32x128xf32>
    %jit3A_399 = arith.constant 2147483647 : i32
    %broadcast_in_dim3A_400 = vector.broadcast %jit3A_399 : i32 to vector<32x128xi32>
    %select_n3A_401 = arith.select %eq3A_398, %get3A_4, %broadcast_in_dim3A_400 : vector<32x128xi1>, vector<32x128xi32>
    %reduce_min3A_402 = vector.shape_cast %select_n3A_401 : vector<32x128xi32> to vector<1x32x128xi32>
    %reduce_min3A_403 = arith.constant dense<2147483647> : vector<1xi32>
    %reduce_min3A_404 = vector.multi_reduction <minsi>, %reduce_min3A_402, %reduce_min3A_403 [1, 2] : vector<1x32x128xi32> to vector<1xi32>
    %reduce_min3A_405 = vector.shape_cast %reduce_min3A_404 : vector<1xi32> to vector<1x1x1xi32>
    %reduce_min3A_406 = vector.extract %reduce_min3A_405[0, 0, 0] : i32 from vector<1x1x1xi32>
    %eq3A_407 = arith.constant 14 : i32
    %eq3A_408 = vector.broadcast %eq3A_407 : i32 to vector<1x32xi32>
    %eq3A_409 = arith.cmpi eq, %iota3A, %eq3A_408 : vector<1x32xi32>
    %broadcast_in_dim3A_410 = vector.broadcast %reduce_min3A_406 : i32 to vector<1x32xi32>
    %select_n3A_411 = arith.select %eq3A_409, %broadcast_in_dim3A_410, %select_n3A_383 : vector<1x32xi1>, vector<1x32xi32>
    %eq3A_412 = vector.broadcast %reduce_max3A_396 : f32 to vector<32x128xf32>
    %eq3A_413 = arith.cmpf oeq, %select_n3A_391, %eq3A_412 : vector<32x128xf32>
    %eq3A_414 = vector.broadcast %reduce_min3A_406 : i32 to vector<32x128xi32>
    %eq3A_415 = arith.cmpi eq, %get3A_4, %eq3A_414 : vector<32x128xi32>
    %and3A_416 = arith.andi %eq3A_413, %eq3A_415 : vector<32x128xi1>
    %jit3A_417 = arith.constant -3.000000e+38 : f32
    %broadcast_in_dim3A_418 = vector.broadcast %jit3A_417 : f32 to vector<32x128xf32>
    %select_n3A_419 = arith.select %and3A_416, %broadcast_in_dim3A_418, %select_n3A_391 : vector<32x128xi1>, vector<32x128xf32>
    %reduce_max3A_420 = vector.shape_cast %select_n3A_419 : vector<32x128xf32> to vector<1x32x128xf32>
    %reduce_max3A_421 = arith.constant dense<0xFF800000> : vector<1xf32>
    %reduce_max3A_422 = vector.multi_reduction <maximumf>, %reduce_max3A_420, %reduce_max3A_421 [1, 2] : vector<1x32x128xf32> to vector<1xf32>
    %reduce_max3A_423 = vector.shape_cast %reduce_max3A_422 : vector<1xf32> to vector<1x1x1xf32>
    %reduce_max3A_424 = vector.extract %reduce_max3A_423[0, 0, 0] : f32 from vector<1x1x1xf32>
    %eq3A_425 = vector.broadcast %reduce_max3A_424 : f32 to vector<32x128xf32>
    %eq3A_426 = arith.cmpf oeq, %select_n3A_419, %eq3A_425 : vector<32x128xf32>
    %jit3A_427 = arith.constant 2147483647 : i32
    %broadcast_in_dim3A_428 = vector.broadcast %jit3A_427 : i32 to vector<32x128xi32>
    %select_n3A_429 = arith.select %eq3A_426, %get3A_4, %broadcast_in_dim3A_428 : vector<32x128xi1>, vector<32x128xi32>
    %reduce_min3A_430 = vector.shape_cast %select_n3A_429 : vector<32x128xi32> to vector<1x32x128xi32>
    %reduce_min3A_431 = arith.constant dense<2147483647> : vector<1xi32>
    %reduce_min3A_432 = vector.multi_reduction <minsi>, %reduce_min3A_430, %reduce_min3A_431 [1, 2] : vector<1x32x128xi32> to vector<1xi32>
    %reduce_min3A_433 = vector.shape_cast %reduce_min3A_432 : vector<1xi32> to vector<1x1x1xi32>
    %reduce_min3A_434 = vector.extract %reduce_min3A_433[0, 0, 0] : i32 from vector<1x1x1xi32>
    %eq3A_435 = arith.constant 15 : i32
    %eq3A_436 = vector.broadcast %eq3A_435 : i32 to vector<1x32xi32>
    %eq3A_437 = arith.cmpi eq, %iota3A, %eq3A_436 : vector<1x32xi32>
    %broadcast_in_dim3A_438 = vector.broadcast %reduce_min3A_434 : i32 to vector<1x32xi32>
    %select_n3A_439 = arith.select %eq3A_437, %broadcast_in_dim3A_438, %select_n3A_411 : vector<1x32xi1>, vector<1x32xi32>
    %eq3A_440 = vector.broadcast %reduce_max3A_424 : f32 to vector<32x128xf32>
    %eq3A_441 = arith.cmpf oeq, %select_n3A_419, %eq3A_440 : vector<32x128xf32>
    %eq3A_442 = vector.broadcast %reduce_min3A_434 : i32 to vector<32x128xi32>
    %eq3A_443 = arith.cmpi eq, %get3A_4, %eq3A_442 : vector<32x128xi32>
    %and3A_444 = arith.andi %eq3A_441, %eq3A_443 : vector<32x128xi1>
    %jit3A_445 = arith.constant -3.000000e+38 : f32
    %broadcast_in_dim3A_446 = vector.broadcast %jit3A_445 : f32 to vector<32x128xf32>
    %select_n3A_447 = arith.select %and3A_444, %broadcast_in_dim3A_446, %select_n3A_419 : vector<32x128xi1>, vector<32x128xf32>
    %reduce_max3A_448 = vector.shape_cast %select_n3A_447 : vector<32x128xf32> to vector<1x32x128xf32>
    %reduce_max3A_449 = arith.constant dense<0xFF800000> : vector<1xf32>
    %reduce_max3A_450 = vector.multi_reduction <maximumf>, %reduce_max3A_448, %reduce_max3A_449 [1, 2] : vector<1x32x128xf32> to vector<1xf32>
    %reduce_max3A_451 = vector.shape_cast %reduce_max3A_450 : vector<1xf32> to vector<1x1x1xf32>
    %reduce_max3A_452 = vector.extract %reduce_max3A_451[0, 0, 0] : f32 from vector<1x1x1xf32>
    %eq3A_453 = vector.broadcast %reduce_max3A_452 : f32 to vector<32x128xf32>
    %eq3A_454 = arith.cmpf oeq, %select_n3A_447, %eq3A_453 : vector<32x128xf32>
    %jit3A_455 = arith.constant 2147483647 : i32
    %broadcast_in_dim3A_456 = vector.broadcast %jit3A_455 : i32 to vector<32x128xi32>
    %select_n3A_457 = arith.select %eq3A_454, %get3A_4, %broadcast_in_dim3A_456 : vector<32x128xi1>, vector<32x128xi32>
    %reduce_min3A_458 = vector.shape_cast %select_n3A_457 : vector<32x128xi32> to vector<1x32x128xi32>
    %reduce_min3A_459 = arith.constant dense<2147483647> : vector<1xi32>
    %reduce_min3A_460 = vector.multi_reduction <minsi>, %reduce_min3A_458, %reduce_min3A_459 [1, 2] : vector<1x32x128xi32> to vector<1xi32>
    %reduce_min3A_461 = vector.shape_cast %reduce_min3A_460 : vector<1xi32> to vector<1x1x1xi32>
    %reduce_min3A_462 = vector.extract %reduce_min3A_461[0, 0, 0] : i32 from vector<1x1x1xi32>
    %eq3A_463 = arith.constant 16 : i32
    %eq3A_464 = vector.broadcast %eq3A_463 : i32 to vector<1x32xi32>
    %eq3A_465 = arith.cmpi eq, %iota3A, %eq3A_464 : vector<1x32xi32>
    %broadcast_in_dim3A_466 = vector.broadcast %reduce_min3A_462 : i32 to vector<1x32xi32>
    %select_n3A_467 = arith.select %eq3A_465, %broadcast_in_dim3A_466, %select_n3A_439 : vector<1x32xi1>, vector<1x32xi32>
    %eq3A_468 = vector.broadcast %reduce_max3A_452 : f32 to vector<32x128xf32>
    %eq3A_469 = arith.cmpf oeq, %select_n3A_447, %eq3A_468 : vector<32x128xf32>
    %eq3A_470 = vector.broadcast %reduce_min3A_462 : i32 to vector<32x128xi32>
    %eq3A_471 = arith.cmpi eq, %get3A_4, %eq3A_470 : vector<32x128xi32>
    %and3A_472 = arith.andi %eq3A_469, %eq3A_471 : vector<32x128xi1>
    %jit3A_473 = arith.constant -3.000000e+38 : f32
    %broadcast_in_dim3A_474 = vector.broadcast %jit3A_473 : f32 to vector<32x128xf32>
    %select_n3A_475 = arith.select %and3A_472, %broadcast_in_dim3A_474, %select_n3A_447 : vector<32x128xi1>, vector<32x128xf32>
    %reduce_max3A_476 = vector.shape_cast %select_n3A_475 : vector<32x128xf32> to vector<1x32x128xf32>
    %reduce_max3A_477 = arith.constant dense<0xFF800000> : vector<1xf32>
    %reduce_max3A_478 = vector.multi_reduction <maximumf>, %reduce_max3A_476, %reduce_max3A_477 [1, 2] : vector<1x32x128xf32> to vector<1xf32>
    %reduce_max3A_479 = vector.shape_cast %reduce_max3A_478 : vector<1xf32> to vector<1x1x1xf32>
    %reduce_max3A_480 = vector.extract %reduce_max3A_479[0, 0, 0] : f32 from vector<1x1x1xf32>
    %eq3A_481 = vector.broadcast %reduce_max3A_480 : f32 to vector<32x128xf32>
    %eq3A_482 = arith.cmpf oeq, %select_n3A_475, %eq3A_481 : vector<32x128xf32>
    %jit3A_483 = arith.constant 2147483647 : i32
    %broadcast_in_dim3A_484 = vector.broadcast %jit3A_483 : i32 to vector<32x128xi32>
    %select_n3A_485 = arith.select %eq3A_482, %get3A_4, %broadcast_in_dim3A_484 : vector<32x128xi1>, vector<32x128xi32>
    %reduce_min3A_486 = vector.shape_cast %select_n3A_485 : vector<32x128xi32> to vector<1x32x128xi32>
    %reduce_min3A_487 = arith.constant dense<2147483647> : vector<1xi32>
    %reduce_min3A_488 = vector.multi_reduction <minsi>, %reduce_min3A_486, %reduce_min3A_487 [1, 2] : vector<1x32x128xi32> to vector<1xi32>
    %reduce_min3A_489 = vector.shape_cast %reduce_min3A_488 : vector<1xi32> to vector<1x1x1xi32>
    %reduce_min3A_490 = vector.extract %reduce_min3A_489[0, 0, 0] : i32 from vector<1x1x1xi32>
    %eq3A_491 = arith.constant 17 : i32
    %eq3A_492 = vector.broadcast %eq3A_491 : i32 to vector<1x32xi32>
    %eq3A_493 = arith.cmpi eq, %iota3A, %eq3A_492 : vector<1x32xi32>
    %broadcast_in_dim3A_494 = vector.broadcast %reduce_min3A_490 : i32 to vector<1x32xi32>
    %select_n3A_495 = arith.select %eq3A_493, %broadcast_in_dim3A_494, %select_n3A_467 : vector<1x32xi1>, vector<1x32xi32>
    %eq3A_496 = vector.broadcast %reduce_max3A_480 : f32 to vector<32x128xf32>
    %eq3A_497 = arith.cmpf oeq, %select_n3A_475, %eq3A_496 : vector<32x128xf32>
    %eq3A_498 = vector.broadcast %reduce_min3A_490 : i32 to vector<32x128xi32>
    %eq3A_499 = arith.cmpi eq, %get3A_4, %eq3A_498 : vector<32x128xi32>
    %and3A_500 = arith.andi %eq3A_497, %eq3A_499 : vector<32x128xi1>
    %jit3A_501 = arith.constant -3.000000e+38 : f32
    %broadcast_in_dim3A_502 = vector.broadcast %jit3A_501 : f32 to vector<32x128xf32>
    %select_n3A_503 = arith.select %and3A_500, %broadcast_in_dim3A_502, %select_n3A_475 : vector<32x128xi1>, vector<32x128xf32>
    %reduce_max3A_504 = vector.shape_cast %select_n3A_503 : vector<32x128xf32> to vector<1x32x128xf32>
    %reduce_max3A_505 = arith.constant dense<0xFF800000> : vector<1xf32>
    %reduce_max3A_506 = vector.multi_reduction <maximumf>, %reduce_max3A_504, %reduce_max3A_505 [1, 2] : vector<1x32x128xf32> to vector<1xf32>
    %reduce_max3A_507 = vector.shape_cast %reduce_max3A_506 : vector<1xf32> to vector<1x1x1xf32>
    %reduce_max3A_508 = vector.extract %reduce_max3A_507[0, 0, 0] : f32 from vector<1x1x1xf32>
    %eq3A_509 = vector.broadcast %reduce_max3A_508 : f32 to vector<32x128xf32>
    %eq3A_510 = arith.cmpf oeq, %select_n3A_503, %eq3A_509 : vector<32x128xf32>
    %jit3A_511 = arith.constant 2147483647 : i32
    %broadcast_in_dim3A_512 = vector.broadcast %jit3A_511 : i32 to vector<32x128xi32>
    %select_n3A_513 = arith.select %eq3A_510, %get3A_4, %broadcast_in_dim3A_512 : vector<32x128xi1>, vector<32x128xi32>
    %reduce_min3A_514 = vector.shape_cast %select_n3A_513 : vector<32x128xi32> to vector<1x32x128xi32>
    %reduce_min3A_515 = arith.constant dense<2147483647> : vector<1xi32>
    %reduce_min3A_516 = vector.multi_reduction <minsi>, %reduce_min3A_514, %reduce_min3A_515 [1, 2] : vector<1x32x128xi32> to vector<1xi32>
    %reduce_min3A_517 = vector.shape_cast %reduce_min3A_516 : vector<1xi32> to vector<1x1x1xi32>
    %reduce_min3A_518 = vector.extract %reduce_min3A_517[0, 0, 0] : i32 from vector<1x1x1xi32>
    %eq3A_519 = arith.constant 18 : i32
    %eq3A_520 = vector.broadcast %eq3A_519 : i32 to vector<1x32xi32>
    %eq3A_521 = arith.cmpi eq, %iota3A, %eq3A_520 : vector<1x32xi32>
    %broadcast_in_dim3A_522 = vector.broadcast %reduce_min3A_518 : i32 to vector<1x32xi32>
    %select_n3A_523 = arith.select %eq3A_521, %broadcast_in_dim3A_522, %select_n3A_495 : vector<1x32xi1>, vector<1x32xi32>
    %eq3A_524 = vector.broadcast %reduce_max3A_508 : f32 to vector<32x128xf32>
    %eq3A_525 = arith.cmpf oeq, %select_n3A_503, %eq3A_524 : vector<32x128xf32>
    %eq3A_526 = vector.broadcast %reduce_min3A_518 : i32 to vector<32x128xi32>
    %eq3A_527 = arith.cmpi eq, %get3A_4, %eq3A_526 : vector<32x128xi32>
    %and3A_528 = arith.andi %eq3A_525, %eq3A_527 : vector<32x128xi1>
    %jit3A_529 = arith.constant -3.000000e+38 : f32
    %broadcast_in_dim3A_530 = vector.broadcast %jit3A_529 : f32 to vector<32x128xf32>
    %select_n3A_531 = arith.select %and3A_528, %broadcast_in_dim3A_530, %select_n3A_503 : vector<32x128xi1>, vector<32x128xf32>
    %reduce_max3A_532 = vector.shape_cast %select_n3A_531 : vector<32x128xf32> to vector<1x32x128xf32>
    %reduce_max3A_533 = arith.constant dense<0xFF800000> : vector<1xf32>
    %reduce_max3A_534 = vector.multi_reduction <maximumf>, %reduce_max3A_532, %reduce_max3A_533 [1, 2] : vector<1x32x128xf32> to vector<1xf32>
    %reduce_max3A_535 = vector.shape_cast %reduce_max3A_534 : vector<1xf32> to vector<1x1x1xf32>
    %reduce_max3A_536 = vector.extract %reduce_max3A_535[0, 0, 0] : f32 from vector<1x1x1xf32>
    %eq3A_537 = vector.broadcast %reduce_max3A_536 : f32 to vector<32x128xf32>
    %eq3A_538 = arith.cmpf oeq, %select_n3A_531, %eq3A_537 : vector<32x128xf32>
    %jit3A_539 = arith.constant 2147483647 : i32
    %broadcast_in_dim3A_540 = vector.broadcast %jit3A_539 : i32 to vector<32x128xi32>
    %select_n3A_541 = arith.select %eq3A_538, %get3A_4, %broadcast_in_dim3A_540 : vector<32x128xi1>, vector<32x128xi32>
    %reduce_min3A_542 = vector.shape_cast %select_n3A_541 : vector<32x128xi32> to vector<1x32x128xi32>
    %reduce_min3A_543 = arith.constant dense<2147483647> : vector<1xi32>
    %reduce_min3A_544 = vector.multi_reduction <minsi>, %reduce_min3A_542, %reduce_min3A_543 [1, 2] : vector<1x32x128xi32> to vector<1xi32>
    %reduce_min3A_545 = vector.shape_cast %reduce_min3A_544 : vector<1xi32> to vector<1x1x1xi32>
    %reduce_min3A_546 = vector.extract %reduce_min3A_545[0, 0, 0] : i32 from vector<1x1x1xi32>
    %eq3A_547 = arith.constant 19 : i32
    %eq3A_548 = vector.broadcast %eq3A_547 : i32 to vector<1x32xi32>
    %eq3A_549 = arith.cmpi eq, %iota3A, %eq3A_548 : vector<1x32xi32>
    %broadcast_in_dim3A_550 = vector.broadcast %reduce_min3A_546 : i32 to vector<1x32xi32>
    %select_n3A_551 = arith.select %eq3A_549, %broadcast_in_dim3A_550, %select_n3A_523 : vector<1x32xi1>, vector<1x32xi32>
    %eq3A_552 = vector.broadcast %reduce_max3A_536 : f32 to vector<32x128xf32>
    %eq3A_553 = arith.cmpf oeq, %select_n3A_531, %eq3A_552 : vector<32x128xf32>
    %eq3A_554 = vector.broadcast %reduce_min3A_546 : i32 to vector<32x128xi32>
    %eq3A_555 = arith.cmpi eq, %get3A_4, %eq3A_554 : vector<32x128xi32>
    %and3A_556 = arith.andi %eq3A_553, %eq3A_555 : vector<32x128xi1>
    %jit3A_557 = arith.constant -3.000000e+38 : f32
    %broadcast_in_dim3A_558 = vector.broadcast %jit3A_557 : f32 to vector<32x128xf32>
    %select_n3A_559 = arith.select %and3A_556, %broadcast_in_dim3A_558, %select_n3A_531 : vector<32x128xi1>, vector<32x128xf32>
    %reduce_max3A_560 = vector.shape_cast %select_n3A_559 : vector<32x128xf32> to vector<1x32x128xf32>
    %reduce_max3A_561 = arith.constant dense<0xFF800000> : vector<1xf32>
    %reduce_max3A_562 = vector.multi_reduction <maximumf>, %reduce_max3A_560, %reduce_max3A_561 [1, 2] : vector<1x32x128xf32> to vector<1xf32>
    %reduce_max3A_563 = vector.shape_cast %reduce_max3A_562 : vector<1xf32> to vector<1x1x1xf32>
    %reduce_max3A_564 = vector.extract %reduce_max3A_563[0, 0, 0] : f32 from vector<1x1x1xf32>
    %eq3A_565 = vector.broadcast %reduce_max3A_564 : f32 to vector<32x128xf32>
    %eq3A_566 = arith.cmpf oeq, %select_n3A_559, %eq3A_565 : vector<32x128xf32>
    %jit3A_567 = arith.constant 2147483647 : i32
    %broadcast_in_dim3A_568 = vector.broadcast %jit3A_567 : i32 to vector<32x128xi32>
    %select_n3A_569 = arith.select %eq3A_566, %get3A_4, %broadcast_in_dim3A_568 : vector<32x128xi1>, vector<32x128xi32>
    %reduce_min3A_570 = vector.shape_cast %select_n3A_569 : vector<32x128xi32> to vector<1x32x128xi32>
    %reduce_min3A_571 = arith.constant dense<2147483647> : vector<1xi32>
    %reduce_min3A_572 = vector.multi_reduction <minsi>, %reduce_min3A_570, %reduce_min3A_571 [1, 2] : vector<1x32x128xi32> to vector<1xi32>
    %reduce_min3A_573 = vector.shape_cast %reduce_min3A_572 : vector<1xi32> to vector<1x1x1xi32>
    %reduce_min3A_574 = vector.extract %reduce_min3A_573[0, 0, 0] : i32 from vector<1x1x1xi32>
    %eq3A_575 = arith.constant 20 : i32
    %eq3A_576 = vector.broadcast %eq3A_575 : i32 to vector<1x32xi32>
    %eq3A_577 = arith.cmpi eq, %iota3A, %eq3A_576 : vector<1x32xi32>
    %broadcast_in_dim3A_578 = vector.broadcast %reduce_min3A_574 : i32 to vector<1x32xi32>
    %select_n3A_579 = arith.select %eq3A_577, %broadcast_in_dim3A_578, %select_n3A_551 : vector<1x32xi1>, vector<1x32xi32>
    %eq3A_580 = vector.broadcast %reduce_max3A_564 : f32 to vector<32x128xf32>
    %eq3A_581 = arith.cmpf oeq, %select_n3A_559, %eq3A_580 : vector<32x128xf32>
    %eq3A_582 = vector.broadcast %reduce_min3A_574 : i32 to vector<32x128xi32>
    %eq3A_583 = arith.cmpi eq, %get3A_4, %eq3A_582 : vector<32x128xi32>
    %and3A_584 = arith.andi %eq3A_581, %eq3A_583 : vector<32x128xi1>
    %jit3A_585 = arith.constant -3.000000e+38 : f32
    %broadcast_in_dim3A_586 = vector.broadcast %jit3A_585 : f32 to vector<32x128xf32>
    %select_n3A_587 = arith.select %and3A_584, %broadcast_in_dim3A_586, %select_n3A_559 : vector<32x128xi1>, vector<32x128xf32>
    %reduce_max3A_588 = vector.shape_cast %select_n3A_587 : vector<32x128xf32> to vector<1x32x128xf32>
    %reduce_max3A_589 = arith.constant dense<0xFF800000> : vector<1xf32>
    %reduce_max3A_590 = vector.multi_reduction <maximumf>, %reduce_max3A_588, %reduce_max3A_589 [1, 2] : vector<1x32x128xf32> to vector<1xf32>
    %reduce_max3A_591 = vector.shape_cast %reduce_max3A_590 : vector<1xf32> to vector<1x1x1xf32>
    %reduce_max3A_592 = vector.extract %reduce_max3A_591[0, 0, 0] : f32 from vector<1x1x1xf32>
    %eq3A_593 = vector.broadcast %reduce_max3A_592 : f32 to vector<32x128xf32>
    %eq3A_594 = arith.cmpf oeq, %select_n3A_587, %eq3A_593 : vector<32x128xf32>
    %jit3A_595 = arith.constant 2147483647 : i32
    %broadcast_in_dim3A_596 = vector.broadcast %jit3A_595 : i32 to vector<32x128xi32>
    %select_n3A_597 = arith.select %eq3A_594, %get3A_4, %broadcast_in_dim3A_596 : vector<32x128xi1>, vector<32x128xi32>
    %reduce_min3A_598 = vector.shape_cast %select_n3A_597 : vector<32x128xi32> to vector<1x32x128xi32>
    %reduce_min3A_599 = arith.constant dense<2147483647> : vector<1xi32>
    %reduce_min3A_600 = vector.multi_reduction <minsi>, %reduce_min3A_598, %reduce_min3A_599 [1, 2] : vector<1x32x128xi32> to vector<1xi32>
    %reduce_min3A_601 = vector.shape_cast %reduce_min3A_600 : vector<1xi32> to vector<1x1x1xi32>
    %reduce_min3A_602 = vector.extract %reduce_min3A_601[0, 0, 0] : i32 from vector<1x1x1xi32>
    %eq3A_603 = arith.constant 21 : i32
    %eq3A_604 = vector.broadcast %eq3A_603 : i32 to vector<1x32xi32>
    %eq3A_605 = arith.cmpi eq, %iota3A, %eq3A_604 : vector<1x32xi32>
    %broadcast_in_dim3A_606 = vector.broadcast %reduce_min3A_602 : i32 to vector<1x32xi32>
    %select_n3A_607 = arith.select %eq3A_605, %broadcast_in_dim3A_606, %select_n3A_579 : vector<1x32xi1>, vector<1x32xi32>
    %eq3A_608 = vector.broadcast %reduce_max3A_592 : f32 to vector<32x128xf32>
    %eq3A_609 = arith.cmpf oeq, %select_n3A_587, %eq3A_608 : vector<32x128xf32>
    %eq3A_610 = vector.broadcast %reduce_min3A_602 : i32 to vector<32x128xi32>
    %eq3A_611 = arith.cmpi eq, %get3A_4, %eq3A_610 : vector<32x128xi32>
    %and3A_612 = arith.andi %eq3A_609, %eq3A_611 : vector<32x128xi1>
    %jit3A_613 = arith.constant -3.000000e+38 : f32
    %broadcast_in_dim3A_614 = vector.broadcast %jit3A_613 : f32 to vector<32x128xf32>
    %select_n3A_615 = arith.select %and3A_612, %broadcast_in_dim3A_614, %select_n3A_587 : vector<32x128xi1>, vector<32x128xf32>
    %reduce_max3A_616 = vector.shape_cast %select_n3A_615 : vector<32x128xf32> to vector<1x32x128xf32>
    %reduce_max3A_617 = arith.constant dense<0xFF800000> : vector<1xf32>
    %reduce_max3A_618 = vector.multi_reduction <maximumf>, %reduce_max3A_616, %reduce_max3A_617 [1, 2] : vector<1x32x128xf32> to vector<1xf32>
    %reduce_max3A_619 = vector.shape_cast %reduce_max3A_618 : vector<1xf32> to vector<1x1x1xf32>
    %reduce_max3A_620 = vector.extract %reduce_max3A_619[0, 0, 0] : f32 from vector<1x1x1xf32>
    %eq3A_621 = vector.broadcast %reduce_max3A_620 : f32 to vector<32x128xf32>
    %eq3A_622 = arith.cmpf oeq, %select_n3A_615, %eq3A_621 : vector<32x128xf32>
    %jit3A_623 = arith.constant 2147483647 : i32
    %broadcast_in_dim3A_624 = vector.broadcast %jit3A_623 : i32 to vector<32x128xi32>
    %select_n3A_625 = arith.select %eq3A_622, %get3A_4, %broadcast_in_dim3A_624 : vector<32x128xi1>, vector<32x128xi32>
    %reduce_min3A_626 = vector.shape_cast %select_n3A_625 : vector<32x128xi32> to vector<1x32x128xi32>
    %reduce_min3A_627 = arith.constant dense<2147483647> : vector<1xi32>
    %reduce_min3A_628 = vector.multi_reduction <minsi>, %reduce_min3A_626, %reduce_min3A_627 [1, 2] : vector<1x32x128xi32> to vector<1xi32>
    %reduce_min3A_629 = vector.shape_cast %reduce_min3A_628 : vector<1xi32> to vector<1x1x1xi32>
    %reduce_min3A_630 = vector.extract %reduce_min3A_629[0, 0, 0] : i32 from vector<1x1x1xi32>
    %eq3A_631 = arith.constant 22 : i32
    %eq3A_632 = vector.broadcast %eq3A_631 : i32 to vector<1x32xi32>
    %eq3A_633 = arith.cmpi eq, %iota3A, %eq3A_632 : vector<1x32xi32>
    %broadcast_in_dim3A_634 = vector.broadcast %reduce_min3A_630 : i32 to vector<1x32xi32>
    %select_n3A_635 = arith.select %eq3A_633, %broadcast_in_dim3A_634, %select_n3A_607 : vector<1x32xi1>, vector<1x32xi32>
    %eq3A_636 = vector.broadcast %reduce_max3A_620 : f32 to vector<32x128xf32>
    %eq3A_637 = arith.cmpf oeq, %select_n3A_615, %eq3A_636 : vector<32x128xf32>
    %eq3A_638 = vector.broadcast %reduce_min3A_630 : i32 to vector<32x128xi32>
    %eq3A_639 = arith.cmpi eq, %get3A_4, %eq3A_638 : vector<32x128xi32>
    %and3A_640 = arith.andi %eq3A_637, %eq3A_639 : vector<32x128xi1>
    %jit3A_641 = arith.constant -3.000000e+38 : f32
    %broadcast_in_dim3A_642 = vector.broadcast %jit3A_641 : f32 to vector<32x128xf32>
    %select_n3A_643 = arith.select %and3A_640, %broadcast_in_dim3A_642, %select_n3A_615 : vector<32x128xi1>, vector<32x128xf32>
    %reduce_max3A_644 = vector.shape_cast %select_n3A_643 : vector<32x128xf32> to vector<1x32x128xf32>
    %reduce_max3A_645 = arith.constant dense<0xFF800000> : vector<1xf32>
    %reduce_max3A_646 = vector.multi_reduction <maximumf>, %reduce_max3A_644, %reduce_max3A_645 [1, 2] : vector<1x32x128xf32> to vector<1xf32>
    %reduce_max3A_647 = vector.shape_cast %reduce_max3A_646 : vector<1xf32> to vector<1x1x1xf32>
    %reduce_max3A_648 = vector.extract %reduce_max3A_647[0, 0, 0] : f32 from vector<1x1x1xf32>
    %eq3A_649 = vector.broadcast %reduce_max3A_648 : f32 to vector<32x128xf32>
    %eq3A_650 = arith.cmpf oeq, %select_n3A_643, %eq3A_649 : vector<32x128xf32>
    %jit3A_651 = arith.constant 2147483647 : i32
    %broadcast_in_dim3A_652 = vector.broadcast %jit3A_651 : i32 to vector<32x128xi32>
    %select_n3A_653 = arith.select %eq3A_650, %get3A_4, %broadcast_in_dim3A_652 : vector<32x128xi1>, vector<32x128xi32>
    %reduce_min3A_654 = vector.shape_cast %select_n3A_653 : vector<32x128xi32> to vector<1x32x128xi32>
    %reduce_min3A_655 = arith.constant dense<2147483647> : vector<1xi32>
    %reduce_min3A_656 = vector.multi_reduction <minsi>, %reduce_min3A_654, %reduce_min3A_655 [1, 2] : vector<1x32x128xi32> to vector<1xi32>
    %reduce_min3A_657 = vector.shape_cast %reduce_min3A_656 : vector<1xi32> to vector<1x1x1xi32>
    %reduce_min3A_658 = vector.extract %reduce_min3A_657[0, 0, 0] : i32 from vector<1x1x1xi32>
    %eq3A_659 = arith.constant 23 : i32
    %eq3A_660 = vector.broadcast %eq3A_659 : i32 to vector<1x32xi32>
    %eq3A_661 = arith.cmpi eq, %iota3A, %eq3A_660 : vector<1x32xi32>
    %broadcast_in_dim3A_662 = vector.broadcast %reduce_min3A_658 : i32 to vector<1x32xi32>
    %select_n3A_663 = arith.select %eq3A_661, %broadcast_in_dim3A_662, %select_n3A_635 : vector<1x32xi1>, vector<1x32xi32>
    %eq3A_664 = vector.broadcast %reduce_max3A_648 : f32 to vector<32x128xf32>
    %eq3A_665 = arith.cmpf oeq, %select_n3A_643, %eq3A_664 : vector<32x128xf32>
    %eq3A_666 = vector.broadcast %reduce_min3A_658 : i32 to vector<32x128xi32>
    %eq3A_667 = arith.cmpi eq, %get3A_4, %eq3A_666 : vector<32x128xi32>
    %and3A_668 = arith.andi %eq3A_665, %eq3A_667 : vector<32x128xi1>
    %jit3A_669 = arith.constant -3.000000e+38 : f32
    %broadcast_in_dim3A_670 = vector.broadcast %jit3A_669 : f32 to vector<32x128xf32>
    %select_n3A_671 = arith.select %and3A_668, %broadcast_in_dim3A_670, %select_n3A_643 : vector<32x128xi1>, vector<32x128xf32>
    %reduce_max3A_672 = vector.shape_cast %select_n3A_671 : vector<32x128xf32> to vector<1x32x128xf32>
    %reduce_max3A_673 = arith.constant dense<0xFF800000> : vector<1xf32>
    %reduce_max3A_674 = vector.multi_reduction <maximumf>, %reduce_max3A_672, %reduce_max3A_673 [1, 2] : vector<1x32x128xf32> to vector<1xf32>
    %reduce_max3A_675 = vector.shape_cast %reduce_max3A_674 : vector<1xf32> to vector<1x1x1xf32>
    %reduce_max3A_676 = vector.extract %reduce_max3A_675[0, 0, 0] : f32 from vector<1x1x1xf32>
    %eq3A_677 = vector.broadcast %reduce_max3A_676 : f32 to vector<32x128xf32>
    %eq3A_678 = arith.cmpf oeq, %select_n3A_671, %eq3A_677 : vector<32x128xf32>
    %jit3A_679 = arith.constant 2147483647 : i32
    %broadcast_in_dim3A_680 = vector.broadcast %jit3A_679 : i32 to vector<32x128xi32>
    %select_n3A_681 = arith.select %eq3A_678, %get3A_4, %broadcast_in_dim3A_680 : vector<32x128xi1>, vector<32x128xi32>
    %reduce_min3A_682 = vector.shape_cast %select_n3A_681 : vector<32x128xi32> to vector<1x32x128xi32>
    %reduce_min3A_683 = arith.constant dense<2147483647> : vector<1xi32>
    %reduce_min3A_684 = vector.multi_reduction <minsi>, %reduce_min3A_682, %reduce_min3A_683 [1, 2] : vector<1x32x128xi32> to vector<1xi32>
    %reduce_min3A_685 = vector.shape_cast %reduce_min3A_684 : vector<1xi32> to vector<1x1x1xi32>
    %reduce_min3A_686 = vector.extract %reduce_min3A_685[0, 0, 0] : i32 from vector<1x1x1xi32>
    %eq3A_687 = arith.constant 24 : i32
    %eq3A_688 = vector.broadcast %eq3A_687 : i32 to vector<1x32xi32>
    %eq3A_689 = arith.cmpi eq, %iota3A, %eq3A_688 : vector<1x32xi32>
    %broadcast_in_dim3A_690 = vector.broadcast %reduce_min3A_686 : i32 to vector<1x32xi32>
    %select_n3A_691 = arith.select %eq3A_689, %broadcast_in_dim3A_690, %select_n3A_663 : vector<1x32xi1>, vector<1x32xi32>
    %eq3A_692 = vector.broadcast %reduce_max3A_676 : f32 to vector<32x128xf32>
    %eq3A_693 = arith.cmpf oeq, %select_n3A_671, %eq3A_692 : vector<32x128xf32>
    %eq3A_694 = vector.broadcast %reduce_min3A_686 : i32 to vector<32x128xi32>
    %eq3A_695 = arith.cmpi eq, %get3A_4, %eq3A_694 : vector<32x128xi32>
    %and3A_696 = arith.andi %eq3A_693, %eq3A_695 : vector<32x128xi1>
    %jit3A_697 = arith.constant -3.000000e+38 : f32
    %broadcast_in_dim3A_698 = vector.broadcast %jit3A_697 : f32 to vector<32x128xf32>
    %select_n3A_699 = arith.select %and3A_696, %broadcast_in_dim3A_698, %select_n3A_671 : vector<32x128xi1>, vector<32x128xf32>
    %reduce_max3A_700 = vector.shape_cast %select_n3A_699 : vector<32x128xf32> to vector<1x32x128xf32>
    %reduce_max3A_701 = arith.constant dense<0xFF800000> : vector<1xf32>
    %reduce_max3A_702 = vector.multi_reduction <maximumf>, %reduce_max3A_700, %reduce_max3A_701 [1, 2] : vector<1x32x128xf32> to vector<1xf32>
    %reduce_max3A_703 = vector.shape_cast %reduce_max3A_702 : vector<1xf32> to vector<1x1x1xf32>
    %reduce_max3A_704 = vector.extract %reduce_max3A_703[0, 0, 0] : f32 from vector<1x1x1xf32>
    %eq3A_705 = vector.broadcast %reduce_max3A_704 : f32 to vector<32x128xf32>
    %eq3A_706 = arith.cmpf oeq, %select_n3A_699, %eq3A_705 : vector<32x128xf32>
    %jit3A_707 = arith.constant 2147483647 : i32
    %broadcast_in_dim3A_708 = vector.broadcast %jit3A_707 : i32 to vector<32x128xi32>
    %select_n3A_709 = arith.select %eq3A_706, %get3A_4, %broadcast_in_dim3A_708 : vector<32x128xi1>, vector<32x128xi32>
    %reduce_min3A_710 = vector.shape_cast %select_n3A_709 : vector<32x128xi32> to vector<1x32x128xi32>
    %reduce_min3A_711 = arith.constant dense<2147483647> : vector<1xi32>
    %reduce_min3A_712 = vector.multi_reduction <minsi>, %reduce_min3A_710, %reduce_min3A_711 [1, 2] : vector<1x32x128xi32> to vector<1xi32>
    %reduce_min3A_713 = vector.shape_cast %reduce_min3A_712 : vector<1xi32> to vector<1x1x1xi32>
    %reduce_min3A_714 = vector.extract %reduce_min3A_713[0, 0, 0] : i32 from vector<1x1x1xi32>
    %eq3A_715 = arith.constant 25 : i32
    %eq3A_716 = vector.broadcast %eq3A_715 : i32 to vector<1x32xi32>
    %eq3A_717 = arith.cmpi eq, %iota3A, %eq3A_716 : vector<1x32xi32>
    %broadcast_in_dim3A_718 = vector.broadcast %reduce_min3A_714 : i32 to vector<1x32xi32>
    %select_n3A_719 = arith.select %eq3A_717, %broadcast_in_dim3A_718, %select_n3A_691 : vector<1x32xi1>, vector<1x32xi32>
    %eq3A_720 = vector.broadcast %reduce_max3A_704 : f32 to vector<32x128xf32>
    %eq3A_721 = arith.cmpf oeq, %select_n3A_699, %eq3A_720 : vector<32x128xf32>
    %eq3A_722 = vector.broadcast %reduce_min3A_714 : i32 to vector<32x128xi32>
    %eq3A_723 = arith.cmpi eq, %get3A_4, %eq3A_722 : vector<32x128xi32>
    %and3A_724 = arith.andi %eq3A_721, %eq3A_723 : vector<32x128xi1>
    %jit3A_725 = arith.constant -3.000000e+38 : f32
    %broadcast_in_dim3A_726 = vector.broadcast %jit3A_725 : f32 to vector<32x128xf32>
    %select_n3A_727 = arith.select %and3A_724, %broadcast_in_dim3A_726, %select_n3A_699 : vector<32x128xi1>, vector<32x128xf32>
    %reduce_max3A_728 = vector.shape_cast %select_n3A_727 : vector<32x128xf32> to vector<1x32x128xf32>
    %reduce_max3A_729 = arith.constant dense<0xFF800000> : vector<1xf32>
    %reduce_max3A_730 = vector.multi_reduction <maximumf>, %reduce_max3A_728, %reduce_max3A_729 [1, 2] : vector<1x32x128xf32> to vector<1xf32>
    %reduce_max3A_731 = vector.shape_cast %reduce_max3A_730 : vector<1xf32> to vector<1x1x1xf32>
    %reduce_max3A_732 = vector.extract %reduce_max3A_731[0, 0, 0] : f32 from vector<1x1x1xf32>
    %eq3A_733 = vector.broadcast %reduce_max3A_732 : f32 to vector<32x128xf32>
    %eq3A_734 = arith.cmpf oeq, %select_n3A_727, %eq3A_733 : vector<32x128xf32>
    %jit3A_735 = arith.constant 2147483647 : i32
    %broadcast_in_dim3A_736 = vector.broadcast %jit3A_735 : i32 to vector<32x128xi32>
    %select_n3A_737 = arith.select %eq3A_734, %get3A_4, %broadcast_in_dim3A_736 : vector<32x128xi1>, vector<32x128xi32>
    %reduce_min3A_738 = vector.shape_cast %select_n3A_737 : vector<32x128xi32> to vector<1x32x128xi32>
    %reduce_min3A_739 = arith.constant dense<2147483647> : vector<1xi32>
    %reduce_min3A_740 = vector.multi_reduction <minsi>, %reduce_min3A_738, %reduce_min3A_739 [1, 2] : vector<1x32x128xi32> to vector<1xi32>
    %reduce_min3A_741 = vector.shape_cast %reduce_min3A_740 : vector<1xi32> to vector<1x1x1xi32>
    %reduce_min3A_742 = vector.extract %reduce_min3A_741[0, 0, 0] : i32 from vector<1x1x1xi32>
    %eq3A_743 = arith.constant 26 : i32
    %eq3A_744 = vector.broadcast %eq3A_743 : i32 to vector<1x32xi32>
    %eq3A_745 = arith.cmpi eq, %iota3A, %eq3A_744 : vector<1x32xi32>
    %broadcast_in_dim3A_746 = vector.broadcast %reduce_min3A_742 : i32 to vector<1x32xi32>
    %select_n3A_747 = arith.select %eq3A_745, %broadcast_in_dim3A_746, %select_n3A_719 : vector<1x32xi1>, vector<1x32xi32>
    %eq3A_748 = vector.broadcast %reduce_max3A_732 : f32 to vector<32x128xf32>
    %eq3A_749 = arith.cmpf oeq, %select_n3A_727, %eq3A_748 : vector<32x128xf32>
    %eq3A_750 = vector.broadcast %reduce_min3A_742 : i32 to vector<32x128xi32>
    %eq3A_751 = arith.cmpi eq, %get3A_4, %eq3A_750 : vector<32x128xi32>
    %and3A_752 = arith.andi %eq3A_749, %eq3A_751 : vector<32x128xi1>
    %jit3A_753 = arith.constant -3.000000e+38 : f32
    %broadcast_in_dim3A_754 = vector.broadcast %jit3A_753 : f32 to vector<32x128xf32>
    %select_n3A_755 = arith.select %and3A_752, %broadcast_in_dim3A_754, %select_n3A_727 : vector<32x128xi1>, vector<32x128xf32>
    %reduce_max3A_756 = vector.shape_cast %select_n3A_755 : vector<32x128xf32> to vector<1x32x128xf32>
    %reduce_max3A_757 = arith.constant dense<0xFF800000> : vector<1xf32>
    %reduce_max3A_758 = vector.multi_reduction <maximumf>, %reduce_max3A_756, %reduce_max3A_757 [1, 2] : vector<1x32x128xf32> to vector<1xf32>
    %reduce_max3A_759 = vector.shape_cast %reduce_max3A_758 : vector<1xf32> to vector<1x1x1xf32>
    %reduce_max3A_760 = vector.extract %reduce_max3A_759[0, 0, 0] : f32 from vector<1x1x1xf32>
    %eq3A_761 = vector.broadcast %reduce_max3A_760 : f32 to vector<32x128xf32>
    %eq3A_762 = arith.cmpf oeq, %select_n3A_755, %eq3A_761 : vector<32x128xf32>
    %jit3A_763 = arith.constant 2147483647 : i32
    %broadcast_in_dim3A_764 = vector.broadcast %jit3A_763 : i32 to vector<32x128xi32>
    %select_n3A_765 = arith.select %eq3A_762, %get3A_4, %broadcast_in_dim3A_764 : vector<32x128xi1>, vector<32x128xi32>
    %reduce_min3A_766 = vector.shape_cast %select_n3A_765 : vector<32x128xi32> to vector<1x32x128xi32>
    %reduce_min3A_767 = arith.constant dense<2147483647> : vector<1xi32>
    %reduce_min3A_768 = vector.multi_reduction <minsi>, %reduce_min3A_766, %reduce_min3A_767 [1, 2] : vector<1x32x128xi32> to vector<1xi32>
    %reduce_min3A_769 = vector.shape_cast %reduce_min3A_768 : vector<1xi32> to vector<1x1x1xi32>
    %reduce_min3A_770 = vector.extract %reduce_min3A_769[0, 0, 0] : i32 from vector<1x1x1xi32>
    %eq3A_771 = arith.constant 27 : i32
    %eq3A_772 = vector.broadcast %eq3A_771 : i32 to vector<1x32xi32>
    %eq3A_773 = arith.cmpi eq, %iota3A, %eq3A_772 : vector<1x32xi32>
    %broadcast_in_dim3A_774 = vector.broadcast %reduce_min3A_770 : i32 to vector<1x32xi32>
    %select_n3A_775 = arith.select %eq3A_773, %broadcast_in_dim3A_774, %select_n3A_747 : vector<1x32xi1>, vector<1x32xi32>
    %eq3A_776 = vector.broadcast %reduce_max3A_760 : f32 to vector<32x128xf32>
    %eq3A_777 = arith.cmpf oeq, %select_n3A_755, %eq3A_776 : vector<32x128xf32>
    %eq3A_778 = vector.broadcast %reduce_min3A_770 : i32 to vector<32x128xi32>
    %eq3A_779 = arith.cmpi eq, %get3A_4, %eq3A_778 : vector<32x128xi32>
    %and3A_780 = arith.andi %eq3A_777, %eq3A_779 : vector<32x128xi1>
    %jit3A_781 = arith.constant -3.000000e+38 : f32
    %broadcast_in_dim3A_782 = vector.broadcast %jit3A_781 : f32 to vector<32x128xf32>
    %select_n3A_783 = arith.select %and3A_780, %broadcast_in_dim3A_782, %select_n3A_755 : vector<32x128xi1>, vector<32x128xf32>
    %reduce_max3A_784 = vector.shape_cast %select_n3A_783 : vector<32x128xf32> to vector<1x32x128xf32>
    %reduce_max3A_785 = arith.constant dense<0xFF800000> : vector<1xf32>
    %reduce_max3A_786 = vector.multi_reduction <maximumf>, %reduce_max3A_784, %reduce_max3A_785 [1, 2] : vector<1x32x128xf32> to vector<1xf32>
    %reduce_max3A_787 = vector.shape_cast %reduce_max3A_786 : vector<1xf32> to vector<1x1x1xf32>
    %reduce_max3A_788 = vector.extract %reduce_max3A_787[0, 0, 0] : f32 from vector<1x1x1xf32>
    %eq3A_789 = vector.broadcast %reduce_max3A_788 : f32 to vector<32x128xf32>
    %eq3A_790 = arith.cmpf oeq, %select_n3A_783, %eq3A_789 : vector<32x128xf32>
    %jit3A_791 = arith.constant 2147483647 : i32
    %broadcast_in_dim3A_792 = vector.broadcast %jit3A_791 : i32 to vector<32x128xi32>
    %select_n3A_793 = arith.select %eq3A_790, %get3A_4, %broadcast_in_dim3A_792 : vector<32x128xi1>, vector<32x128xi32>
    %reduce_min3A_794 = vector.shape_cast %select_n3A_793 : vector<32x128xi32> to vector<1x32x128xi32>
    %reduce_min3A_795 = arith.constant dense<2147483647> : vector<1xi32>
    %reduce_min3A_796 = vector.multi_reduction <minsi>, %reduce_min3A_794, %reduce_min3A_795 [1, 2] : vector<1x32x128xi32> to vector<1xi32>
    %reduce_min3A_797 = vector.shape_cast %reduce_min3A_796 : vector<1xi32> to vector<1x1x1xi32>
    %reduce_min3A_798 = vector.extract %reduce_min3A_797[0, 0, 0] : i32 from vector<1x1x1xi32>
    %eq3A_799 = arith.constant 28 : i32
    %eq3A_800 = vector.broadcast %eq3A_799 : i32 to vector<1x32xi32>
    %eq3A_801 = arith.cmpi eq, %iota3A, %eq3A_800 : vector<1x32xi32>
    %broadcast_in_dim3A_802 = vector.broadcast %reduce_min3A_798 : i32 to vector<1x32xi32>
    %select_n3A_803 = arith.select %eq3A_801, %broadcast_in_dim3A_802, %select_n3A_775 : vector<1x32xi1>, vector<1x32xi32>
    %eq3A_804 = vector.broadcast %reduce_max3A_788 : f32 to vector<32x128xf32>
    %eq3A_805 = arith.cmpf oeq, %select_n3A_783, %eq3A_804 : vector<32x128xf32>
    %eq3A_806 = vector.broadcast %reduce_min3A_798 : i32 to vector<32x128xi32>
    %eq3A_807 = arith.cmpi eq, %get3A_4, %eq3A_806 : vector<32x128xi32>
    %and3A_808 = arith.andi %eq3A_805, %eq3A_807 : vector<32x128xi1>
    %jit3A_809 = arith.constant -3.000000e+38 : f32
    %broadcast_in_dim3A_810 = vector.broadcast %jit3A_809 : f32 to vector<32x128xf32>
    %select_n3A_811 = arith.select %and3A_808, %broadcast_in_dim3A_810, %select_n3A_783 : vector<32x128xi1>, vector<32x128xf32>
    %reduce_max3A_812 = vector.shape_cast %select_n3A_811 : vector<32x128xf32> to vector<1x32x128xf32>
    %reduce_max3A_813 = arith.constant dense<0xFF800000> : vector<1xf32>
    %reduce_max3A_814 = vector.multi_reduction <maximumf>, %reduce_max3A_812, %reduce_max3A_813 [1, 2] : vector<1x32x128xf32> to vector<1xf32>
    %reduce_max3A_815 = vector.shape_cast %reduce_max3A_814 : vector<1xf32> to vector<1x1x1xf32>
    %reduce_max3A_816 = vector.extract %reduce_max3A_815[0, 0, 0] : f32 from vector<1x1x1xf32>
    %eq3A_817 = vector.broadcast %reduce_max3A_816 : f32 to vector<32x128xf32>
    %eq3A_818 = arith.cmpf oeq, %select_n3A_811, %eq3A_817 : vector<32x128xf32>
    %jit3A_819 = arith.constant 2147483647 : i32
    %broadcast_in_dim3A_820 = vector.broadcast %jit3A_819 : i32 to vector<32x128xi32>
    %select_n3A_821 = arith.select %eq3A_818, %get3A_4, %broadcast_in_dim3A_820 : vector<32x128xi1>, vector<32x128xi32>
    %reduce_min3A_822 = vector.shape_cast %select_n3A_821 : vector<32x128xi32> to vector<1x32x128xi32>
    %reduce_min3A_823 = arith.constant dense<2147483647> : vector<1xi32>
    %reduce_min3A_824 = vector.multi_reduction <minsi>, %reduce_min3A_822, %reduce_min3A_823 [1, 2] : vector<1x32x128xi32> to vector<1xi32>
    %reduce_min3A_825 = vector.shape_cast %reduce_min3A_824 : vector<1xi32> to vector<1x1x1xi32>
    %reduce_min3A_826 = vector.extract %reduce_min3A_825[0, 0, 0] : i32 from vector<1x1x1xi32>
    %eq3A_827 = arith.constant 29 : i32
    %eq3A_828 = vector.broadcast %eq3A_827 : i32 to vector<1x32xi32>
    %eq3A_829 = arith.cmpi eq, %iota3A, %eq3A_828 : vector<1x32xi32>
    %broadcast_in_dim3A_830 = vector.broadcast %reduce_min3A_826 : i32 to vector<1x32xi32>
    %select_n3A_831 = arith.select %eq3A_829, %broadcast_in_dim3A_830, %select_n3A_803 : vector<1x32xi1>, vector<1x32xi32>
    %eq3A_832 = vector.broadcast %reduce_max3A_816 : f32 to vector<32x128xf32>
    %eq3A_833 = arith.cmpf oeq, %select_n3A_811, %eq3A_832 : vector<32x128xf32>
    %eq3A_834 = vector.broadcast %reduce_min3A_826 : i32 to vector<32x128xi32>
    %eq3A_835 = arith.cmpi eq, %get3A_4, %eq3A_834 : vector<32x128xi32>
    %and3A_836 = arith.andi %eq3A_833, %eq3A_835 : vector<32x128xi1>
    %jit3A_837 = arith.constant -3.000000e+38 : f32
    %broadcast_in_dim3A_838 = vector.broadcast %jit3A_837 : f32 to vector<32x128xf32>
    %select_n3A_839 = arith.select %and3A_836, %broadcast_in_dim3A_838, %select_n3A_811 : vector<32x128xi1>, vector<32x128xf32>
    %reduce_max3A_840 = vector.shape_cast %select_n3A_839 : vector<32x128xf32> to vector<1x32x128xf32>
    %reduce_max3A_841 = arith.constant dense<0xFF800000> : vector<1xf32>
    %reduce_max3A_842 = vector.multi_reduction <maximumf>, %reduce_max3A_840, %reduce_max3A_841 [1, 2] : vector<1x32x128xf32> to vector<1xf32>
    %reduce_max3A_843 = vector.shape_cast %reduce_max3A_842 : vector<1xf32> to vector<1x1x1xf32>
    %reduce_max3A_844 = vector.extract %reduce_max3A_843[0, 0, 0] : f32 from vector<1x1x1xf32>
    %eq3A_845 = vector.broadcast %reduce_max3A_844 : f32 to vector<32x128xf32>
    %eq3A_846 = arith.cmpf oeq, %select_n3A_839, %eq3A_845 : vector<32x128xf32>
    %jit3A_847 = arith.constant 2147483647 : i32
    %broadcast_in_dim3A_848 = vector.broadcast %jit3A_847 : i32 to vector<32x128xi32>
    %select_n3A_849 = arith.select %eq3A_846, %get3A_4, %broadcast_in_dim3A_848 : vector<32x128xi1>, vector<32x128xi32>
    %reduce_min3A_850 = vector.shape_cast %select_n3A_849 : vector<32x128xi32> to vector<1x32x128xi32>
    %reduce_min3A_851 = arith.constant dense<2147483647> : vector<1xi32>
    %reduce_min3A_852 = vector.multi_reduction <minsi>, %reduce_min3A_850, %reduce_min3A_851 [1, 2] : vector<1x32x128xi32> to vector<1xi32>
    %reduce_min3A_853 = vector.shape_cast %reduce_min3A_852 : vector<1xi32> to vector<1x1x1xi32>
    %reduce_min3A_854 = vector.extract %reduce_min3A_853[0, 0, 0] : i32 from vector<1x1x1xi32>
    %eq3A_855 = arith.constant 30 : i32
    %eq3A_856 = vector.broadcast %eq3A_855 : i32 to vector<1x32xi32>
    %eq3A_857 = arith.cmpi eq, %iota3A, %eq3A_856 : vector<1x32xi32>
    %broadcast_in_dim3A_858 = vector.broadcast %reduce_min3A_854 : i32 to vector<1x32xi32>
    %select_n3A_859 = arith.select %eq3A_857, %broadcast_in_dim3A_858, %select_n3A_831 : vector<1x32xi1>, vector<1x32xi32>
    %eq3A_860 = vector.broadcast %reduce_max3A_844 : f32 to vector<32x128xf32>
    %eq3A_861 = arith.cmpf oeq, %select_n3A_839, %eq3A_860 : vector<32x128xf32>
    %eq3A_862 = vector.broadcast %reduce_min3A_854 : i32 to vector<32x128xi32>
    %eq3A_863 = arith.cmpi eq, %get3A_4, %eq3A_862 : vector<32x128xi32>
    %and3A_864 = arith.andi %eq3A_861, %eq3A_863 : vector<32x128xi1>
    %jit3A_865 = arith.constant -3.000000e+38 : f32
    %broadcast_in_dim3A_866 = vector.broadcast %jit3A_865 : f32 to vector<32x128xf32>
    %select_n3A_867 = arith.select %and3A_864, %broadcast_in_dim3A_866, %select_n3A_839 : vector<32x128xi1>, vector<32x128xf32>
    %reduce_max3A_868 = vector.shape_cast %select_n3A_867 : vector<32x128xf32> to vector<1x32x128xf32>
    %reduce_max3A_869 = arith.constant dense<0xFF800000> : vector<1xf32>
    %reduce_max3A_870 = vector.multi_reduction <maximumf>, %reduce_max3A_868, %reduce_max3A_869 [1, 2] : vector<1x32x128xf32> to vector<1xf32>
    %reduce_max3A_871 = vector.shape_cast %reduce_max3A_870 : vector<1xf32> to vector<1x1x1xf32>
    %reduce_max3A_872 = vector.extract %reduce_max3A_871[0, 0, 0] : f32 from vector<1x1x1xf32>
    %eq3A_873 = vector.broadcast %reduce_max3A_872 : f32 to vector<32x128xf32>
    %eq3A_874 = arith.cmpf oeq, %select_n3A_867, %eq3A_873 : vector<32x128xf32>
    %jit3A_875 = arith.constant 2147483647 : i32
    %broadcast_in_dim3A_876 = vector.broadcast %jit3A_875 : i32 to vector<32x128xi32>
    %select_n3A_877 = arith.select %eq3A_874, %get3A_4, %broadcast_in_dim3A_876 : vector<32x128xi1>, vector<32x128xi32>
    %reduce_min3A_878 = vector.shape_cast %select_n3A_877 : vector<32x128xi32> to vector<1x32x128xi32>
    %reduce_min3A_879 = arith.constant dense<2147483647> : vector<1xi32>
    %reduce_min3A_880 = vector.multi_reduction <minsi>, %reduce_min3A_878, %reduce_min3A_879 [1, 2] : vector<1x32x128xi32> to vector<1xi32>
    %reduce_min3A_881 = vector.shape_cast %reduce_min3A_880 : vector<1xi32> to vector<1x1x1xi32>
    %reduce_min3A_882 = vector.extract %reduce_min3A_881[0, 0, 0] : i32 from vector<1x1x1xi32>
    %eq3A_883 = arith.constant 31 : i32
    %eq3A_884 = vector.broadcast %eq3A_883 : i32 to vector<1x32xi32>
    %eq3A_885 = arith.cmpi eq, %iota3A, %eq3A_884 : vector<1x32xi32>
    %broadcast_in_dim3A_886 = vector.broadcast %reduce_min3A_882 : i32 to vector<1x32xi32>
    %select_n3A_887 = arith.select %eq3A_885, %broadcast_in_dim3A_886, %select_n3A_859 : vector<1x32xi1>, vector<1x32xi32>
    %swap3A = arith.constant 0 : index
    %swap3A_888 = arith.constant 0 : index
    %swap3A_889 = vector.load %arg2[%swap3A, %swap3A_888] : memref<1x32xi32, #tpu.memory_space<vmem>>, vector<1x32xi32>
    tpu.vector_store %arg2[%swap3A, %swap3A_888], %select_n3A_887 {strides = array<i32>} : memref<1x32xi32, #tpu.memory_space<vmem>>, vector<1x32xi32>,
    return
  }
}

</mosaic_0001>

<sc_bundles>
// kernel: kernel.5.cloned.1.call-start
scs
__scs_entry_jumppad:
0x0: {  	(pc) =	sbr.rel $0x88, $3  }
0x1: {  	(tag) =	ssettag $0x0;
	lr =	simm.s32 $0x1  }
0x2: {  	[smem:$0x3F9F] =	sst lr;
	_ =	strace $0xD0000000  }
0x3: {  	_ = 	snop  }
0x4: {  	_ = 	snop  }
0x5: {  	_ = 	snop  }
0x6: {  	_ = 	snop  }
0x7: {  	_ = 	snop  }
__scs_overlays_trampoline_lowered:
0x8: {  	[smem:$0x3FAE] =	sst s0  }
0x9: {  	[smem:$0x3FAF] =	sst s1  }
0xa: {  	[smem:$0x3FB0] =	sst s2  }
0xb: {  	[smem:$0x3FB1] =	sst s3  }
0xc: {  	[smem:$0x3FB2] =	sst s4  }
0xd: {  	[smem:$0x3FB3] =	sst s5  }
0xe: {  	[smem:$0x3FB4] =	sst s6  }
0xf: {  	[smem:$0x3FB5] =	sst s7  }
0x10: {  	[smem:$0x3FB6] =	sst s8  }
0x11: {  	[smem:$0x3FB7] =	sst s9;
	s0 =	simm.s32 @!p0 $0x0  }
0x12: {  	s1 =	sld [smem:$0x3F9D];
	s0 =	simm.s32 @p0 $0x1  }
0x13: {  	[smem:$0x3FB8] =	sst s0;
	s0 =	simm.s32 @!p1 $0x0  }
0x14: {  	s2 =	sld [smem:$0x3F9C];
	s0 =	simm.s32 @p1 $0x1  }
0x15: {  	[smem:$0x3FB9] =	sst s0;
	s0 =	simm.s32 @!p2 $0x0  }
0x16: {  	s3 =	sld [smem:$0x3FDB];
	s0 =	simm.s32 @p2 $0x1  }
0x17: {  	s4 =	simm.s32 $0x1BF5;
	[smem:$0x3FBB] =	sst s0  }
0x18: {  	s0 =	sld [smem:$0x3F9E];
	_ =	swait.ge [sflag:s4], $0x0  }
0x19: {  	s7 =	sld [smem:$0x3F9F]  }
0x1a: {  	s8 =	sadd.s32 $0xFFFFE003, lr  }
0x1b: {  	s9 =	sadd.s32 $0xFFFFFEF7, lr;
	s5 =	simm.s32 $0xFFFFFFFF;
	p2 =	slt.u32 s8, $0xFFFFF086  }
0x1c: {  	p1 =	slt.u32 s9, $0xF7A;
	s5 =	simm.s32 @!p2 $0x0  }
0x1d: {  	s5 =	simm.s32 @p1 $0x1;
	p0 =	seq.s32 s7, s2  }
0x1e: {  	s7 =	smul.u32 @!p0 $0xF7A, s2;
	p2 =	seq.s32 @!p0 s5, $0x0  }
0x1f: {  	s9 =	smul.u32 $0xF7A, s1;
	s8 =	simm.s32 @!p0 $0x1BF5;
	p2 =	por !p2, p0  }
0x20: {  	[sflag:s8] =	ssyncset.s32 @!p0 $0xFFFFF086;
	s6 =	sadd.s32 @!p0 s3, s7;
	s7 =	simm.s32 @!p0 $0x108  }
0x21: {  	s3 =	sadd.s32 s3, s9;
	s6 =	sadd.s32 @!p0 $0x88, s6;
	s7 =	simm.s32 @p2 $0x1082  }
0x22: {  	[simem:s7], [sflag:s8] =	dma.local @!p0 [hbm:s6], $0xF7A  }
0x23: {  	s9 =	sor.u32 $0xD0000000, s2;
	s6 =	simm.s32 $0x108;
	_ =	swait.ge @!p0 [sflag:s8], $0x0  }
0x24: {  	s3 =	sadd.s32 $0x88, s3;
	s6 =	simm.s32 @!p1 $0x1082;
	[sflag:s4] =	ssyncset.s32 $0xFFFFF086  }
0x25: {  	[simem:s6], [sflag:s4] =	dma.local [hbm:s3], $0xF7A  }
0x26: {  	[smem:$0x3F9F] =	sst s1;
	(tag) =	ssettag s2;
	_ =	strace s9  }
0x27: {  	s1 =	sld [smem:$0x3FAF]  }
0x28: {  	s2 =	sld [smem:$0x3FB0]  }
0x29: {  	s4 =	sld [smem:$0x3FB2]  }
0x2a: {  	p0 =	seq.s32 s5, $0x0;
	s5 =	sld [smem:$0x3FB3]  }
0x2b: {  	s6 =	sld [smem:$0x3FB4]  }
0x2c: {  	s7 =	sld [smem:$0x3FB5]  }
0x2d: {  	s3 =	simm.s32 $0x108;
	s8 =	sld [smem:$0x3FB6]  }
0x2e: {  	s3 =	simm.s32 @!p0 $0x1082;
	s9 =	sld [smem:$0x3FB7]  }
0x2f: {  	lr =	sadd.s32 s0, s3;
	s0 =	sld [smem:$0x3FAE]  }
0x30: {  	s3 =	sld [smem:$0x3FB1]  }
0x31: {  	[smem:$0x3FBA] =	sst s10  }
0x32: {  	s10 =	sld [smem:$0x3FB8];
	_ =	sdelay $0x3  }
0x33: {  	p0 =	seq.s32 s10, $0x1;
	s10 =	sld [smem:$0x3FBA];
	_ =	sdelay $0x3  }
0x34: {  	[smem:$0x3FBA] =	sst s10  }
0x35: {  	s10 =	sld [smem:$0x3FB9];
	_ =	sdelay $0x3  }
0x36: {  	p1 =	seq.s32 s10, $0x1;
	s10 =	sld [smem:$0x3FBA];
	_ =	sdelay $0x3  }
0x37: {  	[smem:$0x3FBA] =	sst s10  }
0x38: {  	s10 =	sld [smem:$0x3FBB]  }
0x39: {  	_ = 	snop;
	(pc) =	sbr.ind lr, $3  }
0x3a: {  	_ = 	snop  }
0x3b: {  	_ = 	snop  }
0x3c: {  	p2 =	seq.s32 s10, $0x1;
	s10 =	sld [smem:$0x3FBA]  }
0x3d: {  	_ =	shalt  }
0x3e: {  	_ =	shalt  }
0x3f: {  	_ =	shalt  }
0x40: {  	_ =	shalt  }
0x41: {  	_ =	shalt  }
0x42: {  	_ =	shalt  }
0x43: {  	_ =	shalt  }
0x44: {  	_ =	shalt  }
0x45: {  	_ =	shalt  }
0x46: {  	_ =	shalt  }
0x47: {  	_ =	shalt  }
0x48: {  	_ =	shalt  }
0x49: {  	_ =	shalt  }
0x4a: {  	_ =	shalt  }
0x4b: {  	_ =	shalt  }
0x4c: {  	_ =	shalt  }
0x4d: {  	_ =	shalt  }
0x4e: {  	_ =	shalt  }
0x4f: {  	_ =	shalt  }
0x50: {  	_ =	shalt  }
0x51: {  	_ =	shalt  }
0x52: {  	_ =	shalt  }
0x53: {  	_ =	shalt  }
0x54: {  	_ =	shalt  }
0x55: {  	_ =	shalt  }
0x56: {  	_ =	shalt  }
0x57: {  	_ =	shalt  }
0x58: {  	_ =	shalt  }
0x59: {  	_ =	shalt  }
0x5a: {  	_ =	shalt  }
0x5b: {  	_ =	shalt  }
0x5c: {  	_ =	shalt  }
0x5d: {  	_ =	shalt  }
0x5e: {  	_ =	shalt  }
0x5f: {  	_ =	shalt  }
0x60: {  	_ =	shalt  }
0x61: {  	_ =	shalt  }
0x62: {  	_ =	shalt  }
0x63: {  	_ =	shalt  }
0x64: {  	_ =	shalt  }
0x65: {  	_ =	shalt  }
0x66: {  	_ =	shalt  }
0x67: {  	_ =	shalt  }
0x68: {  	_ =	shalt  }
0x69: {  	_ =	shalt  }
0x6a: {  	_ =	shalt  }
0x6b: {  	_ =	shalt  }
0x6c: {  	_ =	shalt  }
0x6d: {  	_ =	shalt  }
0x6e: {  	_ =	shalt  }
0x6f: {  	_ =	shalt  }
0x70: {  	_ =	shalt  }
0x71: {  	_ =	shalt  }
0x72: {  	_ =	shalt  }
0x73: {  	_ =	shalt  }
0x74: {  	_ =	shalt  }
0x75: {  	_ =	shalt  }
0x76: {  	_ =	shalt  }
0x77: {  	_ =	shalt  }
0x78: {  	_ =	shalt  }
0x79: {  	_ =	shalt  }
0x7a: {  	_ =	shalt  }
0x7b: {  	_ =	shalt  }
0x7c: {  	_ =	shalt  }
0x7d: {  	_ =	shalt  }
0x7e: {  	_ =	shalt  }
0x7f: {  	_ =	shalt  }
0x80: {  	_ =	shalt  }
0x81: {  	_ =	shalt  }
0x82: {  	_ =	shalt  }
0x83: {  	_ =	shalt  }
0x84: {  	_ =	shalt  }
0x85: {  	_ =	shalt  }
0x86: {  	_ =	shalt  }
0x87: {  	_ =	shalt  }
.Lfunc_end0:
.L_simem_size_0:
called_computation_lowered:
.L_overlay_start_0:
0x88: {  	s2 =	sld [smem:$0x3FD9]  }
0x89: {  	s3 =	sld [smem:$0x3FFE];
	_ =	sdelay $0x1  }
0x8a: {  	s1 =	srdreg.scid  }
0x8b: {  	s0 =	sand.u32 $0x1, s1  }
0x8c: {  	s17 =	sshll.u32 s0, $0xA;
	s2 =	sadd.s32 s3, s2  }
0x8d: {  	s2 =	sadd.s32 s2, s17  }
0x8e: {  	[smem:$0x3FC6] =	sst s2  }
0x8f: {  	_ = 	snop  }
0x90: {  	s2 =	sld [smem:$0x3FC9];
	(tm) =	ssettm $0x1  }
0x91: {  	s18 =	sld [smem:$0x3FFB];
	_ =	sdelay $0x3  }
0x92: {  	_ =	strace s18  }
0x93: {  	s3 =	sld [smem:$0x3FFC];
	_ =	sdelay $0x3  }
0x94: {  	_ =	strace s3  }
0x95: {  	s3 =	sld [smem:$0x3FFD];
	_ =	sdelay $0x3  }
0x96: {  	_ =	strace s3  }
0x97: {  	_ =	strace $0x8FFFFFFF  }
0x98: {  	s19 =	sld [smem:$0x3FDB];
	_ =	sdelay $0x1  }
0x99: {  	s4 =	simm.s32 $_scs_section_size  }
0x9a: {  	s5 =	simm.s32 $_size__tile_overlayer_lowered;
	s6 =	simm.s32 $_tile_overlayer_lowered  }
0x9b: {  	s22 =	simm.s32 $0x1BFF;
	s21 =	sshll.u32 s6, $0x1;
	s3 =	sadd.s32 s4, s19  }
0x9c: {  	s7 =	simm.s32 $0x0;
	s20 =	sshll.u32 s5, $0x1;
	s5 =	sadd.s32 s21, s3  }
0x9d: {  	[timem:s7], [sflag:s22] =	dma.local [hbm:s5], s20  }
0x9e: {  	_ =	swait.ge [sflag:s22], s20  }
0x9f: {  	s4 =	ssub.s32 $0x0, s20;
	[sflag:s22] =	ssyncset.done $0x0  }
0xa0: {  	[sflag:s22] =	ssyncadd.s32 s4;
	_ =	sdelay $0x1  }
0xa1: {  	s23 =	simm.s32 $0x1B8B  }
0xa2: {  	_ =	swait.ge [sflag:s23], $0x1  }
0xa3: {  	[sflag:s23] =	ssyncset.done $0x0  }
0xa4: {  	s25 =	simm.s32 $0x1B8E;
	s24 =	sld [smem:$0x3FFE];
	[sflag:s23] =	ssyncadd.s32 $0xFFFFFFFF  }
0xa5: {  	s26 =	simm.s32 $execute0_lowered;
	[smem:$0x3FD2] =	sst s25  }
0xa6: {  	s5 =	sshll.u32 s26, $0x1;
	_ =	strace $0x80000046;
	[dreg:$0x1] =	wrdreg $0xFFFFFFFF  }
0xa7: {  	s28 =	simm.s32 $_size_execute0_lowered;
	s3 =	sadd.s32 s3, s5;
	[dreg:$0x0] =	wrdreg $0x0  }
0xa8: {  	s5 =	sshll.u32 s28, $0x1;
	[dreg:$0x2] =	wrdreg s3  }
0xa9: {  	[dreg:$0x3] =	wrdreg s5  }
0xaa: {  	[dreg:$0x4] =	wrdreg $0xC0  }
0xab: {  	_ =	task [dreg:s7], $0x5FFFF  }
0xac: {  	[dreg:$0x1] =	wrdreg $0xFFFFFFFF  }
0xad: {  	[dreg:$0x0] =	wrdreg $0x60  }
0xae: {  	[dreg:$0x2] =	wrdreg s2  }
0xaf: {  	[dreg:$0x3] =	wrdreg s24  }
0xb0: {  	[dreg:$0x4] =	wrdreg $0x9  }
0xb1: {  	_ =	task.clear_ibuf [dreg:s7], $0x5FFFF;
	_ =	strace $0x90000046  }
0xb2: {  	s29 =	simm.s32 $0x9;
	_ =	strace $0x80000048  }
0xb3: {  	_ =	swait.ge [sflag:s29], $0x1  }
0xb4: {  	[sflag:s29] =	ssyncadd.s32 $0xFFFFFFFF  }
0xb5: {  	_ =	strace $0x90000048  }
0xb6: {  	_ =	sfence  }
0xb7: {  	s30 =	sld [smem:$0x0];
	_ =	sdelay $0x2  }
0xb8: {  	s31 =	sshll.u32 s1, $0xD;
	s1 =	sshrl.u32 s1, $0x2  }
0xb9: {  	s3 =	sand.u32 $0x4000, s31;
	s1 =	sadd.s32 s1, s30  }
0xba: {  	s0 =	sor.u32 s3, s0;
	s1 =	sshll.u32 s1, $0x11  }
0xbb: {  	s0 =	sor.u32 s1, s0  }
0xbc: {  	s0 =	sadd.s32 $0x8F2B, s0  }
0xbd: {  	[sflag:s0] =	ssyncadd.remote.s32 $0x1  }
0xbe: {  	_ =	sfence.sel $0xFFFF  }
0xbf: {  	[dreg:$0x0] =	wrdreg $0xFFFFFFFF;
	(pc) =	sbr.abs _section_cstart, $3  }
0xc0: {  	[dreg:$0x1] =	wrdreg $0xFFFFFFFF  }
0xc1: {  	_ =	task.clear_ibuf [dreg:s7], $0x2FFFF;
	_ =	strace $0x9FFFFFFF  }
0xc2: {  	(tm) =	ssettm $0x7FFFFFFF  }
0xc3: {  	_ =	shalt  }
tec
execute0_lowered:
.L_overlay_start_1:
0x0: {  	(tag) =	ssettag $0x1  }
0x1: {  	s1 =	rddreg [dreg:$0x0]  }
0x2: {  	s5 =	rddreg [dreg:$0x1];
	s3 =	simm.s32 $0x0;
	vm1 =	vmmov $0x3;
	v4 =	vimm.s32 $0x0  }
0x3: {  	[smem:$0x7FF] =	sst s3;
	v4 =	vsel vm1, $0xFFFFFFFF, v4  }
0x4: {  	s0 =	rddreg [dreg:$0x2];
	vm2 =	vmmov $0x7;
	_ =	strace $0x80000047;
	[tilespmem:$0x1FF10] =	vst v4;
	v4 =	vimm.s32 $0x0  }
0x5: {  	v4 =	vsel vm2, $0xFFFFFFFF, v4  }
0x6: {  	vm3 =	vmmov $0xf;
	[tilespmem:$0x1FF20] =	vst v4;
	v4 =	vimm.s32 $0x0  }
0x7: {  	v4 =	vsel vm3, $0xFFFFFFFF, v4  }
0x8: {  	vm4 =	vmmov $0x1f;
	[tilespmem:$0x1FF30] =	vst v4;
	v4 =	vimm.s32 $0x0  }
0x9: {  	v4 =	vsel vm4, $0xFFFFFFFF, v4  }
0xa: {  	vm5 =	vmmov $0x3f;
	[tilespmem:$0x1FF40] =	vst v4;
	v4 =	vimm.s32 $0x0  }
0xb: {  	v4 =	vsel vm5, $0xFFFFFFFF, v4  }
0xc: {  	vm6 =	vmmov $0x7f;
	[tilespmem:$0x1FF50] =	vst v4;
	v4 =	vimm.s32 $0x0  }
0xd: {  	v4 =	vsel vm6, $0xFFFFFFFF, v4  }
0xe: {  	vm7 =	vmmov $0xff;
	[tilespmem:$0x1FF60] =	vst v4;
	v4 =	vimm.s32 $0x0  }
0xf: {  	v4 =	vsel vm7, $0xFFFFFFFF, v4  }
0x10: {  	vm8 =	vmmov $0x1ff;
	[tilespmem:$0x1FF70] =	vst v4;
	v4 =	vimm.s32 $0x0  }
0x11: {  	v4 =	vsel vm8, $0xFFFFFFFF, v4  }
0x12: {  	vm9 =	vmmov $0x3ff;
	[tilespmem:$0x1FF80] =	vst v4;
	v4 =	vimm.s32 $0x0  }
0x13: {  	v4 =	vsel vm9, $0xFFFFFFFF, v4  }
0x14: {  	s4 =	srdreg.scid;
	s2 =	stileid.u32;
	s16 =	simm.s32 $0x10000;
	vm10 =	vmmov $0x7ff;
	[tilespmem:$0x1FF90] =	vst v4;
	v4 =	vimm.s32 $0x0  }
0x15: {  	s17 =	simm.s32 $0x3;
	s18 =	simm.s32 $0x8000;
	s19 =	simm.s32 $0x1;
	v4 =	vsel vm10, $0xFFFFFFFF, v4  }
0x16: {  	vm11 =	vmmov $0xfff;
	s20 =	simm.s32 $0x2;
	s21 =	simm.s32 $0x10080;
	s22 =	simm.s32 $0x10100;
	[tilespmem:$0x1FFA0] =	vst v4;
	v4 =	vimm.s32 $0x0  }
0x17: {  	s9 =	sand.u32 $0x1, s4;
	s6 =	sshll.u32 s2, $0x1;
	s14 =	smul.u32 $0xF420, s2;
	v4 =	vsel vm11, $0xFFFFFFFF, v4  }
0x18: {  	vm12 =	vmmov $0x1fff;
	s23 =	simm.s32 $0x0;
	s8 =	sor.u32 s9, s6;
	s15 =	smul.u32 $0x7A10, s9;
	[tilespmem:$0x1FFB0] =	vst v4;
	v4 =	vimm.s32 $0x0  }
0x19: {  	s4 =	sadd.s32 $0x1000, s5;
	s7 =	ssub.s32 $0x2, s9;
	s10 =	smul.u32 $0x7A100, s8;
	v4 =	vsel vm12, $0xFFFFFFFF, v4  }
0x1a: {  	vm13 =	vmmov $0x3fff;
	s6 =	sshll.u32 s8, $0x4;
	s28 =	sshrl.u32 s7, $0x1;
	s11 =	smul.u32 $0x3D0800, s8;
	[tilespmem:$0x1FFC0] =	vst v4;
	v4 =	vimm.s32 $0x0  }
0x1b: {  	p0 =	seq.s32 s8, $0x1F;
	s12 =	sadd.s32 s6, s5;
	s13 =	ssub.s32 s7, s28;
	v4 =	vsel vm13, $0xFFFFFFFF, v4  }
0x1c: {  	vm14 =	vmmov $0x7fff;
	s5 =	smul.u32 $0x7A10, s8;
	s8 =	simm.s32 $0xF4200;
	s14 =	sadd.s32 s15, s14;
	[tilespmem:$0x1FFD0] =	vst v4;
	v4 =	vimm.s32 $0x0  }
0x1d: {  	s6 =	sadd.s32 s4, s10;
	s7 =	sadd.s32 $0x10000, s11;
	s11 =	sadd.s32 $0xF43400, s12;
	v4 =	vsel vm14, $0xFFFFFFFF, v4  }
0x1e: {  	vm0 =	vmmov $0x1;
	s8 =	simm.s32 @!p0 $0x0;
	s12 =	sadd.s32 $0xF43600, s12;
	s29 =	sadd.s32 $0x7A00, s5;
	[tilespmem:$0x1FFE0] =	vst v4;
	v4 =	vimm.s32 $0x0  }
0x1f: {  	v0 =	vlaneseq.u32;
	s13 =	smax.u32 s13, $0x1;
	s31 =	sshll.u32 s8, $0x4;
	s30 =	sshll.u32 s29, $0x4;
	v4 =	vsel vm0, $0xFFFFFFFF, v4  }
0x20: {  	v2 =	vimm.f32 $-3.000000010e+38;
	v3 =	vimm.s32 $0x0;
	s15 =	sadd.s32 $0x100, s14;
	v1 =	vor.u32 s29, v0;
	s10 =	sadd.s32 s4, s31;
	s9 =	sadd.s32 s4, s30;
	[tilespmem:$0x1FFF0] =	vst v4  }
.LBB2_1:
0x21: {  	[tilespmem:s16], [sflag:$0x3] =	stream.linear.gather [hbm4b:s1+s3], $0x80, $0x38;
	[tilespmem:$0x10180] =	vst v63  }
0x22: {  	_ =	swait.ge [sflag:s17], $0x80  }
0x23: {  	[sflag:s17] =	ssyncset.done $0x0  }
0x24: {  	[sflag:s17] =	ssyncadd.s32 $0xFFFFFF80  }
0x25: {  	v4 =	vld [tilespmem:$0x10000]  }
0x26: {  	v8 =	vimm.s32 $0x0;
	v10 =	vimm.s32 $0x0;
	v5 =	vld [tilespmem:$0x10010]  }
0x27: {  	v11 =	vimm.s32 $0x0;
	v12 =	vimm.s32 $0x0;
	v9 =	vimm.f32 $-3.000000010e+38;
	s24 =	smov.u32 s15;
	s25 =	smov.u32 s14;
	s26 =	simm.s32 $0x0;
	v6 =	vld [tilespmem:$0x10020]  }
0x28: {  	v13 =	vimm.f32 $-3.000000010e+38;
	v15 =	vimm.f32 $-3.000000010e+38;
	v14 =	vimm.f32 $-3.000000010e+38;
	v7 =	vld [tilespmem:$0x10030];
	[tilespmem:s3], [sflag:$0x1] =	stream.linear.gather [hbm4b:s6+s3], $0x8000, $0x38  }
.LBB2_2:
0x29: {  	s28 =	sshll.u32 s26, $0x9  }
0x2a: {  	s28 =	sadd.s32 s28, s5  }
0x2b: {  	s28 =	sshll.u32 s28, $0x4  }
0x2c: {  	s28 =	sadd.s32 s4, s28  }
0x2d: {  	s29 =	sadd.s32 $0x1000, s28;
	s28 =	simm.s32 $0x0  }
0x2e: {  	[tilespmem:s18], [sflag:$0x2] =	stream.linear.gather [hbm4b:s29+s28], $0x8000, $0x38;
	[tilespmem:$0x10180] =	vst v63  }
0x2f: {  	_ =	swait.ge [sflag:s19], $0x8000  }
0x30: {  	v16 =	vld [tilespmem:$0x1FF10];
	_ =	sdelay $0x4  }
0x31: {  	vm15 =	vnez.u8 v16;
	v16 =	vld [tilespmem:$0x1FF30];
	_ =	sdelay $0x4  }
0x32: {  	vm4 =	vnez.u8 v16;
	v16 =	vld [tilespmem:$0x1FF40];
	_ =	sdelay $0x4  }
0x33: {  	vm5 =	vnez.u8 v16;
	v16 =	vld [tilespmem:$0x1FF50];
	_ =	sdelay $0x4  }
0x34: {  	vm6 =	vnez.u8 v16;
	v16 =	vld [tilespmem:$0x1FF60];
	_ =	sdelay $0x4  }
0x35: {  	vm7 =	vnez.u8 v16;
	v16 =	vld [tilespmem:$0x1FF70];
	_ =	sdelay $0x4  }
0x36: {  	vm8 =	vnez.u8 v16;
	v16 =	vld [tilespmem:$0x1FF80];
	_ =	sdelay $0x4  }
0x37: {  	vm9 =	vnez.u8 v16;
	v16 =	vld [tilespmem:$0x1FF90];
	_ =	sdelay $0x4  }
0x38: {  	vm10 =	vnez.u8 v16;
	v16 =	vld [tilespmem:$0x1FFA0];
	_ =	sdelay $0x4  }
0x39: {  	vm11 =	vnez.u8 v16;
	v16 =	vld [tilespmem:$0x1FFB0];
	_ =	sdelay $0x4  }
0x3a: {  	vm12 =	vnez.u8 v16;
	v16 =	vld [tilespmem:$0x1FFC0];
	_ =	sdelay $0x4  }
0x3b: {  	vm13 =	vnez.u8 v16;
	v16 =	vld [tilespmem:$0x1FFD0];
	_ =	sdelay $0x4  }
0x3c: {  	vm14 =	vnez.u8 v16;
	v16 =	vld [tilespmem:$0x1FFE0];
	_ =	sdelay $0x3  }
0x3d: {  	[sflag:s19] =	ssyncset.done $0x0  }
0x3e: {  	s29 =	simm.s32 $0x400;
	[sflag:s19] =	ssyncadd.s32 $0xFFFF8000;
	vm2 =	vnez.u8 v16  }
.LBB2_3:
0x3f: {  	v16 =	vld [tilespmem:s29+$0xFFFFFC00]  }
0x40: {  	v17 =	vld [tilespmem:s29+$0xFFFFFC10]  }
0x41: {  	v18 =	vld [tilespmem:s29+$0xFFFFFC20]  }
0x42: {  	v19 =	vld [tilespmem:s29+$0xFFFFFC80]  }
0x43: {  	v20 =	vld [tilespmem:s29+$0xFFFFFC90]  }
0x44: {  	v21 =	vld [tilespmem:s29+$0xFFFFFC30]  }
0x45: {  	v24 =	vld [tilespmem:s29+$0xFFFFFCA0]  }
0x46: {  	v42 =	vld [tilespmem:s29+$0xFFFFFCB0];
	v22 =	vmul.f32 v16, v4  }
0x47: {  	v23 =	vmul.f32 v17, v5;
	v25 =	vmul.f32 v18, v6  }
0x48: {  	v48 =	vld [tilespmem:s29+$0xFFFFFD10];
	v16 =	vmul.f32 v16, v16;
	v17 =	vmul.f32 v17, v17  }
0x49: {  	v50 =	vld [tilespmem:s29+$0xFFFFFD20];
	v26 =	vmul.f32 v19, v4;
	v27 =	vmul.f32 v20, v5  }
0x4a: {  	v53 =	vld [tilespmem:s29+$0xFFFFFD30];
	v43 =	vmul.f32 v21, v7;
	v45 =	vmul.f32 v24, v6  }
0x4b: {  	v54 =	vld [tilespmem:s29+$0xFFFFFD80];
	v47 =	vmul.f32 v42, v7;
	v19 =	vmul.f32 v19, v19  }
0x4c: {  	v28 =	vld [tilespmem:s29+$0xFFFFFD90];
	v20 =	vmul.f32 v20, v20;
	v51 =	vmul.f32 v24, v24;
	v22 =	vadd.f32 v23, v22  }
0x4d: {  	v31 =	vld [tilespmem:s29+$0xFFFFFDA0];
	v56 =	vmul.f32 v48, v5;
	v16 =	vadd.f32 v17, v16;
	v17 =	vmul.f32 v18, v18  }
0x4e: {  	v59 =	vld [tilespmem:s29+$0xFFFFFDB0];
	v30 =	vmul.f32 v48, v48;
	v44 =	vadd.f32 v27, v26;
	v22 =	vadd.f32 v25, v22  }
0x4f: {  	v63 =	vld [tilespmem:s29+$0xFFFFFE10];
	v58 =	vmul.f32 v50, v6;
	v16 =	vadd.f32 v17, v16;
	v17 =	vmul.f32 v21, v21  }
0x50: {  	v39 =	vld [tilespmem:s29+$0xFFFFFE30];
	v62 =	vmul.f32 v53, v7;
	v46 =	vadd.f32 v45, v44;
	v18 =	vadd.f32 v43, v22  }
0x51: {  	v33 =	vld [tilespmem:s29+$0xFFFFFE90];
	v34 =	vmul.f32 v54, v4;
	v35 =	vmul.f32 v28, v5;
	v16 =	vadd.f32 v17, v16  }
0x52: {  	v36 =	vld [tilespmem:s29+$0xFFFFFE20];
	v28 =	vmul.f32 v28, v28;
	v38 =	vmul.f32 v31, v6;
	v17 =	vadd.f32 v47, v46;
	(xrf2) =	vadd.scan.msk.f32 $0xffff, v18  }
0x53: {  	v61 =	vld [tilespmem:s29+$0xFFFFFE00];
	v40 =	vmul.f32 v59, v7;
	v41 =	vmul.f32 v31, v31;
	(xrf2) =	vadd.scan.msk.f32 $0xffff, v16  }
0x54: {  	v32 =	vmul.f32 v63, v5;
	v23 =	vmul.f32 v42, v42;
	v42 =	vld [tilespmem:s29+$0xFFFFFE80];
	(xrf2) =	vadd.scan.msk.f32 $0xffff, v17  }
0x55: {  	v48 =	vmul.f32 v39, v7;
	v19 =	vadd.f32 v20, v19;
	v26 =	vmul.f32 v54, v54;
	v16 =	vld [tilespmem:s29+$0xFFFFFD00]  }
0x56: {  	v37 =	vadd.f32 v35, v34;
	v27 =	vmul.f32 v63, v63;
	v54 =	vmul.f32 v33, v33  }
0x57: {  	v19 =	vadd.f32 v51, v19;
	v25 =	vmul.f32 v53, v53;
	v44 =	vld [tilespmem:s29+$0xFFFFFEA0];
	v45 =	vmul.f32 v36, v6  }
0x58: {  	v34 =	vld [tilespmem:s29+$0xFFFFFEB0];
	v26 =	vadd.f32 v28, v26;
	v51 =	vmul.f32 v33, v5;
	v22 =	vmul.f32 v50, v50  }
0x59: {  	v43 =	vmul.f32 v61, v4;
	v46 =	vmul.f32 v36, v36;
	v47 =	vld [tilespmem:s29+$0xFFFFFF00]  }
0x5a: {  	v26 =	vadd.f32 v41, v26;
	v50 =	vmul.f32 v42, v4;
	v55 =	vmul.f32 v16, v4  }
0x5b: {  	v35 =	vld [tilespmem:s29+$0xFFFFFF20];
	v18 =	vadd.f32 v23, v19;
	v23 =	vmul.f32 v59, v59;
	v29 =	vmul.f32 v16, v16  }
0x5c: {  	v63 =	vld [tilespmem:s29+$0xFFFFFFB0];
	v53 =	vmul.f32 v42, v42;
	v28 =	vmul.f32 v44, v44;
	v57 =	vadd.f32 v56, v55;
	v49, _, _ =	vpop (xrf2)  }
0x5d: {  	v23 =	vadd.f32 v23, v26;
	v60 =	vadd.f32 v30, v29;
	v55 =	vmul.f32 v34, v7;
	v56 =	vld [tilespmem:s29+$0xFFFFFF30];
	v17, _, _ =	vpop (xrf2)  }
0x5e: {  	v29 =	vmul.f32 v47, v47;
	v34 =	vmul.f32 v34, v34;
	v19 =	vadd.f32 v58, v57;
	v58 =	vld [tilespmem:s29+$0xFFFFFF90];
	v52, _, _ =	vpop (xrf2)  }
0x5f: {  	v26 =	vadd.f32 v51, v50;
	v21 =	vbroadcast v49, $0xF;
	v49 =	vld [tilespmem:s29+$0xFFFFFF10];
	v24 =	vbroadcast v52, $0xF  }
0x60: {  	v57 =	vmul.f32 v47, v4;
	v20 =	vadd.f32 v62, v19;
	v62 =	vmul.f32 v35, v35  }
0x61: {  	v17 =	vbroadcast v17, $0xF;
	v52 =	vmul.f32 v44, v6;
	v16 =	vsel vm0, v21, v24  }
0x62: {  	v21 =	vadd.f32 v22, v60;
	v24 =	vmul.f32 v61, v61;
	v60 =	vmul.f32 v35, v6  }
0x63: {  	v44 =	vld [tilespmem:s29+$0x0];
	v22 =	vadd.f32 v32, v43;
	v43 =	vmul.f32 v56, v7;
	v32 =	vmul.f32 v58, v58  }
0x64: {  	v50 =	vld [tilespmem:s29+$0x20];
	v26 =	vadd.f32 v52, v26;
	v35 =	vmul.f32 v63, v63;
	v36 =	vmul.f32 v49, v5  }
0x65: {  	v61 =	vld [tilespmem:s29+$0xFFFFFFA0];
	v30 =	vmul.f32 v49, v49;
	v19 =	vadd.f32 v25, v21;
	v21 =	vadd.f32 v38, v37  }
0x66: {  	v24 =	vadd.f32 v27, v24;
	v22 =	vadd.f32 v45, v22;
	v25 =	vmul.f32 v39, v39  }
0x67: {  	v37 =	vld [tilespmem:s29+$0xFFFFFF80];
	v26 =	vadd.f32 v55, v26;
	v45 =	vmul.f32 v56, v56;
	v38 =	vmul.f32 v63, v7  }
0x68: {  	v39 =	vld [tilespmem:s29+$0x30];
	v59 =	vadd.f32 v36, v57;
	v29 =	vadd.f32 v30, v29;
	v31 =	vmul.f32 v44, v44  }
0x69: {  	v41 =	vld [tilespmem:s29+$0x90];
	v57 =	vmul.f32 v50, v6;
	v24 =	vadd.f32 v46, v24;
	v22 =	vadd.f32 v48, v22  }
0x6a: {  	v56 =	vld [tilespmem:s29+$0xA0];
	v48 =	vmul.f32 v58, v5;
	v42 =	vadd.f32 v60, v59;
	v51 =	vmul.f32 v61, v6  }
0x6b: {  	v63 =	vld [tilespmem:s29+$0x110];
	v52 =	vmul.f32 v61, v61;
	v59 =	vmul.f32 v50, v50;
	v24 =	vadd.f32 v25, v24  }
0x6c: {  	v46 =	vld [tilespmem:s29+$0x10];
	v25 =	vadd.f32 v54, v53;
	v54 =	vmul.f32 v44, v4;
	v47 =	vmul.f32 v37, v4  }
0x6d: {  	v29 =	vadd.f32 v62, v29;
	v49 =	vmul.f32 v37, v37;
	v61 =	vmul.f32 v39, v7  }
0x6e: {  	v60 =	vld [tilespmem:s29+$0x100];
	v27 =	vadd.f32 v43, v42;
	v62 =	vmul.f32 v39, v39;
	v42 =	vmul.f32 v41, v5  }
0x6f: {  	v21 =	vadd.f32 v40, v21;
	v58 =	vld [tilespmem:s29+$0xB0];
	v50 =	vmul.f32 v56, v6;
	v33 =	vmul.f32 v56, v56  }
0x70: {  	v53 =	vld [tilespmem:s29+$0x80];
	v29 =	vadd.f32 v45, v29;
	v45 =	vmul.f32 v63, v5;
	v56 =	vmul.f32 v63, v63  }
0x71: {  	v25 =	vadd.f32 v28, v25;
	v28 =	vadd.f32 v48, v47;
	v40 =	vmul.f32 v46, v5  }
0x72: {  	v30 =	vadd.f32 v32, v49;
	v55 =	vmul.f32 v46, v46;
	v48 =	vmul.f32 v41, v41  }
0x73: {  	v37 =	vld [tilespmem:s29+$0x190];
	v25 =	vadd.f32 v34, v25;
	v44 =	vmul.f32 v60, v4;
	v28 =	vadd.f32 v51, v28  }
0x74: {  	v49 =	vld [tilespmem:s29+$0x120];
	v43 =	vmul.f32 v58, v7;
	v30 =	vadd.f32 v52, v30;
	v34 =	vadd.f32 v40, v54  }
0x75: {  	v31 =	vadd.f32 v55, v31;
	v47 =	vmul.f32 v53, v4;
	v51 =	vld [tilespmem:s29+$0x180];
	v54 =	vadd.f32 v45, v44  }
0x76: {  	v36 =	vmul.f32 v53, v53;
	v52 =	vld [tilespmem:s29+$0x130];
	v28 =	vadd.f32 v38, v28;
	v30 =	vadd.f32 v35, v30  }
0x77: {  	v53 =	vmul.f32 v58, v58;
	v40 =	vld [tilespmem:s29+$0x1A0];
	v34 =	vadd.f32 v57, v34;
	v31 =	vadd.f32 v59, v31  }
0x78: {  	v32 =	vadd.f32 v42, v47;
	v36 =	vadd.f32 v48, v36;
	v35 =	vmul.f32 v60, v60  }
0x79: {  	v39 =	vld [tilespmem:s29+$0x1B0];
	v59 =	vmul.f32 v37, v5;
	v55 =	vmul.f32 v49, v6;
	v34 =	vadd.f32 v61, v34  }
0x7a: {  	(xrf2) =	vadd.scan.msk.f32 $0xffff, v18;
	v45 =	vld [tilespmem:s29+$0x200];
	v31 =	vadd.f32 v62, v31;
	v32 =	vadd.f32 v50, v32;
	v61 =	vmul.f32 v49, v49  }
0x7b: {  	(xrf2) =	vadd.scan.msk.f32 $0xffff, v20;
	v33 =	vadd.f32 v33, v36;
	v58 =	vmul.f32 v51, v4;
	v60 =	vmul.f32 v52, v7  }
0x7c: {  	(xrf2) =	vadd.scan.msk.f32 $0xffff, v19;
	v41 =	vld [tilespmem:s29+$0x210];
	v35 =	vadd.f32 v56, v35;
	v62 =	vmul.f32 v52, v52;
	v48 =	vmul.f32 v40, v6  }
0x7d: {  	(xrf2) =	vadd.scan.msk.f32 $0xffff, v21;
	v38 =	vld [tilespmem:s29+$0x280];
	v57 =	vadd.f32 v55, v54;
	v51 =	vmul.f32 v51, v51;
	v52 =	vmul.f32 v37, v37  }
0x7e: {  	(xrf2) =	vadd.scan.msk.f32 $0xffff, v23;
	v49 =	vld [tilespmem:s29+$0x220];
	v55 =	vmul.f32 v39, v7;
	v32 =	vadd.f32 v43, v32;
	v33 =	vadd.f32 v53, v33  }
0x7f: {  	(xrf2) =	vadd.scan.msk.f32 $0xffff, v22;
	v50 =	vadd.f32 v61, v35;
	v61 =	vmul.f32 v45, v45;
	v63 =	vadd.f32 v59, v58  }
0x80: {  	(xrf2) =	vadd.scan.msk.f32 $0xffff, v24;
	v53 =	vld [tilespmem:s29+$0x230];
	v18 =	vadd.f32 v60, v57;
	v57 =	vmul.f32 v40, v40;
	v59 =	vmul.f32 v45, v4  }
0x81: {  	(xrf2) =	vadd.scan.msk.f32 $0xffff, v26;
	v26 =	vld [tilespmem:s29+$0x320];
	v56 =	vadd.f32 v52, v51;
	v60 =	vmul.f32 v41, v5;
	v45 =	vmul.f32 v39, v39  }
0x82: {  	(xrf2) =	vadd.scan.msk.f32 $0xffff, v25;
	v58 =	vld [tilespmem:s29+$0x290];
	v51 =	vmul.f32 v38, v4;
	v19 =	vadd.f32 v62, v50;
	v62 =	vmul.f32 v41, v41  }
0x83: {  	(xrf2) =	vadd.scan.msk.f32 $0xffff, v27;
	v54 =	vadd.f32 v48, v63;
	v63 =	vld [tilespmem:s29+$0x2A0];
	v23 =	vadd.f32 v60, v59;
	v46 =	vmul.f32 v49, v6  }
0x84: {  	v39 =	vld [tilespmem:s29+$0x300];
	v41, _, _ =	vpop (xrf2);
	(xrf2) =	vadd.scan.msk.f32 $0xffff, v29;
	v21 =	vadd.f32 v57, v56;
	v48 =	vmul.f32 v49, v49;
	v56 =	vmul.f32 v38, v38  }
0x85: {  	v50 =	vld [tilespmem:s29+$0x2B0];
	v43, _, _ =	vpop (xrf2);
	(xrf2) =	vadd.scan.msk.f32 $0xffff, v28;
	v47 =	vmul.f32 v53, v7;
	v23 =	vadd.f32 v46, v23;
	v53 =	vmul.f32 v53, v53  }
0x86: {  	v49 =	vld [tilespmem:s29+$0x310];
	v28, _, _ =	vpop (xrf2);
	(xrf2) =	vadd.scan.msk.f32 $0xffff, v30;
	v21 =	vadd.f32 v45, v21;
	v46 =	vmul.f32 v26, v6;
	v45 =	vbroadcast v41, $0xF  }
0x87: {  	v60 =	vld [tilespmem:s29+$0x380];
	v22 =	vadd.f32 v62, v61;
	v30, _, _ =	vpop (xrf2);
	(xrf2) =	vadd.scan.msk.f32 $0xffff, v34;
	v52 =	vmul.f32 v58, v5;
	v57 =	vmul.f32 v58, v58  }
0x88: {  	v20 =	vadd.f32 v55, v54;
	v37, _, _ =	vpop (xrf2);
	(xrf2) =	vadd.scan.msk.f32 $0xffff, v31;
	v55 =	vmul.f32 v63, v6;
	v62 =	vmul.f32 v63, v63;
	v63 =	vld [tilespmem:s29+$0x390]  }
0x89: {  	v22 =	vadd.f32 v48, v22;
	v58 =	vmul.f32 v39, v4;
	v48 =	vmul.f32 v39, v39;
	v42, _, _ =	vpop (xrf2);
	(xrf2) =	vadd.scan.msk.f32 $0xffff, v32  }
0x8a: {  	v35 =	vld [tilespmem:s29+$0x330];
	v23 =	vadd.f32 v47, v23;
	v61 =	vmul.f32 v50, v7;
	v54 =	vadd.f32 v52, v51;
	v44, _, _ =	vpop (xrf2);
	(xrf2) =	vadd.scan.msk.f32 $0xffff, v33  }
0x8b: {  	v24 =	vmul.f32 v50, v50;
	v22 =	vadd.f32 v53, v22;
	v59 =	vmul.f32 v49, v5;
	v33, _, _ =	vpop (xrf2);
	(xrf2) =	vadd.scan.msk.f32 $0xffff, v18  }
0x8c: {  	v50 =	vld [tilespmem:s29+$0x3A0];
	v25 =	vadd.f32 v57, v56;
	v49 =	vmul.f32 v49, v49;
	v27 =	vadd.f32 v55, v54;
	v40, _, _ =	vpop (xrf2);
	(xrf2) =	vadd.scan.msk.f32 $0xffff, v19  }
0x8d: {  	v29 =	vadd.f32 v59, v58;
	v58 =	vmul.f32 v60, v4;
	v31, _, _ =	vpop (xrf2);
	(xrf2) =	vadd.scan.msk.f32 $0xffff, v20;
	v59 =	vmul.f32 v63, v5  }
0x8e: {  	v47 =	vadd.f32 v62, v25;
	v55 =	vmul.f32 v26, v26;
	v51 =	vadd.f32 v61, v27;
	v26, _, _ =	vpop (xrf2);
	(xrf2) =	vadd.scan.msk.f32 $0xffff, v21  }
0x8f: {  	v53 =	vmul.f32 v35, v7;
	v52 =	vadd.f32 v46, v29;
	v32, _, _ =	vpop (xrf2);
	(xrf2) =	vadd.scan.msk.f32 $0xffff, v23;
	v27 =	vadd.f32 v59, v58  }
0x90: {  	v56 =	vld [tilespmem:s29+$0x3B0];
	v54 =	vadd.f32 v49, v48;
	v62 =	vmul.f32 v35, v35;
	v18 =	vadd.f32 v24, v47;
	v34, _, _ =	vpop (xrf2);
	(xrf2) =	vadd.scan.msk.f32 $0xffff, v22  }
0x91: {  	v61 =	vmul.f32 v63, v63;
	v63 =	vmul.f32 v50, v6;
	v57 =	vadd.f32 v53, v52;
	v35, _, _ =	vpop (xrf2);
	(xrf2) =	vadd.scan.msk.f32 $0xffff, v51  }
0x92: {  	v60 =	vmul.f32 v60, v60;
	v47, _, _ =	vpop (xrf2);
	(xrf2) =	vadd.scan.msk.f32 $0xffff, v18  }
0x93: {  	v17 =	vsel vm0, v17, v45;
	v20 =	vadd.f32 v55, v54;
	v49 =	vadd.f32 v63, v27;
	v27, _, _ =	vpop (xrf2);
	(xrf2) =	vadd.scan.msk.f32 $0xffff, v57;
	v57 =	vld [tilespmem:$0x1FF20]  }
0x94: {  	v42 =	vbroadcast v42, $0xF;
	v46 =	vmul.f32 v50, v50;
	v23 =	vadd.f32 v61, v60  }
0x95: {  	v55 =	vbroadcast v37, $0xF;
	v50 =	vmul.f32 v56, v7;
	v48 =	vadd.f32 v62, v20  }
0x96: {  	v52 =	vbroadcast v28, $0xF;
	v53 =	vmul.f32 v56, v56;
	v51 =	vadd.f32 v46, v23  }
0x97: {  	v56 =	vbroadcast v44, $0xF;
	v62 =	vbroadcast v26, $0xF;
	v20 =	vadd.f32 v50, v49;
	v54, _, _ =	vpop (xrf2);
	(xrf2) =	vadd.scan.msk.f32 $0xffff, v48  }
0x98: {  	v17 =	vsel vm15, v17, v52;
	v21 =	vadd.f32 v53, v51;
	v22, _, _ =	vpop (xrf2);
	vm1 =	vnez.u8 v57  }
0x99: {  	v59 =	vbroadcast v43, $0xF;
	v60 =	vbroadcast v40, $0xF;
	v58, _, _ =	vpop (xrf2);
	(xrf2) =	vadd.scan.msk.f32 $0xffff, v20;
	v17 =	vsel vm1, v17, v55  }
0x9a: {  	v44 =	vbroadcast v33, $0xF;
	v61 =	vbroadcast v30, $0xF;
	v63, _, _ =	vpop (xrf2);
	(xrf2) =	vadd.scan.msk.f32 $0xffff, v21;
	v17 =	vsel vm4, v17, v56  }
0x9b: {  	v38 =	vbroadcast v34, $0xF;
	v16 =	vsel vm15, v16, v59;
	v37, _, _ =	vpop (xrf2);
	v17 =	vsel vm5, v17, v60  }
0x9c: {  	v40 =	vbroadcast v47, $0xF;
	v50 =	vbroadcast v31, $0xF;
	v39, _, _ =	vpop (xrf2);
	v17 =	vsel vm6, v17, v62  }
0x9d: {  	v51 =	vbroadcast v32, $0xF;
	v19 =	vbroadcast v54, $0xF;
	v41, _, _ =	vpop (xrf2);
	v17 =	vsel vm7, v17, v38  }
0x9e: {  	v54 =	vbroadcast v35, $0xF;
	v18 =	vbroadcast v58, $0xF;
	v43, _, _ =	vpop (xrf2);
	v17 =	vsel vm8, v17, v40  }
0x9f: {  	v16 =	vsel vm1, v16, v61;
	v46 =	vbroadcast v37, $0xF;
	v45, _, _ =	vpop (xrf2);
	v17 =	vsel vm9, v17, v19  }
0xa0: {  	v16 =	vsel vm4, v16, v42;
	v48 =	vbroadcast v41, $0xF;
	v47, _, _ =	vpop (xrf2);
	v17 =	vsel vm10, v17, v18  }
0xa1: {  	v16 =	vsel vm5, v16, v44;
	v23 =	vbroadcast v45, $0xF;
	v49, _, _ =	vpop (xrf2);
	v17 =	vsel vm11, v17, v46  }
0xa2: {  	v16 =	vsel vm6, v16, v50;
	v52 =	vbroadcast v49, $0xF;
	v17 =	vsel vm12, v17, v48  }
0xa3: {  	v55 =	vbroadcast v27, $0xF;
	v16 =	vsel vm7, v16, v51;
	v53, _, _ =	vpop (xrf2);
	v17 =	vsel vm13, v17, v23  }
0xa4: {  	v57 =	vbroadcast v22, $0xF;
	v16 =	vsel vm8, v16, v54;
	v56, _, _ =	vpop (xrf2);
	v17 =	vsel vm14, v17, v52  }
0xa5: {  	v58 =	vbroadcast v63, $0xF;
	v16 =	vsel vm9, v16, v55;
	v17 =	vsel vm2, v17, v56  }
0xa6: {  	v16 =	vsel vm10, v16, v57;
	(erf) = vrcp.f32 v17;
	v17 =	vbroadcast v39, $0xF  }
0xa7: {  	v59 =	vbroadcast v43, $0xF;
	v16 =	vsel vm11, v16, v58  }
0xa8: {  	v16 =	vsel vm12, v16, v17;
	v17 =	vbroadcast v47, $0xF  }
0xa9: {  	v16 =	vsel vm13, v16, v59  }
0xaa: {  	v16 =	vsel vm14, v16, v17  }
0xab: {  	v16 =	vsel vm2, v16, v53  }
0xac: {  	v17 =	vand.u32 $0x7FFFFFFF, v16;
	_ =	sdelay $0x1  }
0xad: {  	v16 =	vmul.f32 v17, v16  }
0xae: {  	v17 =	vpop (erf)  }
0xaf: {  	v16 =	vmul.f32 v16, v17;
	_ =	sdelay $0x1  }
0xb0: {  	vm3 =	vmmov vm15;
	s30 =	sadd.s32 s28, s25;
	vm15 =	vgt.f32 v16, v14  }
0xb1: {  	v61 =	vor.u32 s30, v0;
	vm1 =	vmmov vm0;
	v17 =	vsel vm15, v14, v16  }
0xb2: {  	p1 =	sne.s32 s28, $0xF0;
	v60 =	vmovc v12;
	v14 =	vsel vm15, v16, v14;
	v12 =	vsel vm15, v61, v12;
	vm0 =	vgt.f32 v17, v15  }
.Ltmp0:
0xb3: {  	v62 =	vmovc v11;
	v18 =	vsel vm15, v60, v61;
	v16 =	vsel vm0, v15, v17;
	v15 =	vsel vm0, v17, v15;
	(pc) =	sbr.rel @p1 .LBB2_3-.Ltmp0, $4  }
0xb4: {  	v11 =	vsel vm0, v18, v11;
	v17 =	vsel vm0, v62, v18;
	vm15 =	vgt.f32 v16, v13  }
0xb5: {  	v63 =	vsel vm15, v13, v16;
	v13 =	vsel vm15, v16, v13;
	v16 =	vsel vm15, v10, v17  }
0xb6: {  	v10 =	vsel vm15, v17, v10;
	vm15 =	vmmov vm3;
	vm0 =	vgt.f32 v63, v9  }
0xb7: {  	s28 =	sadd.s32 $0x10, s28;
	s29 =	sadd.s32 $0x800, s29;
	v9 =	vsel vm0, v63, v9;
	v8 =	vsel vm0, v16, v8;
	vm0 =	vmmov vm1  }
0xb8: {  	s28 =	sshll.u32 s26, $0x1  }
0xb9: {  	s28 =	smin.u32 s28, $0x76  }
0xba: {  	s28 =	sshll.u32 s28, $0xF  }
0xbb: {  	s28 =	sadd.s32 s28, s7  }
0xbc: {  	s28 =	sshrl.u32 s28, $0x3  }
0xbd: {  	s29 =	sadd.s32 s4, s28;
	s28 =	simm.s32 $0x0  }
0xbe: {  	[tilespmem:s28], [sflag:$0x1] =	stream.linear.gather [hbm4b:s29+s28], $0x8000, $0x38;
	[tilespmem:$0x10180] =	vst v63  }
0xbf: {  	_ =	swait.ge [sflag:s20], $0x8000  }
0xc0: {  	[sflag:s20] =	ssyncset.done $0x0  }
0xc1: {  	s29 =	simm.s32 $0x8400;
	[sflag:s20] =	ssyncadd.s32 $0xFFFF8000  }
.LBB2_5:
0xc2: {  	v16 =	vld [tilespmem:s29+$0xFFFFFC00]  }
0xc3: {  	v17 =	vld [tilespmem:s29+$0xFFFFFC10]  }
0xc4: {  	v18 =	vld [tilespmem:s29+$0xFFFFFC20]  }
0xc5: {  	v19 =	vld [tilespmem:s29+$0xFFFFFC80]  }
0xc6: {  	v20 =	vld [tilespmem:s29+$0xFFFFFC90]  }
0xc7: {  	v21 =	vld [tilespmem:s29+$0xFFFFFC30]  }
0xc8: {  	v24 =	vld [tilespmem:s29+$0xFFFFFCA0]  }
0xc9: {  	v42 =	vld [tilespmem:s29+$0xFFFFFCB0];
	v22 =	vmul.f32 v16, v4  }
0xca: {  	v23 =	vmul.f32 v17, v5;
	v25 =	vmul.f32 v18, v6  }
0xcb: {  	v48 =	vld [tilespmem:s29+$0xFFFFFD10];
	v16 =	vmul.f32 v16, v16;
	v17 =	vmul.f32 v17, v17  }
0xcc: {  	v50 =	vld [tilespmem:s29+$0xFFFFFD20];
	v26 =	vmul.f32 v19, v4;
	v27 =	vmul.f32 v20, v5  }
0xcd: {  	v53 =	vld [tilespmem:s29+$0xFFFFFD30];
	v43 =	vmul.f32 v21, v7;
	v45 =	vmul.f32 v24, v6  }
0xce: {  	v54 =	vld [tilespmem:s29+$0xFFFFFD80];
	v47 =	vmul.f32 v42, v7;
	v19 =	vmul.f32 v19, v19  }
0xcf: {  	v28 =	vld [tilespmem:s29+$0xFFFFFD90];
	v20 =	vmul.f32 v20, v20;
	v51 =	vmul.f32 v24, v24;
	v22 =	vadd.f32 v23, v22  }
0xd0: {  	v31 =	vld [tilespmem:s29+$0xFFFFFDA0];
	v56 =	vmul.f32 v48, v5;
	v16 =	vadd.f32 v17, v16;
	v17 =	vmul.f32 v18, v18  }
0xd1: {  	v59 =	vld [tilespmem:s29+$0xFFFFFDB0];
	v30 =	vmul.f32 v48, v48;
	v44 =	vadd.f32 v27, v26;
	v22 =	vadd.f32 v25, v22  }
0xd2: {  	v63 =	vld [tilespmem:s29+$0xFFFFFE10];
	v58 =	vmul.f32 v50, v6;
	v16 =	vadd.f32 v17, v16;
	v17 =	vmul.f32 v21, v21  }
0xd3: {  	v39 =	vld [tilespmem:s29+$0xFFFFFE30];
	v62 =	vmul.f32 v53, v7;
	v46 =	vadd.f32 v45, v44;
	v18 =	vadd.f32 v43, v22  }
0xd4: {  	v33 =	vld [tilespmem:s29+$0xFFFFFE90];
	v34 =	vmul.f32 v54, v4;
	v35 =	vmul.f32 v28, v5;
	v16 =	vadd.f32 v17, v16  }
0xd5: {  	v36 =	vld [tilespmem:s29+$0xFFFFFE20];
	v28 =	vmul.f32 v28, v28;
	v38 =	vmul.f32 v31, v6;
	v17 =	vadd.f32 v47, v46;
	(xrf2) =	vadd.scan.msk.f32 $0xffff, v18  }
0xd6: {  	v61 =	vld [tilespmem:s29+$0xFFFFFE00];
	v40 =	vmul.f32 v59, v7;
	v41 =	vmul.f32 v31, v31;
	(xrf2) =	vadd.scan.msk.f32 $0xffff, v16  }
0xd7: {  	v32 =	vmul.f32 v63, v5;
	v23 =	vmul.f32 v42, v42;
	v42 =	vld [tilespmem:s29+$0xFFFFFE80];
	(xrf2) =	vadd.scan.msk.f32 $0xffff, v17  }
0xd8: {  	v48 =	vmul.f32 v39, v7;
	v19 =	vadd.f32 v20, v19;
	v26 =	vmul.f32 v54, v54;
	v16 =	vld [tilespmem:s29+$0xFFFFFD00]  }
0xd9: {  	v37 =	vadd.f32 v35, v34;
	v27 =	vmul.f32 v63, v63;
	v54 =	vmul.f32 v33, v33  }
0xda: {  	v19 =	vadd.f32 v51, v19;
	v25 =	vmul.f32 v53, v53;
	v44 =	vld [tilespmem:s29+$0xFFFFFEA0];
	v45 =	vmul.f32 v36, v6  }
0xdb: {  	v34 =	vld [tilespmem:s29+$0xFFFFFEB0];
	v26 =	vadd.f32 v28, v26;
	v51 =	vmul.f32 v33, v5;
	v22 =	vmul.f32 v50, v50  }
0xdc: {  	v43 =	vmul.f32 v61, v4;
	v46 =	vmul.f32 v36, v36;
	v47 =	vld [tilespmem:s29+$0xFFFFFF00]  }
0xdd: {  	v26 =	vadd.f32 v41, v26;
	v50 =	vmul.f32 v42, v4;
	v55 =	vmul.f32 v16, v4  }
0xde: {  	v35 =	vld [tilespmem:s29+$0xFFFFFF20];
	v18 =	vadd.f32 v23, v19;
	v23 =	vmul.f32 v59, v59;
	v29 =	vmul.f32 v16, v16  }
0xdf: {  	v63 =	vld [tilespmem:s29+$0xFFFFFFB0];
	v53 =	vmul.f32 v42, v42;
	v28 =	vmul.f32 v44, v44;
	v57 =	vadd.f32 v56, v55;
	v49, _, _ =	vpop (xrf2)  }
0xe0: {  	v23 =	vadd.f32 v23, v26;
	v60 =	vadd.f32 v30, v29;
	v55 =	vmul.f32 v34, v7;
	v56 =	vld [tilespmem:s29+$0xFFFFFF30];
	v17, _, _ =	vpop (xrf2)  }
0xe1: {  	v29 =	vmul.f32 v47, v47;
	v34 =	vmul.f32 v34, v34;
	v19 =	vadd.f32 v58, v57;
	v58 =	vld [tilespmem:s29+$0xFFFFFF90];
	v52, _, _ =	vpop (xrf2)  }
0xe2: {  	v26 =	vadd.f32 v51, v50;
	v21 =	vbroadcast v49, $0xF;
	v49 =	vld [tilespmem:s29+$0xFFFFFF10];
	v24 =	vbroadcast v52, $0xF  }
0xe3: {  	v57 =	vmul.f32 v47, v4;
	v20 =	vadd.f32 v62, v19;
	v62 =	vmul.f32 v35, v35  }
0xe4: {  	v17 =	vbroadcast v17, $0xF;
	v52 =	vmul.f32 v44, v6;
	v16 =	vsel vm0, v21, v24  }
0xe5: {  	v21 =	vadd.f32 v22, v60;
	v24 =	vmul.f32 v61, v61;
	v60 =	vmul.f32 v35, v6  }
0xe6: {  	v44 =	vld [tilespmem:s29+$0x0];
	v22 =	vadd.f32 v32, v43;
	v43 =	vmul.f32 v56, v7;
	v32 =	vmul.f32 v58, v58  }
0xe7: {  	v50 =	vld [tilespmem:s29+$0x20];
	v26 =	vadd.f32 v52, v26;
	v35 =	vmul.f32 v63, v63;
	v36 =	vmul.f32 v49, v5  }
0xe8: {  	v61 =	vld [tilespmem:s29+$0xFFFFFFA0];
	v30 =	vmul.f32 v49, v49;
	v19 =	vadd.f32 v25, v21;
	v21 =	vadd.f32 v38, v37  }
0xe9: {  	v24 =	vadd.f32 v27, v24;
	v22 =	vadd.f32 v45, v22;
	v25 =	vmul.f32 v39, v39  }
0xea: {  	v37 =	vld [tilespmem:s29+$0xFFFFFF80];
	v26 =	vadd.f32 v55, v26;
	v45 =	vmul.f32 v56, v56;
	v38 =	vmul.f32 v63, v7  }
0xeb: {  	v39 =	vld [tilespmem:s29+$0x30];
	v59 =	vadd.f32 v36, v57;
	v29 =	vadd.f32 v30, v29;
	v31 =	vmul.f32 v44, v44  }
0xec: {  	v41 =	vld [tilespmem:s29+$0x90];
	v57 =	vmul.f32 v50, v6;
	v24 =	vadd.f32 v46, v24;
	v22 =	vadd.f32 v48, v22  }
0xed: {  	v56 =	vld [tilespmem:s29+$0xA0];
	v48 =	vmul.f32 v58, v5;
	v42 =	vadd.f32 v60, v59;
	v51 =	vmul.f32 v61, v6  }
0xee: {  	v63 =	vld [tilespmem:s29+$0x110];
	v52 =	vmul.f32 v61, v61;
	v59 =	vmul.f32 v50, v50;
	v24 =	vadd.f32 v25, v24  }
0xef: {  	v46 =	vld [tilespmem:s29+$0x10];
	v25 =	vadd.f32 v54, v53;
	v54 =	vmul.f32 v44, v4;
	v47 =	vmul.f32 v37, v4  }
0xf0: {  	v29 =	vadd.f32 v62, v29;
	v49 =	vmul.f32 v37, v37;
	v61 =	vmul.f32 v39, v7  }
0xf1: {  	v60 =	vld [tilespmem:s29+$0x100];
	v27 =	vadd.f32 v43, v42;
	v62 =	vmul.f32 v39, v39;
	v42 =	vmul.f32 v41, v5  }
0xf2: {  	v21 =	vadd.f32 v40, v21;
	v58 =	vld [tilespmem:s29+$0xB0];
	v50 =	vmul.f32 v56, v6;
	v33 =	vmul.f32 v56, v56  }
0xf3: {  	v53 =	vld [tilespmem:s29+$0x80];
	v29 =	vadd.f32 v45, v29;
	v45 =	vmul.f32 v63, v5;
	v56 =	vmul.f32 v63, v63  }
0xf4: {  	v25 =	vadd.f32 v28, v25;
	v28 =	vadd.f32 v48, v47;
	v40 =	vmul.f32 v46, v5  }
0xf5: {  	v30 =	vadd.f32 v32, v49;
	v55 =	vmul.f32 v46, v46;
	v48 =	vmul.f32 v41, v41  }
0xf6: {  	v37 =	vld [tilespmem:s29+$0x190];
	v25 =	vadd.f32 v34, v25;
	v44 =	vmul.f32 v60, v4;
	v28 =	vadd.f32 v51, v28  }
0xf7: {  	v49 =	vld [tilespmem:s29+$0x120];
	v43 =	vmul.f32 v58, v7;
	v30 =	vadd.f32 v52, v30;
	v34 =	vadd.f32 v40, v54  }
0xf8: {  	v31 =	vadd.f32 v55, v31;
	v47 =	vmul.f32 v53, v4;
	v51 =	vld [tilespmem:s29+$0x180];
	v54 =	vadd.f32 v45, v44  }
0xf9: {  	v36 =	vmul.f32 v53, v53;
	v52 =	vld [tilespmem:s29+$0x130];
	v28 =	vadd.f32 v38, v28;
	v30 =	vadd.f32 v35, v30  }
0xfa: {  	v53 =	vmul.f32 v58, v58;
	v40 =	vld [tilespmem:s29+$0x1A0];
	v34 =	vadd.f32 v57, v34;
	v31 =	vadd.f32 v59, v31  }
0xfb: {  	v32 =	vadd.f32 v42, v47;
	v36 =	vadd.f32 v48, v36;
	v35 =	vmul.f32 v60, v60  }
0xfc: {  	v39 =	vld [tilespmem:s29+$0x1B0];
	v59 =	vmul.f32 v37, v5;
	v55 =	vmul.f32 v49, v6;
	v34 =	vadd.f32 v61, v34  }
0xfd: {  	(xrf2) =	vadd.scan.msk.f32 $0xffff, v18;
	v45 =	vld [tilespmem:s29+$0x200];
	v31 =	vadd.f32 v62, v31;
	v32 =	vadd.f32 v50, v32;
	v61 =	vmul.f32 v49, v49  }
0xfe: {  	(xrf2) =	vadd.scan.msk.f32 $0xffff, v20;
	v33 =	vadd.f32 v33, v36;
	v58 =	vmul.f32 v51, v4;
	v60 =	vmul.f32 v52, v7  }
0xff: {  	(xrf2) =	vadd.scan.msk.f32 $0xffff, v19;
	v41 =	vld [tilespmem:s29+$0x210];
	v35 =	vadd.f32 v56, v35;
	v62 =	vmul.f32 v52, v52;
	v48 =	vmul.f32 v40, v6  }
0x100: {  	(xrf2) =	vadd.scan.msk.f32 $0xffff, v21;
	v38 =	vld [tilespmem:s29+$0x280];
	v57 =	vadd.f32 v55, v54;
	v51 =	vmul.f32 v51, v51;
	v52 =	vmul.f32 v37, v37  }
0x101: {  	(xrf2) =	vadd.scan.msk.f32 $0xffff, v23;
	v49 =	vld [tilespmem:s29+$0x220];
	v55 =	vmul.f32 v39, v7;
	v32 =	vadd.f32 v43, v32;
	v33 =	vadd.f32 v53, v33  }
0x102: {  	(xrf2) =	vadd.scan.msk.f32 $0xffff, v22;
	v50 =	vadd.f32 v61, v35;
	v61 =	vmul.f32 v45, v45;
	v63 =	vadd.f32 v59, v58  }
0x103: {  	(xrf2) =	vadd.scan.msk.f32 $0xffff, v24;
	v53 =	vld [tilespmem:s29+$0x230];
	v18 =	vadd.f32 v60, v57;
	v57 =	vmul.f32 v40, v40;
	v59 =	vmul.f32 v45, v4  }
0x104: {  	(xrf2) =	vadd.scan.msk.f32 $0xffff, v26;
	v26 =	vld [tilespmem:s29+$0x320];
	v56 =	vadd.f32 v52, v51;
	v60 =	vmul.f32 v41, v5;
	v45 =	vmul.f32 v39, v39  }
0x105: {  	(xrf2) =	vadd.scan.msk.f32 $0xffff, v25;
	v58 =	vld [tilespmem:s29+$0x290];
	v51 =	vmul.f32 v38, v4;
	v19 =	vadd.f32 v62, v50;
	v62 =	vmul.f32 v41, v41  }
0x106: {  	(xrf2) =	vadd.scan.msk.f32 $0xffff, v27;
	v54 =	vadd.f32 v48, v63;
	v63 =	vld [tilespmem:s29+$0x2A0];
	v23 =	vadd.f32 v60, v59;
	v46 =	vmul.f32 v49, v6  }
0x107: {  	v39 =	vld [tilespmem:s29+$0x300];
	v41, _, _ =	vpop (xrf2);
	(xrf2) =	vadd.scan.msk.f32 $0xffff, v29;
	v21 =	vadd.f32 v57, v56;
	v48 =	vmul.f32 v49, v49;
	v56 =	vmul.f32 v38, v38  }
0x108: {  	v50 =	vld [tilespmem:s29+$0x2B0];
	v43, _, _ =	vpop (xrf2);
	(xrf2) =	vadd.scan.msk.f32 $0xffff, v28;
	v47 =	vmul.f32 v53, v7;
	v23 =	vadd.f32 v46, v23;
	v53 =	vmul.f32 v53, v53  }
0x109: {  	v49 =	vld [tilespmem:s29+$0x310];
	v28, _, _ =	vpop (xrf2);
	(xrf2) =	vadd.scan.msk.f32 $0xffff, v30;
	v21 =	vadd.f32 v45, v21;
	v46 =	vmul.f32 v26, v6;
	v45 =	vbroadcast v41, $0xF  }
0x10a: {  	v60 =	vld [tilespmem:s29+$0x380];
	v22 =	vadd.f32 v62, v61;
	v30, _, _ =	vpop (xrf2);
	(xrf2) =	vadd.scan.msk.f32 $0xffff, v34;
	v52 =	vmul.f32 v58, v5;
	v57 =	vmul.f32 v58, v58  }
0x10b: {  	v20 =	vadd.f32 v55, v54;
	v37, _, _ =	vpop (xrf2);
	(xrf2) =	vadd.scan.msk.f32 $0xffff, v31;
	v55 =	vmul.f32 v63, v6;
	v62 =	vmul.f32 v63, v63;
	v63 =	vld [tilespmem:s29+$0x390]  }
0x10c: {  	v22 =	vadd.f32 v48, v22;
	v58 =	vmul.f32 v39, v4;
	v48 =	vmul.f32 v39, v39;
	v42, _, _ =	vpop (xrf2);
	(xrf2) =	vadd.scan.msk.f32 $0xffff, v32  }
0x10d: {  	v35 =	vld [tilespmem:s29+$0x330];
	v23 =	vadd.f32 v47, v23;
	v61 =	vmul.f32 v50, v7;
	v54 =	vadd.f32 v52, v51;
	v44, _, _ =	vpop (xrf2);
	(xrf2) =	vadd.scan.msk.f32 $0xffff, v33  }
0x10e: {  	v24 =	vmul.f32 v50, v50;
	v22 =	vadd.f32 v53, v22;
	v59 =	vmul.f32 v49, v5;
	v33, _, _ =	vpop (xrf2);
	(xrf2) =	vadd.scan.msk.f32 $0xffff, v18  }
0x10f: {  	v50 =	vld [tilespmem:s29+$0x3A0];
	v25 =	vadd.f32 v57, v56;
	v49 =	vmul.f32 v49, v49;
	v27 =	vadd.f32 v55, v54;
	v40, _, _ =	vpop (xrf2);
	(xrf2) =	vadd.scan.msk.f32 $0xffff, v19  }
0x110: {  	v29 =	vadd.f32 v59, v58;
	v58 =	vmul.f32 v60, v4;
	v31, _, _ =	vpop (xrf2);
	(xrf2) =	vadd.scan.msk.f32 $0xffff, v20;
	v59 =	vmul.f32 v63, v5  }
0x111: {  	v47 =	vadd.f32 v62, v25;
	v55 =	vmul.f32 v26, v26;
	v51 =	vadd.f32 v61, v27;
	v26, _, _ =	vpop (xrf2);
	(xrf2) =	vadd.scan.msk.f32 $0xffff, v21  }
0x112: {  	v53 =	vmul.f32 v35, v7;
	v52 =	vadd.f32 v46, v29;
	v32, _, _ =	vpop (xrf2);
	(xrf2) =	vadd.scan.msk.f32 $0xffff, v23;
	v27 =	vadd.f32 v59, v58  }
0x113: {  	v56 =	vld [tilespmem:s29+$0x3B0];
	v54 =	vadd.f32 v49, v48;
	v62 =	vmul.f32 v35, v35;
	v18 =	vadd.f32 v24, v47;
	v34, _, _ =	vpop (xrf2);
	(xrf2) =	vadd.scan.msk.f32 $0xffff, v22  }
0x114: {  	v61 =	vmul.f32 v63, v63;
	v63 =	vmul.f32 v50, v6;
	v57 =	vadd.f32 v53, v52;
	v35, _, _ =	vpop (xrf2);
	(xrf2) =	vadd.scan.msk.f32 $0xffff, v51  }
0x115: {  	v60 =	vmul.f32 v60, v60;
	v47, _, _ =	vpop (xrf2);
	(xrf2) =	vadd.scan.msk.f32 $0xffff, v18  }
0x116: {  	v17 =	vsel vm0, v17, v45;
	v20 =	vadd.f32 v55, v54;
	v49 =	vadd.f32 v63, v27;
	v27, _, _ =	vpop (xrf2);
	(xrf2) =	vadd.scan.msk.f32 $0xffff, v57;
	v57 =	vld [tilespmem:$0x1FF20]  }
0x117: {  	v42 =	vbroadcast v42, $0xF;
	v46 =	vmul.f32 v50, v50;
	v23 =	vadd.f32 v61, v60  }
0x118: {  	v55 =	vbroadcast v37, $0xF;
	v50 =	vmul.f32 v56, v7;
	v48 =	vadd.f32 v62, v20  }
0x119: {  	v52 =	vbroadcast v28, $0xF;
	v53 =	vmul.f32 v56, v56;
	v51 =	vadd.f32 v46, v23  }
0x11a: {  	v56 =	vbroadcast v44, $0xF;
	v62 =	vbroadcast v26, $0xF;
	v20 =	vadd.f32 v50, v49;
	v54, _, _ =	vpop (xrf2);
	(xrf2) =	vadd.scan.msk.f32 $0xffff, v48  }
0x11b: {  	v17 =	vsel vm15, v17, v52;
	v21 =	vadd.f32 v53, v51;
	v22, _, _ =	vpop (xrf2);
	vm0 =	vnez.u8 v57  }
0x11c: {  	v59 =	vbroadcast v43, $0xF;
	v60 =	vbroadcast v40, $0xF;
	v58, _, _ =	vpop (xrf2);
	(xrf2) =	vadd.scan.msk.f32 $0xffff, v20;
	v17 =	vsel vm0, v17, v55  }
0x11d: {  	v44 =	vbroadcast v33, $0xF;
	v61 =	vbroadcast v30, $0xF;
	v63, _, _ =	vpop (xrf2);
	(xrf2) =	vadd.scan.msk.f32 $0xffff, v21;
	v17 =	vsel vm4, v17, v56  }
0x11e: {  	v38 =	vbroadcast v34, $0xF;
	v16 =	vsel vm15, v16, v59;
	v37, _, _ =	vpop (xrf2);
	v17 =	vsel vm5, v17, v60  }
0x11f: {  	v40 =	vbroadcast v47, $0xF;
	v50 =	vbroadcast v31, $0xF;
	v39, _, _ =	vpop (xrf2);
	v17 =	vsel vm6, v17, v62  }
0x120: {  	v51 =	vbroadcast v32, $0xF;
	v19 =	vbroadcast v54, $0xF;
	v41, _, _ =	vpop (xrf2);
	v17 =	vsel vm7, v17, v38  }
0x121: {  	v54 =	vbroadcast v35, $0xF;
	v18 =	vbroadcast v58, $0xF;
	v43, _, _ =	vpop (xrf2);
	v17 =	vsel vm8, v17, v40  }
0x122: {  	v16 =	vsel vm0, v16, v61;
	v46 =	vbroadcast v37, $0xF;
	v45, _, _ =	vpop (xrf2);
	v17 =	vsel vm9, v17, v19  }
0x123: {  	v16 =	vsel vm4, v16, v42;
	v48 =	vbroadcast v41, $0xF;
	v47, _, _ =	vpop (xrf2);
	v17 =	vsel vm10, v17, v18  }
0x124: {  	v16 =	vsel vm5, v16, v44;
	v23 =	vbroadcast v45, $0xF;
	v49, _, _ =	vpop (xrf2);
	v17 =	vsel vm11, v17, v46  }
0x125: {  	v16 =	vsel vm6, v16, v50;
	v52 =	vbroadcast v49, $0xF;
	v17 =	vsel vm12, v17, v48  }
0x126: {  	v55 =	vbroadcast v27, $0xF;
	v16 =	vsel vm7, v16, v51;
	v53, _, _ =	vpop (xrf2);
	v17 =	vsel vm13, v17, v23  }
0x127: {  	v57 =	vbroadcast v22, $0xF;
	v16 =	vsel vm8, v16, v54;
	v56, _, _ =	vpop (xrf2);
	v17 =	vsel vm14, v17, v52  }
0x128: {  	v58 =	vbroadcast v63, $0xF;
	v16 =	vsel vm9, v16, v55;
	v17 =	vsel vm2, v17, v56  }
0x129: {  	v16 =	vsel vm10, v16, v57;
	(erf) = vrcp.f32 v17;
	v17 =	vbroadcast v39, $0xF  }
0x12a: {  	v59 =	vbroadcast v43, $0xF;
	v16 =	vsel vm11, v16, v58  }
0x12b: {  	v16 =	vsel vm12, v16, v17;
	v17 =	vbroadcast v47, $0xF  }
0x12c: {  	v16 =	vsel vm13, v16, v59  }
0x12d: {  	v16 =	vsel vm14, v16, v17  }
0x12e: {  	v16 =	vsel vm2, v16, v53  }
0x12f: {  	v17 =	vand.u32 $0x7FFFFFFF, v16;
	_ =	sdelay $0x1  }
0x130: {  	v16 =	vmul.f32 v17, v16  }
0x131: {  	v17 =	vpop (erf)  }
0x132: {  	v16 =	vmul.f32 v16, v17;
	_ =	sdelay $0x1  }
0x133: {  	s30 =	sadd.s32 s28, s24;
	vm0 =	vgt.f32 v16, v14  }
0x134: {  	v61 =	vor.u32 s30, v0;
	v17 =	vsel vm0, v14, v16  }
0x135: {  	p1 =	sne.s32 s28, $0xF0;
	v60 =	vmovc v12;
	v14 =	vsel vm0, v16, v14;
	v12 =	vsel vm0, v61, v12;
	vm15 =	vgt.f32 v17, v15  }
.Ltmp1:
0x136: {  	v62 =	vmovc v11;
	v18 =	vsel vm0, v60, v61;
	v16 =	vsel vm15, v15, v17;
	v15 =	vsel vm15, v17, v15;
	(pc) =	sbr.rel @p1 .LBB2_5-.Ltmp1, $4  }
0x137: {  	v11 =	vsel vm15, v18, v11;
	v17 =	vsel vm15, v62, v18;
	vm0 =	vgt.f32 v16, v13  }
0x138: {  	v63 =	vsel vm0, v13, v16;
	v13 =	vsel vm0, v16, v13;
	v16 =	vsel vm0, v10, v17  }
0x139: {  	v10 =	vsel vm0, v17, v10;
	vm0 =	vmmov vm1;
	vm15 =	vgt.f32 v63, v9  }
0x13a: {  	s28 =	sadd.s32 $0x10, s28;
	s29 =	sadd.s32 $0x800, s29;
	v9 =	vsel vm15, v63, v9;
	v8 =	vsel vm15, v16, v8;
	vm15 =	vmmov vm3  }
0x13b: {  	s26 =	sadd.s32 $0x1, s26  }
0x13c: {  	p1 =	sne.s32 s26, $0x3D  }
.Ltmp2:
0x13d: {  	_ = 	snop;
	(pc) =	sbr.rel @p1 .LBB2_2-.Ltmp2, $2  }
0x13e: {  	_ =	sdelay $0x2  }
0x13f: {  	s25 =	sadd.s32 $0x200, s25;
	s24 =	sadd.s32 $0x200, s24  }
0x140: {  	_ =	swait.ge [sflag:s19], $0x8000  }
0x141: {  	[sflag:s19] =	ssyncset.done $0x0  }
0x142: {  	s24 =	simm.s32 $0x0;
	[sflag:s19] =	ssyncadd.s32 $0xFFFF8000  }
0x143: {  	[tilespmem:s24], [sflag:$0x3] =	stream.linear.gather [hbm4b:s9+s24], $0x800, $0x38;
	[tilespmem:$0x10180] =	vst v63  }
0x144: {  	_ =	swait.ge [sflag:s17], $0x800  }
0x145: {  	[sflag:s17] =	ssyncset.done $0x0  }
0x146: {  	[sflag:s17] =	ssyncadd.s32 $0xFFFFF800  }
0x147: {  	v16 =	vld [tilespmem:$0x0]  }
0x148: {  	v17 =	vld [tilespmem:$0x10]  }
0x149: {  	v18 =	vld [tilespmem:$0x20]  }
0x14a: {  	v19 =	vld [tilespmem:$0x80]  }
0x14b: {  	v20 =	vld [tilespmem:$0x90]  }
0x14c: {  	v21 =	vld [tilespmem:$0x30]  }
0x14d: {  	v24 =	vld [tilespmem:$0xA0]  }
0x14e: {  	v28 =	vld [tilespmem:$0x190]  }
0x14f: {  	v31 =	vld [tilespmem:$0x1A0];
	v22 =	vmul.f32 v16, v4;
	v23 =	vmul.f32 v17, v5  }
0x150: {  	v44 =	vld [tilespmem:$0x210];
	v25 =	vmul.f32 v18, v6;
	v16 =	vmul.f32 v16, v16  }
0x151: {  	v46 =	vld [tilespmem:$0x220];
	v17 =	vmul.f32 v17, v17;
	v26 =	vmul.f32 v19, v4  }
0x152: {  	v47 =	vld [tilespmem:$0x230];
	v27 =	vmul.f32 v20, v5;
	v38 =	vmul.f32 v24, v6  }
0x153: {  	v50 =	vld [tilespmem:$0x280];
	v19 =	vmul.f32 v19, v19;
	v20 =	vmul.f32 v20, v20  }
0x154: {  	v45 =	vmul.f32 v28, v5;
	v28 =	vmul.f32 v28, v28;
	v22 =	vadd.f32 v23, v22;
	v23 =	vld [tilespmem:$0xB0]  }
0x155: {  	v33 =	vld [tilespmem:$0x290];
	v49 =	vmul.f32 v31, v31;
	v32 =	vmul.f32 v44, v5  }
0x156: {  	v51 =	vld [tilespmem:$0x2A0];
	v52 =	vmul.f32 v46, v6;
	v16 =	vadd.f32 v17, v16;
	v17 =	vmul.f32 v18, v18  }
0x157: {  	v41 =	vld [tilespmem:$0x180];
	v18 =	vmul.f32 v21, v7;
	v37 =	vadd.f32 v27, v26;
	v22 =	vadd.f32 v25, v22  }
0x158: {  	v34 =	vld [tilespmem:$0x2B0];
	v53 =	vmul.f32 v46, v46;
	v16 =	vadd.f32 v17, v16;
	v17 =	vmul.f32 v21, v21  }
0x159: {  	v56 =	vld [tilespmem:$0x310];
	v21 =	vadd.f32 v38, v37;
	v18 =	vadd.f32 v18, v22;
	v22 =	vmul.f32 v23, v7  }
0x15a: {  	v63 =	vld [tilespmem:$0x330];
	v55 =	vmul.f32 v47, v7;
	v57 =	vmul.f32 v50, v4;
	v16 =	vadd.f32 v17, v16  }
0x15b: {  	v58 =	vmul.f32 v33, v5;
	v59 =	vmul.f32 v51, v6;
	(xrf2) =	vadd.scan.msk.f32 $0xffff, v18;
	v18 =	vld [tilespmem:$0x110];
	v17 =	vadd.f32 v22, v21  }
0x15c: {  	v60 =	vmul.f32 v50, v50;
	v61 =	vmul.f32 v33, v33;
	(xrf2) =	vadd.scan.msk.f32 $0xffff, v16;
	v16 =	vld [tilespmem:$0x100]  }
0x15d: {  	v40 =	vld [tilespmem:$0x130];
	v62 =	vmul.f32 v34, v7;
	v19 =	vadd.f32 v20, v19;
	v20 =	vmul.f32 v24, v24;
	(xrf2) =	vadd.scan.msk.f32 $0xffff, v17  }
0x15e: {  	v36 =	vmul.f32 v56, v5;
	v34 =	vmul.f32 v34, v34;
	v22 =	vld [tilespmem:$0x120]  }
0x15f: {  	v46 =	vld [tilespmem:$0x3B0];
	v50 =	vmul.f32 v63, v63;
	v19 =	vadd.f32 v20, v19;
	v23 =	vmul.f32 v23, v23  }
0x160: {  	v26 =	vmul.f32 v41, v41;
	v42 =	vmul.f32 v18, v5  }
0x161: {  	v30 =	vmul.f32 v18, v18;
	v18 =	vadd.f32 v23, v19;
	v23 =	vld [tilespmem:$0x1B0];
	v20 =	vmul.f32 v16, v4  }
0x162: {  	v54 =	vld [tilespmem:$0x300];
	v27 =	vmul.f32 v44, v44;
	v25 =	vmul.f32 v40, v40;
	v26 =	vadd.f32 v28, v26  }
0x163: {  	v44 =	vld [tilespmem:$0x3A0];
	v28 =	vmul.f32 v51, v51;
	v19 =	vadd.f32 v42, v20;
	v20 =	vmul.f32 v22, v6  }
0x164: {  	v51 =	vld [tilespmem:$0x410];
	v38 =	vmul.f32 v46, v7;
	v26 =	vadd.f32 v49, v26;
	v29 =	vmul.f32 v16, v16  }
0x165: {  	v49 =	vld [tilespmem:$0x400];
	v22 =	vmul.f32 v22, v22;
	v21, _, _ =	vpop (xrf2);
	v19 =	vadd.f32 v20, v19;
	v20 =	vmul.f32 v40, v7  }
0x166: {  	v43 =	vld [tilespmem:$0x200];
	v48 =	vmul.f32 v23, v7;
	v23 =	vmul.f32 v23, v23;
	v17, _, _ =	vpop (xrf2)  }
0x167: {  	v37 =	vld [tilespmem:$0x380];
	v40 =	vmul.f32 v54, v4;
	v21 =	vbroadcast v21, $0xF;
	v20 =	vadd.f32 v20, v19;
	v39, _, _ =	vpop (xrf2)  }
0x168: {  	v23 =	vadd.f32 v23, v26;
	v26 =	vadd.f32 v58, v57;
	v24 =	vbroadcast v39, $0xF  }
0x169: {  	v42 =	vadd.f32 v36, v40;
	v57 =	vmul.f32 v44, v44;
	v58 =	vld [tilespmem:$0x480];
	v40 =	vmul.f32 v51, v5  }
0x16a: {  	v26 =	vadd.f32 v59, v26;
	v59 =	vmul.f32 v49, v4;
	v16 =	vsel vm0, v21, v24  }
0x16b: {  	v35 =	vld [tilespmem:$0x320];
	v21 =	vadd.f32 v30, v29;
	v24 =	vmul.f32 v43, v43;
	v29 =	vmul.f32 v54, v54  }
0x16c: {  	v39 =	vld [tilespmem:$0x430];
	v30 =	vmul.f32 v56, v56;
	v26 =	vadd.f32 v62, v26;
	v54 =	vmul.f32 v37, v37  }
0x16d: {  	v56 =	vmul.f32 v44, v6;
	v21 =	vadd.f32 v22, v21;
	v22 =	vmul.f32 v41, v4  }
0x16e: {  	v36 =	vmul.f32 v58, v58;
	v24 =	vadd.f32 v27, v24;
	v29 =	vadd.f32 v30, v29  }
0x16f: {  	v41 =	vld [tilespmem:$0x390];
	v19 =	vadd.f32 v25, v21;
	v21 =	vadd.f32 v45, v22;
	v22 =	vmul.f32 v31, v6  }
0x170: {  	v24 =	vadd.f32 v53, v24;
	v25 =	vmul.f32 v47, v47;
	v45 =	vmul.f32 v35, v35  }
0x171: {  	v31 =	vmul.f32 v49, v49;
	v49 =	vmul.f32 v39, v7;
	v21 =	vadd.f32 v22, v21  }
0x172: {  	v22 =	vmul.f32 v43, v4;
	v24 =	vadd.f32 v25, v24;
	v25 =	vadd.f32 v61, v60  }
0x173: {  	v43 =	vmul.f32 v35, v6;
	v29 =	vadd.f32 v45, v29;
	v35 =	vmul.f32 v46, v46;
	v61 =	vld [tilespmem:$0x4A0]  }
0x174: {  	v60 =	vmul.f32 v51, v51;
	v51 =	vld [tilespmem:$0x510];
	v53 =	vmul.f32 v41, v5;
	v22 =	vadd.f32 v32, v22  }
0x175: {  	v21 =	vadd.f32 v48, v21;
	v25 =	vadd.f32 v28, v25;
	v32 =	vmul.f32 v41, v41;
	v41 =	vld [tilespmem:$0x490]  }
0x176: {  	v47 =	vadd.f32 v43, v42;
	v48 =	vmul.f32 v63, v7;
	v29 =	vadd.f32 v50, v29;
	v63 =	vld [tilespmem:$0x4B0]  }
0x177: {  	v31 =	vadd.f32 v60, v31;
	v50 =	vmul.f32 v39, v39;
	v60 =	vld [tilespmem:$0x5A0];
	v22 =	vadd.f32 v52, v22  }
0x178: {  	v39 =	vld [tilespmem:$0x5B0];
	v25 =	vadd.f32 v34, v25;
	v27 =	vadd.f32 v48, v47;
	v52 =	vmul.f32 v37, v4  }
0x179: {  	(xrf2) =	vadd.scan.msk.f32 $0xffff, v18;
	v30 =	vadd.f32 v32, v54;
	v34 =	vadd.f32 v40, v59;
	v48 =	vld [tilespmem:$0x500];
	v33 =	vmul.f32 v61, v61  }
0x17a: {  	(xrf2) =	vadd.scan.msk.f32 $0xffff, v20;
	v54 =	vld [tilespmem:$0x520];
	v45 =	vmul.f32 v51, v5;
	v28 =	vadd.f32 v53, v52;
	v52 =	vmul.f32 v58, v4  }
0x17b: {  	(xrf2) =	vadd.scan.msk.f32 $0xffff, v19;
	v22 =	vadd.f32 v55, v22;
	v55 =	vld [tilespmem:$0x420];
	v42 =	vmul.f32 v41, v5;
	v53 =	vmul.f32 v41, v41  }
0x17c: {  	(xrf2) =	vadd.scan.msk.f32 $0xffff, v21;
	v30 =	vadd.f32 v57, v30;
	v43 =	vmul.f32 v63, v7;
	v59 =	vmul.f32 v63, v63  }
0x17d: {  	(xrf2) =	vadd.scan.msk.f32 $0xffff, v23;
	v58 =	vld [tilespmem:$0x530];
	v63 =	vmul.f32 v51, v51;
	v23 =	vmul.f32 v39, v7;
	v28 =	vadd.f32 v56, v28  }
0x17e: {  	v30 =	vadd.f32 v35, v30;
	(xrf2) =	vadd.scan.msk.f32 $0xffff, v22;
	v22 =	vmul.f32 v60, v60;
	v32 =	vadd.f32 v42, v52  }
0x17f: {  	v36 =	vadd.f32 v53, v36;
	v44 =	vmul.f32 v48, v4;
	v35 =	vmul.f32 v48, v48  }
0x180: {  	v56 =	vld [tilespmem:$0x580];
	v51 =	vmul.f32 v54, v54;
	v28 =	vadd.f32 v38, v28;
	v62 =	vmul.f32 v55, v6  }
0x181: {  	v57 =	vld [tilespmem:$0x590];
	v47 =	vmul.f32 v55, v55;
	v55 =	vmul.f32 v61, v6;
	v33 =	vadd.f32 v33, v36  }
0x182: {  	v52 =	vld [tilespmem:$0x610];
	v61 =	vadd.f32 v45, v44;
	v20 =	vmul.f32 v58, v7;
	v35 =	vadd.f32 v63, v35  }
0x183: {  	v19 =	vmul.f32 v58, v58;
	v58 =	vld [tilespmem:$0x630];
	v45 =	vmul.f32 v39, v39;
	v34 =	vadd.f32 v62, v34  }
0x184: {  	v63 =	vld [tilespmem:$0x6A0];
	v31 =	vadd.f32 v47, v31;
	v32 =	vadd.f32 v55, v32;
	v62 =	vmul.f32 v54, v6  }
0x185: {  	v33 =	vadd.f32 v59, v33;
	v48 =	vmul.f32 v56, v4;
	v54 =	vmul.f32 v60, v6;
	v55 =	vld [tilespmem:$0x620]  }
0x186: {  	v21 =	vadd.f32 v51, v35;
	v56 =	vmul.f32 v56, v56;
	v59 =	vld [tilespmem:$0x680];
	v34 =	vadd.f32 v49, v34  }
0x187: {  	(xrf2) =	vadd.scan.msk.f32 $0xffff, v24;
	v60 =	vld [tilespmem:$0x690];
	v31 =	vadd.f32 v50, v31;
	v32 =	vadd.f32 v43, v32;
	v49 =	vmul.f32 v57, v5  }
0x188: {  	(xrf2) =	vadd.scan.msk.f32 $0xffff, v26;
	v18 =	vadd.f32 v62, v61;
	v57 =	vmul.f32 v57, v57;
	v61 =	vmul.f32 v52, v5  }
0x189: {  	(xrf2) =	vadd.scan.msk.f32 $0xffff, v25;
	v50 =	vld [tilespmem:$0x600];
	v19 =	vadd.f32 v19, v21;
	v62 =	vmul.f32 v52, v52;
	v47 =	vmul.f32 v58, v7  }
0x18a: {  	(xrf2) =	vadd.scan.msk.f32 $0xffff, v27;
	v53 =	vadd.f32 v49, v48;
	v18 =	vadd.f32 v20, v18;
	v46 =	vmul.f32 v55, v6  }
0x18b: {  	v41, _, _ =	vpop (xrf2);
	v39 =	vld [tilespmem:$0x700];
	(xrf2) =	vadd.scan.msk.f32 $0xffff, v29;
	v21 =	vadd.f32 v57, v56;
	v48 =	vmul.f32 v55, v55;
	v51 =	vmul.f32 v59, v4  }
0x18c: {  	v43, _, _ =	vpop (xrf2);
	(xrf2) =	vadd.scan.msk.f32 $0xffff, v28;
	v49 =	vld [tilespmem:$0x710];
	v52 =	vmul.f32 v60, v5;
	v55 =	vmul.f32 v63, v6;
	v20 =	vadd.f32 v54, v53  }
0x18d: {  	v26 =	vld [tilespmem:$0x720];
	v28, _, _ =	vpop (xrf2);
	(xrf2) =	vadd.scan.msk.f32 $0xffff, v30;
	v56 =	vmul.f32 v59, v59;
	v57 =	vmul.f32 v60, v60;
	v21 =	vadd.f32 v22, v21  }
0x18e: {  	v30, _, _ =	vpop (xrf2);
	(xrf2) =	vadd.scan.msk.f32 $0xffff, v34;
	v60 =	vld [tilespmem:$0x780];
	v53 =	vmul.f32 v58, v58;
	v20 =	vadd.f32 v23, v20;
	v23 =	vmul.f32 v50, v4  }
0x18f: {  	v37, _, _ =	vpop (xrf2);
	(xrf2) =	vadd.scan.msk.f32 $0xffff, v31;
	v22 =	vmul.f32 v50, v50;
	v54 =	vadd.f32 v52, v51;
	v25 =	vadd.f32 v57, v56;
	v50 =	vld [tilespmem:$0x6B0]  }
0x190: {  	v58 =	vmul.f32 v39, v4;
	v42, _, _ =	vpop (xrf2);
	(xrf2) =	vadd.scan.msk.f32 $0xffff, v32;
	v21 =	vadd.f32 v45, v21;
	v23 =	vadd.f32 v61, v23  }
0x191: {  	v35 =	vld [tilespmem:$0x730];
	v44, _, _ =	vpop (xrf2);
	(xrf2) =	vadd.scan.msk.f32 $0xffff, v33;
	v22 =	vadd.f32 v62, v22;
	v27 =	vadd.f32 v55, v54;
	v59 =	vmul.f32 v49, v5  }
0x192: {  	v33, _, _ =	vpop (xrf2);
	(xrf2) =	vadd.scan.msk.f32 $0xffff, v18;
	v62 =	vmul.f32 v63, v63;
	v63 =	vld [tilespmem:$0x790];
	v49 =	vmul.f32 v49, v49;
	v23 =	vadd.f32 v46, v23  }
0x193: {  	v51, _, _ =	vpop (xrf2);
	(xrf2) =	vadd.scan.msk.f32 $0xffff, v19;
	v54 =	vmul.f32 v26, v26;
	v57 =	vmul.f32 v60, v4;
	v22 =	vadd.f32 v48, v22  }
0x194: {  	v31, _, _ =	vpop (xrf2);
	(xrf2) =	vadd.scan.msk.f32 $0xffff, v20;
	v29 =	vadd.f32 v59, v58;
	v61 =	vmul.f32 v50, v7;
	v23 =	vadd.f32 v47, v23  }
0x195: {  	v48 =	vmul.f32 v39, v39;
	v56, _, _ =	vpop (xrf2);
	(xrf2) =	vadd.scan.msk.f32 $0xffff, v21;
	v22 =	vadd.f32 v53, v22;
	v24 =	vmul.f32 v50, v50;
	v50 =	vld [tilespmem:$0x7A0]  }
0x196: {  	v32, _, _ =	vpop (xrf2);
	v53 =	vmul.f32 v35, v7;
	v47 =	vmul.f32 v26, v6;
	v19 =	vadd.f32 v61, v27;
	(xrf2) =	vadd.scan.msk.f32 $0xffff, v23  }
0x197: {  	v18 =	vadd.f32 v62, v25;
	v59 =	vmul.f32 v63, v63;
	v23 =	vmul.f32 v60, v60;
	v60, _, _ =	vpop (xrf2);
	(xrf2) =	vadd.scan.msk.f32 $0xffff, v22  }
0x198: {  	v52 =	vadd.f32 v47, v29;
	v22 =	vmul.f32 v35, v35;
	v35, _, _ =	vpop (xrf2);
	(xrf2) =	vadd.scan.msk.f32 $0xffff, v19;
	v19 =	vbroadcast v41, $0xF;
	v41 =	vld [tilespmem:$0x1FF10]  }
0x199: {  	v20 =	vadd.f32 v49, v48;
	v58 =	vmul.f32 v63, v5;
	v18 =	vadd.f32 v24, v18  }
0x19a: {  	v55 =	vld [tilespmem:$0x7B0];
	v21 =	vadd.f32 v53, v52;
	v23 =	vadd.f32 v59, v23;
	v62 =	vmul.f32 v50, v50  }
0x19b: {  	v17 =	vbroadcast v17, $0xF;
	v20 =	vadd.f32 v54, v20;
	v63, _, _ =	vpop (xrf2);
	(xrf2) =	vadd.scan.msk.f32 $0xffff, v18  }
0x19c: {  	v27 =	vadd.f32 v58, v57;
	v38, _, _ =	vpop (xrf2);
	(xrf2) =	vadd.scan.msk.f32 $0xffff, v21;
	v21 =	vadd.f32 v62, v23;
	v23 =	vbroadcast v28, $0xF  }
0x19d: {  	v61 =	vmul.f32 v50, v6;
	v17 =	vsel vm0, v17, v19;
	vm1 =	vnez.u8 v41  }
0x19e: {  	v18 =	vadd.f32 v22, v20;
	v17 =	vsel vm1, v17, v23;
	v23 =	vbroadcast v44, $0xF;
	v44 =	vld [tilespmem:$0x1FF20]  }
0x19f: {  	v22 =	vmul.f32 v55, v7  }
0x1a0: {  	v20 =	vadd.f32 v61, v27;
	v19, _, _ =	vpop (xrf2);
	(xrf2) =	vadd.scan.msk.f32 $0xffff, v18;
	v18 =	vbroadcast v37, $0xF;
	_ =	sdelay $0x1  }
0x1a1: {  	v20 =	vadd.f32 v22, v20  }
0x1a2: {  	v22, _, _ =	vpop (xrf2);
	vm2 =	vnez.u8 v44  }
0x1a3: {  	v47 =	vld [tilespmem:$0x1FF30];
	v17 =	vsel vm2, v17, v18;
	v18, _, _ =	vpop (xrf2);
	(xrf2) =	vadd.scan.msk.f32 $0xffff, v20;
	v20 =	vbroadcast v43, $0xF;
	_ =	sdelay $0x1  }
0x1a4: {  	v16 =	vsel vm1, v16, v20;
	v20 =	vld [tilespmem:$0x1FF40]  }
0x1a5: {  	v50 =	vld [tilespmem:$0x1FF50]  }
0x1a6: {  	v45 =	vbroadcast v51, $0xF;
	v53 =	vld [tilespmem:$0x1FF60]  }
0x1a7: {  	v46 =	vbroadcast v30, $0xF;
	v39 =	vmul.f32 v55, v55;
	v55 =	vld [tilespmem:$0x1FF70];
	vm3 =	vnez.u8 v47  }
0x1a8: {  	v54 =	vbroadcast v33, $0xF;
	v17 =	vsel vm3, v17, v23;
	v23 =	vbroadcast v56, $0xF;
	v56 =	vld [tilespmem:$0x1FF80]  }
0x1a9: {  	v57 =	vld [tilespmem:$0x1FF90];
	v52 =	vbroadcast v42, $0xF;
	v21 =	vadd.f32 v39, v21;
	vm4 =	vnez.u8 v20  }
0x1aa: {  	v59 =	vld [tilespmem:$0x1FFA0];
	vm5 =	vnez.u8 v50;
	v20 =	vbroadcast v60, $0xF;
	v17 =	vsel vm4, v17, v45  }
0x1ab: {  	vm6 =	vnez.u8 v53;
	v17 =	vsel vm5, v17, v23;
	v23 =	vbroadcast v63, $0xF  }
0x1ac: {  	v19 =	vbroadcast v19, $0xF;
	vm7 =	vnez.u8 v55;
	v48, _, _ =	vpop (xrf2);
	v17 =	vsel vm6, v17, v20  }
0x1ad: {  	(xrf2) =	vadd.scan.msk.f32 $0xffff, v21;
	v18 =	vbroadcast v18, $0xF;
	v21, _, _ =	vpop (xrf2);
	vm8 =	vnez.u8 v56;
	v17 =	vsel vm7, v17, v23  }
0x1ae: {  	vm9 =	vnez.u8 v57;
	v17 =	vsel vm8, v17, v19;
	v19 =	vbroadcast v21, $0xF  }
0x1af: {  	vm10 =	vnez.u8 v59;
	v16 =	vsel vm2, v16, v46;
	v17 =	vsel vm9, v17, v18  }
0x1b0: {  	v16 =	vsel vm3, v16, v52;
	v17 =	vsel vm10, v17, v19;
	v19 =	vbroadcast v31, $0xF  }
0x1b1: {  	v16 =	vsel vm4, v16, v54  }
0x1b2: {  	v16 =	vsel vm5, v16, v19;
	v19 =	vld [tilespmem:$0x1FFC0];
	_ =	sdelay $0x1  }
0x1b3: {  	v61 =	vld [tilespmem:$0x1FFB0];
	v49, _, _ =	vpop (xrf2)  }
0x1b4: {  	v51, _, _ =	vpop (xrf2)  }
0x1b5: {  	v60 =	vbroadcast v32, $0xF;
	v20, _, _ =	vpop (xrf2)  }
0x1b6: {  	v23, _, _ =	vpop (xrf2);
	vm12 =	vnez.u8 v19;
	v19 =	vbroadcast v35, $0xF  }
0x1b7: {  	v63 =	vld [tilespmem:$0x1FFD0];
	v18 =	vbroadcast v51, $0xF;
	v21, _, _ =	vpop (xrf2);
	v16 =	vsel vm6, v16, v60  }
0x1b8: {  	vm11 =	vnez.u8 v61;
	v58, _, _ =	vpop (xrf2);
	v16 =	vsel vm7, v16, v19;
	v19 =	vld [tilespmem:$0x1FFE0]  }
0x1b9: {  	v17 =	vsel vm11, v17, v18;
	v18 =	vbroadcast v58, $0xF  }
0x1ba: {  	v23 =	vbroadcast v23, $0xF;
	_ =	sdelay $0x1  }
0x1bb: {  	vm13 =	vnez.u8 v63;
	v62, _, _ =	vpop (xrf2);
	v17 =	vsel vm12, v17, v23  }
0x1bc: {  	v23 =	vbroadcast v38, $0xF;
	v17 =	vsel vm13, v17, v18;
	v18, _, _ =	vpop (xrf2);
	vm14 =	vnez.u8 v19  }
0x1bd: {  	v17 =	vsel vm14, v17, v18;
	v18 =	vbroadcast v22, $0xF  }
0x1be: {  	v16 =	vsel vm8, v16, v23;
	v19 =	vbroadcast v48, $0xF  }
0x1bf: {  	(erf) = vrcp.f32 v17;
	v17 =	vbroadcast v49, $0xF;
	v16 =	vsel vm9, v16, v18  }
0x1c0: {  	v18 =	vbroadcast v20, $0xF;
	v16 =	vsel vm10, v16, v19  }
0x1c1: {  	v16 =	vsel vm11, v16, v17;
	v17 =	vbroadcast v21, $0xF  }
0x1c2: {  	v16 =	vsel vm12, v16, v18  }
0x1c3: {  	v16 =	vsel vm13, v16, v17  }
0x1c4: {  	v16 =	vsel vm14, v16, v62  }
0x1c5: {  	v17 =	vand.u32 $0x7FFFFFFF, v16;
	_ =	sdelay $0x1  }
0x1c6: {  	v16 =	vmul.f32 v17, v16  }
0x1c7: {  	v17 =	vpop (erf)  }
0x1c8: {  	v16 =	vmul.f32 v16, v17;
	_ =	sdelay $0x1  }
0x1c9: {  	vm0 =	vgt.f32 v16, v14  }
0x1ca: {  	v17 =	vsel vm0, v14, v16  }
0x1cb: {  	v14 =	vsel vm0, v16, v14;
	v16 =	vsel vm0, v1, v12;
	vm15 =	vgt.f32 v17, v15  }
0x1cc: {  	v19 =	vsel vm0, v12, v1;
	v18 =	vsel vm15, v15, v17;
	v12 =	vsel vm15, v17, v15  }
0x1cd: {  	v15 =	vsel vm15, v19, v11;
	v17 =	vsel vm15, v11, v19;
	vm0 =	vgt.f32 v18, v13  }
0x1ce: {  	[tilespmem:s24], [sflag:$0x3] =	stream.linear.gather [hbm4b:s10+s24], $0x2000, $0x38;
	v19 =	vsel vm0, v13, v18;
	v11 =	vsel vm0, v18, v13;
	v13 =	vsel vm0, v10, v17;
	[tilespmem:$0x10180] =	vst v63  }
0x1cf: {  	_ =	swait.ge [sflag:s17], $0x2000;
	v20 =	vmov v16;
	v23 =	vmov v14;
	vm15 =	vgt.f32 v19, v9  }
0x1d0: {  	[sflag:s17] =	ssyncset.done $0x0;
	v22 =	vmovc v12;
	v10 =	vsel vm0, v17, v10;
	v9 =	vsel vm15, v19, v9;
	v8 =	vsel vm15, v13, v8  }
0x1d1: {  	s25 =	simm.s32 $0x400;
	[sflag:s17] =	ssyncadd.s32 $0xFFFFE000;
	v18 =	vmovc v10;
	v21 =	vmovc v11;
	v13 =	vmov v8;
	v19 =	vmov v15;
	v17 =	vmov v9  }
.LBB2_8:
0x1d2: {  	v24 =	vld [tilespmem:s25+$0xFFFFFC00]  }
0x1d3: {  	v25 =	vld [tilespmem:s25+$0xFFFFFC10]  }
0x1d4: {  	v26 =	vld [tilespmem:s25+$0xFFFFFC20]  }
0x1d5: {  	v27 =	vld [tilespmem:s25+$0xFFFFFC80]  }
0x1d6: {  	v28 =	vld [tilespmem:s25+$0xFFFFFC90]  }
0x1d7: {  	v29 =	vld [tilespmem:s25+$0xFFFFFC30]  }
0x1d8: {  	v32 =	vld [tilespmem:s25+$0xFFFFFCA0]  }
0x1d9: {  	v59 =	vld [tilespmem:s25+$0xFFFFFCB0];
	v30 =	vmul.f32 v24, v4  }
0x1da: {  	v40 =	vld [tilespmem:s25+$0xFFFFFD00];
	v31 =	vmul.f32 v25, v5;
	v33 =	vmul.f32 v26, v6  }
0x1db: {  	v41 =	vld [tilespmem:s25+$0xFFFFFD10];
	v24 =	vmul.f32 v24, v24;
	v25 =	vmul.f32 v25, v25  }
0x1dc: {  	v43 =	vld [tilespmem:s25+$0xFFFFFD20];
	v34 =	vmul.f32 v27, v4;
	v35 =	vmul.f32 v28, v5  }
0x1dd: {  	v46 =	vld [tilespmem:s25+$0xFFFFFD30];
	v60 =	vmul.f32 v26, v26;
	v61 =	vmul.f32 v29, v7  }
0x1de: {  	v47 =	vld [tilespmem:s25+$0xFFFFFD80];
	v63 =	vmul.f32 v32, v6;
	v36 =	vmul.f32 v29, v29;
	v30 =	vadd.f32 v31, v30  }
0x1df: {  	v52 =	vld [tilespmem:s25+$0xFFFFFDB0];
	v38 =	vmul.f32 v59, v7;
	v27 =	vmul.f32 v27, v27;
	v24 =	vadd.f32 v25, v24  }
0x1e0: {  	v55 =	vld [tilespmem:s25+$0xFFFFFE00];
	v28 =	vmul.f32 v28, v28;
	v62 =	vadd.f32 v35, v34;
	v30 =	vadd.f32 v33, v30  }
0x1e1: {  	v57 =	vld [tilespmem:s25+$0xFFFFFE10];
	v44 =	vmul.f32 v32, v32;
	v48 =	vmul.f32 v40, v4;
	v24 =	vadd.f32 v60, v24  }
0x1e2: {  	v53 =	vld [tilespmem:$0x1FFF0];
	v49 =	vmul.f32 v41, v5;
	v37 =	vadd.f32 v63, v62;
	v26 =	vadd.f32 v61, v30  }
0x1e3: {  	v58 =	vmul.f32 v47, v4;
	v34 =	vmul.f32 v47, v47;
	v47 =	vld [tilespmem:s25+$0xFFFFFE80];
	v24 =	vadd.f32 v36, v24  }
0x1e4: {  	v51 =	vmul.f32 v43, v6;
	v50 =	vadd.f32 v49, v48;
	v49 =	vld [tilespmem:s25+$0xFFFFFEA0];
	v39 =	vadd.f32 v38, v37;
	(xrf2) =	vadd.scan.msk.f32 $0xffff, v26  }
0x1e5: {  	v56 =	vmul.f32 v46, v7;
	v27 =	vadd.f32 v28, v27;
	v31 =	vmul.f32 v59, v59;
	v60 =	vld [tilespmem:s25+$0xFFFFFE20];
	(xrf2) =	vadd.scan.msk.f32 $0xffff, v24  }
0x1e6: {  	v48 =	vmul.f32 v55, v4;
	v35 =	vmul.f32 v57, v57;
	v36 =	vld [tilespmem:s25+$0xFFFFFD90];
	(xrf2) =	vadd.scan.msk.f32 $0xffff, v39  }
0x1e7: {  	v27 =	vadd.f32 v44, v27;
	v33 =	vmul.f32 v46, v46;
	v63 =	vld [tilespmem:s25+$0xFFFFFE30];
	v37 =	vmul.f32 v40, v40  }
0x1e8: {  	v38 =	vmul.f32 v41, v41;
	v30 =	vmul.f32 v43, v43;
	v41 =	vld [tilespmem:s25+$0xFFFFFE90]  }
0x1e9: {  	v40 =	vmul.f32 v57, v5;
	v57 =	vmul.f32 v49, v6;
	v26 =	vadd.f32 v31, v27;
	v39 =	vld [tilespmem:s25+$0xFFFFFDA0]  }
0x1ea: {  	v27 =	vadd.f32 v51, v50;
	v31 =	vmul.f32 v52, v52;
	v50 =	vmul.f32 v60, v6  }
0x1eb: {  	v43 =	vld [tilespmem:s25+$0xFFFFFF20];
	v51 =	vmul.f32 v60, v60;
	v59 =	vmul.f32 v36, v5  }
0x1ec: {  	vm0 =	vnez.u8 v53;
	v53 =	vmul.f32 v63, v7;
	v36 =	vmul.f32 v36, v36  }
0x1ed: {  	v28 =	vadd.f32 v56, v27;
	v56 =	vmul.f32 v41, v5;
	v61 =	vadd.f32 v59, v58  }
0x1ee: {  	v34 =	vadd.f32 v36, v34;
	v58 =	vmul.f32 v47, v47;
	v46 =	vmul.f32 v39, v39;
	v42, _, _ =	vpop (xrf2)  }
0x1ef: {  	v59 =	vmul.f32 v41, v41;
	v25, _, _ =	vpop (xrf2);
	v29 =	vbroadcast v42, $0xF;
	v42 =	vld [tilespmem:s25+$0xFFFFFEB0]  }
0x1f0: {  	v36 =	vmul.f32 v49, v49;
	v49 =	vmul.f32 v43, v6;
	v34 =	vadd.f32 v46, v34;
	v45, _, _ =	vpop (xrf2)  }
0x1f1: {  	v54 =	vadd.f32 v38, v37;
	v62 =	vmul.f32 v39, v6;
	v32 =	vbroadcast v45, $0xF  }
0x1f2: {  	v31 =	vadd.f32 v31, v34;
	v25 =	vbroadcast v25, $0xF;
	v45 =	vmul.f32 v52, v7;
	v52 =	vld [tilespmem:s25+$0xFFFFFF00]  }
0x1f3: {  	v24 =	vsel vm0, v29, v32;
	v29 =	vadd.f32 v30, v54;
	v32 =	vmul.f32 v55, v55  }
0x1f4: {  	v30 =	vadd.f32 v40, v48;
	v54 =	vld [tilespmem:s25+$0xFFFFFF10];
	v55 =	vmul.f32 v47, v4;
	v60 =	vmul.f32 v42, v7  }
0x1f5: {  	v42 =	vmul.f32 v42, v42;
	v27 =	vadd.f32 v33, v29;
	v29 =	vadd.f32 v62, v61;
	v61 =	vld [tilespmem:s25+$0xFFFFFF30]  }
0x1f6: {  	v32 =	vadd.f32 v35, v32;
	v30 =	vadd.f32 v50, v30;
	v33 =	vmul.f32 v63, v63;
	v63 =	vld [tilespmem:s25+$0xFFFFFF90]  }
0x1f7: {  	v34 =	vadd.f32 v56, v55;
	v50 =	vld [tilespmem:s25+$0xFFFFFFA0];
	v62 =	vmul.f32 v52, v4;
	v29 =	vadd.f32 v45, v29  }
0x1f8: {  	v55 =	vld [tilespmem:s25+$0x0];
	v37 =	vmul.f32 v52, v52;
	v32 =	vadd.f32 v51, v32;
	v30 =	vadd.f32 v53, v30  }
0x1f9: {  	v52 =	vld [tilespmem:s25+$0xFFFFFFB0];
	v34 =	vadd.f32 v57, v34;
	v51 =	vmul.f32 v43, v43;
	v44 =	vmul.f32 v54, v5  }
0x1fa: {  	v45 =	vld [tilespmem:s25+$0xFFFFFF80];
	v38 =	vmul.f32 v54, v54;
	v32 =	vadd.f32 v33, v32;
	v33 =	vadd.f32 v59, v58  }
0x1fb: {  	v34 =	vadd.f32 v60, v34;
	v54 =	vmul.f32 v61, v7;
	v56 =	vmul.f32 v61, v61  }
0x1fc: {  	v57 =	vld [tilespmem:s25+$0x10];
	v48 =	vadd.f32 v44, v62;
	v59 =	vmul.f32 v63, v5;
	v40 =	vmul.f32 v63, v63  }
0x1fd: {  	v37 =	vadd.f32 v38, v37;
	v62 =	vmul.f32 v50, v6;
	v63 =	vmul.f32 v50, v50  }
0x1fe: {  	v47 =	vld [tilespmem:s25+$0x30];
	v39 =	vmul.f32 v55, v55;
	v33 =	vadd.f32 v36, v33;
	v46 =	vmul.f32 v52, v7  }
0x1ff: {  	v61 =	vld [tilespmem:s25+$0x20];
	v43 =	vmul.f32 v52, v52;
	v53 =	vadd.f32 v49, v48;
	v58 =	vmul.f32 v45, v4  }
0x200: {  	v52 =	vld [tilespmem:s25+$0x80];
	v37 =	vadd.f32 v51, v37;
	v60 =	vmul.f32 v45, v45;
	v33 =	vadd.f32 v42, v33  }
0x201: {  	v48 =	vmul.f32 v57, v5;
	v49 =	vld [tilespmem:s25+$0x90];
	v35 =	vadd.f32 v54, v53;
	v36 =	vadd.f32 v59, v58  }
0x202: {  	v37 =	vadd.f32 v56, v37;
	v38 =	vadd.f32 v40, v60;
	v53 =	vmul.f32 v55, v4  }
0x203: {  	v45 =	vld [tilespmem:s25+$0x190];
	v54 =	vmul.f32 v57, v57;
	v57 =	vmul.f32 v47, v7;
	v36 =	vadd.f32 v62, v36  }
0x204: {  	v55 =	vld [tilespmem:s25+$0xA0];
	v56 =	vmul.f32 v61, v61;
	v38 =	vadd.f32 v63, v38;
	v42 =	vadd.f32 v48, v53  }
0x205: {  	v59 =	vld [tilespmem:s25+$0x110];
	v62 =	vmul.f32 v61, v6;
	v39 =	vadd.f32 v54, v39;
	v60 =	vmul.f32 v52, v4  }
0x206: {  	v63 =	vld [tilespmem:s25+$0xB0];
	v44 =	vmul.f32 v52, v52;
	v50 =	vmul.f32 v49, v5;
	v36 =	vadd.f32 v46, v36  }
0x207: {  	v61 =	vmul.f32 v49, v49;
	v38 =	vadd.f32 v43, v38;
	v43 =	vld [tilespmem:s25+$0x100];
	v42 =	vadd.f32 v62, v42  }
0x208: {  	v58 =	vmul.f32 v47, v47;
	v49 =	vld [tilespmem:s25+$0x120];
	v39 =	vadd.f32 v56, v39;
	v40 =	vadd.f32 v50, v60  }
0x209: {  	v46 =	vld [tilespmem:s25+$0x130];
	v62 =	vmul.f32 v55, v6;
	v44 =	vadd.f32 v61, v44;
	v41 =	vmul.f32 v55, v55  }
0x20a: {  	v50 =	vld [tilespmem:s25+$0x180];
	v53 =	vmul.f32 v59, v5;
	v60 =	vmul.f32 v45, v5;
	v42 =	vadd.f32 v57, v42  }
0x20b: {  	v39 =	vadd.f32 v58, v39;
	v58 =	vmul.f32 v59, v59;
	v51 =	vmul.f32 v63, v7  }
0x20c: {  	v48 =	vld [tilespmem:s25+$0x1A0];
	v40 =	vadd.f32 v62, v40;
	v63 =	vmul.f32 v63, v63;
	v52 =	vmul.f32 v43, v4  }
0x20d: {  	v47 =	vld [tilespmem:s25+$0x1B0];
	v41 =	vadd.f32 v41, v44;
	v57 =	vmul.f32 v49, v6;
	v62 =	vmul.f32 v49, v49  }
0x20e: {  	v49 =	vld [tilespmem:s25+$0x210];
	v40 =	vadd.f32 v51, v40;
	v43 =	vmul.f32 v43, v43;
	v56 =	vadd.f32 v53, v52  }
0x20f: {  	(xrf2) =	vadd.scan.msk.f32 $0xffff, v26;
	v41 =	vadd.f32 v63, v41;
	v61 =	vmul.f32 v46, v7;
	v59 =	vmul.f32 v50, v4  }
0x210: {  	(xrf2) =	vadd.scan.msk.f32 $0xffff, v28;
	v63 =	vmul.f32 v46, v46;
	v53 =	vld [tilespmem:s25+$0x200];
	v43 =	vadd.f32 v58, v43;
	v26 =	vadd.f32 v57, v56  }
0x211: {  	(xrf2) =	vadd.scan.msk.f32 $0xffff, v27;
	v52 =	vld [tilespmem:s25+$0x220];
	v56 =	vadd.f32 v60, v59;
	v57 =	vmul.f32 v48, v6;
	v59 =	vmul.f32 v50, v50  }
0x212: {  	(xrf2) =	vadd.scan.msk.f32 $0xffff, v29;
	v46 =	vld [tilespmem:s25+$0x280];
	v58 =	vadd.f32 v62, v43;
	v60 =	vmul.f32 v45, v45;
	v62 =	vmul.f32 v47, v7  }
0x213: {  	(xrf2) =	vadd.scan.msk.f32 $0xffff, v31;
	v45 =	vld [tilespmem:s25+$0x230];
	v50 =	vmul.f32 v48, v48;
	v54 =	vmul.f32 v49, v5;
	v26 =	vadd.f32 v61, v26  }
0x214: {  	(xrf2) =	vadd.scan.msk.f32 $0xffff, v30;
	v43 =	vld [tilespmem:s25+$0x290];
	v61 =	vadd.f32 v57, v56;
	v27 =	vadd.f32 v63, v58;
	v56 =	vmul.f32 v49, v49  }
0x215: {  	(xrf2) =	vadd.scan.msk.f32 $0xffff, v32;
	v44 =	vld [tilespmem:s25+$0x2A0];
	v63 =	vadd.f32 v60, v59;
	v57 =	vmul.f32 v47, v47;
	v51 =	vmul.f32 v53, v4  }
0x216: {  	(xrf2) =	vadd.scan.msk.f32 $0xffff, v34;
	v48 =	vld [tilespmem:s25+$0x310];
	v55 =	vmul.f32 v53, v53;
	v58 =	vmul.f32 v52, v6  }
0x217: {  	(xrf2) =	vadd.scan.msk.f32 $0xffff, v33;
	v47 =	vld [tilespmem:s25+$0x300];
	v60 =	vmul.f32 v52, v52;
	v28 =	vadd.f32 v62, v61;
	v29 =	vadd.f32 v50, v63  }
0x218: {  	(xrf2) =	vadd.scan.msk.f32 $0xffff, v35;
	v62 =	vmul.f32 v46, v4;
	v31 =	vadd.f32 v54, v51;
	v59 =	vmul.f32 v45, v7  }
0x219: {  	v34 =	vld [tilespmem:s25+$0x320];
	v49, _, _ =	vpop (xrf2);
	(xrf2) =	vadd.scan.msk.f32 $0xffff, v37;
	v30 =	vadd.f32 v56, v55;
	v63 =	vmul.f32 v43, v5;
	v52 =	vmul.f32 v45, v45  }
0x21a: {  	v61 =	vld [tilespmem:s25+$0x2B0];
	v54 =	vmul.f32 v44, v6;
	v55 =	vmul.f32 v46, v46;
	v29 =	vadd.f32 v57, v29;
	v51, _, _ =	vpop (xrf2);
	(xrf2) =	vadd.scan.msk.f32 $0xffff, v36  }
0x21b: {  	v56 =	vmul.f32 v43, v43;
	v43 =	vld [tilespmem:s25+$0x330];
	v31 =	vadd.f32 v58, v31;
	v30 =	vadd.f32 v60, v30;
	v36, _, _ =	vpop (xrf2);
	(xrf2) =	vadd.scan.msk.f32 $0xffff, v38  }
0x21c: {  	v46 =	vld [tilespmem:s25+$0x380];
	v53 =	vadd.f32 v63, v62;
	v57 =	vmul.f32 v47, v4;
	v58 =	vmul.f32 v48, v5;
	v38, _, _ =	vpop (xrf2);
	(xrf2) =	vadd.scan.msk.f32 $0xffff, v42  }
0x21d: {  	v33 =	vadd.f32 v56, v55;
	v60 =	vmul.f32 v44, v44;
	v44 =	vld [tilespmem:s25+$0x390];
	v31 =	vadd.f32 v59, v31;
	v45, _, _ =	vpop (xrf2);
	(xrf2) =	vadd.scan.msk.f32 $0xffff, v39  }
0x21e: {  	v63 =	vmul.f32 v47, v47;
	v30 =	vadd.f32 v52, v30;
	v35 =	vadd.f32 v54, v53;
	v50, _, _ =	vpop (xrf2);
	(xrf2) =	vadd.scan.msk.f32 $0xffff, v40  }
0x21f: {  	v47 =	vld [tilespmem:s25+$0x3A0];
	v59 =	vmul.f32 v61, v7;
	v32 =	vmul.f32 v61, v61;
	v37 =	vadd.f32 v58, v57;
	v52, _, _ =	vpop (xrf2);
	(xrf2) =	vadd.scan.msk.f32 $0xffff, v41  }
0x220: {  	v61 =	vmul.f32 v34, v6;
	v62 =	vadd.f32 v60, v33;
	v53 =	vmul.f32 v48, v48;
	v33 =	vld [tilespmem:s25+$0x3B0];
	v41, _, _ =	vpop (xrf2);
	(xrf2) =	vadd.scan.msk.f32 $0xffff, v26  }
0x221: {  	v58 =	vmul.f32 v34, v34;
	v56 =	vmul.f32 v43, v7;
	v54 =	vadd.f32 v59, v35;
	v48, _, _ =	vpop (xrf2);
	(xrf2) =	vadd.scan.msk.f32 $0xffff, v27  }
0x222: {  	v55 =	vadd.f32 v61, v37;
	v59 =	vmul.f32 v46, v4;
	v60 =	vmul.f32 v44, v5;
	v39, _, _ =	vpop (xrf2);
	(xrf2) =	vadd.scan.msk.f32 $0xffff, v28  }
0x223: {  	v57 =	vadd.f32 v53, v63;
	v61 =	vmul.f32 v46, v46;
	v63 =	vmul.f32 v43, v43;
	v34, _, _ =	vpop (xrf2);
	(xrf2) =	vadd.scan.msk.f32 $0xffff, v29  }
0x224: {  	v26 =	vadd.f32 v32, v62;
	v62 =	vmul.f32 v44, v44;
	v35 =	vadd.f32 v60, v59;
	v40, _, _ =	vpop (xrf2);
	(xrf2) =	vadd.scan.msk.f32 $0xffff, v31  }
0x225: {  	v53 =	vmul.f32 v47, v6;
	v59 =	vmul.f32 v33, v7;
	v28 =	vadd.f32 v58, v57;
	v42, _, _ =	vpop (xrf2);
	(xrf2) =	vadd.scan.msk.f32 $0xffff, v30  }
0x226: {  	v29 =	vadd.f32 v56, v55;
	v55 =	vmul.f32 v47, v47;
	v31 =	vadd.f32 v62, v61;
	v43, _, _ =	vpop (xrf2);
	(xrf2) =	vadd.scan.msk.f32 $0xffff, v54  }
0x227: {  	v58 =	vadd.f32 v53, v35;
	v57 =	vadd.f32 v63, v28;
	v54 =	vbroadcast v49, $0xF;
	v56, _, _ =	vpop (xrf2);
	(xrf2) =	vadd.scan.msk.f32 $0xffff, v26  }
0x228: {  	v61 =	vbroadcast v36, $0xF;
	v62 =	vmul.f32 v33, v33;
	v60 =	vadd.f32 v55, v31;
	v35, _, _ =	vpop (xrf2);
	(xrf2) =	vadd.scan.msk.f32 $0xffff, v29  }
0x229: {  	v36 =	vbroadcast v45, $0xF;
	v28 =	vadd.f32 v59, v58;
	v25 =	vsel vm0, v25, v54;
	v63, _, _ =	vpop (xrf2);
	(xrf2) =	vadd.scan.msk.f32 $0xffff, v57  }
0x22a: {  	v37 =	vbroadcast v52, $0xF;
	v29 =	vadd.f32 v62, v60;
	v25 =	vsel vm1, v25, v61;
	v30, _, _ =	vpop (xrf2)  }
0x22b: {  	v46 =	vbroadcast v51, $0xF;
	v47 =	vbroadcast v48, $0xF;
	v25 =	vsel vm2, v25, v36;
	v45, _, _ =	vpop (xrf2);
	(xrf2) =	vadd.scan.msk.f32 $0xffff, v28  }
0x22c: {  	v48 =	vbroadcast v38, $0xF;
	v49 =	vbroadcast v34, $0xF;
	v25 =	vsel vm3, v25, v37;
	v51, _, _ =	vpop (xrf2);
	(xrf2) =	vadd.scan.msk.f32 $0xffff, v29  }
0x22d: {  	v24 =	vsel vm1, v24, v46;
	v53 =	vbroadcast v42, $0xF;
	v25 =	vsel vm4, v25, v47;
	v52, _, _ =	vpop (xrf2)  }
0x22e: {  	v24 =	vsel vm2, v24, v48;
	v55 =	vbroadcast v56, $0xF;
	v25 =	vsel vm5, v25, v49;
	v54, _, _ =	vpop (xrf2)  }
0x22f: {  	v59 =	vbroadcast v41, $0xF;
	v27 =	vbroadcast v63, $0xF;
	v25 =	vsel vm6, v25, v53;
	v56, _, _ =	vpop (xrf2)  }
0x230: {  	v44 =	vbroadcast v40, $0xF;
	v26 =	vbroadcast v45, $0xF;
	v25 =	vsel vm7, v25, v55;
	v58, _, _ =	vpop (xrf2)  }
0x231: {  	v57 =	vbroadcast v50, $0xF;
	v61 =	vbroadcast v52, $0xF;
	v25 =	vsel vm8, v25, v27;
	v60, _, _ =	vpop (xrf2)  }
0x232: {  	v42 =	vbroadcast v39, $0xF;
	v63 =	vbroadcast v56, $0xF;
	v25 =	vsel vm9, v25, v26;
	v62, _, _ =	vpop (xrf2)  }
0x233: {  	v24 =	vsel vm3, v24, v57;
	v25 =	vsel vm10, v25, v61;
	v31 =	vbroadcast v60, $0xF;
	v41, _, _ =	vpop (xrf2)  }
0x234: {  	v24 =	vsel vm4, v24, v59;
	v25 =	vsel vm11, v25, v63;
	v45 =	vbroadcast v41, $0xF  }
0x235: {  	v47 =	vbroadcast v43, $0xF;
	v24 =	vsel vm5, v24, v42;
	v25 =	vsel vm12, v25, v31;
	v46, _, _ =	vpop (xrf2)  }
0x236: {  	v48 =	vbroadcast v35, $0xF;
	v24 =	vsel vm6, v24, v44;
	v25 =	vsel vm13, v25, v45;
	v49, _, _ =	vpop (xrf2)  }
0x237: {  	v50 =	vbroadcast v30, $0xF;
	v24 =	vsel vm7, v24, v47;
	v25 =	vsel vm14, v25, v49  }
0x238: {  	v51 =	vbroadcast v51, $0xF;
	v24 =	vsel vm8, v24, v48;
	(erf) = vrcp.f32 v25  }
0x239: {  	v52 =	vbroadcast v54, $0xF;
	v24 =	vsel vm9, v24, v50  }
0x23a: {  	v53 =	vbroadcast v58, $0xF;
	v24 =	vsel vm10, v24, v51  }
0x23b: {  	v24 =	vsel vm11, v24, v52;
	v54 =	vbroadcast v62, $0xF  }
0x23c: {  	v24 =	vsel vm12, v24, v53  }
0x23d: {  	v24 =	vsel vm13, v24, v54  }
0x23e: {  	v24 =	vsel vm14, v24, v46  }
0x23f: {  	v55 =	vand.u32 $0x7FFFFFFF, v24  }
0x240: {  	v24 =	vmul.f32 v55, v24  }
0x241: {  	v56 =	vpop (erf)  }
0x242: {  	v24 =	vmul.f32 v24, v56;
	_ =	sdelay $0x1  }
0x243: {  	vm0 =	vgt.f32 v24, v23  }
0x244: {  	s26 =	sadd.s32 s24, s8;
	v25 =	vsel vm0, v23, v24  }
0x245: {  	p1 =	sne.s32 s24, $0x30;
	v58 =	vor.u32 s26, v0;
	vm15 =	vgt.f32 v25, v22  }
.Ltmp3:
0x246: {  	v57 =	vmovc v20;
	v23 =	vsel vm0, v24, v23;
	v20 =	vsel vm0, v58, v20;
	v59 =	vsel vm15, v22, v25;
	(pc) =	sbr.rel @p1 .LBB2_8-.Ltmp3, $4  }
0x247: {  	v60 =	vmovc v19;
	v26 =	vsel vm0, v57, v58;
	v22 =	vsel vm15, v25, v22;
	vm0 =	vgt.f32 v59, v21  }
0x248: {  	v19 =	vsel vm15, v26, v19;
	v61 =	vsel vm15, v60, v26;
	v62 =	vsel vm0, v21, v59  }
0x249: {  	v21 =	vsel vm0, v59, v21;
	v63 =	vsel vm0, v18, v61;
	vm15 =	vgt.f32 v62, v17  }
0x24a: {  	s24 =	sadd.s32 $0x10, s24;
	s25 =	sadd.s32 $0x800, s25;
	v18 =	vsel vm0, v61, v18;
	v17 =	vsel vm15, v62, v17;
	v13 =	vsel vm15, v63, v13  }
0x24b: {  	[tilespmem:$0x100C0] =	vst v2  }
0x24c: {  	[tilespmem:$0x10140] =	vst v3  }
0x24d: {  	[tilespmem:$0x100D0] =	vst v2  }
0x24e: {  	[tilespmem:$0x10150] =	vst v3  }
0x24f: {  	[tilespmem:$0x100E0] =	vst v2  }
0x250: {  	[tilespmem:$0x10160] =	vst v3  }
0x251: {  	[tilespmem:$0x100F0] =	vst v2  }
0x252: {  	v4 =	vpsel p0, v23, v14;
	[tilespmem:$0x10170] =	vst v3  }
0x253: {  	v5 =	vpsel p0, v20, v16;
	[tilespmem:$0x10080] =	vst v4  }
0x254: {  	v4 =	vpsel p0, v22, v12;
	[tilespmem:$0x10100] =	vst v5  }
0x255: {  	v5 =	vpsel p0, v19, v15;
	[tilespmem:$0x10090] =	vst v4  }
0x256: {  	v4 =	vpsel p0, v21, v11;
	[tilespmem:$0x10110] =	vst v5  }
0x257: {  	v5 =	vpsel p0, v18, v10;
	[tilespmem:$0x100A0] =	vst v4  }
0x258: {  	v4 =	vpsel p0, v17, v9;
	[tilespmem:$0x10120] =	vst v5  }
0x259: {  	v5 =	vpsel p0, v13, v8;
	[tilespmem:$0x100B0] =	vst v4  }
0x25a: {  	[tilespmem:$0x10130] =	vst v5  }
0x25b: {  	[hbm4b:s11+s3] =	stream.linear.scatter [tilespmem:s21], [sflag:$0x3], $0x80, $0x38;
	[tilespmem:$0x10180] =	vst v63  }
0x25c: {  	_ =	swait.ge [sflag:s17], $0x80  }
0x25d: {  	[sflag:s17] =	ssyncset.done $0x0  }
0x25e: {  	[sflag:s17] =	ssyncadd.s32 $0xFFFFFF80  }
0x25f: {  	[hbm4b:s12+s3] =	stream.linear.scatter [tilespmem:s22], [sflag:$0x3], $0x80, $0x38;
	[tilespmem:$0x10180] =	vst v63  }
0x260: {  	s23 =	sadd.s32 $0x1, s23;
	_ =	swait.ge [sflag:s17], $0x80  }
0x261: {  	p1 =	sne.s32 s23, s13;
	v4 =	vld [tilespmem:$0x1FFF0]  }
.Ltmp4:
0x262: {  	_ = 	snop;
	(pc) =	sbr.rel @p1 .LBB2_1-.Ltmp4, $3  }
0x263: {  	_ =	sdelay $0x1  }
0x264: {  	[sflag:s17] =	ssyncset.done $0x0  }
0x265: {  	[sflag:s17] =	ssyncadd.s32 $0xFFFFFF80;
	vm0 =	vnez.u8 v4  }
0x266: {  	_ =	sfence.sel $0x180000  }
0x267: {  	[bflag:$0x0] =	sbarrier.arrive $0xFFFF  }
0x268: {  	p0 =	sne.s32 s2, $0x0;
	_ =	strace $0x90000047  }
0x269: {  	s0 =	sadd.s32 @!p0 $0x100000, s0;
	[bflag:$0x2] =	sbarrier.arrive $0xFFFF  }
0x26a: {  	[sflag:s0] =	ssyncadd.tile.s32 @!p0 $0x1;
	_ =	shalt  }
.Lfunc_end2:
_tile_overlayer_lowered:
.L_overlay_start_2:
0x26b: {  	(tag) =	ssettag $0x2  }
0x26c: {  	s0 =	rddreg [dreg:$0x0];
	s2 =	stileid.u32  }
0x26d: {  	s1 =	rddreg [dreg:$0x1];
	p0 =	sne.s32 s2, $0x0  }
0x26e: {  	s3 =	rddreg [dreg:$0x2];
	[bflag:$0x3] =	sbarrier.arrive $0xFFFF;
	s2 =	simm.s32 @!p0 $0x1C03  }
0x26f: {  	[timem:s3], [sflag:s2] =	dma.local @!p0 [hbm:s0], s1  }
0x270: {  	s0 =	simm.s32 @!p0 $0x3  }
0x271: {  	_ =	swait.ge @!p0 [sflag:s0], s1  }
0x272: {  	s1 =	ssub.s32 @!p0 $0x0, s1;
	[sflag:s0] =	ssyncset.done @!p0 $0x0  }
0x273: {  	[sflag:s0] =	ssyncadd.s32 @!p0 s1  }
0x274: {  	[bflag:$0x3] =	sbarrier.arrive $0xFFFF  }
0x275: {  	_ =	shalt  }

</sc_bundles>
